<compile_context>
chip_gen: v7x
topology: tpu7x:2x2x1
jax: 0.10.2.dev20260603
libtpu: 0.0.44.dev20260713+nightly
codegen_flags: <defaults>
</compile_context>

<pallas_src>
import functools

import jax
import jax.numpy as jnp
from jax import lax
from jax.experimental import pallas as pl
from jax.experimental.pallas import tpu as pltpu
from jax.experimental.pallas import tpu_sc as plsc

N = 10000
E = 320000
D = 128
L_MAX = 5

NC, NS = 2, 16
NW = NC * NS
EPW = E // NW
CH = 80
NCHUNK = EPW // CH
CHA = 80
NCHF = EPW // CHA
NP = 10240
RPT = NP // NS
ZR = 128
ZRA = 32

def _sc_agg_body(h_hbm, src_hbm, dst_hbm, out_hbm, src_all, dst_all,
                 src_a, dst_a, src_b, dst_b, rows_a, rows_b,
                 zero_v, acc_sh, sem_a, sem_b):
    c = lax.axis_index("c")
    s = lax.axis_index("s")
    ebase = (c * NS + s) * EPW

    pltpu.sync_copy(src_hbm.at[pl.ds(ebase, EPW)], src_all)
    pltpu.sync_copy(dst_hbm.at[pl.ds(ebase, EPW)], dst_all)

    zvec = jnp.zeros((16,), jnp.float32)

    def zfill(i, carry):
        r = i // (D // 16)
        col = (i % (D // 16)) * 16
        zero_v[r, pl.ds(col, 16)] = zvec
        return carry

    lax.fori_loop(0, ZRA * (D // 16), zfill, 0)

    def idx_copy(k, sbuf, dbuf):
        for j in range(CHA // 16):
            sbuf[pl.ds(j * 16, 16)] = src_all[pl.ds(k * CHA + j * 16, 16)]
            dbuf[pl.ds(j * 16, 16)] = dst_all[pl.ds(k * CHA + j * 16, 16)]

    idx_copy(0, src_a, dst_a)
    pltpu.async_copy(h_hbm.at[src_a], rows_a, sem_a)

    row0 = s * RPT

    def zcopy(j, carry):
        pltpu.sync_copy(zero_v, acc_sh.at[pl.ds(row0 + j * ZRA, ZRA)])
        return carry

    lax.fori_loop(0, RPT // ZRA, zcopy, 0)
    plsc.subcore_barrier()

    def wait(rows, sem):
        pltpu.make_async_copy(h_hbm.at[pl.ds(0, CHA)], rows, sem).wait()

    def body(i, carry):
        cb = 2 * i + 1
        idx_copy(cb, src_b, dst_b)
        pltpu.async_copy(h_hbm.at[src_b], rows_b, sem_b)
        wait(rows_a, sem_a)
        pltpu.sync_copy(rows_a, acc_sh.at[dst_a], add=True)
        ca = 2 * i + 2

        @pl.when(ca < NCHF)
        def _():
            idx_copy(ca, src_a, dst_a)
            pltpu.async_copy(h_hbm.at[src_a], rows_a, sem_a)

        wait(rows_b, sem_b)
        pltpu.sync_copy(rows_b, acc_sh.at[dst_b], add=True)
        return carry

    lax.fori_loop(0, NCHF // 2, body, 0)

    wait(rows_a, sem_a)
    pltpu.sync_copy(rows_a, acc_sh.at[dst_a], add=True)

    plsc.subcore_barrier()
    pltpu.sync_copy(acc_sh.at[pl.ds(row0, RPT)],
                    out_hbm.at[c, pl.ds(row0, RPT)])


def _sc_cnt_body(dst_hbm, out_hbm, dst_v, ones_v, zero_v, acc_sh):
    c = lax.axis_index("c")
    s = lax.axis_index("s")

    ovec = jnp.ones((16,), jnp.float32)
    zvec = jnp.zeros((16,), jnp.float32)

    def ofill(i, carry):
        r = i // (D // 16)
        col = (i % (D // 16)) * 16
        ones_v[r, pl.ds(col, 16)] = ovec
        return carry

    lax.fori_loop(0, CH * (D // 16), ofill, 0)

    def zfill(i, carry):
        r = i // (D // 16)
        col = (i % (D // 16)) * 16
        zero_v[r, pl.ds(col, 16)] = zvec
        return carry

    lax.fori_loop(0, ZR * (D // 16), zfill, 0)

    row0 = s * RPT

    def zcopy(j, carry):
        pltpu.sync_copy(zero_v, acc_sh.at[pl.ds(row0 + j * ZR, ZR)])
        return carry

    lax.fori_loop(0, RPT // ZR, zcopy, 0)

    plsc.subcore_barrier()

    ebase = (c * NS + s) * EPW

    def body(i, carry):
        pltpu.sync_copy(dst_hbm.at[pl.ds(ebase + i * CH, CH)], dst_v)
        pltpu.sync_copy(ones_v, acc_sh.at[dst_v], add=True)
        return carry

    lax.fori_loop(0, NCHUNK, body, 0)

    plsc.subcore_barrier()
    pltpu.sync_copy(acc_sh.at[pl.ds(row0, RPT)],
                    out_hbm.at[c, pl.ds(row0, RPT)])


@functools.cache
def _sc_kernels():
    mesh = plsc.VectorSubcoreMesh(core_axis_name="c", subcore_axis_name="s",
                                  num_cores=NC, num_subcores=NS)
    sc_agg = functools.partial(
        pl.kernel,
        out_type=jax.ShapeDtypeStruct((NC, NP, D), jnp.float32),
        mesh=mesh,
        scratch_types=[
            pltpu.VMEM((EPW,), jnp.int32),
            pltpu.VMEM((EPW,), jnp.int32),
            pltpu.VMEM((CHA,), jnp.int32),
            pltpu.VMEM((CHA,), jnp.int32),
            pltpu.VMEM((CHA,), jnp.int32),
            pltpu.VMEM((CHA,), jnp.int32),
            pltpu.VMEM((CHA, D), jnp.float32),
            pltpu.VMEM((CHA, D), jnp.float32),
            pltpu.VMEM((ZRA, D), jnp.float32),
            pltpu.VMEM_SHARED((NP, D), jnp.float32),
            pltpu.SemaphoreType.DMA,
            pltpu.SemaphoreType.DMA,
        ],
    )(_sc_agg_body)
    sc_cnt = functools.partial(
        pl.kernel,
        out_type=jax.ShapeDtypeStruct((NC, NP, D), jnp.float32),
        mesh=mesh,
        scratch_types=[
            pltpu.VMEM((CH,), jnp.int32),
            pltpu.VMEM((CH, D), jnp.float32),
            pltpu.VMEM((ZR, D), jnp.float32),
            pltpu.VMEM_SHARED((NP, D), jnp.float32),
        ],
    )(_sc_cnt_body)
    return sc_agg, sc_cnt


_BLK = 1000


def _h0_body(x_ref, w_ref, b_ref, o_ref):
    o_ref[...] = (jnp.dot(x_ref[...], w_ref[...],
                          preferred_element_type=jnp.float32) + b_ref[...])


def _h0(x, w, b):
    return pl.pallas_call(
        _h0_body,
        grid=(N // _BLK,),
        in_specs=[
            pl.BlockSpec((_BLK, D), lambda i: (i, 0)),
            pl.BlockSpec((D, D), lambda i: (0, 0)),
            pl.BlockSpec((1, D), lambda i: (0, 0)),
        ],
        out_specs=pl.BlockSpec((_BLK, D), lambda i: (i, 0)),
        out_shape=jax.ShapeDtypeStruct((N, D), jnp.float32),
    )(x, w, b.reshape(1, D))


def _layer_body(ag_ref, cn_ref, h_ref, wl_ref, bl_ref, wr_ref, o_ref):
    agg = ag_ref[0] + ag_ref[1]
    cnt = cn_ref[0][:, 0:1] + cn_ref[1][:, 0:1]
    mean = agg / jnp.maximum(cnt, 1.0)
    o_ref[...] = jnp.maximum(
        jnp.dot(mean, wl_ref[...], preferred_element_type=jnp.float32)
        + bl_ref[...]
        + jnp.dot(h_ref[...], wr_ref[...], preferred_element_type=jnp.float32),
        0.0)


def _layer(agg2, cnt2, h, wl, bl, wr):
    return pl.pallas_call(
        _layer_body,
        grid=(N // _BLK,),
        in_specs=[
            pl.BlockSpec((NC, _BLK, D), lambda i: (0, i, 0)),
            pl.BlockSpec((NC, _BLK, D), lambda i: (0, i, 0)),
            pl.BlockSpec((_BLK, D), lambda i: (i, 0)),
            pl.BlockSpec((D, D), lambda i: (0, 0)),
            pl.BlockSpec((1, D), lambda i: (0, 0)),
            pl.BlockSpec((D, D), lambda i: (0, 0)),
        ],
        out_specs=pl.BlockSpec((_BLK, D), lambda i: (i, 0)),
        out_shape=jax.ShapeDtypeStruct((N, D), jnp.float32),
    )(agg2, cnt2, h, wl, bl.reshape(1, D), wr)


def _heads_body(hu_ref, hv_ref, we1a_ref, we1b_ref, we1c_ref, be1_ref,
                we2_ref, be2_ref, wh1a_ref, wh1b_ref, wh1c_ref, bh1_ref,
                wh2_ref, bh2_ref, fs_ref, ed_ref, al_ref, sc_ref):
    hu = hu_ref[...]
    hv = hv_ref[...]
    e = jnp.maximum(
        jnp.dot(hu, we1a_ref[...], preferred_element_type=jnp.float32)
        + jnp.dot(hv, we1b_ref[...], preferred_element_type=jnp.float32)
        + jnp.dot(hu * hv, we1c_ref[...], preferred_element_type=jnp.float32)
        + be1_ref[...],
        0.0)
    scores = (jnp.dot(e, we2_ref[...], preferred_element_type=jnp.float32)
              + be2_ref[...])
    g = jnp.maximum(
        jnp.dot(hu, wh1a_ref[...], preferred_element_type=jnp.float32)
        + jnp.dot(hv, wh1b_ref[...], preferred_element_type=jnp.float32)
        + jnp.dot(scores, wh1c_ref[...], preferred_element_type=jnp.float32)
        + bh1_ref[...],
        0.0)
    z = (jnp.dot(g, wh2_ref[...], preferred_element_type=jnp.float32)
         + bh2_ref[...])
    p = 1.0 / (1.0 + jnp.exp(-z))
    pn = jnp.maximum(1.0 - p, 1e-30)
    tri = jnp.tril(jnp.ones((L_MAX, L_MAX), jnp.float32), -1)
    cum = jnp.dot(tri, jnp.log(pn), preferred_element_type=jnp.float32)
    alpha = p * jnp.exp(cum)
    alpha = alpha / (jnp.sum(alpha) + 1e-8)
    depths = (lax.broadcasted_iota(jnp.int32, (L_MAX, 1), 0) + 1
              ).astype(jnp.float32)
    fs_ref[...] = jnp.sum(alpha * scores).reshape(1, 1)
    ed_ref[...] = jnp.sum(alpha * depths).reshape(1, 1)
    al_ref[...] = alpha
    sc_ref[...] = scores


def _heads(hu, hv, We1, be1, We2, be2, Wh1, bh1, Wh2, bh2):
    return pl.pallas_call(
        _heads_body,
        out_shape=(
            jax.ShapeDtypeStruct((1, 1), jnp.float32),
            jax.ShapeDtypeStruct((1, 1), jnp.float32),
            jax.ShapeDtypeStruct((L_MAX, 1), jnp.float32),
            jax.ShapeDtypeStruct((L_MAX, 1), jnp.float32),
        ),
    )(hu, hv, We1[:D], We1[D:2 * D], We1[2 * D:], be1.reshape(1, D),
      We2, be2.reshape(1, 1), Wh1[:D], Wh1[D:2 * D], Wh1[2 * D:],
      bh1.reshape(1, 64), Wh2, bh2.reshape(1, 1))


def kernel(x_full, edge_index, u, v, W_in, b_in, W_l, b_l, W_r,
           We1, be1, We2, be2, Wh1, bh1, Wh2, bh2):
    order = jnp.argsort(edge_index[1], stable=True)
    src = edge_index[0][order]
    dst = edge_index[1][order]

    sc_agg, sc_cnt = _sc_kernels()
    cnt2 = sc_cnt(dst)
    h = _h0(x_full, W_in, b_in)

    hu_list, hv_list = [], []
    for _ in range(L_MAX):
        agg2 = sc_agg(h, src, dst)
        h = _layer(agg2, cnt2, h, W_l, b_l, W_r)
        hu_list.append(lax.dynamic_slice(h, (u, 0), (1, D)))
        hv_list.append(lax.dynamic_slice(h, (v, 0), (1, D)))

    hu = jnp.concatenate(hu_list, axis=0)
    hv = jnp.concatenate(hv_list, axis=0)
    fs, ed, al, _ = _heads(hu, hv, We1, be1, We2, be2, Wh1, bh1, Wh2, bh2)
    return fs.reshape(()), ed.reshape(()), al.reshape(L_MAX)

# --- scband reference (transcript-rebuilt; emitter-appended) ---
"""Pipeline reference for scband-adaptive-sage-51247549776541 (READ-ONLY COPY).

The authoritative reference and input builder live on the scoring server;
editing this copy changes nothing except your own understanding.
"""

import jax, jax.numpy as jnp
import numpy as np

N_NODES = 10000
N_EDGES = 320000
IN_DIM = 128
HID = 128
L_MAX = 5


def setup_inputs(seed: int = 0) -> dict:
    key = jax.random.key(seed)
    ks = jax.random.split(key, 16)
    def w(k, shape, fan_in):
        return jax.random.normal(k, shape, dtype=jnp.float32) * (1.0 / fan_in) ** 0.5
    inp = {}
    inp['x_full'] = jax.random.normal(ks[0], (N_NODES, IN_DIM), dtype=jnp.float32)
    inp['edge_index'] = jax.random.randint(ks[1], (2, N_EDGES), 0, N_NODES, dtype=jnp.int32)
    inp['u'] = 0
    inp['v'] = 1
    inp['W_in'] = w(ks[2], (IN_DIM, HID), IN_DIM)
    inp['b_in'] = jnp.zeros((HID,), jnp.float32)
    inp['W_l'] = w(ks[3], (HID, HID), HID)
    inp['b_l'] = jnp.zeros((HID,), jnp.float32)
    inp['W_r'] = w(ks[4], (HID, HID), HID)
    inp['We1'] = w(ks[5], (3 * HID, HID), 3 * HID)
    inp['be1'] = jnp.zeros((HID,), jnp.float32)
    inp['We2'] = w(ks[6], (HID, 1), HID)
    inp['be2'] = jnp.zeros((1,), jnp.float32)
    inp['Wh1'] = w(ks[7], (2 * HID + 1, 64), 2 * HID + 1)
    inp['bh1'] = jnp.zeros((64,), jnp.float32)
    inp['Wh2'] = w(ks[8], (64, 1), 64)
    inp['bh2'] = jnp.zeros((1,), jnp.float32)
    return inp


def _sage(H, src, dst, W_l, b_l, W_r, n):
    # PyG SAGEConv (mean aggr): out = lin_l(mean_{j in N(i)} x_j) + lin_r(x_i)
    agg = jax.ops.segment_sum(H[src], dst, num_segments=n)
    cnt = jax.ops.segment_sum(jnp.ones((src.shape[0],), jnp.float32), dst, num_segments=n)
    mean = agg / jnp.clip(cnt, 1.0, None)[:, None]
    return mean @ W_l + b_l + H @ W_r


def reference(x_full, edge_index, u, v, W_in, b_in, W_l, b_l, W_r, We1, be1, We2, be2, Wh1, bh1, Wh2, bh2):
    n = x_full.shape[0]
    src, dst = edge_index[0], edge_index[1]
    alpha_list, scores_list = [], []
    p_not_halted = jnp.array(1.0, jnp.float32)
    for depth_k in range(1, L_MAX + 1):
        H = x_full @ W_in + b_in
        for _ in range(depth_k):
            H = jax.nn.relu(_sage(H, src, dst, W_l, b_l, W_r, n))
        h_u, h_v = H[u], H[v]
        feat = jnp.concatenate([h_u, h_v, h_u * h_v], axis=-1)
        score_k = (jax.nn.relu(feat @ We1 + be1) @ We2 + be2).reshape(1)
        hfeat = jnp.concatenate([h_u, h_v, score_k], axis=-1)
        p_halt_k = jax.nn.sigmoid(jax.nn.relu(hfeat @ Wh1 + bh1) @ Wh2 + bh2).reshape(1)
        alpha_list.append(p_halt_k * p_not_halted)
        scores_list.append(score_k)
        p_not_halted = p_not_halted * (1.0 - p_halt_k[0])
    alpha = jnp.stack(alpha_list).squeeze()
    alpha = alpha / (alpha.sum() + 1e-08)
    scores = jnp.stack(scores_list).squeeze()
    final_score = (alpha * scores).sum()
    depths = jnp.arange(1, L_MAX + 1, dtype=jnp.float32)
    expected_depth = (alpha * depths).sum()
    return (final_score, expected_depth, alpha)

if __name__ == "__main__":
    import jax
    _d = setup_inputs()
    print(jax.jit(kernel)(*tuple(_d.values())))

</pallas_src>

<mosaic_0001>
#map = affine_map<(d0, d1) -> (0)>
#map1 = affine_map<(d0, d1) -> (0, 0, 0)>
module attributes {stable_mosaic.version = 14 : i64} {
  func.func @_sc_cnt_body(%arg0: i32, %arg1: i32, %arg2: memref<320000xi32, #tpu.memory_space<hbm>>, %arg3: memref<2x10240x128xf32, #tpu.memory_space<hbm>>, %arg4: memref<80xi32, #tpu.memory_space<vmem>>, %arg5: memref<80x128xf32, #tpu.memory_space<vmem>>, %arg6: memref<128x128xf32, #tpu.memory_space<vmem>>, %arg7: memref<10240x128xf32, #tpu.memory_space<vmem_shared>>) attributes {dimension_semantics = [#tpu.dimension_semantics<core_parallel>, #tpu.dimension_semantics<subcore_parallel>], iteration_bounds = array<i64: 2, 16>, scalar_prefetch = 0 : i64, scratch_operands = 4 : i64, tpu.core_type = #tpu.core_type<sc_vector_subcore>, window_params = [{transform_indices = #map}, {transform_indices = #map1}]} {
    %broadcast_in_dim3A = arith.constant 1.000000e+00 : f32
    %broadcast_in_dim3A_0 = vector.broadcast %broadcast_in_dim3A : f32 to vector<16xf32>
    %broadcast_in_dim3A_1 = arith.constant 0.000000e+00 : f32
    %broadcast_in_dim3A_2 = vector.broadcast %broadcast_in_dim3A_1 : f32 to vector<16xf32>
    %scan3A = arith.constant 0 : i32
    %scan3A_3 = arith.constant 0 : i32
    %scan3A_4 = arith.constant 640 : i32
    %scan3A_5 = arith.addi %scan3A_3, %scan3A_4 : i32
    %scan3A_6 = arith.constant 1 : i32
    scf.for %scan3A_32 = %scan3A_3 to %scan3A_5 step %scan3A_6  : i32 {
      %jit3A = arith.constant 8 : i32
      %div3A = arith.divsi %scan3A_32, %jit3A : i32
      %sign3A = arith.constant 0 : i32
      %sign3A_33 = arith.cmpi sgt, %scan3A_32, %sign3A : i32
      %sign3A_34 = arith.extui %sign3A_33 : i1 to i32
      %sign3A_35 = arith.constant 0 : i32
      %sign3A_36 = arith.cmpi slt, %scan3A_32, %sign3A_35 : i32
      %sign3A_37 = arith.extui %sign3A_36 : i1 to i32
      %sign3A_38 = arith.subi %sign3A_34, %sign3A_37 : i32
      %sign3A_39 = arith.constant 0 : i32
      %sign3A_40 = arith.cmpi sgt, %jit3A, %sign3A_39 : i32
      %sign3A_41 = arith.extui %sign3A_40 : i1 to i32
      %sign3A_42 = arith.constant 0 : i32
      %sign3A_43 = arith.cmpi slt, %jit3A, %sign3A_42 : i32
      %sign3A_44 = arith.extui %sign3A_43 : i1 to i32
      %sign3A_45 = arith.subi %sign3A_41, %sign3A_44 : i32
      %ne3A = arith.cmpi ne, %sign3A_38, %sign3A_45 : i32
      %rem3A = arith.remsi %scan3A_32, %jit3A : i32
      %ne3A_46 = arith.constant 0 : i32
      %ne3A_47 = arith.cmpi ne, %rem3A, %ne3A_46 : i32
      %and3A = arith.andi %ne3A, %ne3A_47 : i1
      %sub3A = arith.constant 1 : i32
      %sub3A_48 = arith.subi %div3A, %sub3A : i32
      %select_n3A = arith.select %and3A, %sub3A_48, %div3A : i32
      %jit3A_49 = arith.constant 8 : i32
      %eq3A = arith.constant 0 : i32
      %eq3A_50 = arith.cmpi eq, %jit3A_49, %eq3A : i32
      %jit3A_51 = arith.constant 1 : i32
      %select_n3A_52 = arith.select %eq3A_50, %jit3A_51, %jit3A_49 : i32
      %rem3A_53 = arith.remsi %scan3A_32, %select_n3A_52 : i32
      %ne3A_54 = arith.constant 0 : i32
      %ne3A_55 = arith.cmpi ne, %rem3A_53, %ne3A_54 : i32
      %lt3A = arith.constant 0 : i32
      %lt3A_56 = arith.cmpi slt, %rem3A_53, %lt3A : i32
      %lt3A_57 = arith.constant 0 : i32
      %lt3A_58 = arith.cmpi slt, %select_n3A_52, %lt3A_57 : i32
      %ne3A_59 = arith.xori %lt3A_56, %lt3A_58 : i1
      %and3A_60 = arith.andi %ne3A_59, %ne3A_55 : i1
      %add3A_61 = arith.addi %rem3A_53, %select_n3A_52 : i32
      %select_n3A_62 = arith.select %and3A_60, %add3A_61, %rem3A_53 : i32
      %mul3A_63 = arith.constant 16 : i32
      %mul3A_64 = arith.muli %select_n3A_62, %mul3A_63 : i32
      %swap3A = arith.index_cast %select_n3A : i32 to index
      %swap3A_65 = arith.index_cast %mul3A_64 : i32 to index
      %swap3A_66 = tpu.vector_load %arg5[%swap3A, %swap3A_65] {strides = array<i32>} : memref<80x128xf32, #tpu.memory_space<vmem>>, vector<1x16xf32>,
      %swap3A_67 = vector.shape_cast %swap3A_66 : vector<1x16xf32> to vector<16xf32>
      %swap3A_68 = vector.shape_cast %broadcast_in_dim3A_0 : vector<16xf32> to vector<1x16xf32>
      tpu.vector_store %arg5[%swap3A, %swap3A_65], %swap3A_68 {strides = array<i32>} : memref<80x128xf32, #tpu.memory_space<vmem>>, vector<1x16xf32>,
    }
    %scan3A_7 = arith.constant 640 : i32
    %scan3A_8 = arith.constant 0 : i32
    %scan3A_9 = arith.constant 0 : i32
    %scan3A_10 = arith.constant 1024 : i32
    %scan3A_11 = arith.addi %scan3A_9, %scan3A_10 : i32
    %scan3A_12 = arith.constant 1 : i32
    scf.for %scan3A_32 = %scan3A_9 to %scan3A_11 step %scan3A_12  : i32 {
      %jit3A = arith.constant 8 : i32
      %div3A = arith.divsi %scan3A_32, %jit3A : i32
      %sign3A = arith.constant 0 : i32
      %sign3A_33 = arith.cmpi sgt, %scan3A_32, %sign3A : i32
      %sign3A_34 = arith.extui %sign3A_33 : i1 to i32
      %sign3A_35 = arith.constant 0 : i32
      %sign3A_36 = arith.cmpi slt, %scan3A_32, %sign3A_35 : i32
      %sign3A_37 = arith.extui %sign3A_36 : i1 to i32
      %sign3A_38 = arith.subi %sign3A_34, %sign3A_37 : i32
      %sign3A_39 = arith.constant 0 : i32
      %sign3A_40 = arith.cmpi sgt, %jit3A, %sign3A_39 : i32
      %sign3A_41 = arith.extui %sign3A_40 : i1 to i32
      %sign3A_42 = arith.constant 0 : i32
      %sign3A_43 = arith.cmpi slt, %jit3A, %sign3A_42 : i32
      %sign3A_44 = arith.extui %sign3A_43 : i1 to i32
      %sign3A_45 = arith.subi %sign3A_41, %sign3A_44 : i32
      %ne3A = arith.cmpi ne, %sign3A_38, %sign3A_45 : i32
      %rem3A = arith.remsi %scan3A_32, %jit3A : i32
      %ne3A_46 = arith.constant 0 : i32
      %ne3A_47 = arith.cmpi ne, %rem3A, %ne3A_46 : i32
      %and3A = arith.andi %ne3A, %ne3A_47 : i1
      %sub3A = arith.constant 1 : i32
      %sub3A_48 = arith.subi %div3A, %sub3A : i32
      %select_n3A = arith.select %and3A, %sub3A_48, %div3A : i32
      %jit3A_49 = arith.constant 8 : i32
      %eq3A = arith.constant 0 : i32
      %eq3A_50 = arith.cmpi eq, %jit3A_49, %eq3A : i32
      %jit3A_51 = arith.constant 1 : i32
      %select_n3A_52 = arith.select %eq3A_50, %jit3A_51, %jit3A_49 : i32
      %rem3A_53 = arith.remsi %scan3A_32, %select_n3A_52 : i32
      %ne3A_54 = arith.constant 0 : i32
      %ne3A_55 = arith.cmpi ne, %rem3A_53, %ne3A_54 : i32
      %lt3A = arith.constant 0 : i32
      %lt3A_56 = arith.cmpi slt, %rem3A_53, %lt3A : i32
      %lt3A_57 = arith.constant 0 : i32
      %lt3A_58 = arith.cmpi slt, %select_n3A_52, %lt3A_57 : i32
      %ne3A_59 = arith.xori %lt3A_56, %lt3A_58 : i1
      %and3A_60 = arith.andi %ne3A_59, %ne3A_55 : i1
      %add3A_61 = arith.addi %rem3A_53, %select_n3A_52 : i32
      %select_n3A_62 = arith.select %and3A_60, %add3A_61, %rem3A_53 : i32
      %mul3A_63 = arith.constant 16 : i32
      %mul3A_64 = arith.muli %select_n3A_62, %mul3A_63 : i32
      %swap3A = arith.index_cast %select_n3A : i32 to index
      %swap3A_65 = arith.index_cast %mul3A_64 : i32 to index
      %swap3A_66 = tpu.vector_load %arg6[%swap3A, %swap3A_65] {strides = array<i32>} : memref<128x128xf32, #tpu.memory_space<vmem>>, vector<1x16xf32>,
      %swap3A_67 = vector.shape_cast %swap3A_66 : vector<1x16xf32> to vector<16xf32>
      %swap3A_68 = vector.shape_cast %broadcast_in_dim3A_2 : vector<16xf32> to vector<1x16xf32>
      tpu.vector_store %arg6[%swap3A, %swap3A_65], %swap3A_68 {strides = array<i32>} : memref<128x128xf32, #tpu.memory_space<vmem>>, vector<1x16xf32>,
    }
    %scan3A_13 = arith.constant 1024 : i32
    %mul3A = arith.constant 640 : i32
    %mul3A_14 = arith.muli %arg1, %mul3A : i32
    %scan3A_15 = arith.constant 0 : i32
    %scan3A_16 = arith.constant 0 : i32
    %scan3A_17 = arith.constant 5 : i32
    %scan3A_18 = arith.addi %scan3A_16, %scan3A_17 : i32
    %scan3A_19 = arith.constant 1 : i32
    scf.for %scan3A_32 = %scan3A_16 to %scan3A_18 step %scan3A_19  : i32 {
      %mul3A_33 = arith.constant 128 : i32
      %mul3A_34 = arith.muli %scan3A_32, %mul3A_33 : i32
      %add3A_35 = arith.addi %mul3A_14, %mul3A_34 : i32
      "tpu.region"() ({
        %run_scoped3A = tpu.sem_alloc : memref<!tpu.dma_semaphore, #tpu.memory_space<semaphore_mem>>
        %dma_start3A = arith.constant 0 : i32
        %dma_start3A_36 = tpu.memref_slice %arg7[%add3A_35, %dma_start3A] : memref<10240x128xf32, #tpu.memory_space<vmem_shared>> -> memref<128x128xf32, #tpu.memory_space<vmem_shared>>
        %dma_start3A_37 = arith.constant 0 : i32
        %dma_start3A_38 = tpu.memref_slice %arg7[%add3A_35, %dma_start3A_37] : memref<10240x128xf32, #tpu.memory_space<vmem_shared>> -> memref<128x128xf32, #tpu.memory_space<vmem_shared>>
        tpu.enqueue_dma source(%arg6 : memref<128x128xf32, #tpu.memory_space<vmem>>) target(%dma_start3A_38 : memref<128x128xf32, #tpu.memory_space<vmem_shared>>) target_semaphore(%run_scoped3A : memref<!tpu.dma_semaphore, #tpu.memory_space<semaphore_mem>>)
        %dma_wait3A = arith.constant 0 : i32
        %dma_wait3A_39 = tpu.memref_slice %arg7[%add3A_35, %dma_wait3A] : memref<10240x128xf32, #tpu.memory_space<vmem_shared>> -> memref<128x128xf32, #tpu.memory_space<vmem_shared>>
        %dma_wait3A_40 = arith.constant 0 : i32
        %dma_wait3A_41 = tpu.memref_slice %arg7[%add3A_35, %dma_wait3A_40] : memref<10240x128xf32, #tpu.memory_space<vmem_shared>> -> memref<128x128xf32, #tpu.memory_space<vmem_shared>>
        tpu.wait_dma2 semaphore(%run_scoped3A : memref<!tpu.dma_semaphore, #tpu.memory_space<semaphore_mem>>) src(%arg6 : memref<128x128xf32, #tpu.memory_space<vmem>>) dst(%dma_wait3A_41 : memref<128x128xf32, #tpu.memory_space<vmem_shared>>)
        tpu.yield
      }) : () -> ()
    }
    %scan3A_20 = arith.constant 5 : i32
    %barrier3A = arith.constant 0 : index
    tpu.barrier barrier_id(%barrier3A)
    %mul3A_21 = arith.constant 16 : i32
    %mul3A_22 = arith.muli %arg0, %mul3A_21 : i32
    %add3A = arith.addi %mul3A_22, %arg1 : i32
    %mul3A_23 = arith.constant 10000 : i32
    %mul3A_24 = arith.muli %add3A, %mul3A_23 : i32
    %scan3A_25 = arith.constant 0 : i32
    %scan3A_26 = arith.constant 0 : i32
    %scan3A_27 = arith.constant 125 : i32
    %scan3A_28 = arith.addi %scan3A_26, %scan3A_27 : i32
    %scan3A_29 = arith.constant 1 : i32
    scf.for %scan3A_32 = %scan3A_26 to %scan3A_28 step %scan3A_29  : i32 {
      %mul3A_33 = arith.constant 80 : i32
      %mul3A_34 = arith.muli %scan3A_32, %mul3A_33 : i32
      %add3A_35 = arith.addi %mul3A_24, %mul3A_34 : i32
      "tpu.region"() ({
        %run_scoped3A = tpu.sem_alloc : memref<!tpu.dma_semaphore, #tpu.memory_space<semaphore_mem>>
        %dma_start3A = tpu.memref_slice %arg2[%add3A_35] : memref<320000xi32, #tpu.memory_space<hbm>> -> memref<80xi32, #tpu.memory_space<hbm>>
        %dma_start3A_36 = tpu.memref_slice %arg2[%add3A_35] : memref<320000xi32, #tpu.memory_space<hbm>> -> memref<80xi32, #tpu.memory_space<hbm>>
        tpu.enqueue_dma source(%dma_start3A_36 : memref<80xi32, #tpu.memory_space<hbm>>) target(%arg4 : memref<80xi32, #tpu.memory_space<vmem>>) target_semaphore(%run_scoped3A : memref<!tpu.dma_semaphore, #tpu.memory_space<semaphore_mem>>)
        %dma_wait3A = tpu.memref_slice %arg2[%add3A_35] : memref<320000xi32, #tpu.memory_space<hbm>> -> memref<80xi32, #tpu.memory_space<hbm>>
        %dma_wait3A_37 = tpu.memref_slice %arg2[%add3A_35] : memref<320000xi32, #tpu.memory_space<hbm>> -> memref<80xi32, #tpu.memory_space<hbm>>
        tpu.wait_dma2 semaphore(%run_scoped3A : memref<!tpu.dma_semaphore, #tpu.memory_space<semaphore_mem>>) src(%dma_wait3A_37 : memref<80xi32, #tpu.memory_space<hbm>>) dst(%arg4 : memref<80xi32, #tpu.memory_space<vmem>>)
        tpu.yield
      }) : () -> ()
      "tpu.region"() ({
        %run_scoped3A = tpu.sem_alloc : memref<!tpu.dma_semaphore, #tpu.memory_space<semaphore_mem>>
        %dma_start3A = arith.constant 0 : i32
        %dma_start3A_36 = arith.constant 0 : i32
        %dma_start3A_37 = tpu.memref_slice %arg7[%dma_start3A, %dma_start3A_36] : memref<10240x128xf32, #tpu.memory_space<vmem_shared>> -> memref<10240x128xf32, #tpu.memory_space<vmem_shared>>
        tpu.enqueue_indirect_dma source(%arg5 : memref<80x128xf32, #tpu.memory_space<vmem>>) target(%dma_start3A_37 : memref<10240x128xf32, #tpu.memory_space<vmem_shared>>) offsets(%arg4 : memref<80xi32, #tpu.memory_space<vmem>>) semaphore(%run_scoped3A : memref<!tpu.dma_semaphore, #tpu.memory_space<semaphore_mem>>) {add = true}
        %dma_wait3A = arith.constant 0 : i32
        %dma_wait3A_38 = arith.constant 0 : i32
        %dma_wait3A_39 = tpu.memref_slice %arg7[%dma_wait3A, %dma_wait3A_38] : memref<10240x128xf32, #tpu.memory_space<vmem_shared>> -> memref<10240x128xf32, #tpu.memory_space<vmem_shared>>
        tpu.wait_indirect_dma semaphore(%run_scoped3A : memref<!tpu.dma_semaphore, #tpu.memory_space<semaphore_mem>>) src(%arg5 : memref<80x128xf32, #tpu.memory_space<vmem>>) dst(%dma_wait3A_39 : memref<10240x128xf32, #tpu.memory_space<vmem_shared>>)
        tpu.yield
      }) : () -> ()
    }
    %scan3A_30 = arith.constant 125 : i32
    %barrier3A_31 = arith.constant 0 : index
    tpu.barrier barrier_id(%barrier3A_31)
    "tpu.region"() ({
      %run_scoped3A = tpu.sem_alloc : memref<!tpu.dma_semaphore, #tpu.memory_space<semaphore_mem>>
      %dma_start3A = arith.constant 0 : i32
      %dma_start3A_32 = tpu.memref_slice %arg3[%arg0, %mul3A_14, %dma_start3A] : memref<2x10240x128xf32, #tpu.memory_space<hbm>> -> memref<1x640x128xf32, #tpu.memory_space<hbm>>
      %dma_start3A_33 = tpu.memref_squeeze %dma_start3A_32 : memref<1x640x128xf32, #tpu.memory_space<hbm>> -> memref<640x128xf32, #tpu.memory_space<hbm>>
      %dma_start3A_34 = arith.constant 0 : i32
      %dma_start3A_35 = tpu.memref_slice %arg7[%mul3A_14, %dma_start3A_34] : memref<10240x128xf32, #tpu.memory_space<vmem_shared>> -> memref<640x128xf32, #tpu.memory_space<vmem_shared>>
      tpu.enqueue_dma source(%dma_start3A_35 : memref<640x128xf32, #tpu.memory_space<vmem_shared>>) target(%dma_start3A_33 : memref<640x128xf32, #tpu.memory_space<hbm>>) target_semaphore(%run_scoped3A : memref<!tpu.dma_semaphore, #tpu.memory_space<semaphore_mem>>)
      %dma_wait3A = arith.constant 0 : i32
      %dma_wait3A_36 = tpu.memref_slice %arg3[%arg0, %mul3A_14, %dma_wait3A] : memref<2x10240x128xf32, #tpu.memory_space<hbm>> -> memref<1x640x128xf32, #tpu.memory_space<hbm>>
      %dma_wait3A_37 = tpu.memref_squeeze %dma_wait3A_36 : memref<1x640x128xf32, #tpu.memory_space<hbm>> -> memref<640x128xf32, #tpu.memory_space<hbm>>
      %dma_wait3A_38 = arith.constant 0 : i32
      %dma_wait3A_39 = tpu.memref_slice %arg7[%mul3A_14, %dma_wait3A_38] : memref<10240x128xf32, #tpu.memory_space<vmem_shared>> -> memref<640x128xf32, #tpu.memory_space<vmem_shared>>
      tpu.wait_dma2 semaphore(%run_scoped3A : memref<!tpu.dma_semaphore, #tpu.memory_space<semaphore_mem>>) src(%dma_wait3A_39 : memref<640x128xf32, #tpu.memory_space<vmem_shared>>) dst(%dma_wait3A_37 : memref<640x128xf32, #tpu.memory_space<hbm>>)
      tpu.yield
    }) : () -> ()
    return
  }
}

#map = affine_map<(d0, d1) -> (0, 0)>
#map1 = affine_map<(d0, d1) -> (0)>
#map2 = affine_map<(d0, d1) -> (0, 0, 0)>
module attributes {stable_mosaic.version = 14 : i64} {
  func.func @_sc_agg_body(%arg0: i32, %arg1: i32, %arg2: memref<10000x128xf32, #tpu.memory_space<hbm>>, %arg3: memref<320000xi32, #tpu.memory_space<hbm>>, %arg4: memref<320000xi32, #tpu.memory_space<hbm>>, %arg5: memref<2x10240x128xf32, #tpu.memory_space<hbm>>, %arg6: memref<10000xi32, #tpu.memory_space<vmem>>, %arg7: memref<10000xi32, #tpu.memory_space<vmem>>, %arg8: memref<80xi32, #tpu.memory_space<vmem>>, %arg9: memref<80xi32, #tpu.memory_space<vmem>>, %arg10: memref<80xi32, #tpu.memory_space<vmem>>, %arg11: memref<80xi32, #tpu.memory_space<vmem>>, %arg12: memref<80x128xf32, #tpu.memory_space<vmem>>, %arg13: memref<80x128xf32, #tpu.memory_space<vmem>>, %arg14: memref<32x128xf32, #tpu.memory_space<vmem>>, %arg15: memref<10240x128xf32, #tpu.memory_space<vmem_shared>>, %arg16: memref<!tpu.dma_semaphore, #tpu.memory_space<semaphore_mem>>, %arg17: memref<!tpu.dma_semaphore, #tpu.memory_space<semaphore_mem>>) attributes {dimension_semantics = [#tpu.dimension_semantics<core_parallel>, #tpu.dimension_semantics<subcore_parallel>], iteration_bounds = array<i64: 2, 16>, scalar_prefetch = 0 : i64, scratch_operands = 12 : i64, tpu.core_type = #tpu.core_type<sc_vector_subcore>, window_params = [{transform_indices = #map}, {transform_indices = #map1}, {transform_indices = #map1}, {transform_indices = #map2}]} {
    %mul3A = arith.constant 16 : i32
    %mul3A_0 = arith.muli %arg0, %mul3A : i32
    %add3A = arith.addi %mul3A_0, %arg1 : i32
    %mul3A_1 = arith.constant 10000 : i32
    %mul3A_2 = arith.muli %add3A, %mul3A_1 : i32
    "tpu.region"() ({
      %run_scoped3A = tpu.sem_alloc : memref<!tpu.dma_semaphore, #tpu.memory_space<semaphore_mem>>
      %dma_start3A_99 = tpu.memref_slice %arg3[%mul3A_2] : memref<320000xi32, #tpu.memory_space<hbm>> -> memref<10000xi32, #tpu.memory_space<hbm>>
      %dma_start3A_100 = tpu.memref_slice %arg3[%mul3A_2] : memref<320000xi32, #tpu.memory_space<hbm>> -> memref<10000xi32, #tpu.memory_space<hbm>>
      tpu.enqueue_dma source(%dma_start3A_100 : memref<10000xi32, #tpu.memory_space<hbm>>) target(%arg6 : memref<10000xi32, #tpu.memory_space<vmem>>) target_semaphore(%run_scoped3A : memref<!tpu.dma_semaphore, #tpu.memory_space<semaphore_mem>>)
      %dma_wait3A_101 = tpu.memref_slice %arg3[%mul3A_2] : memref<320000xi32, #tpu.memory_space<hbm>> -> memref<10000xi32, #tpu.memory_space<hbm>>
      %dma_wait3A_102 = tpu.memref_slice %arg3[%mul3A_2] : memref<320000xi32, #tpu.memory_space<hbm>> -> memref<10000xi32, #tpu.memory_space<hbm>>
      tpu.wait_dma2 semaphore(%run_scoped3A : memref<!tpu.dma_semaphore, #tpu.memory_space<semaphore_mem>>) src(%dma_wait3A_102 : memref<10000xi32, #tpu.memory_space<hbm>>) dst(%arg6 : memref<10000xi32, #tpu.memory_space<vmem>>)
      tpu.yield
    }) : () -> ()
    "tpu.region"() ({
      %run_scoped3A = tpu.sem_alloc : memref<!tpu.dma_semaphore, #tpu.memory_space<semaphore_mem>>
      %dma_start3A_99 = tpu.memref_slice %arg4[%mul3A_2] : memref<320000xi32, #tpu.memory_space<hbm>> -> memref<10000xi32, #tpu.memory_space<hbm>>
      %dma_start3A_100 = tpu.memref_slice %arg4[%mul3A_2] : memref<320000xi32, #tpu.memory_space<hbm>> -> memref<10000xi32, #tpu.memory_space<hbm>>
      tpu.enqueue_dma source(%dma_start3A_100 : memref<10000xi32, #tpu.memory_space<hbm>>) target(%arg7 : memref<10000xi32, #tpu.memory_space<vmem>>) target_semaphore(%run_scoped3A : memref<!tpu.dma_semaphore, #tpu.memory_space<semaphore_mem>>)
      %dma_wait3A_101 = tpu.memref_slice %arg4[%mul3A_2] : memref<320000xi32, #tpu.memory_space<hbm>> -> memref<10000xi32, #tpu.memory_space<hbm>>
      %dma_wait3A_102 = tpu.memref_slice %arg4[%mul3A_2] : memref<320000xi32, #tpu.memory_space<hbm>> -> memref<10000xi32, #tpu.memory_space<hbm>>
      tpu.wait_dma2 semaphore(%run_scoped3A : memref<!tpu.dma_semaphore, #tpu.memory_space<semaphore_mem>>) src(%dma_wait3A_102 : memref<10000xi32, #tpu.memory_space<hbm>>) dst(%arg7 : memref<10000xi32, #tpu.memory_space<vmem>>)
      tpu.yield
    }) : () -> ()
    %broadcast_in_dim3A = arith.constant 0.000000e+00 : f32
    %broadcast_in_dim3A_3 = vector.broadcast %broadcast_in_dim3A : f32 to vector<16xf32>
    %scan3A = arith.constant 0 : i32
    %scan3A_4 = arith.constant 0 : i32
    %scan3A_5 = arith.constant 256 : i32
    %scan3A_6 = arith.addi %scan3A_4, %scan3A_5 : i32
    %scan3A_7 = arith.constant 1 : i32
    scf.for %scan3A_99 = %scan3A_4 to %scan3A_6 step %scan3A_7  : i32 {
      %jit3A = arith.constant 8 : i32
      %div3A = arith.divsi %scan3A_99, %jit3A : i32
      %sign3A = arith.constant 0 : i32
      %sign3A_100 = arith.cmpi sgt, %scan3A_99, %sign3A : i32
      %sign3A_101 = arith.extui %sign3A_100 : i1 to i32
      %sign3A_102 = arith.constant 0 : i32
      %sign3A_103 = arith.cmpi slt, %scan3A_99, %sign3A_102 : i32
      %sign3A_104 = arith.extui %sign3A_103 : i1 to i32
      %sign3A_105 = arith.subi %sign3A_101, %sign3A_104 : i32
      %sign3A_106 = arith.constant 0 : i32
      %sign3A_107 = arith.cmpi sgt, %jit3A, %sign3A_106 : i32
      %sign3A_108 = arith.extui %sign3A_107 : i1 to i32
      %sign3A_109 = arith.constant 0 : i32
      %sign3A_110 = arith.cmpi slt, %jit3A, %sign3A_109 : i32
      %sign3A_111 = arith.extui %sign3A_110 : i1 to i32
      %sign3A_112 = arith.subi %sign3A_108, %sign3A_111 : i32
      %ne3A = arith.cmpi ne, %sign3A_105, %sign3A_112 : i32
      %rem3A = arith.remsi %scan3A_99, %jit3A : i32
      %ne3A_113 = arith.constant 0 : i32
      %ne3A_114 = arith.cmpi ne, %rem3A, %ne3A_113 : i32
      %and3A = arith.andi %ne3A, %ne3A_114 : i1
      %sub3A = arith.constant 1 : i32
      %sub3A_115 = arith.subi %div3A, %sub3A : i32
      %select_n3A = arith.select %and3A, %sub3A_115, %div3A : i32
      %jit3A_116 = arith.constant 8 : i32
      %eq3A = arith.constant 0 : i32
      %eq3A_117 = arith.cmpi eq, %jit3A_116, %eq3A : i32
      %jit3A_118 = arith.constant 1 : i32
      %select_n3A_119 = arith.select %eq3A_117, %jit3A_118, %jit3A_116 : i32
      %rem3A_120 = arith.remsi %scan3A_99, %select_n3A_119 : i32
      %ne3A_121 = arith.constant 0 : i32
      %ne3A_122 = arith.cmpi ne, %rem3A_120, %ne3A_121 : i32
      %lt3A = arith.constant 0 : i32
      %lt3A_123 = arith.cmpi slt, %rem3A_120, %lt3A : i32
      %lt3A_124 = arith.constant 0 : i32
      %lt3A_125 = arith.cmpi slt, %select_n3A_119, %lt3A_124 : i32
      %ne3A_126 = arith.xori %lt3A_123, %lt3A_125 : i1
      %and3A_127 = arith.andi %ne3A_126, %ne3A_122 : i1
      %add3A_128 = arith.addi %rem3A_120, %select_n3A_119 : i32
      %select_n3A_129 = arith.select %and3A_127, %add3A_128, %rem3A_120 : i32
      %mul3A_130 = arith.constant 16 : i32
      %mul3A_131 = arith.muli %select_n3A_129, %mul3A_130 : i32
      %swap3A_132 = arith.index_cast %select_n3A : i32 to index
      %swap3A_133 = arith.index_cast %mul3A_131 : i32 to index
      %swap3A_134 = tpu.vector_load %arg14[%swap3A_132, %swap3A_133] {strides = array<i32>} : memref<32x128xf32, #tpu.memory_space<vmem>>, vector<1x16xf32>,
      %swap3A_135 = vector.shape_cast %swap3A_134 : vector<1x16xf32> to vector<16xf32>
      %swap3A_136 = vector.shape_cast %broadcast_in_dim3A_3 : vector<16xf32> to vector<1x16xf32>
      tpu.vector_store %arg14[%swap3A_132, %swap3A_133], %swap3A_136 {strides = array<i32>} : memref<32x128xf32, #tpu.memory_space<vmem>>, vector<1x16xf32>,
    }
    %scan3A_8 = arith.constant 256 : i32
    %get3A = arith.constant 0 : index
    %get3A_9 = tpu.vector_load %arg6[%get3A] {strides = array<i32>} : memref<10000xi32, #tpu.memory_space<vmem>>, vector<16xi32>,
    %get3A_10 = vector.shape_cast %get3A_9 : vector<16xi32> to vector<16xi32>
    %swap3A = arith.constant 0 : index
    %swap3A_11 = tpu.vector_load %arg8[%swap3A] {strides = array<i32>} : memref<80xi32, #tpu.memory_space<vmem>>, vector<16xi32>,
    %swap3A_12 = vector.shape_cast %swap3A_11 : vector<16xi32> to vector<16xi32>
    %swap3A_13 = vector.shape_cast %get3A_10 : vector<16xi32> to vector<16xi32>
    tpu.vector_store %arg8[%swap3A], %swap3A_13 {strides = array<i32>} : memref<80xi32, #tpu.memory_space<vmem>>, vector<16xi32>,
    %get3A_14 = arith.constant 0 : index
    %get3A_15 = tpu.vector_load %arg7[%get3A_14] {strides = array<i32>} : memref<10000xi32, #tpu.memory_space<vmem>>, vector<16xi32>,
    %get3A_16 = vector.shape_cast %get3A_15 : vector<16xi32> to vector<16xi32>
    %swap3A_17 = arith.constant 0 : index
    %swap3A_18 = tpu.vector_load %arg9[%swap3A_17] {strides = array<i32>} : memref<80xi32, #tpu.memory_space<vmem>>, vector<16xi32>,
    %swap3A_19 = vector.shape_cast %swap3A_18 : vector<16xi32> to vector<16xi32>
    %swap3A_20 = vector.shape_cast %get3A_16 : vector<16xi32> to vector<16xi32>
    tpu.vector_store %arg9[%swap3A_17], %swap3A_20 {strides = array<i32>} : memref<80xi32, #tpu.memory_space<vmem>>, vector<16xi32>,
    %get3A_21 = arith.constant 16 : index
    %get3A_22 = tpu.vector_load %arg6[%get3A_21] {strides = array<i32>} : memref<10000xi32, #tpu.memory_space<vmem>>, vector<16xi32>,
    %get3A_23 = vector.shape_cast %get3A_22 : vector<16xi32> to vector<16xi32>
    %swap3A_24 = arith.constant 16 : index
    %swap3A_25 = tpu.vector_load %arg8[%swap3A_24] {strides = array<i32>} : memref<80xi32, #tpu.memory_space<vmem>>, vector<16xi32>,
    %swap3A_26 = vector.shape_cast %swap3A_25 : vector<16xi32> to vector<16xi32>
    %swap3A_27 = vector.shape_cast %get3A_23 : vector<16xi32> to vector<16xi32>
    tpu.vector_store %arg8[%swap3A_24], %swap3A_27 {strides = array<i32>} : memref<80xi32, #tpu.memory_space<vmem>>, vector<16xi32>,
    %get3A_28 = arith.constant 16 : index
    %get3A_29 = tpu.vector_load %arg7[%get3A_28] {strides = array<i32>} : memref<10000xi32, #tpu.memory_space<vmem>>, vector<16xi32>,
    %get3A_30 = vector.shape_cast %get3A_29 : vector<16xi32> to vector<16xi32>
    %swap3A_31 = arith.constant 16 : index
    %swap3A_32 = tpu.vector_load %arg9[%swap3A_31] {strides = array<i32>} : memref<80xi32, #tpu.memory_space<vmem>>, vector<16xi32>,
    %swap3A_33 = vector.shape_cast %swap3A_32 : vector<16xi32> to vector<16xi32>
    %swap3A_34 = vector.shape_cast %get3A_30 : vector<16xi32> to vector<16xi32>
    tpu.vector_store %arg9[%swap3A_31], %swap3A_34 {strides = array<i32>} : memref<80xi32, #tpu.memory_space<vmem>>, vector<16xi32>,
    %get3A_35 = arith.constant 32 : index
    %get3A_36 = tpu.vector_load %arg6[%get3A_35] {strides = array<i32>} : memref<10000xi32, #tpu.memory_space<vmem>>, vector<16xi32>,
    %get3A_37 = vector.shape_cast %get3A_36 : vector<16xi32> to vector<16xi32>
    %swap3A_38 = arith.constant 32 : index
    %swap3A_39 = tpu.vector_load %arg8[%swap3A_38] {strides = array<i32>} : memref<80xi32, #tpu.memory_space<vmem>>, vector<16xi32>,
    %swap3A_40 = vector.shape_cast %swap3A_39 : vector<16xi32> to vector<16xi32>
    %swap3A_41 = vector.shape_cast %get3A_37 : vector<16xi32> to vector<16xi32>
    tpu.vector_store %arg8[%swap3A_38], %swap3A_41 {strides = array<i32>} : memref<80xi32, #tpu.memory_space<vmem>>, vector<16xi32>,
    %get3A_42 = arith.constant 32 : index
    %get3A_43 = tpu.vector_load %arg7[%get3A_42] {strides = array<i32>} : memref<10000xi32, #tpu.memory_space<vmem>>, vector<16xi32>,
    %get3A_44 = vector.shape_cast %get3A_43 : vector<16xi32> to vector<16xi32>
    %swap3A_45 = arith.constant 32 : index
    %swap3A_46 = tpu.vector_load %arg9[%swap3A_45] {strides = array<i32>} : memref<80xi32, #tpu.memory_space<vmem>>, vector<16xi32>,
    %swap3A_47 = vector.shape_cast %swap3A_46 : vector<16xi32> to vector<16xi32>
    %swap3A_48 = vector.shape_cast %get3A_44 : vector<16xi32> to vector<16xi32>
    tpu.vector_store %arg9[%swap3A_45], %swap3A_48 {strides = array<i32>} : memref<80xi32, #tpu.memory_space<vmem>>, vector<16xi32>,
    %get3A_49 = arith.constant 48 : index
    %get3A_50 = tpu.vector_load %arg6[%get3A_49] {strides = array<i32>} : memref<10000xi32, #tpu.memory_space<vmem>>, vector<16xi32>,
    %get3A_51 = vector.shape_cast %get3A_50 : vector<16xi32> to vector<16xi32>
    %swap3A_52 = arith.constant 48 : index
    %swap3A_53 = tpu.vector_load %arg8[%swap3A_52] {strides = array<i32>} : memref<80xi32, #tpu.memory_space<vmem>>, vector<16xi32>,
    %swap3A_54 = vector.shape_cast %swap3A_53 : vector<16xi32> to vector<16xi32>
    %swap3A_55 = vector.shape_cast %get3A_51 : vector<16xi32> to vector<16xi32>
    tpu.vector_store %arg8[%swap3A_52], %swap3A_55 {strides = array<i32>} : memref<80xi32, #tpu.memory_space<vmem>>, vector<16xi32>,
    %get3A_56 = arith.constant 48 : index
    %get3A_57 = tpu.vector_load %arg7[%get3A_56] {strides = array<i32>} : memref<10000xi32, #tpu.memory_space<vmem>>, vector<16xi32>,
    %get3A_58 = vector.shape_cast %get3A_57 : vector<16xi32> to vector<16xi32>
    %swap3A_59 = arith.constant 48 : index
    %swap3A_60 = tpu.vector_load %arg9[%swap3A_59] {strides = array<i32>} : memref<80xi32, #tpu.memory_space<vmem>>, vector<16xi32>,
    %swap3A_61 = vector.shape_cast %swap3A_60 : vector<16xi32> to vector<16xi32>
    %swap3A_62 = vector.shape_cast %get3A_58 : vector<16xi32> to vector<16xi32>
    tpu.vector_store %arg9[%swap3A_59], %swap3A_62 {strides = array<i32>} : memref<80xi32, #tpu.memory_space<vmem>>, vector<16xi32>,
    %get3A_63 = arith.constant 64 : index
    %get3A_64 = tpu.vector_load %arg6[%get3A_63] {strides = array<i32>} : memref<10000xi32, #tpu.memory_space<vmem>>, vector<16xi32>,
    %get3A_65 = vector.shape_cast %get3A_64 : vector<16xi32> to vector<16xi32>
    %swap3A_66 = arith.constant 64 : index
    %swap3A_67 = tpu.vector_load %arg8[%swap3A_66] {strides = array<i32>} : memref<80xi32, #tpu.memory_space<vmem>>, vector<16xi32>,
    %swap3A_68 = vector.shape_cast %swap3A_67 : vector<16xi32> to vector<16xi32>
    %swap3A_69 = vector.shape_cast %get3A_65 : vector<16xi32> to vector<16xi32>
    tpu.vector_store %arg8[%swap3A_66], %swap3A_69 {strides = array<i32>} : memref<80xi32, #tpu.memory_space<vmem>>, vector<16xi32>,
    %get3A_70 = arith.constant 64 : index
    %get3A_71 = tpu.vector_load %arg7[%get3A_70] {strides = array<i32>} : memref<10000xi32, #tpu.memory_space<vmem>>, vector<16xi32>,
    %get3A_72 = vector.shape_cast %get3A_71 : vector<16xi32> to vector<16xi32>
    %swap3A_73 = arith.constant 64 : index
    %swap3A_74 = tpu.vector_load %arg9[%swap3A_73] {strides = array<i32>} : memref<80xi32, #tpu.memory_space<vmem>>, vector<16xi32>,
    %swap3A_75 = vector.shape_cast %swap3A_74 : vector<16xi32> to vector<16xi32>
    %swap3A_76 = vector.shape_cast %get3A_72 : vector<16xi32> to vector<16xi32>
    tpu.vector_store %arg9[%swap3A_73], %swap3A_76 {strides = array<i32>} : memref<80xi32, #tpu.memory_space<vmem>>, vector<16xi32>,
    %dma_start3A = arith.constant 0 : i32
    %dma_start3A_77 = arith.constant 0 : i32
    %dma_start3A_78 = tpu.memref_slice %arg2[%dma_start3A, %dma_start3A_77] : memref<10000x128xf32, #tpu.memory_space<hbm>> -> memref<10000x128xf32, #tpu.memory_space<hbm>>
    tpu.enqueue_indirect_dma source(%dma_start3A_78 : memref<10000x128xf32, #tpu.memory_space<hbm>>) target(%arg12 : memref<80x128xf32, #tpu.memory_space<vmem>>) offsets(%arg8 : memref<80xi32, #tpu.memory_space<vmem>>) semaphore(%arg16 : memref<!tpu.dma_semaphore, #tpu.memory_space<semaphore_mem>>)
    %mul3A_79 = arith.constant 640 : i32
    %mul3A_80 = arith.muli %arg1, %mul3A_79 : i32
    %scan3A_81 = arith.constant 0 : i32
    %scan3A_82 = arith.constant 0 : i32
    %scan3A_83 = arith.constant 20 : i32
    %scan3A_84 = arith.addi %scan3A_82, %scan3A_83 : i32
    %scan3A_85 = arith.constant 1 : i32
    scf.for %scan3A_99 = %scan3A_82 to %scan3A_84 step %scan3A_85  : i32 {
      %mul3A_100 = arith.constant 32 : i32
      %mul3A_101 = arith.muli %scan3A_99, %mul3A_100 : i32
      %add3A_102 = arith.addi %mul3A_80, %mul3A_101 : i32
      "tpu.region"() ({
        %run_scoped3A = tpu.sem_alloc : memref<!tpu.dma_semaphore, #tpu.memory_space<semaphore_mem>>
        %dma_start3A_103 = arith.constant 0 : i32
        %dma_start3A_104 = tpu.memref_slice %arg15[%add3A_102, %dma_start3A_103] : memref<10240x128xf32, #tpu.memory_space<vmem_shared>> -> memref<32x128xf32, #tpu.memory_space<vmem_shared>>
        %dma_start3A_105 = arith.constant 0 : i32
        %dma_start3A_106 = tpu.memref_slice %arg15[%add3A_102, %dma_start3A_105] : memref<10240x128xf32, #tpu.memory_space<vmem_shared>> -> memref<32x128xf32, #tpu.memory_space<vmem_shared>>
        tpu.enqueue_dma source(%arg14 : memref<32x128xf32, #tpu.memory_space<vmem>>) target(%dma_start3A_106 : memref<32x128xf32, #tpu.memory_space<vmem_shared>>) target_semaphore(%run_scoped3A : memref<!tpu.dma_semaphore, #tpu.memory_space<semaphore_mem>>)
        %dma_wait3A_107 = arith.constant 0 : i32
        %dma_wait3A_108 = tpu.memref_slice %arg15[%add3A_102, %dma_wait3A_107] : memref<10240x128xf32, #tpu.memory_space<vmem_shared>> -> memref<32x128xf32, #tpu.memory_space<vmem_shared>>
        %dma_wait3A_109 = arith.constant 0 : i32
        %dma_wait3A_110 = tpu.memref_slice %arg15[%add3A_102, %dma_wait3A_109] : memref<10240x128xf32, #tpu.memory_space<vmem_shared>> -> memref<32x128xf32, #tpu.memory_space<vmem_shared>>
        tpu.wait_dma2 semaphore(%run_scoped3A : memref<!tpu.dma_semaphore, #tpu.memory_space<semaphore_mem>>) src(%arg14 : memref<32x128xf32, #tpu.memory_space<vmem>>) dst(%dma_wait3A_110 : memref<32x128xf32, #tpu.memory_space<vmem_shared>>)
        tpu.yield
      }) : () -> ()
    }
    %scan3A_86 = arith.constant 20 : i32
    %barrier3A = arith.constant 0 : index
    tpu.barrier barrier_id(%barrier3A)
    %scan3A_87 = arith.constant 0 : i32
    %scan3A_88 = arith.constant 0 : i32
    %scan3A_89 = arith.constant 62 : i32
    %scan3A_90 = arith.addi %scan3A_88, %scan3A_89 : i32
    %scan3A_91 = arith.constant 1 : i32
    scf.for %scan3A_99 = %scan3A_88 to %scan3A_90 step %scan3A_91  : i32 {
      %mul3A_100 = arith.constant 2 : i32
      %mul3A_101 = arith.muli %mul3A_100, %scan3A_99 : i32
      %add3A_102 = arith.constant 1 : i32
      %add3A_103 = arith.addi %mul3A_101, %add3A_102 : i32
      %mul3A_104 = arith.constant 80 : i32
      %mul3A_105 = arith.muli %add3A_103, %mul3A_104 : i32
      %add3A_106 = arith.constant 0 : i32
      %add3A_107 = arith.addi %mul3A_105, %add3A_106 : i32
      %get3A_108 = arith.index_cast %add3A_107 : i32 to index
      %get3A_109 = tpu.vector_load %arg6[%get3A_108] {strides = array<i32>} : memref<10000xi32, #tpu.memory_space<vmem>>, vector<16xi32>,
      %get3A_110 = vector.shape_cast %get3A_109 : vector<16xi32> to vector<16xi32>
      %swap3A_111 = arith.constant 0 : index
      %swap3A_112 = tpu.vector_load %arg10[%swap3A_111] {strides = array<i32>} : memref<80xi32, #tpu.memory_space<vmem>>, vector<16xi32>,
      %swap3A_113 = vector.shape_cast %swap3A_112 : vector<16xi32> to vector<16xi32>
      %swap3A_114 = vector.shape_cast %get3A_110 : vector<16xi32> to vector<16xi32>
      tpu.vector_store %arg10[%swap3A_111], %swap3A_114 {strides = array<i32>} : memref<80xi32, #tpu.memory_space<vmem>>, vector<16xi32>,
      %mul3A_115 = arith.constant 80 : i32
      %mul3A_116 = arith.muli %add3A_103, %mul3A_115 : i32
      %add3A_117 = arith.constant 0 : i32
      %add3A_118 = arith.addi %mul3A_116, %add3A_117 : i32
      %get3A_119 = arith.index_cast %add3A_118 : i32 to index
      %get3A_120 = tpu.vector_load %arg7[%get3A_119] {strides = array<i32>} : memref<10000xi32, #tpu.memory_space<vmem>>, vector<16xi32>,
      %get3A_121 = vector.shape_cast %get3A_120 : vector<16xi32> to vector<16xi32>
      %swap3A_122 = arith.constant 0 : index
      %swap3A_123 = tpu.vector_load %arg11[%swap3A_122] {strides = array<i32>} : memref<80xi32, #tpu.memory_space<vmem>>, vector<16xi32>,
      %swap3A_124 = vector.shape_cast %swap3A_123 : vector<16xi32> to vector<16xi32>
      %swap3A_125 = vector.shape_cast %get3A_121 : vector<16xi32> to vector<16xi32>
      tpu.vector_store %arg11[%swap3A_122], %swap3A_125 {strides = array<i32>} : memref<80xi32, #tpu.memory_space<vmem>>, vector<16xi32>,
      %mul3A_126 = arith.constant 80 : i32
      %mul3A_127 = arith.muli %add3A_103, %mul3A_126 : i32
      %add3A_128 = arith.constant 16 : i32
      %add3A_129 = arith.addi %mul3A_127, %add3A_128 : i32
      %get3A_130 = arith.index_cast %add3A_129 : i32 to index
      %get3A_131 = tpu.vector_load %arg6[%get3A_130] {strides = array<i32>} : memref<10000xi32, #tpu.memory_space<vmem>>, vector<16xi32>,
      %get3A_132 = vector.shape_cast %get3A_131 : vector<16xi32> to vector<16xi32>
      %swap3A_133 = arith.constant 16 : index
      %swap3A_134 = tpu.vector_load %arg10[%swap3A_133] {strides = array<i32>} : memref<80xi32, #tpu.memory_space<vmem>>, vector<16xi32>,
      %swap3A_135 = vector.shape_cast %swap3A_134 : vector<16xi32> to vector<16xi32>
      %swap3A_136 = vector.shape_cast %get3A_132 : vector<16xi32> to vector<16xi32>
      tpu.vector_store %arg10[%swap3A_133], %swap3A_136 {strides = array<i32>} : memref<80xi32, #tpu.memory_space<vmem>>, vector<16xi32>,
      %mul3A_137 = arith.constant 80 : i32
      %mul3A_138 = arith.muli %add3A_103, %mul3A_137 : i32
      %add3A_139 = arith.constant 16 : i32
      %add3A_140 = arith.addi %mul3A_138, %add3A_139 : i32
      %get3A_141 = arith.index_cast %add3A_140 : i32 to index
      %get3A_142 = tpu.vector_load %arg7[%get3A_141] {strides = array<i32>} : memref<10000xi32, #tpu.memory_space<vmem>>, vector<16xi32>,
      %get3A_143 = vector.shape_cast %get3A_142 : vector<16xi32> to vector<16xi32>
      %swap3A_144 = arith.constant 16 : index
      %swap3A_145 = tpu.vector_load %arg11[%swap3A_144] {strides = array<i32>} : memref<80xi32, #tpu.memory_space<vmem>>, vector<16xi32>,
      %swap3A_146 = vector.shape_cast %swap3A_145 : vector<16xi32> to vector<16xi32>
      %swap3A_147 = vector.shape_cast %get3A_143 : vector<16xi32> to vector<16xi32>
      tpu.vector_store %arg11[%swap3A_144], %swap3A_147 {strides = array<i32>} : memref<80xi32, #tpu.memory_space<vmem>>, vector<16xi32>,
      %mul3A_148 = arith.constant 80 : i32
      %mul3A_149 = arith.muli %add3A_103, %mul3A_148 : i32
      %add3A_150 = arith.constant 32 : i32
      %add3A_151 = arith.addi %mul3A_149, %add3A_150 : i32
      %get3A_152 = arith.index_cast %add3A_151 : i32 to index
      %get3A_153 = tpu.vector_load %arg6[%get3A_152] {strides = array<i32>} : memref<10000xi32, #tpu.memory_space<vmem>>, vector<16xi32>,
      %get3A_154 = vector.shape_cast %get3A_153 : vector<16xi32> to vector<16xi32>
      %swap3A_155 = arith.constant 32 : index
      %swap3A_156 = tpu.vector_load %arg10[%swap3A_155] {strides = array<i32>} : memref<80xi32, #tpu.memory_space<vmem>>, vector<16xi32>,
      %swap3A_157 = vector.shape_cast %swap3A_156 : vector<16xi32> to vector<16xi32>
      %swap3A_158 = vector.shape_cast %get3A_154 : vector<16xi32> to vector<16xi32>
      tpu.vector_store %arg10[%swap3A_155], %swap3A_158 {strides = array<i32>} : memref<80xi32, #tpu.memory_space<vmem>>, vector<16xi32>,
      %mul3A_159 = arith.constant 80 : i32
      %mul3A_160 = arith.muli %add3A_103, %mul3A_159 : i32
      %add3A_161 = arith.constant 32 : i32
      %add3A_162 = arith.addi %mul3A_160, %add3A_161 : i32
      %get3A_163 = arith.index_cast %add3A_162 : i32 to index
      %get3A_164 = tpu.vector_load %arg7[%get3A_163] {strides = array<i32>} : memref<10000xi32, #tpu.memory_space<vmem>>, vector<16xi32>,
      %get3A_165 = vector.shape_cast %get3A_164 : vector<16xi32> to vector<16xi32>
      %swap3A_166 = arith.constant 32 : index
      %swap3A_167 = tpu.vector_load %arg11[%swap3A_166] {strides = array<i32>} : memref<80xi32, #tpu.memory_space<vmem>>, vector<16xi32>,
      %swap3A_168 = vector.shape_cast %swap3A_167 : vector<16xi32> to vector<16xi32>
      %swap3A_169 = vector.shape_cast %get3A_165 : vector<16xi32> to vector<16xi32>
      tpu.vector_store %arg11[%swap3A_166], %swap3A_169 {strides = array<i32>} : memref<80xi32, #tpu.memory_space<vmem>>, vector<16xi32>,
      %mul3A_170 = arith.constant 80 : i32
      %mul3A_171 = arith.muli %add3A_103, %mul3A_170 : i32
      %add3A_172 = arith.constant 48 : i32
      %add3A_173 = arith.addi %mul3A_171, %add3A_172 : i32
      %get3A_174 = arith.index_cast %add3A_173 : i32 to index
      %get3A_175 = tpu.vector_load %arg6[%get3A_174] {strides = array<i32>} : memref<10000xi32, #tpu.memory_space<vmem>>, vector<16xi32>,
      %get3A_176 = vector.shape_cast %get3A_175 : vector<16xi32> to vector<16xi32>
      %swap3A_177 = arith.constant 48 : index
      %swap3A_178 = tpu.vector_load %arg10[%swap3A_177] {strides = array<i32>} : memref<80xi32, #tpu.memory_space<vmem>>, vector<16xi32>,
      %swap3A_179 = vector.shape_cast %swap3A_178 : vector<16xi32> to vector<16xi32>
      %swap3A_180 = vector.shape_cast %get3A_176 : vector<16xi32> to vector<16xi32>
      tpu.vector_store %arg10[%swap3A_177], %swap3A_180 {strides = array<i32>} : memref<80xi32, #tpu.memory_space<vmem>>, vector<16xi32>,
      %mul3A_181 = arith.constant 80 : i32
      %mul3A_182 = arith.muli %add3A_103, %mul3A_181 : i32
      %add3A_183 = arith.constant 48 : i32
      %add3A_184 = arith.addi %mul3A_182, %add3A_183 : i32
      %get3A_185 = arith.index_cast %add3A_184 : i32 to index
      %get3A_186 = tpu.vector_load %arg7[%get3A_185] {strides = array<i32>} : memref<10000xi32, #tpu.memory_space<vmem>>, vector<16xi32>,
      %get3A_187 = vector.shape_cast %get3A_186 : vector<16xi32> to vector<16xi32>
      %swap3A_188 = arith.constant 48 : index
      %swap3A_189 = tpu.vector_load %arg11[%swap3A_188] {strides = array<i32>} : memref<80xi32, #tpu.memory_space<vmem>>, vector<16xi32>,
      %swap3A_190 = vector.shape_cast %swap3A_189 : vector<16xi32> to vector<16xi32>
      %swap3A_191 = vector.shape_cast %get3A_187 : vector<16xi32> to vector<16xi32>
      tpu.vector_store %arg11[%swap3A_188], %swap3A_191 {strides = array<i32>} : memref<80xi32, #tpu.memory_space<vmem>>, vector<16xi32>,
      %mul3A_192 = arith.constant 80 : i32
      %mul3A_193 = arith.muli %add3A_103, %mul3A_192 : i32
      %add3A_194 = arith.constant 64 : i32
      %add3A_195 = arith.addi %mul3A_193, %add3A_194 : i32
      %get3A_196 = arith.index_cast %add3A_195 : i32 to index
      %get3A_197 = tpu.vector_load %arg6[%get3A_196] {strides = array<i32>} : memref<10000xi32, #tpu.memory_space<vmem>>, vector<16xi32>,
      %get3A_198 = vector.shape_cast %get3A_197 : vector<16xi32> to vector<16xi32>
      %swap3A_199 = arith.constant 64 : index
      %swap3A_200 = tpu.vector_load %arg10[%swap3A_199] {strides = array<i32>} : memref<80xi32, #tpu.memory_space<vmem>>, vector<16xi32>,
      %swap3A_201 = vector.shape_cast %swap3A_200 : vector<16xi32> to vector<16xi32>
      %swap3A_202 = vector.shape_cast %get3A_198 : vector<16xi32> to vector<16xi32>
      tpu.vector_store %arg10[%swap3A_199], %swap3A_202 {strides = array<i32>} : memref<80xi32, #tpu.memory_space<vmem>>, vector<16xi32>,
      %mul3A_203 = arith.constant 80 : i32
      %mul3A_204 = arith.muli %add3A_103, %mul3A_203 : i32
      %add3A_205 = arith.constant 64 : i32
      %add3A_206 = arith.addi %mul3A_204, %add3A_205 : i32
      %get3A_207 = arith.index_cast %add3A_206 : i32 to index
      %get3A_208 = tpu.vector_load %arg7[%get3A_207] {strides = array<i32>} : memref<10000xi32, #tpu.memory_space<vmem>>, vector<16xi32>,
      %get3A_209 = vector.shape_cast %get3A_208 : vector<16xi32> to vector<16xi32>
      %swap3A_210 = arith.constant 64 : index
      %swap3A_211 = tpu.vector_load %arg11[%swap3A_210] {strides = array<i32>} : memref<80xi32, #tpu.memory_space<vmem>>, vector<16xi32>,
      %swap3A_212 = vector.shape_cast %swap3A_211 : vector<16xi32> to vector<16xi32>
      %swap3A_213 = vector.shape_cast %get3A_209 : vector<16xi32> to vector<16xi32>
      tpu.vector_store %arg11[%swap3A_210], %swap3A_213 {strides = array<i32>} : memref<80xi32, #tpu.memory_space<vmem>>, vector<16xi32>,
      %dma_start3A_214 = arith.constant 0 : i32
      %dma_start3A_215 = arith.constant 0 : i32
      %dma_start3A_216 = tpu.memref_slice %arg2[%dma_start3A_214, %dma_start3A_215] : memref<10000x128xf32, #tpu.memory_space<hbm>> -> memref<10000x128xf32, #tpu.memory_space<hbm>>
      tpu.enqueue_indirect_dma source(%dma_start3A_216 : memref<10000x128xf32, #tpu.memory_space<hbm>>) target(%arg13 : memref<80x128xf32, #tpu.memory_space<vmem>>) offsets(%arg10 : memref<80xi32, #tpu.memory_space<vmem>>) semaphore(%arg17 : memref<!tpu.dma_semaphore, #tpu.memory_space<semaphore_mem>>)
      %dma_wait3A_217 = arith.constant 0 : i32
      %dma_wait3A_218 = arith.constant 0 : i32
      %dma_wait3A_219 = tpu.memref_slice %arg2[%dma_wait3A_217, %dma_wait3A_218] : memref<10000x128xf32, #tpu.memory_space<hbm>> -> memref<80x128xf32, #tpu.memory_space<hbm>>
      %dma_wait3A_220 = arith.constant 0 : i32
      %dma_wait3A_221 = arith.constant 0 : i32
      %dma_wait3A_222 = tpu.memref_slice %arg2[%dma_wait3A_220, %dma_wait3A_221] : memref<10000x128xf32, #tpu.memory_space<hbm>> -> memref<80x128xf32, #tpu.memory_space<hbm>>
      tpu.wait_dma2 semaphore(%arg16 : memref<!tpu.dma_semaphore, #tpu.memory_space<semaphore_mem>>) src(%dma_wait3A_222 : memref<80x128xf32, #tpu.memory_space<hbm>>) dst(%arg12 : memref<80x128xf32, #tpu.memory_space<vmem>>)
      "tpu.region"() ({
        %run_scoped3A = tpu.sem_alloc : memref<!tpu.dma_semaphore, #tpu.memory_space<semaphore_mem>>
        %dma_start3A_235 = arith.constant 0 : i32
        %dma_start3A_236 = arith.constant 0 : i32
        %dma_start3A_237 = tpu.memref_slice %arg15[%dma_start3A_235, %dma_start3A_236] : memref<10240x128xf32, #tpu.memory_space<vmem_shared>> -> memref<10240x128xf32, #tpu.memory_space<vmem_shared>>
        tpu.enqueue_indirect_dma source(%arg12 : memref<80x128xf32, #tpu.memory_space<vmem>>) target(%dma_start3A_237 : memref<10240x128xf32, #tpu.memory_space<vmem_shared>>) offsets(%arg9 : memref<80xi32, #tpu.memory_space<vmem>>) semaphore(%run_scoped3A : memref<!tpu.dma_semaphore, #tpu.memory_space<semaphore_mem>>) {add = true}
        %dma_wait3A_238 = arith.constant 0 : i32
        %dma_wait3A_239 = arith.constant 0 : i32
        %dma_wait3A_240 = tpu.memref_slice %arg15[%dma_wait3A_238, %dma_wait3A_239] : memref<10240x128xf32, #tpu.memory_space<vmem_shared>> -> memref<10240x128xf32, #tpu.memory_space<vmem_shared>>
        tpu.wait_indirect_dma semaphore(%run_scoped3A : memref<!tpu.dma_semaphore, #tpu.memory_space<semaphore_mem>>) src(%arg12 : memref<80x128xf32, #tpu.memory_space<vmem>>) dst(%dma_wait3A_240 : memref<10240x128xf32, #tpu.memory_space<vmem_shared>>)
        tpu.yield
      }) : () -> ()
      %mul3A_223 = arith.constant 2 : i32
      %mul3A_224 = arith.muli %mul3A_223, %scan3A_99 : i32
      %add3A_225 = arith.constant 2 : i32
      %add3A_226 = arith.addi %mul3A_224, %add3A_225 : i32
      %lt3A = arith.constant 125 : i32
      %lt3A_227 = arith.cmpi slt, %add3A_226, %lt3A : i32
      %convert_element_type3A = arith.extui %lt3A_227 : i1 to i32
      %cond3A = arith.constant 0 : i32
      %cond3A_228 = arith.cmpi ne, %convert_element_type3A, %cond3A : i32
      scf.if %cond3A_228 {
        %mul3A_235 = arith.constant 80 : i32
        %mul3A_236 = arith.muli %add3A_226, %mul3A_235 : i32
        %add3A_237 = arith.constant 0 : i32
        %add3A_238 = arith.addi %mul3A_236, %add3A_237 : i32
        %get3A_239 = arith.index_cast %add3A_238 : i32 to index
        %get3A_240 = tpu.vector_load %arg6[%get3A_239] {strides = array<i32>} : memref<10000xi32, #tpu.memory_space<vmem>>, vector<16xi32>,
        %get3A_241 = vector.shape_cast %get3A_240 : vector<16xi32> to vector<16xi32>
        %swap3A_242 = arith.constant 0 : index
        %swap3A_243 = tpu.vector_load %arg8[%swap3A_242] {strides = array<i32>} : memref<80xi32, #tpu.memory_space<vmem>>, vector<16xi32>,
        %swap3A_244 = vector.shape_cast %swap3A_243 : vector<16xi32> to vector<16xi32>
        %swap3A_245 = vector.shape_cast %get3A_241 : vector<16xi32> to vector<16xi32>
        tpu.vector_store %arg8[%swap3A_242], %swap3A_245 {strides = array<i32>} : memref<80xi32, #tpu.memory_space<vmem>>, vector<16xi32>,
        %mul3A_246 = arith.constant 80 : i32
        %mul3A_247 = arith.muli %add3A_226, %mul3A_246 : i32
        %add3A_248 = arith.constant 0 : i32
        %add3A_249 = arith.addi %mul3A_247, %add3A_248 : i32
        %get3A_250 = arith.index_cast %add3A_249 : i32 to index
        %get3A_251 = tpu.vector_load %arg7[%get3A_250] {strides = array<i32>} : memref<10000xi32, #tpu.memory_space<vmem>>, vector<16xi32>,
        %get3A_252 = vector.shape_cast %get3A_251 : vector<16xi32> to vector<16xi32>
        %swap3A_253 = arith.constant 0 : index
        %swap3A_254 = tpu.vector_load %arg9[%swap3A_253] {strides = array<i32>} : memref<80xi32, #tpu.memory_space<vmem>>, vector<16xi32>,
        %swap3A_255 = vector.shape_cast %swap3A_254 : vector<16xi32> to vector<16xi32>
        %swap3A_256 = vector.shape_cast %get3A_252 : vector<16xi32> to vector<16xi32>
        tpu.vector_store %arg9[%swap3A_253], %swap3A_256 {strides = array<i32>} : memref<80xi32, #tpu.memory_space<vmem>>, vector<16xi32>,
        %mul3A_257 = arith.constant 80 : i32
        %mul3A_258 = arith.muli %add3A_226, %mul3A_257 : i32
        %add3A_259 = arith.constant 16 : i32
        %add3A_260 = arith.addi %mul3A_258, %add3A_259 : i32
        %get3A_261 = arith.index_cast %add3A_260 : i32 to index
        %get3A_262 = tpu.vector_load %arg6[%get3A_261] {strides = array<i32>} : memref<10000xi32, #tpu.memory_space<vmem>>, vector<16xi32>,
        %get3A_263 = vector.shape_cast %get3A_262 : vector<16xi32> to vector<16xi32>
        %swap3A_264 = arith.constant 16 : index
        %swap3A_265 = tpu.vector_load %arg8[%swap3A_264] {strides = array<i32>} : memref<80xi32, #tpu.memory_space<vmem>>, vector<16xi32>,
        %swap3A_266 = vector.shape_cast %swap3A_265 : vector<16xi32> to vector<16xi32>
        %swap3A_267 = vector.shape_cast %get3A_263 : vector<16xi32> to vector<16xi32>
        tpu.vector_store %arg8[%swap3A_264], %swap3A_267 {strides = array<i32>} : memref<80xi32, #tpu.memory_space<vmem>>, vector<16xi32>,
        %mul3A_268 = arith.constant 80 : i32
        %mul3A_269 = arith.muli %add3A_226, %mul3A_268 : i32
        %add3A_270 = arith.constant 16 : i32
        %add3A_271 = arith.addi %mul3A_269, %add3A_270 : i32
        %get3A_272 = arith.index_cast %add3A_271 : i32 to index
        %get3A_273 = tpu.vector_load %arg7[%get3A_272] {strides = array<i32>} : memref<10000xi32, #tpu.memory_space<vmem>>, vector<16xi32>,
        %get3A_274 = vector.shape_cast %get3A_273 : vector<16xi32> to vector<16xi32>
        %swap3A_275 = arith.constant 16 : index
        %swap3A_276 = tpu.vector_load %arg9[%swap3A_275] {strides = array<i32>} : memref<80xi32, #tpu.memory_space<vmem>>, vector<16xi32>,
        %swap3A_277 = vector.shape_cast %swap3A_276 : vector<16xi32> to vector<16xi32>
        %swap3A_278 = vector.shape_cast %get3A_274 : vector<16xi32> to vector<16xi32>
        tpu.vector_store %arg9[%swap3A_275], %swap3A_278 {strides = array<i32>} : memref<80xi32, #tpu.memory_space<vmem>>, vector<16xi32>,
        %mul3A_279 = arith.constant 80 : i32
        %mul3A_280 = arith.muli %add3A_226, %mul3A_279 : i32
        %add3A_281 = arith.constant 32 : i32
        %add3A_282 = arith.addi %mul3A_280, %add3A_281 : i32
        %get3A_283 = arith.index_cast %add3A_282 : i32 to index
        %get3A_284 = tpu.vector_load %arg6[%get3A_283] {strides = array<i32>} : memref<10000xi32, #tpu.memory_space<vmem>>, vector<16xi32>,
        %get3A_285 = vector.shape_cast %get3A_284 : vector<16xi32> to vector<16xi32>
        %swap3A_286 = arith.constant 32 : index
        %swap3A_287 = tpu.vector_load %arg8[%swap3A_286] {strides = array<i32>} : memref<80xi32, #tpu.memory_space<vmem>>, vector<16xi32>,
        %swap3A_288 = vector.shape_cast %swap3A_287 : vector<16xi32> to vector<16xi32>
        %swap3A_289 = vector.shape_cast %get3A_285 : vector<16xi32> to vector<16xi32>
        tpu.vector_store %arg8[%swap3A_286], %swap3A_289 {strides = array<i32>} : memref<80xi32, #tpu.memory_space<vmem>>, vector<16xi32>,
        %mul3A_290 = arith.constant 80 : i32
        %mul3A_291 = arith.muli %add3A_226, %mul3A_290 : i32
        %add3A_292 = arith.constant 32 : i32
        %add3A_293 = arith.addi %mul3A_291, %add3A_292 : i32
        %get3A_294 = arith.index_cast %add3A_293 : i32 to index
        %get3A_295 = tpu.vector_load %arg7[%get3A_294] {strides = array<i32>} : memref<10000xi32, #tpu.memory_space<vmem>>, vector<16xi32>,
        %get3A_296 = vector.shape_cast %get3A_295 : vector<16xi32> to vector<16xi32>
        %swap3A_297 = arith.constant 32 : index
        %swap3A_298 = tpu.vector_load %arg9[%swap3A_297] {strides = array<i32>} : memref<80xi32, #tpu.memory_space<vmem>>, vector<16xi32>,
        %swap3A_299 = vector.shape_cast %swap3A_298 : vector<16xi32> to vector<16xi32>
        %swap3A_300 = vector.shape_cast %get3A_296 : vector<16xi32> to vector<16xi32>
        tpu.vector_store %arg9[%swap3A_297], %swap3A_300 {strides = array<i32>} : memref<80xi32, #tpu.memory_space<vmem>>, vector<16xi32>,
        %mul3A_301 = arith.constant 80 : i32
        %mul3A_302 = arith.muli %add3A_226, %mul3A_301 : i32
        %add3A_303 = arith.constant 48 : i32
        %add3A_304 = arith.addi %mul3A_302, %add3A_303 : i32
        %get3A_305 = arith.index_cast %add3A_304 : i32 to index
        %get3A_306 = tpu.vector_load %arg6[%get3A_305] {strides = array<i32>} : memref<10000xi32, #tpu.memory_space<vmem>>, vector<16xi32>,
        %get3A_307 = vector.shape_cast %get3A_306 : vector<16xi32> to vector<16xi32>
        %swap3A_308 = arith.constant 48 : index
        %swap3A_309 = tpu.vector_load %arg8[%swap3A_308] {strides = array<i32>} : memref<80xi32, #tpu.memory_space<vmem>>, vector<16xi32>,
        %swap3A_310 = vector.shape_cast %swap3A_309 : vector<16xi32> to vector<16xi32>
        %swap3A_311 = vector.shape_cast %get3A_307 : vector<16xi32> to vector<16xi32>
        tpu.vector_store %arg8[%swap3A_308], %swap3A_311 {strides = array<i32>} : memref<80xi32, #tpu.memory_space<vmem>>, vector<16xi32>,
        %mul3A_312 = arith.constant 80 : i32
        %mul3A_313 = arith.muli %add3A_226, %mul3A_312 : i32
        %add3A_314 = arith.constant 48 : i32
        %add3A_315 = arith.addi %mul3A_313, %add3A_314 : i32
        %get3A_316 = arith.index_cast %add3A_315 : i32 to index
        %get3A_317 = tpu.vector_load %arg7[%get3A_316] {strides = array<i32>} : memref<10000xi32, #tpu.memory_space<vmem>>, vector<16xi32>,
        %get3A_318 = vector.shape_cast %get3A_317 : vector<16xi32> to vector<16xi32>
        %swap3A_319 = arith.constant 48 : index
        %swap3A_320 = tpu.vector_load %arg9[%swap3A_319] {strides = array<i32>} : memref<80xi32, #tpu.memory_space<vmem>>, vector<16xi32>,
        %swap3A_321 = vector.shape_cast %swap3A_320 : vector<16xi32> to vector<16xi32>
        %swap3A_322 = vector.shape_cast %get3A_318 : vector<16xi32> to vector<16xi32>
        tpu.vector_store %arg9[%swap3A_319], %swap3A_322 {strides = array<i32>} : memref<80xi32, #tpu.memory_space<vmem>>, vector<16xi32>,
        %mul3A_323 = arith.constant 80 : i32
        %mul3A_324 = arith.muli %add3A_226, %mul3A_323 : i32
        %add3A_325 = arith.constant 64 : i32
        %add3A_326 = arith.addi %mul3A_324, %add3A_325 : i32
        %get3A_327 = arith.index_cast %add3A_326 : i32 to index
        %get3A_328 = tpu.vector_load %arg6[%get3A_327] {strides = array<i32>} : memref<10000xi32, #tpu.memory_space<vmem>>, vector<16xi32>,
        %get3A_329 = vector.shape_cast %get3A_328 : vector<16xi32> to vector<16xi32>
        %swap3A_330 = arith.constant 64 : index
        %swap3A_331 = tpu.vector_load %arg8[%swap3A_330] {strides = array<i32>} : memref<80xi32, #tpu.memory_space<vmem>>, vector<16xi32>,
        %swap3A_332 = vector.shape_cast %swap3A_331 : vector<16xi32> to vector<16xi32>
        %swap3A_333 = vector.shape_cast %get3A_329 : vector<16xi32> to vector<16xi32>
        tpu.vector_store %arg8[%swap3A_330], %swap3A_333 {strides = array<i32>} : memref<80xi32, #tpu.memory_space<vmem>>, vector<16xi32>,
        %mul3A_334 = arith.constant 80 : i32
        %mul3A_335 = arith.muli %add3A_226, %mul3A_334 : i32
        %add3A_336 = arith.constant 64 : i32
        %add3A_337 = arith.addi %mul3A_335, %add3A_336 : i32
        %get3A_338 = arith.index_cast %add3A_337 : i32 to index
        %get3A_339 = tpu.vector_load %arg7[%get3A_338] {strides = array<i32>} : memref<10000xi32, #tpu.memory_space<vmem>>, vector<16xi32>,
        %get3A_340 = vector.shape_cast %get3A_339 : vector<16xi32> to vector<16xi32>
        %swap3A_341 = arith.constant 64 : index
        %swap3A_342 = tpu.vector_load %arg9[%swap3A_341] {strides = array<i32>} : memref<80xi32, #tpu.memory_space<vmem>>, vector<16xi32>,
        %swap3A_343 = vector.shape_cast %swap3A_342 : vector<16xi32> to vector<16xi32>
        %swap3A_344 = vector.shape_cast %get3A_340 : vector<16xi32> to vector<16xi32>
        tpu.vector_store %arg9[%swap3A_341], %swap3A_344 {strides = array<i32>} : memref<80xi32, #tpu.memory_space<vmem>>, vector<16xi32>,
        %dma_start3A_345 = arith.constant 0 : i32
        %dma_start3A_346 = arith.constant 0 : i32
        %dma_start3A_347 = tpu.memref_slice %arg2[%dma_start3A_345, %dma_start3A_346] : memref<10000x128xf32, #tpu.memory_space<hbm>> -> memref<10000x128xf32, #tpu.memory_space<hbm>>
        tpu.enqueue_indirect_dma source(%dma_start3A_347 : memref<10000x128xf32, #tpu.memory_space<hbm>>) target(%arg12 : memref<80x128xf32, #tpu.memory_space<vmem>>) offsets(%arg8 : memref<80xi32, #tpu.memory_space<vmem>>) semaphore(%arg16 : memref<!tpu.dma_semaphore, #tpu.memory_space<semaphore_mem>>)
      } else {
      }
      %dma_wait3A_229 = arith.constant 0 : i32
      %dma_wait3A_230 = arith.constant 0 : i32
      %dma_wait3A_231 = tpu.memref_slice %arg2[%dma_wait3A_229, %dma_wait3A_230] : memref<10000x128xf32, #tpu.memory_space<hbm>> -> memref<80x128xf32, #tpu.memory_space<hbm>>
      %dma_wait3A_232 = arith.constant 0 : i32
      %dma_wait3A_233 = arith.constant 0 : i32
      %dma_wait3A_234 = tpu.memref_slice %arg2[%dma_wait3A_232, %dma_wait3A_233] : memref<10000x128xf32, #tpu.memory_space<hbm>> -> memref<80x128xf32, #tpu.memory_space<hbm>>
      tpu.wait_dma2 semaphore(%arg17 : memref<!tpu.dma_semaphore, #tpu.memory_space<semaphore_mem>>) src(%dma_wait3A_234 : memref<80x128xf32, #tpu.memory_space<hbm>>) dst(%arg13 : memref<80x128xf32, #tpu.memory_space<vmem>>)
      "tpu.region"() ({
        %run_scoped3A = tpu.sem_alloc : memref<!tpu.dma_semaphore, #tpu.memory_space<semaphore_mem>>
        %dma_start3A_235 = arith.constant 0 : i32
        %dma_start3A_236 = arith.constant 0 : i32
        %dma_start3A_237 = tpu.memref_slice %arg15[%dma_start3A_235, %dma_start3A_236] : memref<10240x128xf32, #tpu.memory_space<vmem_shared>> -> memref<10240x128xf32, #tpu.memory_space<vmem_shared>>
        tpu.enqueue_indirect_dma source(%arg13 : memref<80x128xf32, #tpu.memory_space<vmem>>) target(%dma_start3A_237 : memref<10240x128xf32, #tpu.memory_space<vmem_shared>>) offsets(%arg11 : memref<80xi32, #tpu.memory_space<vmem>>) semaphore(%run_scoped3A : memref<!tpu.dma_semaphore, #tpu.memory_space<semaphore_mem>>) {add = true}
        %dma_wait3A_238 = arith.constant 0 : i32
        %dma_wait3A_239 = arith.constant 0 : i32
        %dma_wait3A_240 = tpu.memref_slice %arg15[%dma_wait3A_238, %dma_wait3A_239] : memref<10240x128xf32, #tpu.memory_space<vmem_shared>> -> memref<10240x128xf32, #tpu.memory_space<vmem_shared>>
        tpu.wait_indirect_dma semaphore(%run_scoped3A : memref<!tpu.dma_semaphore, #tpu.memory_space<semaphore_mem>>) src(%arg13 : memref<80x128xf32, #tpu.memory_space<vmem>>) dst(%dma_wait3A_240 : memref<10240x128xf32, #tpu.memory_space<vmem_shared>>)
        tpu.yield
      }) : () -> ()
    }
    %scan3A_92 = arith.constant 62 : i32
    %dma_wait3A = arith.constant 0 : i32
    %dma_wait3A_93 = arith.constant 0 : i32
    %dma_wait3A_94 = tpu.memref_slice %arg2[%dma_wait3A, %dma_wait3A_93] : memref<10000x128xf32, #tpu.memory_space<hbm>> -> memref<80x128xf32, #tpu.memory_space<hbm>>
    %dma_wait3A_95 = arith.constant 0 : i32
    %dma_wait3A_96 = arith.constant 0 : i32
    %dma_wait3A_97 = tpu.memref_slice %arg2[%dma_wait3A_95, %dma_wait3A_96] : memref<10000x128xf32, #tpu.memory_space<hbm>> -> memref<80x128xf32, #tpu.memory_space<hbm>>
    tpu.wait_dma2 semaphore(%arg16 : memref<!tpu.dma_semaphore, #tpu.memory_space<semaphore_mem>>) src(%dma_wait3A_97 : memref<80x128xf32, #tpu.memory_space<hbm>>) dst(%arg12 : memref<80x128xf32, #tpu.memory_space<vmem>>)
    "tpu.region"() ({
      %run_scoped3A = tpu.sem_alloc : memref<!tpu.dma_semaphore, #tpu.memory_space<semaphore_mem>>
      %dma_start3A_99 = arith.constant 0 : i32
      %dma_start3A_100 = arith.constant 0 : i32
      %dma_start3A_101 = tpu.memref_slice %arg15[%dma_start3A_99, %dma_start3A_100] : memref<10240x128xf32, #tpu.memory_space<vmem_shared>> -> memref<10240x128xf32, #tpu.memory_space<vmem_shared>>
      tpu.enqueue_indirect_dma source(%arg12 : memref<80x128xf32, #tpu.memory_space<vmem>>) target(%dma_start3A_101 : memref<10240x128xf32, #tpu.memory_space<vmem_shared>>) offsets(%arg9 : memref<80xi32, #tpu.memory_space<vmem>>) semaphore(%run_scoped3A : memref<!tpu.dma_semaphore, #tpu.memory_space<semaphore_mem>>) {add = true}
      %dma_wait3A_102 = arith.constant 0 : i32
      %dma_wait3A_103 = arith.constant 0 : i32
      %dma_wait3A_104 = tpu.memref_slice %arg15[%dma_wait3A_102, %dma_wait3A_103] : memref<10240x128xf32, #tpu.memory_space<vmem_shared>> -> memref<10240x128xf32, #tpu.memory_space<vmem_shared>>
      tpu.wait_indirect_dma semaphore(%run_scoped3A : memref<!tpu.dma_semaphore, #tpu.memory_space<semaphore_mem>>) src(%arg12 : memref<80x128xf32, #tpu.memory_space<vmem>>) dst(%dma_wait3A_104 : memref<10240x128xf32, #tpu.memory_space<vmem_shared>>)
      tpu.yield
    }) : () -> ()
    %barrier3A_98 = arith.constant 0 : index
    tpu.barrier barrier_id(%barrier3A_98)
    "tpu.region"() ({
      %run_scoped3A = tpu.sem_alloc : memref<!tpu.dma_semaphore, #tpu.memory_space<semaphore_mem>>
      %dma_start3A_99 = arith.constant 0 : i32
      %dma_start3A_100 = tpu.memref_slice %arg5[%arg0, %mul3A_80, %dma_start3A_99] : memref<2x10240x128xf32, #tpu.memory_space<hbm>> -> memref<1x640x128xf32, #tpu.memory_space<hbm>>
      %dma_start3A_101 = tpu.memref_squeeze %dma_start3A_100 : memref<1x640x128xf32, #tpu.memory_space<hbm>> -> memref<640x128xf32, #tpu.memory_space<hbm>>
      %dma_start3A_102 = arith.constant 0 : i32
      %dma_start3A_103 = tpu.memref_slice %arg15[%mul3A_80, %dma_start3A_102] : memref<10240x128xf32, #tpu.memory_space<vmem_shared>> -> memref<640x128xf32, #tpu.memory_space<vmem_shared>>
      tpu.enqueue_dma source(%dma_start3A_103 : memref<640x128xf32, #tpu.memory_space<vmem_shared>>) target(%dma_start3A_101 : memref<640x128xf32, #tpu.memory_space<hbm>>) target_semaphore(%run_scoped3A : memref<!tpu.dma_semaphore, #tpu.memory_space<semaphore_mem>>)
      %dma_wait3A_104 = arith.constant 0 : i32
      %dma_wait3A_105 = tpu.memref_slice %arg5[%arg0, %mul3A_80, %dma_wait3A_104] : memref<2x10240x128xf32, #tpu.memory_space<hbm>> -> memref<1x640x128xf32, #tpu.memory_space<hbm>>
      %dma_wait3A_106 = tpu.memref_squeeze %dma_wait3A_105 : memref<1x640x128xf32, #tpu.memory_space<hbm>> -> memref<640x128xf32, #tpu.memory_space<hbm>>
      %dma_wait3A_107 = arith.constant 0 : i32
      %dma_wait3A_108 = tpu.memref_slice %arg15[%mul3A_80, %dma_wait3A_107] : memref<10240x128xf32, #tpu.memory_space<vmem_shared>> -> memref<640x128xf32, #tpu.memory_space<vmem_shared>>
      tpu.wait_dma2 semaphore(%run_scoped3A : memref<!tpu.dma_semaphore, #tpu.memory_space<semaphore_mem>>) src(%dma_wait3A_108 : memref<640x128xf32, #tpu.memory_space<vmem_shared>>) dst(%dma_wait3A_106 : memref<640x128xf32, #tpu.memory_space<hbm>>)
      tpu.yield
    }) : () -> ()
    return
  }
}

#map = affine_map<(d0, d1) -> (0, 0)>
#map1 = affine_map<(d0, d1) -> (0)>
#map2 = affine_map<(d0, d1) -> (0, 0, 0)>
module attributes {stable_mosaic.version = 14 : i64} {
  func.func @_sc_agg_body(%arg0: i32, %arg1: i32, %arg2: memref<10000x128xf32, #tpu.memory_space<hbm>>, %arg3: memref<320000xi32, #tpu.memory_space<hbm>>, %arg4: memref<320000xi32, #tpu.memory_space<hbm>>, %arg5: memref<2x10240x128xf32, #tpu.memory_space<hbm>>, %arg6: memref<10000xi32, #tpu.memory_space<vmem>>, %arg7: memref<10000xi32, #tpu.memory_space<vmem>>, %arg8: memref<80xi32, #tpu.memory_space<vmem>>, %arg9: memref<80xi32, #tpu.memory_space<vmem>>, %arg10: memref<80xi32, #tpu.memory_space<vmem>>, %arg11: memref<80xi32, #tpu.memory_space<vmem>>, %arg12: memref<80x128xf32, #tpu.memory_space<vmem>>, %arg13: memref<80x128xf32, #tpu.memory_space<vmem>>, %arg14: memref<32x128xf32, #tpu.memory_space<vmem>>, %arg15: memref<10240x128xf32, #tpu.memory_space<vmem_shared>>, %arg16: memref<!tpu.dma_semaphore, #tpu.memory_space<semaphore_mem>>, %arg17: memref<!tpu.dma_semaphore, #tpu.memory_space<semaphore_mem>>) attributes {dimension_semantics = [#tpu.dimension_semantics<core_parallel>, #tpu.dimension_semantics<subcore_parallel>], iteration_bounds = array<i64: 2, 16>, scalar_prefetch = 0 : i64, scratch_operands = 12 : i64, tpu.core_type = #tpu.core_type<sc_vector_subcore>, window_params = [{transform_indices = #map}, {transform_indices = #map1}, {transform_indices = #map1}, {transform_indices = #map2}]} {
    %mul3A = arith.constant 16 : i32
    %mul3A_0 = arith.muli %arg0, %mul3A : i32
    %add3A = arith.addi %mul3A_0, %arg1 : i32
    %mul3A_1 = arith.constant 10000 : i32
    %mul3A_2 = arith.muli %add3A, %mul3A_1 : i32
    "tpu.region"() ({
      %run_scoped3A = tpu.sem_alloc : memref<!tpu.dma_semaphore, #tpu.memory_space<semaphore_mem>>
      %dma_start3A_99 = tpu.memref_slice %arg3[%mul3A_2] : memref<320000xi32, #tpu.memory_space<hbm>> -> memref<10000xi32, #tpu.memory_space<hbm>>
      %dma_start3A_100 = tpu.memref_slice %arg3[%mul3A_2] : memref<320000xi32, #tpu.memory_space<hbm>> -> memref<10000xi32, #tpu.memory_space<hbm>>
      tpu.enqueue_dma source(%dma_start3A_100 : memref<10000xi32, #tpu.memory_space<hbm>>) target(%arg6 : memref<10000xi32, #tpu.memory_space<vmem>>) target_semaphore(%run_scoped3A : memref<!tpu.dma_semaphore, #tpu.memory_space<semaphore_mem>>)
      %dma_wait3A_101 = tpu.memref_slice %arg3[%mul3A_2] : memref<320000xi32, #tpu.memory_space<hbm>> -> memref<10000xi32, #tpu.memory_space<hbm>>
      %dma_wait3A_102 = tpu.memref_slice %arg3[%mul3A_2] : memref<320000xi32, #tpu.memory_space<hbm>> -> memref<10000xi32, #tpu.memory_space<hbm>>
      tpu.wait_dma2 semaphore(%run_scoped3A : memref<!tpu.dma_semaphore, #tpu.memory_space<semaphore_mem>>) src(%dma_wait3A_102 : memref<10000xi32, #tpu.memory_space<hbm>>) dst(%arg6 : memref<10000xi32, #tpu.memory_space<vmem>>)
      tpu.yield
    }) : () -> ()
    "tpu.region"() ({
      %run_scoped3A = tpu.sem_alloc : memref<!tpu.dma_semaphore, #tpu.memory_space<semaphore_mem>>
      %dma_start3A_99 = tpu.memref_slice %arg4[%mul3A_2] : memref<320000xi32, #tpu.memory_space<hbm>> -> memref<10000xi32, #tpu.memory_space<hbm>>
      %dma_start3A_100 = tpu.memref_slice %arg4[%mul3A_2] : memref<320000xi32, #tpu.memory_space<hbm>> -> memref<10000xi32, #tpu.memory_space<hbm>>
      tpu.enqueue_dma source(%dma_start3A_100 : memref<10000xi32, #tpu.memory_space<hbm>>) target(%arg7 : memref<10000xi32, #tpu.memory_space<vmem>>) target_semaphore(%run_scoped3A : memref<!tpu.dma_semaphore, #tpu.memory_space<semaphore_mem>>)
      %dma_wait3A_101 = tpu.memref_slice %arg4[%mul3A_2] : memref<320000xi32, #tpu.memory_space<hbm>> -> memref<10000xi32, #tpu.memory_space<hbm>>
      %dma_wait3A_102 = tpu.memref_slice %arg4[%mul3A_2] : memref<320000xi32, #tpu.memory_space<hbm>> -> memref<10000xi32, #tpu.memory_space<hbm>>
      tpu.wait_dma2 semaphore(%run_scoped3A : memref<!tpu.dma_semaphore, #tpu.memory_space<semaphore_mem>>) src(%dma_wait3A_102 : memref<10000xi32, #tpu.memory_space<hbm>>) dst(%arg7 : memref<10000xi32, #tpu.memory_space<vmem>>)
      tpu.yield
    }) : () -> ()
    %broadcast_in_dim3A = arith.constant 0.000000e+00 : f32
    %broadcast_in_dim3A_3 = vector.broadcast %broadcast_in_dim3A : f32 to vector<16xf32>
    %scan3A = arith.constant 0 : i32
    %scan3A_4 = arith.constant 0 : i32
    %scan3A_5 = arith.constant 256 : i32
    %scan3A_6 = arith.addi %scan3A_4, %scan3A_5 : i32
    %scan3A_7 = arith.constant 1 : i32
    scf.for %scan3A_99 = %scan3A_4 to %scan3A_6 step %scan3A_7  : i32 {
      %jit3A = arith.constant 8 : i32
      %div3A = arith.divsi %scan3A_99, %jit3A : i32
      %sign3A = arith.constant 0 : i32
      %sign3A_100 = arith.cmpi sgt, %scan3A_99, %sign3A : i32
      %sign3A_101 = arith.extui %sign3A_100 : i1 to i32
      %sign3A_102 = arith.constant 0 : i32
      %sign3A_103 = arith.cmpi slt, %scan3A_99, %sign3A_102 : i32
      %sign3A_104 = arith.extui %sign3A_103 : i1 to i32
      %sign3A_105 = arith.subi %sign3A_101, %sign3A_104 : i32
      %sign3A_106 = arith.constant 0 : i32
      %sign3A_107 = arith.cmpi sgt, %jit3A, %sign3A_106 : i32
      %sign3A_108 = arith.extui %sign3A_107 : i1 to i32
      %sign3A_109 = arith.constant 0 : i32
      %sign3A_110 = arith.cmpi slt, %jit3A, %sign3A_109 : i32
      %sign3A_111 = arith.extui %sign3A_110 : i1 to i32
      %sign3A_112 = arith.subi %sign3A_108, %sign3A_111 : i32
      %ne3A = arith.cmpi ne, %sign3A_105, %sign3A_112 : i32
      %rem3A = arith.remsi %scan3A_99, %jit3A : i32
      %ne3A_113 = arith.constant 0 : i32
      %ne3A_114 = arith.cmpi ne, %rem3A, %ne3A_113 : i32
      %and3A = arith.andi %ne3A, %ne3A_114 : i1
      %sub3A = arith.constant 1 : i32
      %sub3A_115 = arith.subi %div3A, %sub3A : i32
      %select_n3A = arith.select %and3A, %sub3A_115, %div3A : i32
      %jit3A_116 = arith.constant 8 : i32
      %eq3A = arith.constant 0 : i32
      %eq3A_117 = arith.cmpi eq, %jit3A_116, %eq3A : i32
      %jit3A_118 = arith.constant 1 : i32
      %select_n3A_119 = arith.select %eq3A_117, %jit3A_118, %jit3A_116 : i32
      %rem3A_120 = arith.remsi %scan3A_99, %select_n3A_119 : i32
      %ne3A_121 = arith.constant 0 : i32
      %ne3A_122 = arith.cmpi ne, %rem3A_120, %ne3A_121 : i32
      %lt3A = arith.constant 0 : i32
      %lt3A_123 = arith.cmpi slt, %rem3A_120, %lt3A : i32
      %lt3A_124 = arith.constant 0 : i32
      %lt3A_125 = arith.cmpi slt, %select_n3A_119, %lt3A_124 : i32
      %ne3A_126 = arith.xori %lt3A_123, %lt3A_125 : i1
      %and3A_127 = arith.andi %ne3A_126, %ne3A_122 : i1
      %add3A_128 = arith.addi %rem3A_120, %select_n3A_119 : i32
      %select_n3A_129 = arith.select %and3A_127, %add3A_128, %rem3A_120 : i32
      %mul3A_130 = arith.constant 16 : i32
      %mul3A_131 = arith.muli %select_n3A_129, %mul3A_130 : i32
      %swap3A_132 = arith.index_cast %select_n3A : i32 to index
      %swap3A_133 = arith.index_cast %mul3A_131 : i32 to index
      %swap3A_134 = tpu.vector_load %arg14[%swap3A_132, %swap3A_133] {strides = array<i32>} : memref<32x128xf32, #tpu.memory_space<vmem>>, vector<1x16xf32>,
      %swap3A_135 = vector.shape_cast %swap3A_134 : vector<1x16xf32> to vector<16xf32>
      %swap3A_136 = vector.shape_cast %broadcast_in_dim3A_3 : vector<16xf32> to vector<1x16xf32>
      tpu.vector_store %arg14[%swap3A_132, %swap3A_133], %swap3A_136 {strides = array<i32>} : memref<32x128xf32, #tpu.memory_space<vmem>>, vector<1x16xf32>,
    }
    %scan3A_8 = arith.constant 256 : i32
    %get3A = arith.constant 0 : index
    %get3A_9 = tpu.vector_load %arg6[%get3A] {strides = array<i32>} : memref<10000xi32, #tpu.memory_space<vmem>>, vector<16xi32>,
    %get3A_10 = vector.shape_cast %get3A_9 : vector<16xi32> to vector<16xi32>
    %swap3A = arith.constant 0 : index
    %swap3A_11 = tpu.vector_load %arg8[%swap3A] {strides = array<i32>} : memref<80xi32, #tpu.memory_space<vmem>>, vector<16xi32>,
    %swap3A_12 = vector.shape_cast %swap3A_11 : vector<16xi32> to vector<16xi32>
    %swap3A_13 = vector.shape_cast %get3A_10 : vector<16xi32> to vector<16xi32>
    tpu.vector_store %arg8[%swap3A], %swap3A_13 {strides = array<i32>} : memref<80xi32, #tpu.memory_space<vmem>>, vector<16xi32>,
    %get3A_14 = arith.constant 0 : index
    %get3A_15 = tpu.vector_load %arg7[%get3A_14] {strides = array<i32>} : memref<10000xi32, #tpu.memory_space<vmem>>, vector<16xi32>,
    %get3A_16 = vector.shape_cast %get3A_15 : vector<16xi32> to vector<16xi32>
    %swap3A_17 = arith.constant 0 : index
    %swap3A_18 = tpu.vector_load %arg9[%swap3A_17] {strides = array<i32>} : memref<80xi32, #tpu.memory_space<vmem>>, vector<16xi32>,
    %swap3A_19 = vector.shape_cast %swap3A_18 : vector<16xi32> to vector<16xi32>
    %swap3A_20 = vector.shape_cast %get3A_16 : vector<16xi32> to vector<16xi32>
    tpu.vector_store %arg9[%swap3A_17], %swap3A_20 {strides = array<i32>} : memref<80xi32, #tpu.memory_space<vmem>>, vector<16xi32>,
    %get3A_21 = arith.constant 16 : index
    %get3A_22 = tpu.vector_load %arg6[%get3A_21] {strides = array<i32>} : memref<10000xi32, #tpu.memory_space<vmem>>, vector<16xi32>,
    %get3A_23 = vector.shape_cast %get3A_22 : vector<16xi32> to vector<16xi32>
    %swap3A_24 = arith.constant 16 : index
    %swap3A_25 = tpu.vector_load %arg8[%swap3A_24] {strides = array<i32>} : memref<80xi32, #tpu.memory_space<vmem>>, vector<16xi32>,
    %swap3A_26 = vector.shape_cast %swap3A_25 : vector<16xi32> to vector<16xi32>
    %swap3A_27 = vector.shape_cast %get3A_23 : vector<16xi32> to vector<16xi32>
    tpu.vector_store %arg8[%swap3A_24], %swap3A_27 {strides = array<i32>} : memref<80xi32, #tpu.memory_space<vmem>>, vector<16xi32>,
    %get3A_28 = arith.constant 16 : index
    %get3A_29 = tpu.vector_load %arg7[%get3A_28] {strides = array<i32>} : memref<10000xi32, #tpu.memory_space<vmem>>, vector<16xi32>,
    %get3A_30 = vector.shape_cast %get3A_29 : vector<16xi32> to vector<16xi32>
    %swap3A_31 = arith.constant 16 : index
    %swap3A_32 = tpu.vector_load %arg9[%swap3A_31] {strides = array<i32>} : memref<80xi32, #tpu.memory_space<vmem>>, vector<16xi32>,
    %swap3A_33 = vector.shape_cast %swap3A_32 : vector<16xi32> to vector<16xi32>
    %swap3A_34 = vector.shape_cast %get3A_30 : vector<16xi32> to vector<16xi32>
    tpu.vector_store %arg9[%swap3A_31], %swap3A_34 {strides = array<i32>} : memref<80xi32, #tpu.memory_space<vmem>>, vector<16xi32>,
    %get3A_35 = arith.constant 32 : index
    %get3A_36 = tpu.vector_load %arg6[%get3A_35] {strides = array<i32>} : memref<10000xi32, #tpu.memory_space<vmem>>, vector<16xi32>,
    %get3A_37 = vector.shape_cast %get3A_36 : vector<16xi32> to vector<16xi32>
    %swap3A_38 = arith.constant 32 : index
    %swap3A_39 = tpu.vector_load %arg8[%swap3A_38] {strides = array<i32>} : memref<80xi32, #tpu.memory_space<vmem>>, vector<16xi32>,
    %swap3A_40 = vector.shape_cast %swap3A_39 : vector<16xi32> to vector<16xi32>
    %swap3A_41 = vector.shape_cast %get3A_37 : vector<16xi32> to vector<16xi32>
    tpu.vector_store %arg8[%swap3A_38], %swap3A_41 {strides = array<i32>} : memref<80xi32, #tpu.memory_space<vmem>>, vector<16xi32>,
    %get3A_42 = arith.constant 32 : index
    %get3A_43 = tpu.vector_load %arg7[%get3A_42] {strides = array<i32>} : memref<10000xi32, #tpu.memory_space<vmem>>, vector<16xi32>,
    %get3A_44 = vector.shape_cast %get3A_43 : vector<16xi32> to vector<16xi32>
    %swap3A_45 = arith.constant 32 : index
    %swap3A_46 = tpu.vector_load %arg9[%swap3A_45] {strides = array<i32>} : memref<80xi32, #tpu.memory_space<vmem>>, vector<16xi32>,
    %swap3A_47 = vector.shape_cast %swap3A_46 : vector<16xi32> to vector<16xi32>
    %swap3A_48 = vector.shape_cast %get3A_44 : vector<16xi32> to vector<16xi32>
    tpu.vector_store %arg9[%swap3A_45], %swap3A_48 {strides = array<i32>} : memref<80xi32, #tpu.memory_space<vmem>>, vector<16xi32>,
    %get3A_49 = arith.constant 48 : index
    %get3A_50 = tpu.vector_load %arg6[%get3A_49] {strides = array<i32>} : memref<10000xi32, #tpu.memory_space<vmem>>, vector<16xi32>,
    %get3A_51 = vector.shape_cast %get3A_50 : vector<16xi32> to vector<16xi32>
    %swap3A_52 = arith.constant 48 : index
    %swap3A_53 = tpu.vector_load %arg8[%swap3A_52] {strides = array<i32>} : memref<80xi32, #tpu.memory_space<vmem>>, vector<16xi32>,
    %swap3A_54 = vector.shape_cast %swap3A_53 : vector<16xi32> to vector<16xi32>
    %swap3A_55 = vector.shape_cast %get3A_51 : vector<16xi32> to vector<16xi32>
    tpu.vector_store %arg8[%swap3A_52], %swap3A_55 {strides = array<i32>} : memref<80xi32, #tpu.memory_space<vmem>>, vector<16xi32>,
    %get3A_56 = arith.constant 48 : index
    %get3A_57 = tpu.vector_load %arg7[%get3A_56] {strides = array<i32>} : memref<10000xi32, #tpu.memory_space<vmem>>, vector<16xi32>,
    %get3A_58 = vector.shape_cast %get3A_57 : vector<16xi32> to vector<16xi32>
    %swap3A_59 = arith.constant 48 : index
    %swap3A_60 = tpu.vector_load %arg9[%swap3A_59] {strides = array<i32>} : memref<80xi32, #tpu.memory_space<vmem>>, vector<16xi32>,
    %swap3A_61 = vector.shape_cast %swap3A_60 : vector<16xi32> to vector<16xi32>
    %swap3A_62 = vector.shape_cast %get3A_58 : vector<16xi32> to vector<16xi32>
    tpu.vector_store %arg9[%swap3A_59], %swap3A_62 {strides = array<i32>} : memref<80xi32, #tpu.memory_space<vmem>>, vector<16xi32>,
    %get3A_63 = arith.constant 64 : index
    %get3A_64 = tpu.vector_load %arg6[%get3A_63] {strides = array<i32>} : memref<10000xi32, #tpu.memory_space<vmem>>, vector<16xi32>,
    %get3A_65 = vector.shape_cast %get3A_64 : vector<16xi32> to vector<16xi32>
    %swap3A_66 = arith.constant 64 : index
    %swap3A_67 = tpu.vector_load %arg8[%swap3A_66] {strides = array<i32>} : memref<80xi32, #tpu.memory_space<vmem>>, vector<16xi32>,
    %swap3A_68 = vector.shape_cast %swap3A_67 : vector<16xi32> to vector<16xi32>
    %swap3A_69 = vector.shape_cast %get3A_65 : vector<16xi32> to vector<16xi32>
    tpu.vector_store %arg8[%swap3A_66], %swap3A_69 {strides = array<i32>} : memref<80xi32, #tpu.memory_space<vmem>>, vector<16xi32>,
    %get3A_70 = arith.constant 64 : index
    %get3A_71 = tpu.vector_load %arg7[%get3A_70] {strides = array<i32>} : memref<10000xi32, #tpu.memory_space<vmem>>, vector<16xi32>,
    %get3A_72 = vector.shape_cast %get3A_71 : vector<16xi32> to vector<16xi32>
    %swap3A_73 = arith.constant 64 : index
    %swap3A_74 = tpu.vector_load %arg9[%swap3A_73] {strides = array<i32>} : memref<80xi32, #tpu.memory_space<vmem>>, vector<16xi32>,
    %swap3A_75 = vector.shape_cast %swap3A_74 : vector<16xi32> to vector<16xi32>
    %swap3A_76 = vector.shape_cast %get3A_72 : vector<16xi32> to vector<16xi32>
    tpu.vector_store %arg9[%swap3A_73], %swap3A_76 {strides = array<i32>} : memref<80xi32, #tpu.memory_space<vmem>>, vector<16xi32>,
    %dma_start3A = arith.constant 0 : i32
    %dma_start3A_77 = arith.constant 0 : i32
    %dma_start3A_78 = tpu.memref_slice %arg2[%dma_start3A, %dma_start3A_77] : memref<10000x128xf32, #tpu.memory_space<hbm>> -> memref<10000x128xf32, #tpu.memory_space<hbm>>
    tpu.enqueue_indirect_dma source(%dma_start3A_78 : memref<10000x128xf32, #tpu.memory_space<hbm>>) target(%arg12 : memref<80x128xf32, #tpu.memory_space<vmem>>) offsets(%arg8 : memref<80xi32, #tpu.memory_space<vmem>>) semaphore(%arg16 : memref<!tpu.dma_semaphore, #tpu.memory_space<semaphore_mem>>)
    %mul3A_79 = arith.constant 640 : i32
    %mul3A_80 = arith.muli %arg1, %mul3A_79 : i32
    %scan3A_81 = arith.constant 0 : i32
    %scan3A_82 = arith.constant 0 : i32
    %scan3A_83 = arith.constant 20 : i32
    %scan3A_84 = arith.addi %scan3A_82, %scan3A_83 : i32
    %scan3A_85 = arith.constant 1 : i32
    scf.for %scan3A_99 = %scan3A_82 to %scan3A_84 step %scan3A_85  : i32 {
      %mul3A_100 = arith.constant 32 : i32
      %mul3A_101 = arith.muli %scan3A_99, %mul3A_100 : i32
      %add3A_102 = arith.addi %mul3A_80, %mul3A_101 : i32
      "tpu.region"() ({
        %run_scoped3A = tpu.sem_alloc : memref<!tpu.dma_semaphore, #tpu.memory_space<semaphore_mem>>
        %dma_start3A_103 = arith.constant 0 : i32
        %dma_start3A_104 = tpu.memref_slice %arg15[%add3A_102, %dma_start3A_103] : memref<10240x128xf32, #tpu.memory_space<vmem_shared>> -> memref<32x128xf32, #tpu.memory_space<vmem_shared>>
        %dma_start3A_105 = arith.constant 0 : i32
        %dma_start3A_106 = tpu.memref_slice %arg15[%add3A_102, %dma_start3A_105] : memref<10240x128xf32, #tpu.memory_space<vmem_shared>> -> memref<32x128xf32, #tpu.memory_space<vmem_shared>>
        tpu.enqueue_dma source(%arg14 : memref<32x128xf32, #tpu.memory_space<vmem>>) target(%dma_start3A_106 : memref<32x128xf32, #tpu.memory_space<vmem_shared>>) target_semaphore(%run_scoped3A : memref<!tpu.dma_semaphore, #tpu.memory_space<semaphore_mem>>)
        %dma_wait3A_107 = arith.constant 0 : i32
        %dma_wait3A_108 = tpu.memref_slice %arg15[%add3A_102, %dma_wait3A_107] : memref<10240x128xf32, #tpu.memory_space<vmem_shared>> -> memref<32x128xf32, #tpu.memory_space<vmem_shared>>
        %dma_wait3A_109 = arith.constant 0 : i32
        %dma_wait3A_110 = tpu.memref_slice %arg15[%add3A_102, %dma_wait3A_109] : memref<10240x128xf32, #tpu.memory_space<vmem_shared>> -> memref<32x128xf32, #tpu.memory_space<vmem_shared>>
        tpu.wait_dma2 semaphore(%run_scoped3A : memref<!tpu.dma_semaphore, #tpu.memory_space<semaphore_mem>>) src(%arg14 : memref<32x128xf32, #tpu.memory_space<vmem>>) dst(%dma_wait3A_110 : memref<32x128xf32, #tpu.memory_space<vmem_shared>>)
        tpu.yield
      }) : () -> ()
    }
    %scan3A_86 = arith.constant 20 : i32
    %barrier3A = arith.constant 0 : index
    tpu.barrier barrier_id(%barrier3A)
    %scan3A_87 = arith.constant 0 : i32
    %scan3A_88 = arith.constant 0 : i32
    %scan3A_89 = arith.constant 62 : i32
    %scan3A_90 = arith.addi %scan3A_88, %scan3A_89 : i32
    %scan3A_91 = arith.constant 1 : i32
    scf.for %scan3A_99 = %scan3A_88 to %scan3A_90 step %scan3A_91  : i32 {
      %mul3A_100 = arith.constant 2 : i32
      %mul3A_101 = arith.muli %mul3A_100, %scan3A_99 : i32
      %add3A_102 = arith.constant 1 : i32
      %add3A_103 = arith.addi %mul3A_101, %add3A_102 : i32
      %mul3A_104 = arith.constant 80 : i32
      %mul3A_105 = arith.muli %add3A_103, %mul3A_104 : i32
      %add3A_106 = arith.constant 0 : i32
      %add3A_107 = arith.addi %mul3A_105, %add3A_106 : i32
      %get3A_108 = arith.index_cast %add3A_107 : i32 to index
      %get3A_109 = tpu.vector_load %arg6[%get3A_108] {strides = array<i32>} : memref<10000xi32, #tpu.memory_space<vmem>>, vector<16xi32>,
      %get3A_110 = vector.shape_cast %get3A_109 : vector<16xi32> to vector<16xi32>
      %swap3A_111 = arith.constant 0 : index
      %swap3A_112 = tpu.vector_load %arg10[%swap3A_111] {strides = array<i32>} : memref<80xi32, #tpu.memory_space<vmem>>, vector<16xi32>,
      %swap3A_113 = vector.shape_cast %swap3A_112 : vector<16xi32> to vector<16xi32>
      %swap3A_114 = vector.shape_cast %get3A_110 : vector<16xi32> to vector<16xi32>
      tpu.vector_store %arg10[%swap3A_111], %swap3A_114 {strides = array<i32>} : memref<80xi32, #tpu.memory_space<vmem>>, vector<16xi32>,
      %mul3A_115 = arith.constant 80 : i32
      %mul3A_116 = arith.muli %add3A_103, %mul3A_115 : i32
      %add3A_117 = arith.constant 0 : i32
      %add3A_118 = arith.addi %mul3A_116, %add3A_117 : i32
      %get3A_119 = arith.index_cast %add3A_118 : i32 to index
      %get3A_120 = tpu.vector_load %arg7[%get3A_119] {strides = array<i32>} : memref<10000xi32, #tpu.memory_space<vmem>>, vector<16xi32>,
      %get3A_121 = vector.shape_cast %get3A_120 : vector<16xi32> to vector<16xi32>
      %swap3A_122 = arith.constant 0 : index
      %swap3A_123 = tpu.vector_load %arg11[%swap3A_122] {strides = array<i32>} : memref<80xi32, #tpu.memory_space<vmem>>, vector<16xi32>,
      %swap3A_124 = vector.shape_cast %swap3A_123 : vector<16xi32> to vector<16xi32>
      %swap3A_125 = vector.shape_cast %get3A_121 : vector<16xi32> to vector<16xi32>
      tpu.vector_store %arg11[%swap3A_122], %swap3A_125 {strides = array<i32>} : memref<80xi32, #tpu.memory_space<vmem>>, vector<16xi32>,
      %mul3A_126 = arith.constant 80 : i32
      %mul3A_127 = arith.muli %add3A_103, %mul3A_126 : i32
      %add3A_128 = arith.constant 16 : i32
      %add3A_129 = arith.addi %mul3A_127, %add3A_128 : i32
      %get3A_130 = arith.index_cast %add3A_129 : i32 to index
      %get3A_131 = tpu.vector_load %arg6[%get3A_130] {strides = array<i32>} : memref<10000xi32, #tpu.memory_space<vmem>>, vector<16xi32>,
      %get3A_132 = vector.shape_cast %get3A_131 : vector<16xi32> to vector<16xi32>
      %swap3A_133 = arith.constant 16 : index
      %swap3A_134 = tpu.vector_load %arg10[%swap3A_133] {strides = array<i32>} : memref<80xi32, #tpu.memory_space<vmem>>, vector<16xi32>,
      %swap3A_135 = vector.shape_cast %swap3A_134 : vector<16xi32> to vector<16xi32>
      %swap3A_136 = vector.shape_cast %get3A_132 : vector<16xi32> to vector<16xi32>
      tpu.vector_store %arg10[%swap3A_133], %swap3A_136 {strides = array<i32>} : memref<80xi32, #tpu.memory_space<vmem>>, vector<16xi32>,
      %mul3A_137 = arith.constant 80 : i32
      %mul3A_138 = arith.muli %add3A_103, %mul3A_137 : i32
      %add3A_139 = arith.constant 16 : i32
      %add3A_140 = arith.addi %mul3A_138, %add3A_139 : i32
      %get3A_141 = arith.index_cast %add3A_140 : i32 to index
      %get3A_142 = tpu.vector_load %arg7[%get3A_141] {strides = array<i32>} : memref<10000xi32, #tpu.memory_space<vmem>>, vector<16xi32>,
      %get3A_143 = vector.shape_cast %get3A_142 : vector<16xi32> to vector<16xi32>
      %swap3A_144 = arith.constant 16 : index
      %swap3A_145 = tpu.vector_load %arg11[%swap3A_144] {strides = array<i32>} : memref<80xi32, #tpu.memory_space<vmem>>, vector<16xi32>,
      %swap3A_146 = vector.shape_cast %swap3A_145 : vector<16xi32> to vector<16xi32>
      %swap3A_147 = vector.shape_cast %get3A_143 : vector<16xi32> to vector<16xi32>
      tpu.vector_store %arg11[%swap3A_144], %swap3A_147 {strides = array<i32>} : memref<80xi32, #tpu.memory_space<vmem>>, vector<16xi32>,
      %mul3A_148 = arith.constant 80 : i32
      %mul3A_149 = arith.muli %add3A_103, %mul3A_148 : i32
      %add3A_150 = arith.constant 32 : i32
      %add3A_151 = arith.addi %mul3A_149, %add3A_150 : i32
      %get3A_152 = arith.index_cast %add3A_151 : i32 to index
      %get3A_153 = tpu.vector_load %arg6[%get3A_152] {strides = array<i32>} : memref<10000xi32, #tpu.memory_space<vmem>>, vector<16xi32>,
      %get3A_154 = vector.shape_cast %get3A_153 : vector<16xi32> to vector<16xi32>
      %swap3A_155 = arith.constant 32 : index
      %swap3A_156 = tpu.vector_load %arg10[%swap3A_155] {strides = array<i32>} : memref<80xi32, #tpu.memory_space<vmem>>, vector<16xi32>,
      %swap3A_157 = vector.shape_cast %swap3A_156 : vector<16xi32> to vector<16xi32>
      %swap3A_158 = vector.shape_cast %get3A_154 : vector<16xi32> to vector<16xi32>
      tpu.vector_store %arg10[%swap3A_155], %swap3A_158 {strides = array<i32>} : memref<80xi32, #tpu.memory_space<vmem>>, vector<16xi32>,
      %mul3A_159 = arith.constant 80 : i32
      %mul3A_160 = arith.muli %add3A_103, %mul3A_159 : i32
      %add3A_161 = arith.constant 32 : i32
      %add3A_162 = arith.addi %mul3A_160, %add3A_161 : i32
      %get3A_163 = arith.index_cast %add3A_162 : i32 to index
      %get3A_164 = tpu.vector_load %arg7[%get3A_163] {strides = array<i32>} : memref<10000xi32, #tpu.memory_space<vmem>>, vector<16xi32>,
      %get3A_165 = vector.shape_cast %get3A_164 : vector<16xi32> to vector<16xi32>
      %swap3A_166 = arith.constant 32 : index
      %swap3A_167 = tpu.vector_load %arg11[%swap3A_166] {strides = array<i32>} : memref<80xi32, #tpu.memory_space<vmem>>, vector<16xi32>,
      %swap3A_168 = vector.shape_cast %swap3A_167 : vector<16xi32> to vector<16xi32>
      %swap3A_169 = vector.shape_cast %get3A_165 : vector<16xi32> to vector<16xi32>
      tpu.vector_store %arg11[%swap3A_166], %swap3A_169 {strides = array<i32>} : memref<80xi32, #tpu.memory_space<vmem>>, vector<16xi32>,
      %mul3A_170 = arith.constant 80 : i32
      %mul3A_171 = arith.muli %add3A_103, %mul3A_170 : i32
      %add3A_172 = arith.constant 48 : i32
      %add3A_173 = arith.addi %mul3A_171, %add3A_172 : i32
      %get3A_174 = arith.index_cast %add3A_173 : i32 to index
      %get3A_175 = tpu.vector_load %arg6[%get3A_174] {strides = array<i32>} : memref<10000xi32, #tpu.memory_space<vmem>>, vector<16xi32>,
      %get3A_176 = vector.shape_cast %get3A_175 : vector<16xi32> to vector<16xi32>
      %swap3A_177 = arith.constant 48 : index
      %swap3A_178 = tpu.vector_load %arg10[%swap3A_177] {strides = array<i32>} : memref<80xi32, #tpu.memory_space<vmem>>, vector<16xi32>,
      %swap3A_179 = vector.shape_cast %swap3A_178 : vector<16xi32> to vector<16xi32>
      %swap3A_180 = vector.shape_cast %get3A_176 : vector<16xi32> to vector<16xi32>
      tpu.vector_store %arg10[%swap3A_177], %swap3A_180 {strides = array<i32>} : memref<80xi32, #tpu.memory_space<vmem>>, vector<16xi32>,
      %mul3A_181 = arith.constant 80 : i32
      %mul3A_182 = arith.muli %add3A_103, %mul3A_181 : i32
      %add3A_183 = arith.constant 48 : i32
      %add3A_184 = arith.addi %mul3A_182, %add3A_183 : i32
      %get3A_185 = arith.index_cast %add3A_184 : i32 to index
      %get3A_186 = tpu.vector_load %arg7[%get3A_185] {strides = array<i32>} : memref<10000xi32, #tpu.memory_space<vmem>>, vector<16xi32>,
      %get3A_187 = vector.shape_cast %get3A_186 : vector<16xi32> to vector<16xi32>
      %swap3A_188 = arith.constant 48 : index
      %swap3A_189 = tpu.vector_load %arg11[%swap3A_188] {strides = array<i32>} : memref<80xi32, #tpu.memory_space<vmem>>, vector<16xi32>,
      %swap3A_190 = vector.shape_cast %swap3A_189 : vector<16xi32> to vector<16xi32>
      %swap3A_191 = vector.shape_cast %get3A_187 : vector<16xi32> to vector<16xi32>
      tpu.vector_store %arg11[%swap3A_188], %swap3A_191 {strides = array<i32>} : memref<80xi32, #tpu.memory_space<vmem>>, vector<16xi32>,
      %mul3A_192 = arith.constant 80 : i32
      %mul3A_193 = arith.muli %add3A_103, %mul3A_192 : i32
      %add3A_194 = arith.constant 64 : i32
      %add3A_195 = arith.addi %mul3A_193, %add3A_194 : i32
      %get3A_196 = arith.index_cast %add3A_195 : i32 to index
      %get3A_197 = tpu.vector_load %arg6[%get3A_196] {strides = array<i32>} : memref<10000xi32, #tpu.memory_space<vmem>>, vector<16xi32>,
      %get3A_198 = vector.shape_cast %get3A_197 : vector<16xi32> to vector<16xi32>
      %swap3A_199 = arith.constant 64 : index
      %swap3A_200 = tpu.vector_load %arg10[%swap3A_199] {strides = array<i32>} : memref<80xi32, #tpu.memory_space<vmem>>, vector<16xi32>,
      %swap3A_201 = vector.shape_cast %swap3A_200 : vector<16xi32> to vector<16xi32>
      %swap3A_202 = vector.shape_cast %get3A_198 : vector<16xi32> to vector<16xi32>
      tpu.vector_store %arg10[%swap3A_199], %swap3A_202 {strides = array<i32>} : memref<80xi32, #tpu.memory_space<vmem>>, vector<16xi32>,
      %mul3A_203 = arith.constant 80 : i32
      %mul3A_204 = arith.muli %add3A_103, %mul3A_203 : i32
      %add3A_205 = arith.constant 64 : i32
      %add3A_206 = arith.addi %mul3A_204, %add3A_205 : i32
      %get3A_207 = arith.index_cast %add3A_206 : i32 to index
      %get3A_208 = tpu.vector_load %arg7[%get3A_207] {strides = array<i32>} : memref<10000xi32, #tpu.memory_space<vmem>>, vector<16xi32>,
      %get3A_209 = vector.shape_cast %get3A_208 : vector<16xi32> to vector<16xi32>
      %swap3A_210 = arith.constant 64 : index
      %swap3A_211 = tpu.vector_load %arg11[%swap3A_210] {strides = array<i32>} : memref<80xi32, #tpu.memory_space<vmem>>, vector<16xi32>,
      %swap3A_212 = vector.shape_cast %swap3A_211 : vector<16xi32> to vector<16xi32>
      %swap3A_213 = vector.shape_cast %get3A_209 : vector<16xi32> to vector<16xi32>
      tpu.vector_store %arg11[%swap3A_210], %swap3A_213 {strides = array<i32>} : memref<80xi32, #tpu.memory_space<vmem>>, vector<16xi32>,
      %dma_start3A_214 = arith.constant 0 : i32
      %dma_start3A_215 = arith.constant 0 : i32
      %dma_start3A_216 = tpu.memref_slice %arg2[%dma_start3A_214, %dma_start3A_215] : memref<10000x128xf32, #tpu.memory_space<hbm>> -> memref<10000x128xf32, #tpu.memory_space<hbm>>
      tpu.enqueue_indirect_dma source(%dma_start3A_216 : memref<10000x128xf32, #tpu.memory_space<hbm>>) target(%arg13 : memref<80x128xf32, #tpu.memory_space<vmem>>) offsets(%arg10 : memref<80xi32, #tpu.memory_space<vmem>>) semaphore(%arg17 : memref<!tpu.dma_semaphore, #tpu.memory_space<semaphore_mem>>)
      %dma_wait3A_217 = arith.constant 0 : i32
      %dma_wait3A_218 = arith.constant 0 : i32
      %dma_wait3A_219 = tpu.memref_slice %arg2[%dma_wait3A_217, %dma_wait3A_218] : memref<10000x128xf32, #tpu.memory_space<hbm>> -> memref<80x128xf32, #tpu.memory_space<hbm>>
      %dma_wait3A_220 = arith.constant 0 : i32
      %dma_wait3A_221 = arith.constant 0 : i32
      %dma_wait3A_222 = tpu.memref_slice %arg2[%dma_wait3A_220, %dma_wait3A_221] : memref<10000x128xf32, #tpu.memory_space<hbm>> -> memref<80x128xf32, #tpu.memory_space<hbm>>
      tpu.wait_dma2 semaphore(%arg16 : memref<!tpu.dma_semaphore, #tpu.memory_space<semaphore_mem>>) src(%dma_wait3A_222 : memref<80x128xf32, #tpu.memory_space<hbm>>) dst(%arg12 : memref<80x128xf32, #tpu.memory_space<vmem>>)
      "tpu.region"() ({
        %run_scoped3A = tpu.sem_alloc : memref<!tpu.dma_semaphore, #tpu.memory_space<semaphore_mem>>
        %dma_start3A_235 = arith.constant 0 : i32
        %dma_start3A_236 = arith.constant 0 : i32
        %dma_start3A_237 = tpu.memref_slice %arg15[%dma_start3A_235, %dma_start3A_236] : memref<10240x128xf32, #tpu.memory_space<vmem_shared>> -> memref<10240x128xf32, #tpu.memory_space<vmem_shared>>
        tpu.enqueue_indirect_dma source(%arg12 : memref<80x128xf32, #tpu.memory_space<vmem>>) target(%dma_start3A_237 : memref<10240x128xf32, #tpu.memory_space<vmem_shared>>) offsets(%arg9 : memref<80xi32, #tpu.memory_space<vmem>>) semaphore(%run_scoped3A : memref<!tpu.dma_semaphore, #tpu.memory_space<semaphore_mem>>) {add = true}
        %dma_wait3A_238 = arith.constant 0 : i32
        %dma_wait3A_239 = arith.constant 0 : i32
        %dma_wait3A_240 = tpu.memref_slice %arg15[%dma_wait3A_238, %dma_wait3A_239] : memref<10240x128xf32, #tpu.memory_space<vmem_shared>> -> memref<10240x128xf32, #tpu.memory_space<vmem_shared>>
        tpu.wait_indirect_dma semaphore(%run_scoped3A : memref<!tpu.dma_semaphore, #tpu.memory_space<semaphore_mem>>) src(%arg12 : memref<80x128xf32, #tpu.memory_space<vmem>>) dst(%dma_wait3A_240 : memref<10240x128xf32, #tpu.memory_space<vmem_shared>>)
        tpu.yield
      }) : () -> ()
      %mul3A_223 = arith.constant 2 : i32
      %mul3A_224 = arith.muli %mul3A_223, %scan3A_99 : i32
      %add3A_225 = arith.constant 2 : i32
      %add3A_226 = arith.addi %mul3A_224, %add3A_225 : i32
      %lt3A = arith.constant 125 : i32
      %lt3A_227 = arith.cmpi slt, %add3A_226, %lt3A : i32
      %convert_element_type3A = arith.extui %lt3A_227 : i1 to i32
      %cond3A = arith.constant 0 : i32
      %cond3A_228 = arith.cmpi ne, %convert_element_type3A, %cond3A : i32
      scf.if %cond3A_228 {
        %mul3A_235 = arith.constant 80 : i32
        %mul3A_236 = arith.muli %add3A_226, %mul3A_235 : i32
        %add3A_237 = arith.constant 0 : i32
        %add3A_238 = arith.addi %mul3A_236, %add3A_237 : i32
        %get3A_239 = arith.index_cast %add3A_238 : i32 to index
        %get3A_240 = tpu.vector_load %arg6[%get3A_239] {strides = array<i32>} : memref<10000xi32, #tpu.memory_space<vmem>>, vector<16xi32>,
        %get3A_241 = vector.shape_cast %get3A_240 : vector<16xi32> to vector<16xi32>
        %swap3A_242 = arith.constant 0 : index
        %swap3A_243 = tpu.vector_load %arg8[%swap3A_242] {strides = array<i32>} : memref<80xi32, #tpu.memory_space<vmem>>, vector<16xi32>,
        %swap3A_244 = vector.shape_cast %swap3A_243 : vector<16xi32> to vector<16xi32>
        %swap3A_245 = vector.shape_cast %get3A_241 : vector<16xi32> to vector<16xi32>
        tpu.vector_store %arg8[%swap3A_242], %swap3A_245 {strides = array<i32>} : memref<80xi32, #tpu.memory_space<vmem>>, vector<16xi32>,
        %mul3A_246 = arith.constant 80 : i32
        %mul3A_247 = arith.muli %add3A_226, %mul3A_246 : i32
        %add3A_248 = arith.constant 0 : i32
        %add3A_249 = arith.addi %mul3A_247, %add3A_248 : i32
        %get3A_250 = arith.index_cast %add3A_249 : i32 to index
        %get3A_251 = tpu.vector_load %arg7[%get3A_250] {strides = array<i32>} : memref<10000xi32, #tpu.memory_space<vmem>>, vector<16xi32>,
        %get3A_252 = vector.shape_cast %get3A_251 : vector<16xi32> to vector<16xi32>
        %swap3A_253 = arith.constant 0 : index
        %swap3A_254 = tpu.vector_load %arg9[%swap3A_253] {strides = array<i32>} : memref<80xi32, #tpu.memory_space<vmem>>, vector<16xi32>,
        %swap3A_255 = vector.shape_cast %swap3A_254 : vector<16xi32> to vector<16xi32>
        %swap3A_256 = vector.shape_cast %get3A_252 : vector<16xi32> to vector<16xi32>
        tpu.vector_store %arg9[%swap3A_253], %swap3A_256 {strides = array<i32>} : memref<80xi32, #tpu.memory_space<vmem>>, vector<16xi32>,
        %mul3A_257 = arith.constant 80 : i32
        %mul3A_258 = arith.muli %add3A_226, %mul3A_257 : i32
        %add3A_259 = arith.constant 16 : i32
        %add3A_260 = arith.addi %mul3A_258, %add3A_259 : i32
        %get3A_261 = arith.index_cast %add3A_260 : i32 to index
        %get3A_262 = tpu.vector_load %arg6[%get3A_261] {strides = array<i32>} : memref<10000xi32, #tpu.memory_space<vmem>>, vector<16xi32>,
        %get3A_263 = vector.shape_cast %get3A_262 : vector<16xi32> to vector<16xi32>
        %swap3A_264 = arith.constant 16 : index
        %swap3A_265 = tpu.vector_load %arg8[%swap3A_264] {strides = array<i32>} : memref<80xi32, #tpu.memory_space<vmem>>, vector<16xi32>,
        %swap3A_266 = vector.shape_cast %swap3A_265 : vector<16xi32> to vector<16xi32>
        %swap3A_267 = vector.shape_cast %get3A_263 : vector<16xi32> to vector<16xi32>
        tpu.vector_store %arg8[%swap3A_264], %swap3A_267 {strides = array<i32>} : memref<80xi32, #tpu.memory_space<vmem>>, vector<16xi32>,
        %mul3A_268 = arith.constant 80 : i32
        %mul3A_269 = arith.muli %add3A_226, %mul3A_268 : i32
        %add3A_270 = arith.constant 16 : i32
        %add3A_271 = arith.addi %mul3A_269, %add3A_270 : i32
        %get3A_272 = arith.index_cast %add3A_271 : i32 to index
        %get3A_273 = tpu.vector_load %arg7[%get3A_272] {strides = array<i32>} : memref<10000xi32, #tpu.memory_space<vmem>>, vector<16xi32>,
        %get3A_274 = vector.shape_cast %get3A_273 : vector<16xi32> to vector<16xi32>
        %swap3A_275 = arith.constant 16 : index
        %swap3A_276 = tpu.vector_load %arg9[%swap3A_275] {strides = array<i32>} : memref<80xi32, #tpu.memory_space<vmem>>, vector<16xi32>,
        %swap3A_277 = vector.shape_cast %swap3A_276 : vector<16xi32> to vector<16xi32>
        %swap3A_278 = vector.shape_cast %get3A_274 : vector<16xi32> to vector<16xi32>
        tpu.vector_store %arg9[%swap3A_275], %swap3A_278 {strides = array<i32>} : memref<80xi32, #tpu.memory_space<vmem>>, vector<16xi32>,
        %mul3A_279 = arith.constant 80 : i32
        %mul3A_280 = arith.muli %add3A_226, %mul3A_279 : i32
        %add3A_281 = arith.constant 32 : i32
        %add3A_282 = arith.addi %mul3A_280, %add3A_281 : i32
        %get3A_283 = arith.index_cast %add3A_282 : i32 to index
        %get3A_284 = tpu.vector_load %arg6[%get3A_283] {strides = array<i32>} : memref<10000xi32, #tpu.memory_space<vmem>>, vector<16xi32>,
        %get3A_285 = vector.shape_cast %get3A_284 : vector<16xi32> to vector<16xi32>
        %swap3A_286 = arith.constant 32 : index
        %swap3A_287 = tpu.vector_load %arg8[%swap3A_286] {strides = array<i32>} : memref<80xi32, #tpu.memory_space<vmem>>, vector<16xi32>,
        %swap3A_288 = vector.shape_cast %swap3A_287 : vector<16xi32> to vector<16xi32>
        %swap3A_289 = vector.shape_cast %get3A_285 : vector<16xi32> to vector<16xi32>
        tpu.vector_store %arg8[%swap3A_286], %swap3A_289 {strides = array<i32>} : memref<80xi32, #tpu.memory_space<vmem>>, vector<16xi32>,
        %mul3A_290 = arith.constant 80 : i32
        %mul3A_291 = arith.muli %add3A_226, %mul3A_290 : i32
        %add3A_292 = arith.constant 32 : i32
        %add3A_293 = arith.addi %mul3A_291, %add3A_292 : i32
        %get3A_294 = arith.index_cast %add3A_293 : i32 to index
        %get3A_295 = tpu.vector_load %arg7[%get3A_294] {strides = array<i32>} : memref<10000xi32, #tpu.memory_space<vmem>>, vector<16xi32>,
        %get3A_296 = vector.shape_cast %get3A_295 : vector<16xi32> to vector<16xi32>
        %swap3A_297 = arith.constant 32 : index
        %swap3A_298 = tpu.vector_load %arg9[%swap3A_297] {strides = array<i32>} : memref<80xi32, #tpu.memory_space<vmem>>, vector<16xi32>,
        %swap3A_299 = vector.shape_cast %swap3A_298 : vector<16xi32> to vector<16xi32>
        %swap3A_300 = vector.shape_cast %get3A_296 : vector<16xi32> to vector<16xi32>
        tpu.vector_store %arg9[%swap3A_297], %swap3A_300 {strides = array<i32>} : memref<80xi32, #tpu.memory_space<vmem>>, vector<16xi32>,
        %mul3A_301 = arith.constant 80 : i32
        %mul3A_302 = arith.muli %add3A_226, %mul3A_301 : i32
        %add3A_303 = arith.constant 48 : i32
        %add3A_304 = arith.addi %mul3A_302, %add3A_303 : i32
        %get3A_305 = arith.index_cast %add3A_304 : i32 to index
        %get3A_306 = tpu.vector_load %arg6[%get3A_305] {strides = array<i32>} : memref<10000xi32, #tpu.memory_space<vmem>>, vector<16xi32>,
        %get3A_307 = vector.shape_cast %get3A_306 : vector<16xi32> to vector<16xi32>
        %swap3A_308 = arith.constant 48 : index
        %swap3A_309 = tpu.vector_load %arg8[%swap3A_308] {strides = array<i32>} : memref<80xi32, #tpu.memory_space<vmem>>, vector<16xi32>,
        %swap3A_310 = vector.shape_cast %swap3A_309 : vector<16xi32> to vector<16xi32>
        %swap3A_311 = vector.shape_cast %get3A_307 : vector<16xi32> to vector<16xi32>
        tpu.vector_store %arg8[%swap3A_308], %swap3A_311 {strides = array<i32>} : memref<80xi32, #tpu.memory_space<vmem>>, vector<16xi32>,
        %mul3A_312 = arith.constant 80 : i32
        %mul3A_313 = arith.muli %add3A_226, %mul3A_312 : i32
        %add3A_314 = arith.constant 48 : i32
        %add3A_315 = arith.addi %mul3A_313, %add3A_314 : i32
        %get3A_316 = arith.index_cast %add3A_315 : i32 to index
        %get3A_317 = tpu.vector_load %arg7[%get3A_316] {strides = array<i32>} : memref<10000xi32, #tpu.memory_space<vmem>>, vector<16xi32>,
        %get3A_318 = vector.shape_cast %get3A_317 : vector<16xi32> to vector<16xi32>
        %swap3A_319 = arith.constant 48 : index
        %swap3A_320 = tpu.vector_load %arg9[%swap3A_319] {strides = array<i32>} : memref<80xi32, #tpu.memory_space<vmem>>, vector<16xi32>,
        %swap3A_321 = vector.shape_cast %swap3A_320 : vector<16xi32> to vector<16xi32>
        %swap3A_322 = vector.shape_cast %get3A_318 : vector<16xi32> to vector<16xi32>
        tpu.vector_store %arg9[%swap3A_319], %swap3A_322 {strides = array<i32>} : memref<80xi32, #tpu.memory_space<vmem>>, vector<16xi32>,
        %mul3A_323 = arith.constant 80 : i32
        %mul3A_324 = arith.muli %add3A_226, %mul3A_323 : i32
        %add3A_325 = arith.constant 64 : i32
        %add3A_326 = arith.addi %mul3A_324, %add3A_325 : i32
        %get3A_327 = arith.index_cast %add3A_326 : i32 to index
        %get3A_328 = tpu.vector_load %arg6[%get3A_327] {strides = array<i32>} : memref<10000xi32, #tpu.memory_space<vmem>>, vector<16xi32>,
        %get3A_329 = vector.shape_cast %get3A_328 : vector<16xi32> to vector<16xi32>
        %swap3A_330 = arith.constant 64 : index
        %swap3A_331 = tpu.vector_load %arg8[%swap3A_330] {strides = array<i32>} : memref<80xi32, #tpu.memory_space<vmem>>, vector<16xi32>,
        %swap3A_332 = vector.shape_cast %swap3A_331 : vector<16xi32> to vector<16xi32>
        %swap3A_333 = vector.shape_cast %get3A_329 : vector<16xi32> to vector<16xi32>
        tpu.vector_store %arg8[%swap3A_330], %swap3A_333 {strides = array<i32>} : memref<80xi32, #tpu.memory_space<vmem>>, vector<16xi32>,
        %mul3A_334 = arith.constant 80 : i32
        %mul3A_335 = arith.muli %add3A_226, %mul3A_334 : i32
        %add3A_336 = arith.constant 64 : i32
        %add3A_337 = arith.addi %mul3A_335, %add3A_336 : i32
        %get3A_338 = arith.index_cast %add3A_337 : i32 to index
        %get3A_339 = tpu.vector_load %arg7[%get3A_338] {strides = array<i32>} : memref<10000xi32, #tpu.memory_space<vmem>>, vector<16xi32>,
        %get3A_340 = vector.shape_cast %get3A_339 : vector<16xi32> to vector<16xi32>
        %swap3A_341 = arith.constant 64 : index
        %swap3A_342 = tpu.vector_load %arg9[%swap3A_341] {strides = array<i32>} : memref<80xi32, #tpu.memory_space<vmem>>, vector<16xi32>,
        %swap3A_343 = vector.shape_cast %swap3A_342 : vector<16xi32> to vector<16xi32>
        %swap3A_344 = vector.shape_cast %get3A_340 : vector<16xi32> to vector<16xi32>
        tpu.vector_store %arg9[%swap3A_341], %swap3A_344 {strides = array<i32>} : memref<80xi32, #tpu.memory_space<vmem>>, vector<16xi32>,
        %dma_start3A_345 = arith.constant 0 : i32
        %dma_start3A_346 = arith.constant 0 : i32
        %dma_start3A_347 = tpu.memref_slice %arg2[%dma_start3A_345, %dma_start3A_346] : memref<10000x128xf32, #tpu.memory_space<hbm>> -> memref<10000x128xf32, #tpu.memory_space<hbm>>
        tpu.enqueue_indirect_dma source(%dma_start3A_347 : memref<10000x128xf32, #tpu.memory_space<hbm>>) target(%arg12 : memref<80x128xf32, #tpu.memory_space<vmem>>) offsets(%arg8 : memref<80xi32, #tpu.memory_space<vmem>>) semaphore(%arg16 : memref<!tpu.dma_semaphore, #tpu.memory_space<semaphore_mem>>)
      } else {
      }
      %dma_wait3A_229 = arith.constant 0 : i32
      %dma_wait3A_230 = arith.constant 0 : i32
      %dma_wait3A_231 = tpu.memref_slice %arg2[%dma_wait3A_229, %dma_wait3A_230] : memref<10000x128xf32, #tpu.memory_space<hbm>> -> memref<80x128xf32, #tpu.memory_space<hbm>>
      %dma_wait3A_232 = arith.constant 0 : i32
      %dma_wait3A_233 = arith.constant 0 : i32
      %dma_wait3A_234 = tpu.memref_slice %arg2[%dma_wait3A_232, %dma_wait3A_233] : memref<10000x128xf32, #tpu.memory_space<hbm>> -> memref<80x128xf32, #tpu.memory_space<hbm>>
      tpu.wait_dma2 semaphore(%arg17 : memref<!tpu.dma_semaphore, #tpu.memory_space<semaphore_mem>>) src(%dma_wait3A_234 : memref<80x128xf32, #tpu.memory_space<hbm>>) dst(%arg13 : memref<80x128xf32, #tpu.memory_space<vmem>>)
      "tpu.region"() ({
        %run_scoped3A = tpu.sem_alloc : memref<!tpu.dma_semaphore, #tpu.memory_space<semaphore_mem>>
        %dma_start3A_235 = arith.constant 0 : i32
        %dma_start3A_236 = arith.constant 0 : i32
        %dma_start3A_237 = tpu.memref_slice %arg15[%dma_start3A_235, %dma_start3A_236] : memref<10240x128xf32, #tpu.memory_space<vmem_shared>> -> memref<10240x128xf32, #tpu.memory_space<vmem_shared>>
        tpu.enqueue_indirect_dma source(%arg13 : memref<80x128xf32, #tpu.memory_space<vmem>>) target(%dma_start3A_237 : memref<10240x128xf32, #tpu.memory_space<vmem_shared>>) offsets(%arg11 : memref<80xi32, #tpu.memory_space<vmem>>) semaphore(%run_scoped3A : memref<!tpu.dma_semaphore, #tpu.memory_space<semaphore_mem>>) {add = true}
        %dma_wait3A_238 = arith.constant 0 : i32
        %dma_wait3A_239 = arith.constant 0 : i32
        %dma_wait3A_240 = tpu.memref_slice %arg15[%dma_wait3A_238, %dma_wait3A_239] : memref<10240x128xf32, #tpu.memory_space<vmem_shared>> -> memref<10240x128xf32, #tpu.memory_space<vmem_shared>>
        tpu.wait_indirect_dma semaphore(%run_scoped3A : memref<!tpu.dma_semaphore, #tpu.memory_space<semaphore_mem>>) src(%arg13 : memref<80x128xf32, #tpu.memory_space<vmem>>) dst(%dma_wait3A_240 : memref<10240x128xf32, #tpu.memory_space<vmem_shared>>)
        tpu.yield
      }) : () -> ()
    }
    %scan3A_92 = arith.constant 62 : i32
    %dma_wait3A = arith.constant 0 : i32
    %dma_wait3A_93 = arith.constant 0 : i32
    %dma_wait3A_94 = tpu.memref_slice %arg2[%dma_wait3A, %dma_wait3A_93] : memref<10000x128xf32, #tpu.memory_space<hbm>> -> memref<80x128xf32, #tpu.memory_space<hbm>>
    %dma_wait3A_95 = arith.constant 0 : i32
    %dma_wait3A_96 = arith.constant 0 : i32
    %dma_wait3A_97 = tpu.memref_slice %arg2[%dma_wait3A_95, %dma_wait3A_96] : memref<10000x128xf32, #tpu.memory_space<hbm>> -> memref<80x128xf32, #tpu.memory_space<hbm>>
    tpu.wait_dma2 semaphore(%arg16 : memref<!tpu.dma_semaphore, #tpu.memory_space<semaphore_mem>>) src(%dma_wait3A_97 : memref<80x128xf32, #tpu.memory_space<hbm>>) dst(%arg12 : memref<80x128xf32, #tpu.memory_space<vmem>>)
    "tpu.region"() ({
      %run_scoped3A = tpu.sem_alloc : memref<!tpu.dma_semaphore, #tpu.memory_space<semaphore_mem>>
      %dma_start3A_99 = arith.constant 0 : i32
      %dma_start3A_100 = arith.constant 0 : i32
      %dma_start3A_101 = tpu.memref_slice %arg15[%dma_start3A_99, %dma_start3A_100] : memref<10240x128xf32, #tpu.memory_space<vmem_shared>> -> memref<10240x128xf32, #tpu.memory_space<vmem_shared>>
      tpu.enqueue_indirect_dma source(%arg12 : memref<80x128xf32, #tpu.memory_space<vmem>>) target(%dma_start3A_101 : memref<10240x128xf32, #tpu.memory_space<vmem_shared>>) offsets(%arg9 : memref<80xi32, #tpu.memory_space<vmem>>) semaphore(%run_scoped3A : memref<!tpu.dma_semaphore, #tpu.memory_space<semaphore_mem>>) {add = true}
      %dma_wait3A_102 = arith.constant 0 : i32
      %dma_wait3A_103 = arith.constant 0 : i32
      %dma_wait3A_104 = tpu.memref_slice %arg15[%dma_wait3A_102, %dma_wait3A_103] : memref<10240x128xf32, #tpu.memory_space<vmem_shared>> -> memref<10240x128xf32, #tpu.memory_space<vmem_shared>>
      tpu.wait_indirect_dma semaphore(%run_scoped3A : memref<!tpu.dma_semaphore, #tpu.memory_space<semaphore_mem>>) src(%arg12 : memref<80x128xf32, #tpu.memory_space<vmem>>) dst(%dma_wait3A_104 : memref<10240x128xf32, #tpu.memory_space<vmem_shared>>)
      tpu.yield
    }) : () -> ()
    %barrier3A_98 = arith.constant 0 : index
    tpu.barrier barrier_id(%barrier3A_98)
    "tpu.region"() ({
      %run_scoped3A = tpu.sem_alloc : memref<!tpu.dma_semaphore, #tpu.memory_space<semaphore_mem>>
      %dma_start3A_99 = arith.constant 0 : i32
      %dma_start3A_100 = tpu.memref_slice %arg5[%arg0, %mul3A_80, %dma_start3A_99] : memref<2x10240x128xf32, #tpu.memory_space<hbm>> -> memref<1x640x128xf32, #tpu.memory_space<hbm>>
      %dma_start3A_101 = tpu.memref_squeeze %dma_start3A_100 : memref<1x640x128xf32, #tpu.memory_space<hbm>> -> memref<640x128xf32, #tpu.memory_space<hbm>>
      %dma_start3A_102 = arith.constant 0 : i32
      %dma_start3A_103 = tpu.memref_slice %arg15[%mul3A_80, %dma_start3A_102] : memref<10240x128xf32, #tpu.memory_space<vmem_shared>> -> memref<640x128xf32, #tpu.memory_space<vmem_shared>>
      tpu.enqueue_dma source(%dma_start3A_103 : memref<640x128xf32, #tpu.memory_space<vmem_shared>>) target(%dma_start3A_101 : memref<640x128xf32, #tpu.memory_space<hbm>>) target_semaphore(%run_scoped3A : memref<!tpu.dma_semaphore, #tpu.memory_space<semaphore_mem>>)
      %dma_wait3A_104 = arith.constant 0 : i32
      %dma_wait3A_105 = tpu.memref_slice %arg5[%arg0, %mul3A_80, %dma_wait3A_104] : memref<2x10240x128xf32, #tpu.memory_space<hbm>> -> memref<1x640x128xf32, #tpu.memory_space<hbm>>
      %dma_wait3A_106 = tpu.memref_squeeze %dma_wait3A_105 : memref<1x640x128xf32, #tpu.memory_space<hbm>> -> memref<640x128xf32, #tpu.memory_space<hbm>>
      %dma_wait3A_107 = arith.constant 0 : i32
      %dma_wait3A_108 = tpu.memref_slice %arg15[%mul3A_80, %dma_wait3A_107] : memref<10240x128xf32, #tpu.memory_space<vmem_shared>> -> memref<640x128xf32, #tpu.memory_space<vmem_shared>>
      tpu.wait_dma2 semaphore(%run_scoped3A : memref<!tpu.dma_semaphore, #tpu.memory_space<semaphore_mem>>) src(%dma_wait3A_108 : memref<640x128xf32, #tpu.memory_space<vmem_shared>>) dst(%dma_wait3A_106 : memref<640x128xf32, #tpu.memory_space<hbm>>)
      tpu.yield
    }) : () -> ()
    return
  }
}

#map = affine_map<(d0, d1) -> (0, 0)>
#map1 = affine_map<(d0, d1) -> (0)>
#map2 = affine_map<(d0, d1) -> (0, 0, 0)>
module attributes {stable_mosaic.version = 14 : i64} {
  func.func @_sc_agg_body(%arg0: i32, %arg1: i32, %arg2: memref<10000x128xf32, #tpu.memory_space<hbm>>, %arg3: memref<320000xi32, #tpu.memory_space<hbm>>, %arg4: memref<320000xi32, #tpu.memory_space<hbm>>, %arg5: memref<2x10240x128xf32, #tpu.memory_space<hbm>>, %arg6: memref<10000xi32, #tpu.memory_space<vmem>>, %arg7: memref<10000xi32, #tpu.memory_space<vmem>>, %arg8: memref<80xi32, #tpu.memory_space<vmem>>, %arg9: memref<80xi32, #tpu.memory_space<vmem>>, %arg10: memref<80xi32, #tpu.memory_space<vmem>>, %arg11: memref<80xi32, #tpu.memory_space<vmem>>, %arg12: memref<80x128xf32, #tpu.memory_space<vmem>>, %arg13: memref<80x128xf32, #tpu.memory_space<vmem>>, %arg14: memref<32x128xf32, #tpu.memory_space<vmem>>, %arg15: memref<10240x128xf32, #tpu.memory_space<vmem_shared>>, %arg16: memref<!tpu.dma_semaphore, #tpu.memory_space<semaphore_mem>>, %arg17: memref<!tpu.dma_semaphore, #tpu.memory_space<semaphore_mem>>) attributes {dimension_semantics = [#tpu.dimension_semantics<core_parallel>, #tpu.dimension_semantics<subcore_parallel>], iteration_bounds = array<i64: 2, 16>, scalar_prefetch = 0 : i64, scratch_operands = 12 : i64, tpu.core_type = #tpu.core_type<sc_vector_subcore>, window_params = [{transform_indices = #map}, {transform_indices = #map1}, {transform_indices = #map1}, {transform_indices = #map2}]} {
    %mul3A = arith.constant 16 : i32
    %mul3A_0 = arith.muli %arg0, %mul3A : i32
    %add3A = arith.addi %mul3A_0, %arg1 : i32
    %mul3A_1 = arith.constant 10000 : i32
    %mul3A_2 = arith.muli %add3A, %mul3A_1 : i32
    "tpu.region"() ({
      %run_scoped3A = tpu.sem_alloc : memref<!tpu.dma_semaphore, #tpu.memory_space<semaphore_mem>>
      %dma_start3A_99 = tpu.memref_slice %arg3[%mul3A_2] : memref<320000xi32, #tpu.memory_space<hbm>> -> memref<10000xi32, #tpu.memory_space<hbm>>
      %dma_start3A_100 = tpu.memref_slice %arg3[%mul3A_2] : memref<320000xi32, #tpu.memory_space<hbm>> -> memref<10000xi32, #tpu.memory_space<hbm>>
      tpu.enqueue_dma source(%dma_start3A_100 : memref<10000xi32, #tpu.memory_space<hbm>>) target(%arg6 : memref<10000xi32, #tpu.memory_space<vmem>>) target_semaphore(%run_scoped3A : memref<!tpu.dma_semaphore, #tpu.memory_space<semaphore_mem>>)
      %dma_wait3A_101 = tpu.memref_slice %arg3[%mul3A_2] : memref<320000xi32, #tpu.memory_space<hbm>> -> memref<10000xi32, #tpu.memory_space<hbm>>
      %dma_wait3A_102 = tpu.memref_slice %arg3[%mul3A_2] : memref<320000xi32, #tpu.memory_space<hbm>> -> memref<10000xi32, #tpu.memory_space<hbm>>
      tpu.wait_dma2 semaphore(%run_scoped3A : memref<!tpu.dma_semaphore, #tpu.memory_space<semaphore_mem>>) src(%dma_wait3A_102 : memref<10000xi32, #tpu.memory_space<hbm>>) dst(%arg6 : memref<10000xi32, #tpu.memory_space<vmem>>)
      tpu.yield
    }) : () -> ()
    "tpu.region"() ({
      %run_scoped3A = tpu.sem_alloc : memref<!tpu.dma_semaphore, #tpu.memory_space<semaphore_mem>>
      %dma_start3A_99 = tpu.memref_slice %arg4[%mul3A_2] : memref<320000xi32, #tpu.memory_space<hbm>> -> memref<10000xi32, #tpu.memory_space<hbm>>
      %dma_start3A_100 = tpu.memref_slice %arg4[%mul3A_2] : memref<320000xi32, #tpu.memory_space<hbm>> -> memref<10000xi32, #tpu.memory_space<hbm>>
      tpu.enqueue_dma source(%dma_start3A_100 : memref<10000xi32, #tpu.memory_space<hbm>>) target(%arg7 : memref<10000xi32, #tpu.memory_space<vmem>>) target_semaphore(%run_scoped3A : memref<!tpu.dma_semaphore, #tpu.memory_space<semaphore_mem>>)
      %dma_wait3A_101 = tpu.memref_slice %arg4[%mul3A_2] : memref<320000xi32, #tpu.memory_space<hbm>> -> memref<10000xi32, #tpu.memory_space<hbm>>
      %dma_wait3A_102 = tpu.memref_slice %arg4[%mul3A_2] : memref<320000xi32, #tpu.memory_space<hbm>> -> memref<10000xi32, #tpu.memory_space<hbm>>
      tpu.wait_dma2 semaphore(%run_scoped3A : memref<!tpu.dma_semaphore, #tpu.memory_space<semaphore_mem>>) src(%dma_wait3A_102 : memref<10000xi32, #tpu.memory_space<hbm>>) dst(%arg7 : memref<10000xi32, #tpu.memory_space<vmem>>)
      tpu.yield
    }) : () -> ()
    %broadcast_in_dim3A = arith.constant 0.000000e+00 : f32
    %broadcast_in_dim3A_3 = vector.broadcast %broadcast_in_dim3A : f32 to vector<16xf32>
    %scan3A = arith.constant 0 : i32
    %scan3A_4 = arith.constant 0 : i32
    %scan3A_5 = arith.constant 256 : i32
    %scan3A_6 = arith.addi %scan3A_4, %scan3A_5 : i32
    %scan3A_7 = arith.constant 1 : i32
    scf.for %scan3A_99 = %scan3A_4 to %scan3A_6 step %scan3A_7  : i32 {
      %jit3A = arith.constant 8 : i32
      %div3A = arith.divsi %scan3A_99, %jit3A : i32
      %sign3A = arith.constant 0 : i32
      %sign3A_100 = arith.cmpi sgt, %scan3A_99, %sign3A : i32
      %sign3A_101 = arith.extui %sign3A_100 : i1 to i32
      %sign3A_102 = arith.constant 0 : i32
      %sign3A_103 = arith.cmpi slt, %scan3A_99, %sign3A_102 : i32
      %sign3A_104 = arith.extui %sign3A_103 : i1 to i32
      %sign3A_105 = arith.subi %sign3A_101, %sign3A_104 : i32
      %sign3A_106 = arith.constant 0 : i32
      %sign3A_107 = arith.cmpi sgt, %jit3A, %sign3A_106 : i32
      %sign3A_108 = arith.extui %sign3A_107 : i1 to i32
      %sign3A_109 = arith.constant 0 : i32
      %sign3A_110 = arith.cmpi slt, %jit3A, %sign3A_109 : i32
      %sign3A_111 = arith.extui %sign3A_110 : i1 to i32
      %sign3A_112 = arith.subi %sign3A_108, %sign3A_111 : i32
      %ne3A = arith.cmpi ne, %sign3A_105, %sign3A_112 : i32
      %rem3A = arith.remsi %scan3A_99, %jit3A : i32
      %ne3A_113 = arith.constant 0 : i32
      %ne3A_114 = arith.cmpi ne, %rem3A, %ne3A_113 : i32
      %and3A = arith.andi %ne3A, %ne3A_114 : i1
      %sub3A = arith.constant 1 : i32
      %sub3A_115 = arith.subi %div3A, %sub3A : i32
      %select_n3A = arith.select %and3A, %sub3A_115, %div3A : i32
      %jit3A_116 = arith.constant 8 : i32
      %eq3A = arith.constant 0 : i32
      %eq3A_117 = arith.cmpi eq, %jit3A_116, %eq3A : i32
      %jit3A_118 = arith.constant 1 : i32
      %select_n3A_119 = arith.select %eq3A_117, %jit3A_118, %jit3A_116 : i32
      %rem3A_120 = arith.remsi %scan3A_99, %select_n3A_119 : i32
      %ne3A_121 = arith.constant 0 : i32
      %ne3A_122 = arith.cmpi ne, %rem3A_120, %ne3A_121 : i32
      %lt3A = arith.constant 0 : i32
      %lt3A_123 = arith.cmpi slt, %rem3A_120, %lt3A : i32
      %lt3A_124 = arith.constant 0 : i32
      %lt3A_125 = arith.cmpi slt, %select_n3A_119, %lt3A_124 : i32
      %ne3A_126 = arith.xori %lt3A_123, %lt3A_125 : i1
      %and3A_127 = arith.andi %ne3A_126, %ne3A_122 : i1
      %add3A_128 = arith.addi %rem3A_120, %select_n3A_119 : i32
      %select_n3A_129 = arith.select %and3A_127, %add3A_128, %rem3A_120 : i32
      %mul3A_130 = arith.constant 16 : i32
      %mul3A_131 = arith.muli %select_n3A_129, %mul3A_130 : i32
      %swap3A_132 = arith.index_cast %select_n3A : i32 to index
      %swap3A_133 = arith.index_cast %mul3A_131 : i32 to index
      %swap3A_134 = tpu.vector_load %arg14[%swap3A_132, %swap3A_133] {strides = array<i32>} : memref<32x128xf32, #tpu.memory_space<vmem>>, vector<1x16xf32>,
      %swap3A_135 = vector.shape_cast %swap3A_134 : vector<1x16xf32> to vector<16xf32>
      %swap3A_136 = vector.shape_cast %broadcast_in_dim3A_3 : vector<16xf32> to vector<1x16xf32>
      tpu.vector_store %arg14[%swap3A_132, %swap3A_133], %swap3A_136 {strides = array<i32>} : memref<32x128xf32, #tpu.memory_space<vmem>>, vector<1x16xf32>,
    }
    %scan3A_8 = arith.constant 256 : i32
    %get3A = arith.constant 0 : index
    %get3A_9 = tpu.vector_load %arg6[%get3A] {strides = array<i32>} : memref<10000xi32, #tpu.memory_space<vmem>>, vector<16xi32>,
    %get3A_10 = vector.shape_cast %get3A_9 : vector<16xi32> to vector<16xi32>
    %swap3A = arith.constant 0 : index
    %swap3A_11 = tpu.vector_load %arg8[%swap3A] {strides = array<i32>} : memref<80xi32, #tpu.memory_space<vmem>>, vector<16xi32>,
    %swap3A_12 = vector.shape_cast %swap3A_11 : vector<16xi32> to vector<16xi32>
    %swap3A_13 = vector.shape_cast %get3A_10 : vector<16xi32> to vector<16xi32>
    tpu.vector_store %arg8[%swap3A], %swap3A_13 {strides = array<i32>} : memref<80xi32, #tpu.memory_space<vmem>>, vector<16xi32>,
    %get3A_14 = arith.constant 0 : index
    %get3A_15 = tpu.vector_load %arg7[%get3A_14] {strides = array<i32>} : memref<10000xi32, #tpu.memory_space<vmem>>, vector<16xi32>,
    %get3A_16 = vector.shape_cast %get3A_15 : vector<16xi32> to vector<16xi32>
    %swap3A_17 = arith.constant 0 : index
    %swap3A_18 = tpu.vector_load %arg9[%swap3A_17] {strides = array<i32>} : memref<80xi32, #tpu.memory_space<vmem>>, vector<16xi32>,
    %swap3A_19 = vector.shape_cast %swap3A_18 : vector<16xi32> to vector<16xi32>
    %swap3A_20 = vector.shape_cast %get3A_16 : vector<16xi32> to vector<16xi32>
    tpu.vector_store %arg9[%swap3A_17], %swap3A_20 {strides = array<i32>} : memref<80xi32, #tpu.memory_space<vmem>>, vector<16xi32>,
    %get3A_21 = arith.constant 16 : index
    %get3A_22 = tpu.vector_load %arg6[%get3A_21] {strides = array<i32>} : memref<10000xi32, #tpu.memory_space<vmem>>, vector<16xi32>,
    %get3A_23 = vector.shape_cast %get3A_22 : vector<16xi32> to vector<16xi32>
    %swap3A_24 = arith.constant 16 : index
    %swap3A_25 = tpu.vector_load %arg8[%swap3A_24] {strides = array<i32>} : memref<80xi32, #tpu.memory_space<vmem>>, vector<16xi32>,
    %swap3A_26 = vector.shape_cast %swap3A_25 : vector<16xi32> to vector<16xi32>
    %swap3A_27 = vector.shape_cast %get3A_23 : vector<16xi32> to vector<16xi32>
    tpu.vector_store %arg8[%swap3A_24], %swap3A_27 {strides = array<i32>} : memref<80xi32, #tpu.memory_space<vmem>>, vector<16xi32>,
    %get3A_28 = arith.constant 16 : index
    %get3A_29 = tpu.vector_load %arg7[%get3A_28] {strides = array<i32>} : memref<10000xi32, #tpu.memory_space<vmem>>, vector<16xi32>,
    %get3A_30 = vector.shape_cast %get3A_29 : vector<16xi32> to vector<16xi32>
    %swap3A_31 = arith.constant 16 : index
    %swap3A_32 = tpu.vector_load %arg9[%swap3A_31] {strides = array<i32>} : memref<80xi32, #tpu.memory_space<vmem>>, vector<16xi32>,
    %swap3A_33 = vector.shape_cast %swap3A_32 : vector<16xi32> to vector<16xi32>
    %swap3A_34 = vector.shape_cast %get3A_30 : vector<16xi32> to vector<16xi32>
    tpu.vector_store %arg9[%swap3A_31], %swap3A_34 {strides = array<i32>} : memref<80xi32, #tpu.memory_space<vmem>>, vector<16xi32>,
    %get3A_35 = arith.constant 32 : index
    %get3A_36 = tpu.vector_load %arg6[%get3A_35] {strides = array<i32>} : memref<10000xi32, #tpu.memory_space<vmem>>, vector<16xi32>,
    %get3A_37 = vector.shape_cast %get3A_36 : vector<16xi32> to vector<16xi32>
    %swap3A_38 = arith.constant 32 : index
    %swap3A_39 = tpu.vector_load %arg8[%swap3A_38] {strides = array<i32>} : memref<80xi32, #tpu.memory_space<vmem>>, vector<16xi32>,
    %swap3A_40 = vector.shape_cast %swap3A_39 : vector<16xi32> to vector<16xi32>
    %swap3A_41 = vector.shape_cast %get3A_37 : vector<16xi32> to vector<16xi32>
    tpu.vector_store %arg8[%swap3A_38], %swap3A_41 {strides = array<i32>} : memref<80xi32, #tpu.memory_space<vmem>>, vector<16xi32>,
    %get3A_42 = arith.constant 32 : index
    %get3A_43 = tpu.vector_load %arg7[%get3A_42] {strides = array<i32>} : memref<10000xi32, #tpu.memory_space<vmem>>, vector<16xi32>,
    %get3A_44 = vector.shape_cast %get3A_43 : vector<16xi32> to vector<16xi32>
    %swap3A_45 = arith.constant 32 : index
    %swap3A_46 = tpu.vector_load %arg9[%swap3A_45] {strides = array<i32>} : memref<80xi32, #tpu.memory_space<vmem>>, vector<16xi32>,
    %swap3A_47 = vector.shape_cast %swap3A_46 : vector<16xi32> to vector<16xi32>
    %swap3A_48 = vector.shape_cast %get3A_44 : vector<16xi32> to vector<16xi32>
    tpu.vector_store %arg9[%swap3A_45], %swap3A_48 {strides = array<i32>} : memref<80xi32, #tpu.memory_space<vmem>>, vector<16xi32>,
    %get3A_49 = arith.constant 48 : index
    %get3A_50 = tpu.vector_load %arg6[%get3A_49] {strides = array<i32>} : memref<10000xi32, #tpu.memory_space<vmem>>, vector<16xi32>,
    %get3A_51 = vector.shape_cast %get3A_50 : vector<16xi32> to vector<16xi32>
    %swap3A_52 = arith.constant 48 : index
    %swap3A_53 = tpu.vector_load %arg8[%swap3A_52] {strides = array<i32>} : memref<80xi32, #tpu.memory_space<vmem>>, vector<16xi32>,
    %swap3A_54 = vector.shape_cast %swap3A_53 : vector<16xi32> to vector<16xi32>
    %swap3A_55 = vector.shape_cast %get3A_51 : vector<16xi32> to vector<16xi32>
    tpu.vector_store %arg8[%swap3A_52], %swap3A_55 {strides = array<i32>} : memref<80xi32, #tpu.memory_space<vmem>>, vector<16xi32>,
    %get3A_56 = arith.constant 48 : index
    %get3A_57 = tpu.vector_load %arg7[%get3A_56] {strides = array<i32>} : memref<10000xi32, #tpu.memory_space<vmem>>, vector<16xi32>,
    %get3A_58 = vector.shape_cast %get3A_57 : vector<16xi32> to vector<16xi32>
    %swap3A_59 = arith.constant 48 : index
    %swap3A_60 = tpu.vector_load %arg9[%swap3A_59] {strides = array<i32>} : memref<80xi32, #tpu.memory_space<vmem>>, vector<16xi32>,
    %swap3A_61 = vector.shape_cast %swap3A_60 : vector<16xi32> to vector<16xi32>
    %swap3A_62 = vector.shape_cast %get3A_58 : vector<16xi32> to vector<16xi32>
    tpu.vector_store %arg9[%swap3A_59], %swap3A_62 {strides = array<i32>} : memref<80xi32, #tpu.memory_space<vmem>>, vector<16xi32>,
    %get3A_63 = arith.constant 64 : index
    %get3A_64 = tpu.vector_load %arg6[%get3A_63] {strides = array<i32>} : memref<10000xi32, #tpu.memory_space<vmem>>, vector<16xi32>,
    %get3A_65 = vector.shape_cast %get3A_64 : vector<16xi32> to vector<16xi32>
    %swap3A_66 = arith.constant 64 : index
    %swap3A_67 = tpu.vector_load %arg8[%swap3A_66] {strides = array<i32>} : memref<80xi32, #tpu.memory_space<vmem>>, vector<16xi32>,
    %swap3A_68 = vector.shape_cast %swap3A_67 : vector<16xi32> to vector<16xi32>
    %swap3A_69 = vector.shape_cast %get3A_65 : vector<16xi32> to vector<16xi32>
    tpu.vector_store %arg8[%swap3A_66], %swap3A_69 {strides = array<i32>} : memref<80xi32, #tpu.memory_space<vmem>>, vector<16xi32>,
    %get3A_70 = arith.constant 64 : index
    %get3A_71 = tpu.vector_load %arg7[%get3A_70] {strides = array<i32>} : memref<10000xi32, #tpu.memory_space<vmem>>, vector<16xi32>,
    %get3A_72 = vector.shape_cast %get3A_71 : vector<16xi32> to vector<16xi32>
    %swap3A_73 = arith.constant 64 : index
    %swap3A_74 = tpu.vector_load %arg9[%swap3A_73] {strides = array<i32>} : memref<80xi32, #tpu.memory_space<vmem>>, vector<16xi32>,
    %swap3A_75 = vector.shape_cast %swap3A_74 : vector<16xi32> to vector<16xi32>
    %swap3A_76 = vector.shape_cast %get3A_72 : vector<16xi32> to vector<16xi32>
    tpu.vector_store %arg9[%swap3A_73], %swap3A_76 {strides = array<i32>} : memref<80xi32, #tpu.memory_space<vmem>>, vector<16xi32>,
    %dma_start3A = arith.constant 0 : i32
    %dma_start3A_77 = arith.constant 0 : i32
    %dma_start3A_78 = tpu.memref_slice %arg2[%dma_start3A, %dma_start3A_77] : memref<10000x128xf32, #tpu.memory_space<hbm>> -> memref<10000x128xf32, #tpu.memory_space<hbm>>
    tpu.enqueue_indirect_dma source(%dma_start3A_78 : memref<10000x128xf32, #tpu.memory_space<hbm>>) target(%arg12 : memref<80x128xf32, #tpu.memory_space<vmem>>) offsets(%arg8 : memref<80xi32, #tpu.memory_space<vmem>>) semaphore(%arg16 : memref<!tpu.dma_semaphore, #tpu.memory_space<semaphore_mem>>)
    %mul3A_79 = arith.constant 640 : i32
    %mul3A_80 = arith.muli %arg1, %mul3A_79 : i32
    %scan3A_81 = arith.constant 0 : i32
    %scan3A_82 = arith.constant 0 : i32
    %scan3A_83 = arith.constant 20 : i32
    %scan3A_84 = arith.addi %scan3A_82, %scan3A_83 : i32
    %scan3A_85 = arith.constant 1 : i32
    scf.for %scan3A_99 = %scan3A_82 to %scan3A_84 step %scan3A_85  : i32 {
      %mul3A_100 = arith.constant 32 : i32
      %mul3A_101 = arith.muli %scan3A_99, %mul3A_100 : i32
      %add3A_102 = arith.addi %mul3A_80, %mul3A_101 : i32
      "tpu.region"() ({
        %run_scoped3A = tpu.sem_alloc : memref<!tpu.dma_semaphore, #tpu.memory_space<semaphore_mem>>
        %dma_start3A_103 = arith.constant 0 : i32
        %dma_start3A_104 = tpu.memref_slice %arg15[%add3A_102, %dma_start3A_103] : memref<10240x128xf32, #tpu.memory_space<vmem_shared>> -> memref<32x128xf32, #tpu.memory_space<vmem_shared>>
        %dma_start3A_105 = arith.constant 0 : i32
        %dma_start3A_106 = tpu.memref_slice %arg15[%add3A_102, %dma_start3A_105] : memref<10240x128xf32, #tpu.memory_space<vmem_shared>> -> memref<32x128xf32, #tpu.memory_space<vmem_shared>>
        tpu.enqueue_dma source(%arg14 : memref<32x128xf32, #tpu.memory_space<vmem>>) target(%dma_start3A_106 : memref<32x128xf32, #tpu.memory_space<vmem_shared>>) target_semaphore(%run_scoped3A : memref<!tpu.dma_semaphore, #tpu.memory_space<semaphore_mem>>)
        %dma_wait3A_107 = arith.constant 0 : i32
        %dma_wait3A_108 = tpu.memref_slice %arg15[%add3A_102, %dma_wait3A_107] : memref<10240x128xf32, #tpu.memory_space<vmem_shared>> -> memref<32x128xf32, #tpu.memory_space<vmem_shared>>
        %dma_wait3A_109 = arith.constant 0 : i32
        %dma_wait3A_110 = tpu.memref_slice %arg15[%add3A_102, %dma_wait3A_109] : memref<10240x128xf32, #tpu.memory_space<vmem_shared>> -> memref<32x128xf32, #tpu.memory_space<vmem_shared>>
        tpu.wait_dma2 semaphore(%run_scoped3A : memref<!tpu.dma_semaphore, #tpu.memory_space<semaphore_mem>>) src(%arg14 : memref<32x128xf32, #tpu.memory_space<vmem>>) dst(%dma_wait3A_110 : memref<32x128xf32, #tpu.memory_space<vmem_shared>>)
        tpu.yield
      }) : () -> ()
    }
    %scan3A_86 = arith.constant 20 : i32
    %barrier3A = arith.constant 0 : index
    tpu.barrier barrier_id(%barrier3A)
    %scan3A_87 = arith.constant 0 : i32
    %scan3A_88 = arith.constant 0 : i32
    %scan3A_89 = arith.constant 62 : i32
    %scan3A_90 = arith.addi %scan3A_88, %scan3A_89 : i32
    %scan3A_91 = arith.constant 1 : i32
    scf.for %scan3A_99 = %scan3A_88 to %scan3A_90 step %scan3A_91  : i32 {
      %mul3A_100 = arith.constant 2 : i32
      %mul3A_101 = arith.muli %mul3A_100, %scan3A_99 : i32
      %add3A_102 = arith.constant 1 : i32
      %add3A_103 = arith.addi %mul3A_101, %add3A_102 : i32
      %mul3A_104 = arith.constant 80 : i32
      %mul3A_105 = arith.muli %add3A_103, %mul3A_104 : i32
      %add3A_106 = arith.constant 0 : i32
      %add3A_107 = arith.addi %mul3A_105, %add3A_106 : i32
      %get3A_108 = arith.index_cast %add3A_107 : i32 to index
      %get3A_109 = tpu.vector_load %arg6[%get3A_108] {strides = array<i32>} : memref<10000xi32, #tpu.memory_space<vmem>>, vector<16xi32>,
      %get3A_110 = vector.shape_cast %get3A_109 : vector<16xi32> to vector<16xi32>
      %swap3A_111 = arith.constant 0 : index
      %swap3A_112 = tpu.vector_load %arg10[%swap3A_111] {strides = array<i32>} : memref<80xi32, #tpu.memory_space<vmem>>, vector<16xi32>,
      %swap3A_113 = vector.shape_cast %swap3A_112 : vector<16xi32> to vector<16xi32>
      %swap3A_114 = vector.shape_cast %get3A_110 : vector<16xi32> to vector<16xi32>
      tpu.vector_store %arg10[%swap3A_111], %swap3A_114 {strides = array<i32>} : memref<80xi32, #tpu.memory_space<vmem>>, vector<16xi32>,
      %mul3A_115 = arith.constant 80 : i32
      %mul3A_116 = arith.muli %add3A_103, %mul3A_115 : i32
      %add3A_117 = arith.constant 0 : i32
      %add3A_118 = arith.addi %mul3A_116, %add3A_117 : i32
      %get3A_119 = arith.index_cast %add3A_118 : i32 to index
      %get3A_120 = tpu.vector_load %arg7[%get3A_119] {strides = array<i32>} : memref<10000xi32, #tpu.memory_space<vmem>>, vector<16xi32>,
      %get3A_121 = vector.shape_cast %get3A_120 : vector<16xi32> to vector<16xi32>
      %swap3A_122 = arith.constant 0 : index
      %swap3A_123 = tpu.vector_load %arg11[%swap3A_122] {strides = array<i32>} : memref<80xi32, #tpu.memory_space<vmem>>, vector<16xi32>,
      %swap3A_124 = vector.shape_cast %swap3A_123 : vector<16xi32> to vector<16xi32>
      %swap3A_125 = vector.shape_cast %get3A_121 : vector<16xi32> to vector<16xi32>
      tpu.vector_store %arg11[%swap3A_122], %swap3A_125 {strides = array<i32>} : memref<80xi32, #tpu.memory_space<vmem>>, vector<16xi32>,
      %mul3A_126 = arith.constant 80 : i32
      %mul3A_127 = arith.muli %add3A_103, %mul3A_126 : i32
      %add3A_128 = arith.constant 16 : i32
      %add3A_129 = arith.addi %mul3A_127, %add3A_128 : i32
      %get3A_130 = arith.index_cast %add3A_129 : i32 to index
      %get3A_131 = tpu.vector_load %arg6[%get3A_130] {strides = array<i32>} : memref<10000xi32, #tpu.memory_space<vmem>>, vector<16xi32>,
      %get3A_132 = vector.shape_cast %get3A_131 : vector<16xi32> to vector<16xi32>
      %swap3A_133 = arith.constant 16 : index
      %swap3A_134 = tpu.vector_load %arg10[%swap3A_133] {strides = array<i32>} : memref<80xi32, #tpu.memory_space<vmem>>, vector<16xi32>,
      %swap3A_135 = vector.shape_cast %swap3A_134 : vector<16xi32> to vector<16xi32>
      %swap3A_136 = vector.shape_cast %get3A_132 : vector<16xi32> to vector<16xi32>
      tpu.vector_store %arg10[%swap3A_133], %swap3A_136 {strides = array<i32>} : memref<80xi32, #tpu.memory_space<vmem>>, vector<16xi32>,
      %mul3A_137 = arith.constant 80 : i32
      %mul3A_138 = arith.muli %add3A_103, %mul3A_137 : i32
      %add3A_139 = arith.constant 16 : i32
      %add3A_140 = arith.addi %mul3A_138, %add3A_139 : i32
      %get3A_141 = arith.index_cast %add3A_140 : i32 to index
      %get3A_142 = tpu.vector_load %arg7[%get3A_141] {strides = array<i32>} : memref<10000xi32, #tpu.memory_space<vmem>>, vector<16xi32>,
      %get3A_143 = vector.shape_cast %get3A_142 : vector<16xi32> to vector<16xi32>
      %swap3A_144 = arith.constant 16 : index
      %swap3A_145 = tpu.vector_load %arg11[%swap3A_144] {strides = array<i32>} : memref<80xi32, #tpu.memory_space<vmem>>, vector<16xi32>,
      %swap3A_146 = vector.shape_cast %swap3A_145 : vector<16xi32> to vector<16xi32>
      %swap3A_147 = vector.shape_cast %get3A_143 : vector<16xi32> to vector<16xi32>
      tpu.vector_store %arg11[%swap3A_144], %swap3A_147 {strides = array<i32>} : memref<80xi32, #tpu.memory_space<vmem>>, vector<16xi32>,
      %mul3A_148 = arith.constant 80 : i32
      %mul3A_149 = arith.muli %add3A_103, %mul3A_148 : i32
      %add3A_150 = arith.constant 32 : i32
      %add3A_151 = arith.addi %mul3A_149, %add3A_150 : i32
      %get3A_152 = arith.index_cast %add3A_151 : i32 to index
      %get3A_153 = tpu.vector_load %arg6[%get3A_152] {strides = array<i32>} : memref<10000xi32, #tpu.memory_space<vmem>>, vector<16xi32>,
      %get3A_154 = vector.shape_cast %get3A_153 : vector<16xi32> to vector<16xi32>
      %swap3A_155 = arith.constant 32 : index
      %swap3A_156 = tpu.vector_load %arg10[%swap3A_155] {strides = array<i32>} : memref<80xi32, #tpu.memory_space<vmem>>, vector<16xi32>,
      %swap3A_157 = vector.shape_cast %swap3A_156 : vector<16xi32> to vector<16xi32>
      %swap3A_158 = vector.shape_cast %get3A_154 : vector<16xi32> to vector<16xi32>
      tpu.vector_store %arg10[%swap3A_155], %swap3A_158 {strides = array<i32>} : memref<80xi32, #tpu.memory_space<vmem>>, vector<16xi32>,
      %mul3A_159 = arith.constant 80 : i32
      %mul3A_160 = arith.muli %add3A_103, %mul3A_159 : i32
      %add3A_161 = arith.constant 32 : i32
      %add3A_162 = arith.addi %mul3A_160, %add3A_161 : i32
      %get3A_163 = arith.index_cast %add3A_162 : i32 to index
      %get3A_164 = tpu.vector_load %arg7[%get3A_163] {strides = array<i32>} : memref<10000xi32, #tpu.memory_space<vmem>>, vector<16xi32>,
      %get3A_165 = vector.shape_cast %get3A_164 : vector<16xi32> to vector<16xi32>
      %swap3A_166 = arith.constant 32 : index
      %swap3A_167 = tpu.vector_load %arg11[%swap3A_166] {strides = array<i32>} : memref<80xi32, #tpu.memory_space<vmem>>, vector<16xi32>,
      %swap3A_168 = vector.shape_cast %swap3A_167 : vector<16xi32> to vector<16xi32>
      %swap3A_169 = vector.shape_cast %get3A_165 : vector<16xi32> to vector<16xi32>
      tpu.vector_store %arg11[%swap3A_166], %swap3A_169 {strides = array<i32>} : memref<80xi32, #tpu.memory_space<vmem>>, vector<16xi32>,
      %mul3A_170 = arith.constant 80 : i32
      %mul3A_171 = arith.muli %add3A_103, %mul3A_170 : i32
      %add3A_172 = arith.constant 48 : i32
      %add3A_173 = arith.addi %mul3A_171, %add3A_172 : i32
      %get3A_174 = arith.index_cast %add3A_173 : i32 to index
      %get3A_175 = tpu.vector_load %arg6[%get3A_174] {strides = array<i32>} : memref<10000xi32, #tpu.memory_space<vmem>>, vector<16xi32>,
      %get3A_176 = vector.shape_cast %get3A_175 : vector<16xi32> to vector<16xi32>
      %swap3A_177 = arith.constant 48 : index
      %swap3A_178 = tpu.vector_load %arg10[%swap3A_177] {strides = array<i32>} : memref<80xi32, #tpu.memory_space<vmem>>, vector<16xi32>,
      %swap3A_179 = vector.shape_cast %swap3A_178 : vector<16xi32> to vector<16xi32>
      %swap3A_180 = vector.shape_cast %get3A_176 : vector<16xi32> to vector<16xi32>
      tpu.vector_store %arg10[%swap3A_177], %swap3A_180 {strides = array<i32>} : memref<80xi32, #tpu.memory_space<vmem>>, vector<16xi32>,
      %mul3A_181 = arith.constant 80 : i32
      %mul3A_182 = arith.muli %add3A_103, %mul3A_181 : i32
      %add3A_183 = arith.constant 48 : i32
      %add3A_184 = arith.addi %mul3A_182, %add3A_183 : i32
      %get3A_185 = arith.index_cast %add3A_184 : i32 to index
      %get3A_186 = tpu.vector_load %arg7[%get3A_185] {strides = array<i32>} : memref<10000xi32, #tpu.memory_space<vmem>>, vector<16xi32>,
      %get3A_187 = vector.shape_cast %get3A_186 : vector<16xi32> to vector<16xi32>
      %swap3A_188 = arith.constant 48 : index
      %swap3A_189 = tpu.vector_load %arg11[%swap3A_188] {strides = array<i32>} : memref<80xi32, #tpu.memory_space<vmem>>, vector<16xi32>,
      %swap3A_190 = vector.shape_cast %swap3A_189 : vector<16xi32> to vector<16xi32>
      %swap3A_191 = vector.shape_cast %get3A_187 : vector<16xi32> to vector<16xi32>
      tpu.vector_store %arg11[%swap3A_188], %swap3A_191 {strides = array<i32>} : memref<80xi32, #tpu.memory_space<vmem>>, vector<16xi32>,
      %mul3A_192 = arith.constant 80 : i32
      %mul3A_193 = arith.muli %add3A_103, %mul3A_192 : i32
      %add3A_194 = arith.constant 64 : i32
      %add3A_195 = arith.addi %mul3A_193, %add3A_194 : i32
      %get3A_196 = arith.index_cast %add3A_195 : i32 to index
      %get3A_197 = tpu.vector_load %arg6[%get3A_196] {strides = array<i32>} : memref<10000xi32, #tpu.memory_space<vmem>>, vector<16xi32>,
      %get3A_198 = vector.shape_cast %get3A_197 : vector<16xi32> to vector<16xi32>
      %swap3A_199 = arith.constant 64 : index
      %swap3A_200 = tpu.vector_load %arg10[%swap3A_199] {strides = array<i32>} : memref<80xi32, #tpu.memory_space<vmem>>, vector<16xi32>,
      %swap3A_201 = vector.shape_cast %swap3A_200 : vector<16xi32> to vector<16xi32>
      %swap3A_202 = vector.shape_cast %get3A_198 : vector<16xi32> to vector<16xi32>
      tpu.vector_store %arg10[%swap3A_199], %swap3A_202 {strides = array<i32>} : memref<80xi32, #tpu.memory_space<vmem>>, vector<16xi32>,
      %mul3A_203 = arith.constant 80 : i32
      %mul3A_204 = arith.muli %add3A_103, %mul3A_203 : i32
      %add3A_205 = arith.constant 64 : i32
      %add3A_206 = arith.addi %mul3A_204, %add3A_205 : i32
      %get3A_207 = arith.index_cast %add3A_206 : i32 to index
      %get3A_208 = tpu.vector_load %arg7[%get3A_207] {strides = array<i32>} : memref<10000xi32, #tpu.memory_space<vmem>>, vector<16xi32>,
      %get3A_209 = vector.shape_cast %get3A_208 : vector<16xi32> to vector<16xi32>
      %swap3A_210 = arith.constant 64 : index
      %swap3A_211 = tpu.vector_load %arg11[%swap3A_210] {strides = array<i32>} : memref<80xi32, #tpu.memory_space<vmem>>, vector<16xi32>,
      %swap3A_212 = vector.shape_cast %swap3A_211 : vector<16xi32> to vector<16xi32>
      %swap3A_213 = vector.shape_cast %get3A_209 : vector<16xi32> to vector<16xi32>
      tpu.vector_store %arg11[%swap3A_210], %swap3A_213 {strides = array<i32>} : memref<80xi32, #tpu.memory_space<vmem>>, vector<16xi32>,
      %dma_start3A_214 = arith.constant 0 : i32
      %dma_start3A_215 = arith.constant 0 : i32
      %dma_start3A_216 = tpu.memref_slice %arg2[%dma_start3A_214, %dma_start3A_215] : memref<10000x128xf32, #tpu.memory_space<hbm>> -> memref<10000x128xf32, #tpu.memory_space<hbm>>
      tpu.enqueue_indirect_dma source(%dma_start3A_216 : memref<10000x128xf32, #tpu.memory_space<hbm>>) target(%arg13 : memref<80x128xf32, #tpu.memory_space<vmem>>) offsets(%arg10 : memref<80xi32, #tpu.memory_space<vmem>>) semaphore(%arg17 : memref<!tpu.dma_semaphore, #tpu.memory_space<semaphore_mem>>)
      %dma_wait3A_217 = arith.constant 0 : i32
      %dma_wait3A_218 = arith.constant 0 : i32
      %dma_wait3A_219 = tpu.memref_slice %arg2[%dma_wait3A_217, %dma_wait3A_218] : memref<10000x128xf32, #tpu.memory_space<hbm>> -> memref<80x128xf32, #tpu.memory_space<hbm>>
      %dma_wait3A_220 = arith.constant 0 : i32
      %dma_wait3A_221 = arith.constant 0 : i32
      %dma_wait3A_222 = tpu.memref_slice %arg2[%dma_wait3A_220, %dma_wait3A_221] : memref<10000x128xf32, #tpu.memory_space<hbm>> -> memref<80x128xf32, #tpu.memory_space<hbm>>
      tpu.wait_dma2 semaphore(%arg16 : memref<!tpu.dma_semaphore, #tpu.memory_space<semaphore_mem>>) src(%dma_wait3A_222 : memref<80x128xf32, #tpu.memory_space<hbm>>) dst(%arg12 : memref<80x128xf32, #tpu.memory_space<vmem>>)
      "tpu.region"() ({
        %run_scoped3A = tpu.sem_alloc : memref<!tpu.dma_semaphore, #tpu.memory_space<semaphore_mem>>
        %dma_start3A_235 = arith.constant 0 : i32
        %dma_start3A_236 = arith.constant 0 : i32
        %dma_start3A_237 = tpu.memref_slice %arg15[%dma_start3A_235, %dma_start3A_236] : memref<10240x128xf32, #tpu.memory_space<vmem_shared>> -> memref<10240x128xf32, #tpu.memory_space<vmem_shared>>
        tpu.enqueue_indirect_dma source(%arg12 : memref<80x128xf32, #tpu.memory_space<vmem>>) target(%dma_start3A_237 : memref<10240x128xf32, #tpu.memory_space<vmem_shared>>) offsets(%arg9 : memref<80xi32, #tpu.memory_space<vmem>>) semaphore(%run_scoped3A : memref<!tpu.dma_semaphore, #tpu.memory_space<semaphore_mem>>) {add = true}
        %dma_wait3A_238 = arith.constant 0 : i32
        %dma_wait3A_239 = arith.constant 0 : i32
        %dma_wait3A_240 = tpu.memref_slice %arg15[%dma_wait3A_238, %dma_wait3A_239] : memref<10240x128xf32, #tpu.memory_space<vmem_shared>> -> memref<10240x128xf32, #tpu.memory_space<vmem_shared>>
        tpu.wait_indirect_dma semaphore(%run_scoped3A : memref<!tpu.dma_semaphore, #tpu.memory_space<semaphore_mem>>) src(%arg12 : memref<80x128xf32, #tpu.memory_space<vmem>>) dst(%dma_wait3A_240 : memref<10240x128xf32, #tpu.memory_space<vmem_shared>>)
        tpu.yield
      }) : () -> ()
      %mul3A_223 = arith.constant 2 : i32
      %mul3A_224 = arith.muli %mul3A_223, %scan3A_99 : i32
      %add3A_225 = arith.constant 2 : i32
      %add3A_226 = arith.addi %mul3A_224, %add3A_225 : i32
      %lt3A = arith.constant 125 : i32
      %lt3A_227 = arith.cmpi slt, %add3A_226, %lt3A : i32
      %convert_element_type3A = arith.extui %lt3A_227 : i1 to i32
      %cond3A = arith.constant 0 : i32
      %cond3A_228 = arith.cmpi ne, %convert_element_type3A, %cond3A : i32
      scf.if %cond3A_228 {
        %mul3A_235 = arith.constant 80 : i32
        %mul3A_236 = arith.muli %add3A_226, %mul3A_235 : i32
        %add3A_237 = arith.constant 0 : i32
        %add3A_238 = arith.addi %mul3A_236, %add3A_237 : i32
        %get3A_239 = arith.index_cast %add3A_238 : i32 to index
        %get3A_240 = tpu.vector_load %arg6[%get3A_239] {strides = array<i32>} : memref<10000xi32, #tpu.memory_space<vmem>>, vector<16xi32>,
        %get3A_241 = vector.shape_cast %get3A_240 : vector<16xi32> to vector<16xi32>
        %swap3A_242 = arith.constant 0 : index
        %swap3A_243 = tpu.vector_load %arg8[%swap3A_242] {strides = array<i32>} : memref<80xi32, #tpu.memory_space<vmem>>, vector<16xi32>,
        %swap3A_244 = vector.shape_cast %swap3A_243 : vector<16xi32> to vector<16xi32>
        %swap3A_245 = vector.shape_cast %get3A_241 : vector<16xi32> to vector<16xi32>
        tpu.vector_store %arg8[%swap3A_242], %swap3A_245 {strides = array<i32>} : memref<80xi32, #tpu.memory_space<vmem>>, vector<16xi32>,
        %mul3A_246 = arith.constant 80 : i32
        %mul3A_247 = arith.muli %add3A_226, %mul3A_246 : i32
        %add3A_248 = arith.constant 0 : i32
        %add3A_249 = arith.addi %mul3A_247, %add3A_248 : i32
        %get3A_250 = arith.index_cast %add3A_249 : i32 to index
        %get3A_251 = tpu.vector_load %arg7[%get3A_250] {strides = array<i32>} : memref<10000xi32, #tpu.memory_space<vmem>>, vector<16xi32>,
        %get3A_252 = vector.shape_cast %get3A_251 : vector<16xi32> to vector<16xi32>
        %swap3A_253 = arith.constant 0 : index
        %swap3A_254 = tpu.vector_load %arg9[%swap3A_253] {strides = array<i32>} : memref<80xi32, #tpu.memory_space<vmem>>, vector<16xi32>,
        %swap3A_255 = vector.shape_cast %swap3A_254 : vector<16xi32> to vector<16xi32>
        %swap3A_256 = vector.shape_cast %get3A_252 : vector<16xi32> to vector<16xi32>
        tpu.vector_store %arg9[%swap3A_253], %swap3A_256 {strides = array<i32>} : memref<80xi32, #tpu.memory_space<vmem>>, vector<16xi32>,
        %mul3A_257 = arith.constant 80 : i32
        %mul3A_258 = arith.muli %add3A_226, %mul3A_257 : i32
        %add3A_259 = arith.constant 16 : i32
        %add3A_260 = arith.addi %mul3A_258, %add3A_259 : i32
        %get3A_261 = arith.index_cast %add3A_260 : i32 to index
        %get3A_262 = tpu.vector_load %arg6[%get3A_261] {strides = array<i32>} : memref<10000xi32, #tpu.memory_space<vmem>>, vector<16xi32>,
        %get3A_263 = vector.shape_cast %get3A_262 : vector<16xi32> to vector<16xi32>
        %swap3A_264 = arith.constant 16 : index
        %swap3A_265 = tpu.vector_load %arg8[%swap3A_264] {strides = array<i32>} : memref<80xi32, #tpu.memory_space<vmem>>, vector<16xi32>,
        %swap3A_266 = vector.shape_cast %swap3A_265 : vector<16xi32> to vector<16xi32>
        %swap3A_267 = vector.shape_cast %get3A_263 : vector<16xi32> to vector<16xi32>
        tpu.vector_store %arg8[%swap3A_264], %swap3A_267 {strides = array<i32>} : memref<80xi32, #tpu.memory_space<vmem>>, vector<16xi32>,
        %mul3A_268 = arith.constant 80 : i32
        %mul3A_269 = arith.muli %add3A_226, %mul3A_268 : i32
        %add3A_270 = arith.constant 16 : i32
        %add3A_271 = arith.addi %mul3A_269, %add3A_270 : i32
        %get3A_272 = arith.index_cast %add3A_271 : i32 to index
        %get3A_273 = tpu.vector_load %arg7[%get3A_272] {strides = array<i32>} : memref<10000xi32, #tpu.memory_space<vmem>>, vector<16xi32>,
        %get3A_274 = vector.shape_cast %get3A_273 : vector<16xi32> to vector<16xi32>
        %swap3A_275 = arith.constant 16 : index
        %swap3A_276 = tpu.vector_load %arg9[%swap3A_275] {strides = array<i32>} : memref<80xi32, #tpu.memory_space<vmem>>, vector<16xi32>,
        %swap3A_277 = vector.shape_cast %swap3A_276 : vector<16xi32> to vector<16xi32>
        %swap3A_278 = vector.shape_cast %get3A_274 : vector<16xi32> to vector<16xi32>
        tpu.vector_store %arg9[%swap3A_275], %swap3A_278 {strides = array<i32>} : memref<80xi32, #tpu.memory_space<vmem>>, vector<16xi32>,
        %mul3A_279 = arith.constant 80 : i32
        %mul3A_280 = arith.muli %add3A_226, %mul3A_279 : i32
        %add3A_281 = arith.constant 32 : i32
        %add3A_282 = arith.addi %mul3A_280, %add3A_281 : i32
        %get3A_283 = arith.index_cast %add3A_282 : i32 to index
        %get3A_284 = tpu.vector_load %arg6[%get3A_283] {strides = array<i32>} : memref<10000xi32, #tpu.memory_space<vmem>>, vector<16xi32>,
        %get3A_285 = vector.shape_cast %get3A_284 : vector<16xi32> to vector<16xi32>
        %swap3A_286 = arith.constant 32 : index
        %swap3A_287 = tpu.vector_load %arg8[%swap3A_286] {strides = array<i32>} : memref<80xi32, #tpu.memory_space<vmem>>, vector<16xi32>,
        %swap3A_288 = vector.shape_cast %swap3A_287 : vector<16xi32> to vector<16xi32>
        %swap3A_289 = vector.shape_cast %get3A_285 : vector<16xi32> to vector<16xi32>
        tpu.vector_store %arg8[%swap3A_286], %swap3A_289 {strides = array<i32>} : memref<80xi32, #tpu.memory_space<vmem>>, vector<16xi32>,
        %mul3A_290 = arith.constant 80 : i32
        %mul3A_291 = arith.muli %add3A_226, %mul3A_290 : i32
        %add3A_292 = arith.constant 32 : i32
        %add3A_293 = arith.addi %mul3A_291, %add3A_292 : i32
        %get3A_294 = arith.index_cast %add3A_293 : i32 to index
        %get3A_295 = tpu.vector_load %arg7[%get3A_294] {strides = array<i32>} : memref<10000xi32, #tpu.memory_space<vmem>>, vector<16xi32>,
        %get3A_296 = vector.shape_cast %get3A_295 : vector<16xi32> to vector<16xi32>
        %swap3A_297 = arith.constant 32 : index
        %swap3A_298 = tpu.vector_load %arg9[%swap3A_297] {strides = array<i32>} : memref<80xi32, #tpu.memory_space<vmem>>, vector<16xi32>,
        %swap3A_299 = vector.shape_cast %swap3A_298 : vector<16xi32> to vector<16xi32>
        %swap3A_300 = vector.shape_cast %get3A_296 : vector<16xi32> to vector<16xi32>
        tpu.vector_store %arg9[%swap3A_297], %swap3A_300 {strides = array<i32>} : memref<80xi32, #tpu.memory_space<vmem>>, vector<16xi32>,
        %mul3A_301 = arith.constant 80 : i32
        %mul3A_302 = arith.muli %add3A_226, %mul3A_301 : i32
        %add3A_303 = arith.constant 48 : i32
        %add3A_304 = arith.addi %mul3A_302, %add3A_303 : i32
        %get3A_305 = arith.index_cast %add3A_304 : i32 to index
        %get3A_306 = tpu.vector_load %arg6[%get3A_305] {strides = array<i32>} : memref<10000xi32, #tpu.memory_space<vmem>>, vector<16xi32>,
        %get3A_307 = vector.shape_cast %get3A_306 : vector<16xi32> to vector<16xi32>
        %swap3A_308 = arith.constant 48 : index
        %swap3A_309 = tpu.vector_load %arg8[%swap3A_308] {strides = array<i32>} : memref<80xi32, #tpu.memory_space<vmem>>, vector<16xi32>,
        %swap3A_310 = vector.shape_cast %swap3A_309 : vector<16xi32> to vector<16xi32>
        %swap3A_311 = vector.shape_cast %get3A_307 : vector<16xi32> to vector<16xi32>
        tpu.vector_store %arg8[%swap3A_308], %swap3A_311 {strides = array<i32>} : memref<80xi32, #tpu.memory_space<vmem>>, vector<16xi32>,
        %mul3A_312 = arith.constant 80 : i32
        %mul3A_313 = arith.muli %add3A_226, %mul3A_312 : i32
        %add3A_314 = arith.constant 48 : i32
        %add3A_315 = arith.addi %mul3A_313, %add3A_314 : i32
        %get3A_316 = arith.index_cast %add3A_315 : i32 to index
        %get3A_317 = tpu.vector_load %arg7[%get3A_316] {strides = array<i32>} : memref<10000xi32, #tpu.memory_space<vmem>>, vector<16xi32>,
        %get3A_318 = vector.shape_cast %get3A_317 : vector<16xi32> to vector<16xi32>
        %swap3A_319 = arith.constant 48 : index
        %swap3A_320 = tpu.vector_load %arg9[%swap3A_319] {strides = array<i32>} : memref<80xi32, #tpu.memory_space<vmem>>, vector<16xi32>,
        %swap3A_321 = vector.shape_cast %swap3A_320 : vector<16xi32> to vector<16xi32>
        %swap3A_322 = vector.shape_cast %get3A_318 : vector<16xi32> to vector<16xi32>
        tpu.vector_store %arg9[%swap3A_319], %swap3A_322 {strides = array<i32>} : memref<80xi32, #tpu.memory_space<vmem>>, vector<16xi32>,
        %mul3A_323 = arith.constant 80 : i32
        %mul3A_324 = arith.muli %add3A_226, %mul3A_323 : i32
        %add3A_325 = arith.constant 64 : i32
        %add3A_326 = arith.addi %mul3A_324, %add3A_325 : i32
        %get3A_327 = arith.index_cast %add3A_326 : i32 to index
        %get3A_328 = tpu.vector_load %arg6[%get3A_327] {strides = array<i32>} : memref<10000xi32, #tpu.memory_space<vmem>>, vector<16xi32>,
        %get3A_329 = vector.shape_cast %get3A_328 : vector<16xi32> to vector<16xi32>
        %swap3A_330 = arith.constant 64 : index
        %swap3A_331 = tpu.vector_load %arg8[%swap3A_330] {strides = array<i32>} : memref<80xi32, #tpu.memory_space<vmem>>, vector<16xi32>,
        %swap3A_332 = vector.shape_cast %swap3A_331 : vector<16xi32> to vector<16xi32>
        %swap3A_333 = vector.shape_cast %get3A_329 : vector<16xi32> to vector<16xi32>
        tpu.vector_store %arg8[%swap3A_330], %swap3A_333 {strides = array<i32>} : memref<80xi32, #tpu.memory_space<vmem>>, vector<16xi32>,
        %mul3A_334 = arith.constant 80 : i32
        %mul3A_335 = arith.muli %add3A_226, %mul3A_334 : i32
        %add3A_336 = arith.constant 64 : i32
        %add3A_337 = arith.addi %mul3A_335, %add3A_336 : i32
        %get3A_338 = arith.index_cast %add3A_337 : i32 to index
        %get3A_339 = tpu.vector_load %arg7[%get3A_338] {strides = array<i32>} : memref<10000xi32, #tpu.memory_space<vmem>>, vector<16xi32>,
        %get3A_340 = vector.shape_cast %get3A_339 : vector<16xi32> to vector<16xi32>
        %swap3A_341 = arith.constant 64 : index
        %swap3A_342 = tpu.vector_load %arg9[%swap3A_341] {strides = array<i32>} : memref<80xi32, #tpu.memory_space<vmem>>, vector<16xi32>,
        %swap3A_343 = vector.shape_cast %swap3A_342 : vector<16xi32> to vector<16xi32>
        %swap3A_344 = vector.shape_cast %get3A_340 : vector<16xi32> to vector<16xi32>
        tpu.vector_store %arg9[%swap3A_341], %swap3A_344 {strides = array<i32>} : memref<80xi32, #tpu.memory_space<vmem>>, vector<16xi32>,
        %dma_start3A_345 = arith.constant 0 : i32
        %dma_start3A_346 = arith.constant 0 : i32
        %dma_start3A_347 = tpu.memref_slice %arg2[%dma_start3A_345, %dma_start3A_346] : memref<10000x128xf32, #tpu.memory_space<hbm>> -> memref<10000x128xf32, #tpu.memory_space<hbm>>
        tpu.enqueue_indirect_dma source(%dma_start3A_347 : memref<10000x128xf32, #tpu.memory_space<hbm>>) target(%arg12 : memref<80x128xf32, #tpu.memory_space<vmem>>) offsets(%arg8 : memref<80xi32, #tpu.memory_space<vmem>>) semaphore(%arg16 : memref<!tpu.dma_semaphore, #tpu.memory_space<semaphore_mem>>)
      } else {
      }
      %dma_wait3A_229 = arith.constant 0 : i32
      %dma_wait3A_230 = arith.constant 0 : i32
      %dma_wait3A_231 = tpu.memref_slice %arg2[%dma_wait3A_229, %dma_wait3A_230] : memref<10000x128xf32, #tpu.memory_space<hbm>> -> memref<80x128xf32, #tpu.memory_space<hbm>>
      %dma_wait3A_232 = arith.constant 0 : i32
      %dma_wait3A_233 = arith.constant 0 : i32
      %dma_wait3A_234 = tpu.memref_slice %arg2[%dma_wait3A_232, %dma_wait3A_233] : memref<10000x128xf32, #tpu.memory_space<hbm>> -> memref<80x128xf32, #tpu.memory_space<hbm>>
      tpu.wait_dma2 semaphore(%arg17 : memref<!tpu.dma_semaphore, #tpu.memory_space<semaphore_mem>>) src(%dma_wait3A_234 : memref<80x128xf32, #tpu.memory_space<hbm>>) dst(%arg13 : memref<80x128xf32, #tpu.memory_space<vmem>>)
      "tpu.region"() ({
        %run_scoped3A = tpu.sem_alloc : memref<!tpu.dma_semaphore, #tpu.memory_space<semaphore_mem>>
        %dma_start3A_235 = arith.constant 0 : i32
        %dma_start3A_236 = arith.constant 0 : i32
        %dma_start3A_237 = tpu.memref_slice %arg15[%dma_start3A_235, %dma_start3A_236] : memref<10240x128xf32, #tpu.memory_space<vmem_shared>> -> memref<10240x128xf32, #tpu.memory_space<vmem_shared>>
        tpu.enqueue_indirect_dma source(%arg13 : memref<80x128xf32, #tpu.memory_space<vmem>>) target(%dma_start3A_237 : memref<10240x128xf32, #tpu.memory_space<vmem_shared>>) offsets(%arg11 : memref<80xi32, #tpu.memory_space<vmem>>) semaphore(%run_scoped3A : memref<!tpu.dma_semaphore, #tpu.memory_space<semaphore_mem>>) {add = true}
        %dma_wait3A_238 = arith.constant 0 : i32
        %dma_wait3A_239 = arith.constant 0 : i32
        %dma_wait3A_240 = tpu.memref_slice %arg15[%dma_wait3A_238, %dma_wait3A_239] : memref<10240x128xf32, #tpu.memory_space<vmem_shared>> -> memref<10240x128xf32, #tpu.memory_space<vmem_shared>>
        tpu.wait_indirect_dma semaphore(%run_scoped3A : memref<!tpu.dma_semaphore, #tpu.memory_space<semaphore_mem>>) src(%arg13 : memref<80x128xf32, #tpu.memory_space<vmem>>) dst(%dma_wait3A_240 : memref<10240x128xf32, #tpu.memory_space<vmem_shared>>)
        tpu.yield
      }) : () -> ()
    }
    %scan3A_92 = arith.constant 62 : i32
    %dma_wait3A = arith.constant 0 : i32
    %dma_wait3A_93 = arith.constant 0 : i32
    %dma_wait3A_94 = tpu.memref_slice %arg2[%dma_wait3A, %dma_wait3A_93] : memref<10000x128xf32, #tpu.memory_space<hbm>> -> memref<80x128xf32, #tpu.memory_space<hbm>>
    %dma_wait3A_95 = arith.constant 0 : i32
    %dma_wait3A_96 = arith.constant 0 : i32
    %dma_wait3A_97 = tpu.memref_slice %arg2[%dma_wait3A_95, %dma_wait3A_96] : memref<10000x128xf32, #tpu.memory_space<hbm>> -> memref<80x128xf32, #tpu.memory_space<hbm>>
    tpu.wait_dma2 semaphore(%arg16 : memref<!tpu.dma_semaphore, #tpu.memory_space<semaphore_mem>>) src(%dma_wait3A_97 : memref<80x128xf32, #tpu.memory_space<hbm>>) dst(%arg12 : memref<80x128xf32, #tpu.memory_space<vmem>>)
    "tpu.region"() ({
      %run_scoped3A = tpu.sem_alloc : memref<!tpu.dma_semaphore, #tpu.memory_space<semaphore_mem>>
      %dma_start3A_99 = arith.constant 0 : i32
      %dma_start3A_100 = arith.constant 0 : i32
      %dma_start3A_101 = tpu.memref_slice %arg15[%dma_start3A_99, %dma_start3A_100] : memref<10240x128xf32, #tpu.memory_space<vmem_shared>> -> memref<10240x128xf32, #tpu.memory_space<vmem_shared>>
      tpu.enqueue_indirect_dma source(%arg12 : memref<80x128xf32, #tpu.memory_space<vmem>>) target(%dma_start3A_101 : memref<10240x128xf32, #tpu.memory_space<vmem_shared>>) offsets(%arg9 : memref<80xi32, #tpu.memory_space<vmem>>) semaphore(%run_scoped3A : memref<!tpu.dma_semaphore, #tpu.memory_space<semaphore_mem>>) {add = true}
      %dma_wait3A_102 = arith.constant 0 : i32
      %dma_wait3A_103 = arith.constant 0 : i32
      %dma_wait3A_104 = tpu.memref_slice %arg15[%dma_wait3A_102, %dma_wait3A_103] : memref<10240x128xf32, #tpu.memory_space<vmem_shared>> -> memref<10240x128xf32, #tpu.memory_space<vmem_shared>>
      tpu.wait_indirect_dma semaphore(%run_scoped3A : memref<!tpu.dma_semaphore, #tpu.memory_space<semaphore_mem>>) src(%arg12 : memref<80x128xf32, #tpu.memory_space<vmem>>) dst(%dma_wait3A_104 : memref<10240x128xf32, #tpu.memory_space<vmem_shared>>)
      tpu.yield
    }) : () -> ()
    %barrier3A_98 = arith.constant 0 : index
    tpu.barrier barrier_id(%barrier3A_98)
    "tpu.region"() ({
      %run_scoped3A = tpu.sem_alloc : memref<!tpu.dma_semaphore, #tpu.memory_space<semaphore_mem>>
      %dma_start3A_99 = arith.constant 0 : i32
      %dma_start3A_100 = tpu.memref_slice %arg5[%arg0, %mul3A_80, %dma_start3A_99] : memref<2x10240x128xf32, #tpu.memory_space<hbm>> -> memref<1x640x128xf32, #tpu.memory_space<hbm>>
      %dma_start3A_101 = tpu.memref_squeeze %dma_start3A_100 : memref<1x640x128xf32, #tpu.memory_space<hbm>> -> memref<640x128xf32, #tpu.memory_space<hbm>>
      %dma_start3A_102 = arith.constant 0 : i32
      %dma_start3A_103 = tpu.memref_slice %arg15[%mul3A_80, %dma_start3A_102] : memref<10240x128xf32, #tpu.memory_space<vmem_shared>> -> memref<640x128xf32, #tpu.memory_space<vmem_shared>>
      tpu.enqueue_dma source(%dma_start3A_103 : memref<640x128xf32, #tpu.memory_space<vmem_shared>>) target(%dma_start3A_101 : memref<640x128xf32, #tpu.memory_space<hbm>>) target_semaphore(%run_scoped3A : memref<!tpu.dma_semaphore, #tpu.memory_space<semaphore_mem>>)
      %dma_wait3A_104 = arith.constant 0 : i32
      %dma_wait3A_105 = tpu.memref_slice %arg5[%arg0, %mul3A_80, %dma_wait3A_104] : memref<2x10240x128xf32, #tpu.memory_space<hbm>> -> memref<1x640x128xf32, #tpu.memory_space<hbm>>
      %dma_wait3A_106 = tpu.memref_squeeze %dma_wait3A_105 : memref<1x640x128xf32, #tpu.memory_space<hbm>> -> memref<640x128xf32, #tpu.memory_space<hbm>>
      %dma_wait3A_107 = arith.constant 0 : i32
      %dma_wait3A_108 = tpu.memref_slice %arg15[%mul3A_80, %dma_wait3A_107] : memref<10240x128xf32, #tpu.memory_space<vmem_shared>> -> memref<640x128xf32, #tpu.memory_space<vmem_shared>>
      tpu.wait_dma2 semaphore(%run_scoped3A : memref<!tpu.dma_semaphore, #tpu.memory_space<semaphore_mem>>) src(%dma_wait3A_108 : memref<640x128xf32, #tpu.memory_space<vmem_shared>>) dst(%dma_wait3A_106 : memref<640x128xf32, #tpu.memory_space<hbm>>)
      tpu.yield
    }) : () -> ()
    return
  }
}

#map = affine_map<(d0, d1) -> (0, 0)>
#map1 = affine_map<(d0, d1) -> (0)>
#map2 = affine_map<(d0, d1) -> (0, 0, 0)>
module attributes {stable_mosaic.version = 14 : i64} {
  func.func @_sc_agg_body(%arg0: i32, %arg1: i32, %arg2: memref<10000x128xf32, #tpu.memory_space<hbm>>, %arg3: memref<320000xi32, #tpu.memory_space<hbm>>, %arg4: memref<320000xi32, #tpu.memory_space<hbm>>, %arg5: memref<2x10240x128xf32, #tpu.memory_space<hbm>>, %arg6: memref<10000xi32, #tpu.memory_space<vmem>>, %arg7: memref<10000xi32, #tpu.memory_space<vmem>>, %arg8: memref<80xi32, #tpu.memory_space<vmem>>, %arg9: memref<80xi32, #tpu.memory_space<vmem>>, %arg10: memref<80xi32, #tpu.memory_space<vmem>>, %arg11: memref<80xi32, #tpu.memory_space<vmem>>, %arg12: memref<80x128xf32, #tpu.memory_space<vmem>>, %arg13: memref<80x128xf32, #tpu.memory_space<vmem>>, %arg14: memref<32x128xf32, #tpu.memory_space<vmem>>, %arg15: memref<10240x128xf32, #tpu.memory_space<vmem_shared>>, %arg16: memref<!tpu.dma_semaphore, #tpu.memory_space<semaphore_mem>>, %arg17: memref<!tpu.dma_semaphore, #tpu.memory_space<semaphore_mem>>) attributes {dimension_semantics = [#tpu.dimension_semantics<core_parallel>, #tpu.dimension_semantics<subcore_parallel>], iteration_bounds = array<i64: 2, 16>, scalar_prefetch = 0 : i64, scratch_operands = 12 : i64, tpu.core_type = #tpu.core_type<sc_vector_subcore>, window_params = [{transform_indices = #map}, {transform_indices = #map1}, {transform_indices = #map1}, {transform_indices = #map2}]} {
    %mul3A = arith.constant 16 : i32
    %mul3A_0 = arith.muli %arg0, %mul3A : i32
    %add3A = arith.addi %mul3A_0, %arg1 : i32
    %mul3A_1 = arith.constant 10000 : i32
    %mul3A_2 = arith.muli %add3A, %mul3A_1 : i32
    "tpu.region"() ({
      %run_scoped3A = tpu.sem_alloc : memref<!tpu.dma_semaphore, #tpu.memory_space<semaphore_mem>>
      %dma_start3A_99 = tpu.memref_slice %arg3[%mul3A_2] : memref<320000xi32, #tpu.memory_space<hbm>> -> memref<10000xi32, #tpu.memory_space<hbm>>
      %dma_start3A_100 = tpu.memref_slice %arg3[%mul3A_2] : memref<320000xi32, #tpu.memory_space<hbm>> -> memref<10000xi32, #tpu.memory_space<hbm>>
      tpu.enqueue_dma source(%dma_start3A_100 : memref<10000xi32, #tpu.memory_space<hbm>>) target(%arg6 : memref<10000xi32, #tpu.memory_space<vmem>>) target_semaphore(%run_scoped3A : memref<!tpu.dma_semaphore, #tpu.memory_space<semaphore_mem>>)
      %dma_wait3A_101 = tpu.memref_slice %arg3[%mul3A_2] : memref<320000xi32, #tpu.memory_space<hbm>> -> memref<10000xi32, #tpu.memory_space<hbm>>
      %dma_wait3A_102 = tpu.memref_slice %arg3[%mul3A_2] : memref<320000xi32, #tpu.memory_space<hbm>> -> memref<10000xi32, #tpu.memory_space<hbm>>
      tpu.wait_dma2 semaphore(%run_scoped3A : memref<!tpu.dma_semaphore, #tpu.memory_space<semaphore_mem>>) src(%dma_wait3A_102 : memref<10000xi32, #tpu.memory_space<hbm>>) dst(%arg6 : memref<10000xi32, #tpu.memory_space<vmem>>)
      tpu.yield
    }) : () -> ()
    "tpu.region"() ({
      %run_scoped3A = tpu.sem_alloc : memref<!tpu.dma_semaphore, #tpu.memory_space<semaphore_mem>>
      %dma_start3A_99 = tpu.memref_slice %arg4[%mul3A_2] : memref<320000xi32, #tpu.memory_space<hbm>> -> memref<10000xi32, #tpu.memory_space<hbm>>
      %dma_start3A_100 = tpu.memref_slice %arg4[%mul3A_2] : memref<320000xi32, #tpu.memory_space<hbm>> -> memref<10000xi32, #tpu.memory_space<hbm>>
      tpu.enqueue_dma source(%dma_start3A_100 : memref<10000xi32, #tpu.memory_space<hbm>>) target(%arg7 : memref<10000xi32, #tpu.memory_space<vmem>>) target_semaphore(%run_scoped3A : memref<!tpu.dma_semaphore, #tpu.memory_space<semaphore_mem>>)
      %dma_wait3A_101 = tpu.memref_slice %arg4[%mul3A_2] : memref<320000xi32, #tpu.memory_space<hbm>> -> memref<10000xi32, #tpu.memory_space<hbm>>
      %dma_wait3A_102 = tpu.memref_slice %arg4[%mul3A_2] : memref<320000xi32, #tpu.memory_space<hbm>> -> memref<10000xi32, #tpu.memory_space<hbm>>
      tpu.wait_dma2 semaphore(%run_scoped3A : memref<!tpu.dma_semaphore, #tpu.memory_space<semaphore_mem>>) src(%dma_wait3A_102 : memref<10000xi32, #tpu.memory_space<hbm>>) dst(%arg7 : memref<10000xi32, #tpu.memory_space<vmem>>)
      tpu.yield
    }) : () -> ()
    %broadcast_in_dim3A = arith.constant 0.000000e+00 : f32
    %broadcast_in_dim3A_3 = vector.broadcast %broadcast_in_dim3A : f32 to vector<16xf32>
    %scan3A = arith.constant 0 : i32
    %scan3A_4 = arith.constant 0 : i32
    %scan3A_5 = arith.constant 256 : i32
    %scan3A_6 = arith.addi %scan3A_4, %scan3A_5 : i32
    %scan3A_7 = arith.constant 1 : i32
    scf.for %scan3A_99 = %scan3A_4 to %scan3A_6 step %scan3A_7  : i32 {
      %jit3A = arith.constant 8 : i32
      %div3A = arith.divsi %scan3A_99, %jit3A : i32
      %sign3A = arith.constant 0 : i32
      %sign3A_100 = arith.cmpi sgt, %scan3A_99, %sign3A : i32
      %sign3A_101 = arith.extui %sign3A_100 : i1 to i32
      %sign3A_102 = arith.constant 0 : i32
      %sign3A_103 = arith.cmpi slt, %scan3A_99, %sign3A_102 : i32
      %sign3A_104 = arith.extui %sign3A_103 : i1 to i32
      %sign3A_105 = arith.subi %sign3A_101, %sign3A_104 : i32
      %sign3A_106 = arith.constant 0 : i32
      %sign3A_107 = arith.cmpi sgt, %jit3A, %sign3A_106 : i32
      %sign3A_108 = arith.extui %sign3A_107 : i1 to i32
      %sign3A_109 = arith.constant 0 : i32
      %sign3A_110 = arith.cmpi slt, %jit3A, %sign3A_109 : i32
      %sign3A_111 = arith.extui %sign3A_110 : i1 to i32
      %sign3A_112 = arith.subi %sign3A_108, %sign3A_111 : i32
      %ne3A = arith.cmpi ne, %sign3A_105, %sign3A_112 : i32
      %rem3A = arith.remsi %scan3A_99, %jit3A : i32
      %ne3A_113 = arith.constant 0 : i32
      %ne3A_114 = arith.cmpi ne, %rem3A, %ne3A_113 : i32
      %and3A = arith.andi %ne3A, %ne3A_114 : i1
      %sub3A = arith.constant 1 : i32
      %sub3A_115 = arith.subi %div3A, %sub3A : i32
      %select_n3A = arith.select %and3A, %sub3A_115, %div3A : i32
      %jit3A_116 = arith.constant 8 : i32
      %eq3A = arith.constant 0 : i32
      %eq3A_117 = arith.cmpi eq, %jit3A_116, %eq3A : i32
      %jit3A_118 = arith.constant 1 : i32
      %select_n3A_119 = arith.select %eq3A_117, %jit3A_118, %jit3A_116 : i32
      %rem3A_120 = arith.remsi %scan3A_99, %select_n3A_119 : i32
      %ne3A_121 = arith.constant 0 : i32
      %ne3A_122 = arith.cmpi ne, %rem3A_120, %ne3A_121 : i32
      %lt3A = arith.constant 0 : i32
      %lt3A_123 = arith.cmpi slt, %rem3A_120, %lt3A : i32
      %lt3A_124 = arith.constant 0 : i32
      %lt3A_125 = arith.cmpi slt, %select_n3A_119, %lt3A_124 : i32
      %ne3A_126 = arith.xori %lt3A_123, %lt3A_125 : i1
      %and3A_127 = arith.andi %ne3A_126, %ne3A_122 : i1
      %add3A_128 = arith.addi %rem3A_120, %select_n3A_119 : i32
      %select_n3A_129 = arith.select %and3A_127, %add3A_128, %rem3A_120 : i32
      %mul3A_130 = arith.constant 16 : i32
      %mul3A_131 = arith.muli %select_n3A_129, %mul3A_130 : i32
      %swap3A_132 = arith.index_cast %select_n3A : i32 to index
      %swap3A_133 = arith.index_cast %mul3A_131 : i32 to index
      %swap3A_134 = tpu.vector_load %arg14[%swap3A_132, %swap3A_133] {strides = array<i32>} : memref<32x128xf32, #tpu.memory_space<vmem>>, vector<1x16xf32>,
      %swap3A_135 = vector.shape_cast %swap3A_134 : vector<1x16xf32> to vector<16xf32>
      %swap3A_136 = vector.shape_cast %broadcast_in_dim3A_3 : vector<16xf32> to vector<1x16xf32>
      tpu.vector_store %arg14[%swap3A_132, %swap3A_133], %swap3A_136 {strides = array<i32>} : memref<32x128xf32, #tpu.memory_space<vmem>>, vector<1x16xf32>,
    }
    %scan3A_8 = arith.constant 256 : i32
    %get3A = arith.constant 0 : index
    %get3A_9 = tpu.vector_load %arg6[%get3A] {strides = array<i32>} : memref<10000xi32, #tpu.memory_space<vmem>>, vector<16xi32>,
    %get3A_10 = vector.shape_cast %get3A_9 : vector<16xi32> to vector<16xi32>
    %swap3A = arith.constant 0 : index
    %swap3A_11 = tpu.vector_load %arg8[%swap3A] {strides = array<i32>} : memref<80xi32, #tpu.memory_space<vmem>>, vector<16xi32>,
    %swap3A_12 = vector.shape_cast %swap3A_11 : vector<16xi32> to vector<16xi32>
    %swap3A_13 = vector.shape_cast %get3A_10 : vector<16xi32> to vector<16xi32>
    tpu.vector_store %arg8[%swap3A], %swap3A_13 {strides = array<i32>} : memref<80xi32, #tpu.memory_space<vmem>>, vector<16xi32>,
    %get3A_14 = arith.constant 0 : index
    %get3A_15 = tpu.vector_load %arg7[%get3A_14] {strides = array<i32>} : memref<10000xi32, #tpu.memory_space<vmem>>, vector<16xi32>,
    %get3A_16 = vector.shape_cast %get3A_15 : vector<16xi32> to vector<16xi32>
    %swap3A_17 = arith.constant 0 : index
    %swap3A_18 = tpu.vector_load %arg9[%swap3A_17] {strides = array<i32>} : memref<80xi32, #tpu.memory_space<vmem>>, vector<16xi32>,
    %swap3A_19 = vector.shape_cast %swap3A_18 : vector<16xi32> to vector<16xi32>
    %swap3A_20 = vector.shape_cast %get3A_16 : vector<16xi32> to vector<16xi32>
    tpu.vector_store %arg9[%swap3A_17], %swap3A_20 {strides = array<i32>} : memref<80xi32, #tpu.memory_space<vmem>>, vector<16xi32>,
    %get3A_21 = arith.constant 16 : index
    %get3A_22 = tpu.vector_load %arg6[%get3A_21] {strides = array<i32>} : memref<10000xi32, #tpu.memory_space<vmem>>, vector<16xi32>,
    %get3A_23 = vector.shape_cast %get3A_22 : vector<16xi32> to vector<16xi32>
    %swap3A_24 = arith.constant 16 : index
    %swap3A_25 = tpu.vector_load %arg8[%swap3A_24] {strides = array<i32>} : memref<80xi32, #tpu.memory_space<vmem>>, vector<16xi32>,
    %swap3A_26 = vector.shape_cast %swap3A_25 : vector<16xi32> to vector<16xi32>
    %swap3A_27 = vector.shape_cast %get3A_23 : vector<16xi32> to vector<16xi32>
    tpu.vector_store %arg8[%swap3A_24], %swap3A_27 {strides = array<i32>} : memref<80xi32, #tpu.memory_space<vmem>>, vector<16xi32>,
    %get3A_28 = arith.constant 16 : index
    %get3A_29 = tpu.vector_load %arg7[%get3A_28] {strides = array<i32>} : memref<10000xi32, #tpu.memory_space<vmem>>, vector<16xi32>,
    %get3A_30 = vector.shape_cast %get3A_29 : vector<16xi32> to vector<16xi32>
    %swap3A_31 = arith.constant 16 : index
    %swap3A_32 = tpu.vector_load %arg9[%swap3A_31] {strides = array<i32>} : memref<80xi32, #tpu.memory_space<vmem>>, vector<16xi32>,
    %swap3A_33 = vector.shape_cast %swap3A_32 : vector<16xi32> to vector<16xi32>
    %swap3A_34 = vector.shape_cast %get3A_30 : vector<16xi32> to vector<16xi32>
    tpu.vector_store %arg9[%swap3A_31], %swap3A_34 {strides = array<i32>} : memref<80xi32, #tpu.memory_space<vmem>>, vector<16xi32>,
    %get3A_35 = arith.constant 32 : index
    %get3A_36 = tpu.vector_load %arg6[%get3A_35] {strides = array<i32>} : memref<10000xi32, #tpu.memory_space<vmem>>, vector<16xi32>,
    %get3A_37 = vector.shape_cast %get3A_36 : vector<16xi32> to vector<16xi32>
    %swap3A_38 = arith.constant 32 : index
    %swap3A_39 = tpu.vector_load %arg8[%swap3A_38] {strides = array<i32>} : memref<80xi32, #tpu.memory_space<vmem>>, vector<16xi32>,
    %swap3A_40 = vector.shape_cast %swap3A_39 : vector<16xi32> to vector<16xi32>
    %swap3A_41 = vector.shape_cast %get3A_37 : vector<16xi32> to vector<16xi32>
    tpu.vector_store %arg8[%swap3A_38], %swap3A_41 {strides = array<i32>} : memref<80xi32, #tpu.memory_space<vmem>>, vector<16xi32>,
    %get3A_42 = arith.constant 32 : index
    %get3A_43 = tpu.vector_load %arg7[%get3A_42] {strides = array<i32>} : memref<10000xi32, #tpu.memory_space<vmem>>, vector<16xi32>,
    %get3A_44 = vector.shape_cast %get3A_43 : vector<16xi32> to vector<16xi32>
    %swap3A_45 = arith.constant 32 : index
    %swap3A_46 = tpu.vector_load %arg9[%swap3A_45] {strides = array<i32>} : memref<80xi32, #tpu.memory_space<vmem>>, vector<16xi32>,
    %swap3A_47 = vector.shape_cast %swap3A_46 : vector<16xi32> to vector<16xi32>
    %swap3A_48 = vector.shape_cast %get3A_44 : vector<16xi32> to vector<16xi32>
    tpu.vector_store %arg9[%swap3A_45], %swap3A_48 {strides = array<i32>} : memref<80xi32, #tpu.memory_space<vmem>>, vector<16xi32>,
    %get3A_49 = arith.constant 48 : index
    %get3A_50 = tpu.vector_load %arg6[%get3A_49] {strides = array<i32>} : memref<10000xi32, #tpu.memory_space<vmem>>, vector<16xi32>,
    %get3A_51 = vector.shape_cast %get3A_50 : vector<16xi32> to vector<16xi32>
    %swap3A_52 = arith.constant 48 : index
    %swap3A_53 = tpu.vector_load %arg8[%swap3A_52] {strides = array<i32>} : memref<80xi32, #tpu.memory_space<vmem>>, vector<16xi32>,
    %swap3A_54 = vector.shape_cast %swap3A_53 : vector<16xi32> to vector<16xi32>
    %swap3A_55 = vector.shape_cast %get3A_51 : vector<16xi32> to vector<16xi32>
    tpu.vector_store %arg8[%swap3A_52], %swap3A_55 {strides = array<i32>} : memref<80xi32, #tpu.memory_space<vmem>>, vector<16xi32>,
    %get3A_56 = arith.constant 48 : index
    %get3A_57 = tpu.vector_load %arg7[%get3A_56] {strides = array<i32>} : memref<10000xi32, #tpu.memory_space<vmem>>, vector<16xi32>,
    %get3A_58 = vector.shape_cast %get3A_57 : vector<16xi32> to vector<16xi32>
    %swap3A_59 = arith.constant 48 : index
    %swap3A_60 = tpu.vector_load %arg9[%swap3A_59] {strides = array<i32>} : memref<80xi32, #tpu.memory_space<vmem>>, vector<16xi32>,
    %swap3A_61 = vector.shape_cast %swap3A_60 : vector<16xi32> to vector<16xi32>
    %swap3A_62 = vector.shape_cast %get3A_58 : vector<16xi32> to vector<16xi32>
    tpu.vector_store %arg9[%swap3A_59], %swap3A_62 {strides = array<i32>} : memref<80xi32, #tpu.memory_space<vmem>>, vector<16xi32>,
    %get3A_63 = arith.constant 64 : index
    %get3A_64 = tpu.vector_load %arg6[%get3A_63] {strides = array<i32>} : memref<10000xi32, #tpu.memory_space<vmem>>, vector<16xi32>,
    %get3A_65 = vector.shape_cast %get3A_64 : vector<16xi32> to vector<16xi32>
    %swap3A_66 = arith.constant 64 : index
    %swap3A_67 = tpu.vector_load %arg8[%swap3A_66] {strides = array<i32>} : memref<80xi32, #tpu.memory_space<vmem>>, vector<16xi32>,
    %swap3A_68 = vector.shape_cast %swap3A_67 : vector<16xi32> to vector<16xi32>
    %swap3A_69 = vector.shape_cast %get3A_65 : vector<16xi32> to vector<16xi32>
    tpu.vector_store %arg8[%swap3A_66], %swap3A_69 {strides = array<i32>} : memref<80xi32, #tpu.memory_space<vmem>>, vector<16xi32>,
    %get3A_70 = arith.constant 64 : index
    %get3A_71 = tpu.vector_load %arg7[%get3A_70] {strides = array<i32>} : memref<10000xi32, #tpu.memory_space<vmem>>, vector<16xi32>,
    %get3A_72 = vector.shape_cast %get3A_71 : vector<16xi32> to vector<16xi32>
    %swap3A_73 = arith.constant 64 : index
    %swap3A_74 = tpu.vector_load %arg9[%swap3A_73] {strides = array<i32>} : memref<80xi32, #tpu.memory_space<vmem>>, vector<16xi32>,
    %swap3A_75 = vector.shape_cast %swap3A_74 : vector<16xi32> to vector<16xi32>
    %swap3A_76 = vector.shape_cast %get3A_72 : vector<16xi32> to vector<16xi32>
    tpu.vector_store %arg9[%swap3A_73], %swap3A_76 {strides = array<i32>} : memref<80xi32, #tpu.memory_space<vmem>>, vector<16xi32>,
    %dma_start3A = arith.constant 0 : i32
    %dma_start3A_77 = arith.constant 0 : i32
    %dma_start3A_78 = tpu.memref_slice %arg2[%dma_start3A, %dma_start3A_77] : memref<10000x128xf32, #tpu.memory_space<hbm>> -> memref<10000x128xf32, #tpu.memory_space<hbm>>
    tpu.enqueue_indirect_dma source(%dma_start3A_78 : memref<10000x128xf32, #tpu.memory_space<hbm>>) target(%arg12 : memref<80x128xf32, #tpu.memory_space<vmem>>) offsets(%arg8 : memref<80xi32, #tpu.memory_space<vmem>>) semaphore(%arg16 : memref<!tpu.dma_semaphore, #tpu.memory_space<semaphore_mem>>)
    %mul3A_79 = arith.constant 640 : i32
    %mul3A_80 = arith.muli %arg1, %mul3A_79 : i32
    %scan3A_81 = arith.constant 0 : i32
    %scan3A_82 = arith.constant 0 : i32
    %scan3A_83 = arith.constant 20 : i32
    %scan3A_84 = arith.addi %scan3A_82, %scan3A_83 : i32
    %scan3A_85 = arith.constant 1 : i32
    scf.for %scan3A_99 = %scan3A_82 to %scan3A_84 step %scan3A_85  : i32 {
      %mul3A_100 = arith.constant 32 : i32
      %mul3A_101 = arith.muli %scan3A_99, %mul3A_100 : i32
      %add3A_102 = arith.addi %mul3A_80, %mul3A_101 : i32
      "tpu.region"() ({
        %run_scoped3A = tpu.sem_alloc : memref<!tpu.dma_semaphore, #tpu.memory_space<semaphore_mem>>
        %dma_start3A_103 = arith.constant 0 : i32
        %dma_start3A_104 = tpu.memref_slice %arg15[%add3A_102, %dma_start3A_103] : memref<10240x128xf32, #tpu.memory_space<vmem_shared>> -> memref<32x128xf32, #tpu.memory_space<vmem_shared>>
        %dma_start3A_105 = arith.constant 0 : i32
        %dma_start3A_106 = tpu.memref_slice %arg15[%add3A_102, %dma_start3A_105] : memref<10240x128xf32, #tpu.memory_space<vmem_shared>> -> memref<32x128xf32, #tpu.memory_space<vmem_shared>>
        tpu.enqueue_dma source(%arg14 : memref<32x128xf32, #tpu.memory_space<vmem>>) target(%dma_start3A_106 : memref<32x128xf32, #tpu.memory_space<vmem_shared>>) target_semaphore(%run_scoped3A : memref<!tpu.dma_semaphore, #tpu.memory_space<semaphore_mem>>)
        %dma_wait3A_107 = arith.constant 0 : i32
        %dma_wait3A_108 = tpu.memref_slice %arg15[%add3A_102, %dma_wait3A_107] : memref<10240x128xf32, #tpu.memory_space<vmem_shared>> -> memref<32x128xf32, #tpu.memory_space<vmem_shared>>
        %dma_wait3A_109 = arith.constant 0 : i32
        %dma_wait3A_110 = tpu.memref_slice %arg15[%add3A_102, %dma_wait3A_109] : memref<10240x128xf32, #tpu.memory_space<vmem_shared>> -> memref<32x128xf32, #tpu.memory_space<vmem_shared>>
        tpu.wait_dma2 semaphore(%run_scoped3A : memref<!tpu.dma_semaphore, #tpu.memory_space<semaphore_mem>>) src(%arg14 : memref<32x128xf32, #tpu.memory_space<vmem>>) dst(%dma_wait3A_110 : memref<32x128xf32, #tpu.memory_space<vmem_shared>>)
        tpu.yield
      }) : () -> ()
    }
    %scan3A_86 = arith.constant 20 : i32
    %barrier3A = arith.constant 0 : index
    tpu.barrier barrier_id(%barrier3A)
    %scan3A_87 = arith.constant 0 : i32
    %scan3A_88 = arith.constant 0 : i32
    %scan3A_89 = arith.constant 62 : i32
    %scan3A_90 = arith.addi %scan3A_88, %scan3A_89 : i32
    %scan3A_91 = arith.constant 1 : i32
    scf.for %scan3A_99 = %scan3A_88 to %scan3A_90 step %scan3A_91  : i32 {
      %mul3A_100 = arith.constant 2 : i32
      %mul3A_101 = arith.muli %mul3A_100, %scan3A_99 : i32
      %add3A_102 = arith.constant 1 : i32
      %add3A_103 = arith.addi %mul3A_101, %add3A_102 : i32
      %mul3A_104 = arith.constant 80 : i32
      %mul3A_105 = arith.muli %add3A_103, %mul3A_104 : i32
      %add3A_106 = arith.constant 0 : i32
      %add3A_107 = arith.addi %mul3A_105, %add3A_106 : i32
      %get3A_108 = arith.index_cast %add3A_107 : i32 to index
      %get3A_109 = tpu.vector_load %arg6[%get3A_108] {strides = array<i32>} : memref<10000xi32, #tpu.memory_space<vmem>>, vector<16xi32>,
      %get3A_110 = vector.shape_cast %get3A_109 : vector<16xi32> to vector<16xi32>
      %swap3A_111 = arith.constant 0 : index
      %swap3A_112 = tpu.vector_load %arg10[%swap3A_111] {strides = array<i32>} : memref<80xi32, #tpu.memory_space<vmem>>, vector<16xi32>,
      %swap3A_113 = vector.shape_cast %swap3A_112 : vector<16xi32> to vector<16xi32>
      %swap3A_114 = vector.shape_cast %get3A_110 : vector<16xi32> to vector<16xi32>
      tpu.vector_store %arg10[%swap3A_111], %swap3A_114 {strides = array<i32>} : memref<80xi32, #tpu.memory_space<vmem>>, vector<16xi32>,
      %mul3A_115 = arith.constant 80 : i32
      %mul3A_116 = arith.muli %add3A_103, %mul3A_115 : i32
      %add3A_117 = arith.constant 0 : i32
      %add3A_118 = arith.addi %mul3A_116, %add3A_117 : i32
      %get3A_119 = arith.index_cast %add3A_118 : i32 to index
      %get3A_120 = tpu.vector_load %arg7[%get3A_119] {strides = array<i32>} : memref<10000xi32, #tpu.memory_space<vmem>>, vector<16xi32>,
      %get3A_121 = vector.shape_cast %get3A_120 : vector<16xi32> to vector<16xi32>
      %swap3A_122 = arith.constant 0 : index
      %swap3A_123 = tpu.vector_load %arg11[%swap3A_122] {strides = array<i32>} : memref<80xi32, #tpu.memory_space<vmem>>, vector<16xi32>,
      %swap3A_124 = vector.shape_cast %swap3A_123 : vector<16xi32> to vector<16xi32>
      %swap3A_125 = vector.shape_cast %get3A_121 : vector<16xi32> to vector<16xi32>
      tpu.vector_store %arg11[%swap3A_122], %swap3A_125 {strides = array<i32>} : memref<80xi32, #tpu.memory_space<vmem>>, vector<16xi32>,
      %mul3A_126 = arith.constant 80 : i32
      %mul3A_127 = arith.muli %add3A_103, %mul3A_126 : i32
      %add3A_128 = arith.constant 16 : i32
      %add3A_129 = arith.addi %mul3A_127, %add3A_128 : i32
      %get3A_130 = arith.index_cast %add3A_129 : i32 to index
      %get3A_131 = tpu.vector_load %arg6[%get3A_130] {strides = array<i32>} : memref<10000xi32, #tpu.memory_space<vmem>>, vector<16xi32>,
      %get3A_132 = vector.shape_cast %get3A_131 : vector<16xi32> to vector<16xi32>
      %swap3A_133 = arith.constant 16 : index
      %swap3A_134 = tpu.vector_load %arg10[%swap3A_133] {strides = array<i32>} : memref<80xi32, #tpu.memory_space<vmem>>, vector<16xi32>,
      %swap3A_135 = vector.shape_cast %swap3A_134 : vector<16xi32> to vector<16xi32>
      %swap3A_136 = vector.shape_cast %get3A_132 : vector<16xi32> to vector<16xi32>
      tpu.vector_store %arg10[%swap3A_133], %swap3A_136 {strides = array<i32>} : memref<80xi32, #tpu.memory_space<vmem>>, vector<16xi32>,
      %mul3A_137 = arith.constant 80 : i32
      %mul3A_138 = arith.muli %add3A_103, %mul3A_137 : i32
      %add3A_139 = arith.constant 16 : i32
      %add3A_140 = arith.addi %mul3A_138, %add3A_139 : i32
      %get3A_141 = arith.index_cast %add3A_140 : i32 to index
      %get3A_142 = tpu.vector_load %arg7[%get3A_141] {strides = array<i32>} : memref<10000xi32, #tpu.memory_space<vmem>>, vector<16xi32>,
      %get3A_143 = vector.shape_cast %get3A_142 : vector<16xi32> to vector<16xi32>
      %swap3A_144 = arith.constant 16 : index
      %swap3A_145 = tpu.vector_load %arg11[%swap3A_144] {strides = array<i32>} : memref<80xi32, #tpu.memory_space<vmem>>, vector<16xi32>,
      %swap3A_146 = vector.shape_cast %swap3A_145 : vector<16xi32> to vector<16xi32>
      %swap3A_147 = vector.shape_cast %get3A_143 : vector<16xi32> to vector<16xi32>
      tpu.vector_store %arg11[%swap3A_144], %swap3A_147 {strides = array<i32>} : memref<80xi32, #tpu.memory_space<vmem>>, vector<16xi32>,
      %mul3A_148 = arith.constant 80 : i32
      %mul3A_149 = arith.muli %add3A_103, %mul3A_148 : i32
      %add3A_150 = arith.constant 32 : i32
      %add3A_151 = arith.addi %mul3A_149, %add3A_150 : i32
      %get3A_152 = arith.index_cast %add3A_151 : i32 to index
      %get3A_153 = tpu.vector_load %arg6[%get3A_152] {strides = array<i32>} : memref<10000xi32, #tpu.memory_space<vmem>>, vector<16xi32>,
      %get3A_154 = vector.shape_cast %get3A_153 : vector<16xi32> to vector<16xi32>
      %swap3A_155 = arith.constant 32 : index
      %swap3A_156 = tpu.vector_load %arg10[%swap3A_155] {strides = array<i32>} : memref<80xi32, #tpu.memory_space<vmem>>, vector<16xi32>,
      %swap3A_157 = vector.shape_cast %swap3A_156 : vector<16xi32> to vector<16xi32>
      %swap3A_158 = vector.shape_cast %get3A_154 : vector<16xi32> to vector<16xi32>
      tpu.vector_store %arg10[%swap3A_155], %swap3A_158 {strides = array<i32>} : memref<80xi32, #tpu.memory_space<vmem>>, vector<16xi32>,
      %mul3A_159 = arith.constant 80 : i32
      %mul3A_160 = arith.muli %add3A_103, %mul3A_159 : i32
      %add3A_161 = arith.constant 32 : i32
      %add3A_162 = arith.addi %mul3A_160, %add3A_161 : i32
      %get3A_163 = arith.index_cast %add3A_162 : i32 to index
      %get3A_164 = tpu.vector_load %arg7[%get3A_163] {strides = array<i32>} : memref<10000xi32, #tpu.memory_space<vmem>>, vector<16xi32>,
      %get3A_165 = vector.shape_cast %get3A_164 : vector<16xi32> to vector<16xi32>
      %swap3A_166 = arith.constant 32 : index
      %swap3A_167 = tpu.vector_load %arg11[%swap3A_166] {strides = array<i32>} : memref<80xi32, #tpu.memory_space<vmem>>, vector<16xi32>,
      %swap3A_168 = vector.shape_cast %swap3A_167 : vector<16xi32> to vector<16xi32>
      %swap3A_169 = vector.shape_cast %get3A_165 : vector<16xi32> to vector<16xi32>
      tpu.vector_store %arg11[%swap3A_166], %swap3A_169 {strides = array<i32>} : memref<80xi32, #tpu.memory_space<vmem>>, vector<16xi32>,
      %mul3A_170 = arith.constant 80 : i32
      %mul3A_171 = arith.muli %add3A_103, %mul3A_170 : i32
      %add3A_172 = arith.constant 48 : i32
      %add3A_173 = arith.addi %mul3A_171, %add3A_172 : i32
      %get3A_174 = arith.index_cast %add3A_173 : i32 to index
      %get3A_175 = tpu.vector_load %arg6[%get3A_174] {strides = array<i32>} : memref<10000xi32, #tpu.memory_space<vmem>>, vector<16xi32>,
      %get3A_176 = vector.shape_cast %get3A_175 : vector<16xi32> to vector<16xi32>
      %swap3A_177 = arith.constant 48 : index
      %swap3A_178 = tpu.vector_load %arg10[%swap3A_177] {strides = array<i32>} : memref<80xi32, #tpu.memory_space<vmem>>, vector<16xi32>,
      %swap3A_179 = vector.shape_cast %swap3A_178 : vector<16xi32> to vector<16xi32>
      %swap3A_180 = vector.shape_cast %get3A_176 : vector<16xi32> to vector<16xi32>
      tpu.vector_store %arg10[%swap3A_177], %swap3A_180 {strides = array<i32>} : memref<80xi32, #tpu.memory_space<vmem>>, vector<16xi32>,
      %mul3A_181 = arith.constant 80 : i32
      %mul3A_182 = arith.muli %add3A_103, %mul3A_181 : i32
      %add3A_183 = arith.constant 48 : i32
      %add3A_184 = arith.addi %mul3A_182, %add3A_183 : i32
      %get3A_185 = arith.index_cast %add3A_184 : i32 to index
      %get3A_186 = tpu.vector_load %arg7[%get3A_185] {strides = array<i32>} : memref<10000xi32, #tpu.memory_space<vmem>>, vector<16xi32>,
      %get3A_187 = vector.shape_cast %get3A_186 : vector<16xi32> to vector<16xi32>
      %swap3A_188 = arith.constant 48 : index
      %swap3A_189 = tpu.vector_load %arg11[%swap3A_188] {strides = array<i32>} : memref<80xi32, #tpu.memory_space<vmem>>, vector<16xi32>,
      %swap3A_190 = vector.shape_cast %swap3A_189 : vector<16xi32> to vector<16xi32>
      %swap3A_191 = vector.shape_cast %get3A_187 : vector<16xi32> to vector<16xi32>
      tpu.vector_store %arg11[%swap3A_188], %swap3A_191 {strides = array<i32>} : memref<80xi32, #tpu.memory_space<vmem>>, vector<16xi32>,
      %mul3A_192 = arith.constant 80 : i32
      %mul3A_193 = arith.muli %add3A_103, %mul3A_192 : i32
      %add3A_194 = arith.constant 64 : i32
      %add3A_195 = arith.addi %mul3A_193, %add3A_194 : i32
      %get3A_196 = arith.index_cast %add3A_195 : i32 to index
      %get3A_197 = tpu.vector_load %arg6[%get3A_196] {strides = array<i32>} : memref<10000xi32, #tpu.memory_space<vmem>>, vector<16xi32>,
      %get3A_198 = vector.shape_cast %get3A_197 : vector<16xi32> to vector<16xi32>
      %swap3A_199 = arith.constant 64 : index
      %swap3A_200 = tpu.vector_load %arg10[%swap3A_199] {strides = array<i32>} : memref<80xi32, #tpu.memory_space<vmem>>, vector<16xi32>,
      %swap3A_201 = vector.shape_cast %swap3A_200 : vector<16xi32> to vector<16xi32>
      %swap3A_202 = vector.shape_cast %get3A_198 : vector<16xi32> to vector<16xi32>
      tpu.vector_store %arg10[%swap3A_199], %swap3A_202 {strides = array<i32>} : memref<80xi32, #tpu.memory_space<vmem>>, vector<16xi32>,
      %mul3A_203 = arith.constant 80 : i32
      %mul3A_204 = arith.muli %add3A_103, %mul3A_203 : i32
      %add3A_205 = arith.constant 64 : i32
      %add3A_206 = arith.addi %mul3A_204, %add3A_205 : i32
      %get3A_207 = arith.index_cast %add3A_206 : i32 to index
      %get3A_208 = tpu.vector_load %arg7[%get3A_207] {strides = array<i32>} : memref<10000xi32, #tpu.memory_space<vmem>>, vector<16xi32>,
      %get3A_209 = vector.shape_cast %get3A_208 : vector<16xi32> to vector<16xi32>
      %swap3A_210 = arith.constant 64 : index
      %swap3A_211 = tpu.vector_load %arg11[%swap3A_210] {strides = array<i32>} : memref<80xi32, #tpu.memory_space<vmem>>, vector<16xi32>,
      %swap3A_212 = vector.shape_cast %swap3A_211 : vector<16xi32> to vector<16xi32>
      %swap3A_213 = vector.shape_cast %get3A_209 : vector<16xi32> to vector<16xi32>
      tpu.vector_store %arg11[%swap3A_210], %swap3A_213 {strides = array<i32>} : memref<80xi32, #tpu.memory_space<vmem>>, vector<16xi32>,
      %dma_start3A_214 = arith.constant 0 : i32
      %dma_start3A_215 = arith.constant 0 : i32
      %dma_start3A_216 = tpu.memref_slice %arg2[%dma_start3A_214, %dma_start3A_215] : memref<10000x128xf32, #tpu.memory_space<hbm>> -> memref<10000x128xf32, #tpu.memory_space<hbm>>
      tpu.enqueue_indirect_dma source(%dma_start3A_216 : memref<10000x128xf32, #tpu.memory_space<hbm>>) target(%arg13 : memref<80x128xf32, #tpu.memory_space<vmem>>) offsets(%arg10 : memref<80xi32, #tpu.memory_space<vmem>>) semaphore(%arg17 : memref<!tpu.dma_semaphore, #tpu.memory_space<semaphore_mem>>)
      %dma_wait3A_217 = arith.constant 0 : i32
      %dma_wait3A_218 = arith.constant 0 : i32
      %dma_wait3A_219 = tpu.memref_slice %arg2[%dma_wait3A_217, %dma_wait3A_218] : memref<10000x128xf32, #tpu.memory_space<hbm>> -> memref<80x128xf32, #tpu.memory_space<hbm>>
      %dma_wait3A_220 = arith.constant 0 : i32
      %dma_wait3A_221 = arith.constant 0 : i32
      %dma_wait3A_222 = tpu.memref_slice %arg2[%dma_wait3A_220, %dma_wait3A_221] : memref<10000x128xf32, #tpu.memory_space<hbm>> -> memref<80x128xf32, #tpu.memory_space<hbm>>
      tpu.wait_dma2 semaphore(%arg16 : memref<!tpu.dma_semaphore, #tpu.memory_space<semaphore_mem>>) src(%dma_wait3A_222 : memref<80x128xf32, #tpu.memory_space<hbm>>) dst(%arg12 : memref<80x128xf32, #tpu.memory_space<vmem>>)
      "tpu.region"() ({
        %run_scoped3A = tpu.sem_alloc : memref<!tpu.dma_semaphore, #tpu.memory_space<semaphore_mem>>
        %dma_start3A_235 = arith.constant 0 : i32
        %dma_start3A_236 = arith.constant 0 : i32
        %dma_start3A_237 = tpu.memref_slice %arg15[%dma_start3A_235, %dma_start3A_236] : memref<10240x128xf32, #tpu.memory_space<vmem_shared>> -> memref<10240x128xf32, #tpu.memory_space<vmem_shared>>
        tpu.enqueue_indirect_dma source(%arg12 : memref<80x128xf32, #tpu.memory_space<vmem>>) target(%dma_start3A_237 : memref<10240x128xf32, #tpu.memory_space<vmem_shared>>) offsets(%arg9 : memref<80xi32, #tpu.memory_space<vmem>>) semaphore(%run_scoped3A : memref<!tpu.dma_semaphore, #tpu.memory_space<semaphore_mem>>) {add = true}
        %dma_wait3A_238 = arith.constant 0 : i32
        %dma_wait3A_239 = arith.constant 0 : i32
        %dma_wait3A_240 = tpu.memref_slice %arg15[%dma_wait3A_238, %dma_wait3A_239] : memref<10240x128xf32, #tpu.memory_space<vmem_shared>> -> memref<10240x128xf32, #tpu.memory_space<vmem_shared>>
        tpu.wait_indirect_dma semaphore(%run_scoped3A : memref<!tpu.dma_semaphore, #tpu.memory_space<semaphore_mem>>) src(%arg12 : memref<80x128xf32, #tpu.memory_space<vmem>>) dst(%dma_wait3A_240 : memref<10240x128xf32, #tpu.memory_space<vmem_shared>>)
        tpu.yield
      }) : () -> ()
      %mul3A_223 = arith.constant 2 : i32
      %mul3A_224 = arith.muli %mul3A_223, %scan3A_99 : i32
      %add3A_225 = arith.constant 2 : i32
      %add3A_226 = arith.addi %mul3A_224, %add3A_225 : i32
      %lt3A = arith.constant 125 : i32
      %lt3A_227 = arith.cmpi slt, %add3A_226, %lt3A : i32
      %convert_element_type3A = arith.extui %lt3A_227 : i1 to i32
      %cond3A = arith.constant 0 : i32
      %cond3A_228 = arith.cmpi ne, %convert_element_type3A, %cond3A : i32
      scf.if %cond3A_228 {
        %mul3A_235 = arith.constant 80 : i32
        %mul3A_236 = arith.muli %add3A_226, %mul3A_235 : i32
        %add3A_237 = arith.constant 0 : i32
        %add3A_238 = arith.addi %mul3A_236, %add3A_237 : i32
        %get3A_239 = arith.index_cast %add3A_238 : i32 to index
        %get3A_240 = tpu.vector_load %arg6[%get3A_239] {strides = array<i32>} : memref<10000xi32, #tpu.memory_space<vmem>>, vector<16xi32>,
        %get3A_241 = vector.shape_cast %get3A_240 : vector<16xi32> to vector<16xi32>
        %swap3A_242 = arith.constant 0 : index
        %swap3A_243 = tpu.vector_load %arg8[%swap3A_242] {strides = array<i32>} : memref<80xi32, #tpu.memory_space<vmem>>, vector<16xi32>,
        %swap3A_244 = vector.shape_cast %swap3A_243 : vector<16xi32> to vector<16xi32>
        %swap3A_245 = vector.shape_cast %get3A_241 : vector<16xi32> to vector<16xi32>
        tpu.vector_store %arg8[%swap3A_242], %swap3A_245 {strides = array<i32>} : memref<80xi32, #tpu.memory_space<vmem>>, vector<16xi32>,
        %mul3A_246 = arith.constant 80 : i32
        %mul3A_247 = arith.muli %add3A_226, %mul3A_246 : i32
        %add3A_248 = arith.constant 0 : i32
        %add3A_249 = arith.addi %mul3A_247, %add3A_248 : i32
        %get3A_250 = arith.index_cast %add3A_249 : i32 to index
        %get3A_251 = tpu.vector_load %arg7[%get3A_250] {strides = array<i32>} : memref<10000xi32, #tpu.memory_space<vmem>>, vector<16xi32>,
        %get3A_252 = vector.shape_cast %get3A_251 : vector<16xi32> to vector<16xi32>
        %swap3A_253 = arith.constant 0 : index
        %swap3A_254 = tpu.vector_load %arg9[%swap3A_253] {strides = array<i32>} : memref<80xi32, #tpu.memory_space<vmem>>, vector<16xi32>,
        %swap3A_255 = vector.shape_cast %swap3A_254 : vector<16xi32> to vector<16xi32>
        %swap3A_256 = vector.shape_cast %get3A_252 : vector<16xi32> to vector<16xi32>
        tpu.vector_store %arg9[%swap3A_253], %swap3A_256 {strides = array<i32>} : memref<80xi32, #tpu.memory_space<vmem>>, vector<16xi32>,
        %mul3A_257 = arith.constant 80 : i32
        %mul3A_258 = arith.muli %add3A_226, %mul3A_257 : i32
        %add3A_259 = arith.constant 16 : i32
        %add3A_260 = arith.addi %mul3A_258, %add3A_259 : i32
        %get3A_261 = arith.index_cast %add3A_260 : i32 to index
        %get3A_262 = tpu.vector_load %arg6[%get3A_261] {strides = array<i32>} : memref<10000xi32, #tpu.memory_space<vmem>>, vector<16xi32>,
        %get3A_263 = vector.shape_cast %get3A_262 : vector<16xi32> to vector<16xi32>
        %swap3A_264 = arith.constant 16 : index
        %swap3A_265 = tpu.vector_load %arg8[%swap3A_264] {strides = array<i32>} : memref<80xi32, #tpu.memory_space<vmem>>, vector<16xi32>,
        %swap3A_266 = vector.shape_cast %swap3A_265 : vector<16xi32> to vector<16xi32>
        %swap3A_267 = vector.shape_cast %get3A_263 : vector<16xi32> to vector<16xi32>
        tpu.vector_store %arg8[%swap3A_264], %swap3A_267 {strides = array<i32>} : memref<80xi32, #tpu.memory_space<vmem>>, vector<16xi32>,
        %mul3A_268 = arith.constant 80 : i32
        %mul3A_269 = arith.muli %add3A_226, %mul3A_268 : i32
        %add3A_270 = arith.constant 16 : i32
        %add3A_271 = arith.addi %mul3A_269, %add3A_270 : i32
        %get3A_272 = arith.index_cast %add3A_271 : i32 to index
        %get3A_273 = tpu.vector_load %arg7[%get3A_272] {strides = array<i32>} : memref<10000xi32, #tpu.memory_space<vmem>>, vector<16xi32>,
        %get3A_274 = vector.shape_cast %get3A_273 : vector<16xi32> to vector<16xi32>
        %swap3A_275 = arith.constant 16 : index
        %swap3A_276 = tpu.vector_load %arg9[%swap3A_275] {strides = array<i32>} : memref<80xi32, #tpu.memory_space<vmem>>, vector<16xi32>,
        %swap3A_277 = vector.shape_cast %swap3A_276 : vector<16xi32> to vector<16xi32>
        %swap3A_278 = vector.shape_cast %get3A_274 : vector<16xi32> to vector<16xi32>
        tpu.vector_store %arg9[%swap3A_275], %swap3A_278 {strides = array<i32>} : memref<80xi32, #tpu.memory_space<vmem>>, vector<16xi32>,
        %mul3A_279 = arith.constant 80 : i32
        %mul3A_280 = arith.muli %add3A_226, %mul3A_279 : i32
        %add3A_281 = arith.constant 32 : i32
        %add3A_282 = arith.addi %mul3A_280, %add3A_281 : i32
        %get3A_283 = arith.index_cast %add3A_282 : i32 to index
        %get3A_284 = tpu.vector_load %arg6[%get3A_283] {strides = array<i32>} : memref<10000xi32, #tpu.memory_space<vmem>>, vector<16xi32>,
        %get3A_285 = vector.shape_cast %get3A_284 : vector<16xi32> to vector<16xi32>
        %swap3A_286 = arith.constant 32 : index
        %swap3A_287 = tpu.vector_load %arg8[%swap3A_286] {strides = array<i32>} : memref<80xi32, #tpu.memory_space<vmem>>, vector<16xi32>,
        %swap3A_288 = vector.shape_cast %swap3A_287 : vector<16xi32> to vector<16xi32>
        %swap3A_289 = vector.shape_cast %get3A_285 : vector<16xi32> to vector<16xi32>
        tpu.vector_store %arg8[%swap3A_286], %swap3A_289 {strides = array<i32>} : memref<80xi32, #tpu.memory_space<vmem>>, vector<16xi32>,
        %mul3A_290 = arith.constant 80 : i32
        %mul3A_291 = arith.muli %add3A_226, %mul3A_290 : i32
        %add3A_292 = arith.constant 32 : i32
        %add3A_293 = arith.addi %mul3A_291, %add3A_292 : i32
        %get3A_294 = arith.index_cast %add3A_293 : i32 to index
        %get3A_295 = tpu.vector_load %arg7[%get3A_294] {strides = array<i32>} : memref<10000xi32, #tpu.memory_space<vmem>>, vector<16xi32>,
        %get3A_296 = vector.shape_cast %get3A_295 : vector<16xi32> to vector<16xi32>
        %swap3A_297 = arith.constant 32 : index
        %swap3A_298 = tpu.vector_load %arg9[%swap3A_297] {strides = array<i32>} : memref<80xi32, #tpu.memory_space<vmem>>, vector<16xi32>,
        %swap3A_299 = vector.shape_cast %swap3A_298 : vector<16xi32> to vector<16xi32>
        %swap3A_300 = vector.shape_cast %get3A_296 : vector<16xi32> to vector<16xi32>
        tpu.vector_store %arg9[%swap3A_297], %swap3A_300 {strides = array<i32>} : memref<80xi32, #tpu.memory_space<vmem>>, vector<16xi32>,
        %mul3A_301 = arith.constant 80 : i32
        %mul3A_302 = arith.muli %add3A_226, %mul3A_301 : i32
        %add3A_303 = arith.constant 48 : i32
        %add3A_304 = arith.addi %mul3A_302, %add3A_303 : i32
        %get3A_305 = arith.index_cast %add3A_304 : i32 to index
        %get3A_306 = tpu.vector_load %arg6[%get3A_305] {strides = array<i32>} : memref<10000xi32, #tpu.memory_space<vmem>>, vector<16xi32>,
        %get3A_307 = vector.shape_cast %get3A_306 : vector<16xi32> to vector<16xi32>
        %swap3A_308 = arith.constant 48 : index
        %swap3A_309 = tpu.vector_load %arg8[%swap3A_308] {strides = array<i32>} : memref<80xi32, #tpu.memory_space<vmem>>, vector<16xi32>,
        %swap3A_310 = vector.shape_cast %swap3A_309 : vector<16xi32> to vector<16xi32>
        %swap3A_311 = vector.shape_cast %get3A_307 : vector<16xi32> to vector<16xi32>
        tpu.vector_store %arg8[%swap3A_308], %swap3A_311 {strides = array<i32>} : memref<80xi32, #tpu.memory_space<vmem>>, vector<16xi32>,
        %mul3A_312 = arith.constant 80 : i32
        %mul3A_313 = arith.muli %add3A_226, %mul3A_312 : i32
        %add3A_314 = arith.constant 48 : i32
        %add3A_315 = arith.addi %mul3A_313, %add3A_314 : i32
        %get3A_316 = arith.index_cast %add3A_315 : i32 to index
        %get3A_317 = tpu.vector_load %arg7[%get3A_316] {strides = array<i32>} : memref<10000xi32, #tpu.memory_space<vmem>>, vector<16xi32>,
        %get3A_318 = vector.shape_cast %get3A_317 : vector<16xi32> to vector<16xi32>
        %swap3A_319 = arith.constant 48 : index
        %swap3A_320 = tpu.vector_load %arg9[%swap3A_319] {strides = array<i32>} : memref<80xi32, #tpu.memory_space<vmem>>, vector<16xi32>,
        %swap3A_321 = vector.shape_cast %swap3A_320 : vector<16xi32> to vector<16xi32>
        %swap3A_322 = vector.shape_cast %get3A_318 : vector<16xi32> to vector<16xi32>
        tpu.vector_store %arg9[%swap3A_319], %swap3A_322 {strides = array<i32>} : memref<80xi32, #tpu.memory_space<vmem>>, vector<16xi32>,
        %mul3A_323 = arith.constant 80 : i32
        %mul3A_324 = arith.muli %add3A_226, %mul3A_323 : i32
        %add3A_325 = arith.constant 64 : i32
        %add3A_326 = arith.addi %mul3A_324, %add3A_325 : i32
        %get3A_327 = arith.index_cast %add3A_326 : i32 to index
        %get3A_328 = tpu.vector_load %arg6[%get3A_327] {strides = array<i32>} : memref<10000xi32, #tpu.memory_space<vmem>>, vector<16xi32>,
        %get3A_329 = vector.shape_cast %get3A_328 : vector<16xi32> to vector<16xi32>
        %swap3A_330 = arith.constant 64 : index
        %swap3A_331 = tpu.vector_load %arg8[%swap3A_330] {strides = array<i32>} : memref<80xi32, #tpu.memory_space<vmem>>, vector<16xi32>,
        %swap3A_332 = vector.shape_cast %swap3A_331 : vector<16xi32> to vector<16xi32>
        %swap3A_333 = vector.shape_cast %get3A_329 : vector<16xi32> to vector<16xi32>
        tpu.vector_store %arg8[%swap3A_330], %swap3A_333 {strides = array<i32>} : memref<80xi32, #tpu.memory_space<vmem>>, vector<16xi32>,
        %mul3A_334 = arith.constant 80 : i32
        %mul3A_335 = arith.muli %add3A_226, %mul3A_334 : i32
        %add3A_336 = arith.constant 64 : i32
        %add3A_337 = arith.addi %mul3A_335, %add3A_336 : i32
        %get3A_338 = arith.index_cast %add3A_337 : i32 to index
        %get3A_339 = tpu.vector_load %arg7[%get3A_338] {strides = array<i32>} : memref<10000xi32, #tpu.memory_space<vmem>>, vector<16xi32>,
        %get3A_340 = vector.shape_cast %get3A_339 : vector<16xi32> to vector<16xi32>
        %swap3A_341 = arith.constant 64 : index
        %swap3A_342 = tpu.vector_load %arg9[%swap3A_341] {strides = array<i32>} : memref<80xi32, #tpu.memory_space<vmem>>, vector<16xi32>,
        %swap3A_343 = vector.shape_cast %swap3A_342 : vector<16xi32> to vector<16xi32>
        %swap3A_344 = vector.shape_cast %get3A_340 : vector<16xi32> to vector<16xi32>
        tpu.vector_store %arg9[%swap3A_341], %swap3A_344 {strides = array<i32>} : memref<80xi32, #tpu.memory_space<vmem>>, vector<16xi32>,
        %dma_start3A_345 = arith.constant 0 : i32
        %dma_start3A_346 = arith.constant 0 : i32
        %dma_start3A_347 = tpu.memref_slice %arg2[%dma_start3A_345, %dma_start3A_346] : memref<10000x128xf32, #tpu.memory_space<hbm>> -> memref<10000x128xf32, #tpu.memory_space<hbm>>
        tpu.enqueue_indirect_dma source(%dma_start3A_347 : memref<10000x128xf32, #tpu.memory_space<hbm>>) target(%arg12 : memref<80x128xf32, #tpu.memory_space<vmem>>) offsets(%arg8 : memref<80xi32, #tpu.memory_space<vmem>>) semaphore(%arg16 : memref<!tpu.dma_semaphore, #tpu.memory_space<semaphore_mem>>)
      } else {
      }
      %dma_wait3A_229 = arith.constant 0 : i32
      %dma_wait3A_230 = arith.constant 0 : i32
      %dma_wait3A_231 = tpu.memref_slice %arg2[%dma_wait3A_229, %dma_wait3A_230] : memref<10000x128xf32, #tpu.memory_space<hbm>> -> memref<80x128xf32, #tpu.memory_space<hbm>>
      %dma_wait3A_232 = arith.constant 0 : i32
      %dma_wait3A_233 = arith.constant 0 : i32
      %dma_wait3A_234 = tpu.memref_slice %arg2[%dma_wait3A_232, %dma_wait3A_233] : memref<10000x128xf32, #tpu.memory_space<hbm>> -> memref<80x128xf32, #tpu.memory_space<hbm>>
      tpu.wait_dma2 semaphore(%arg17 : memref<!tpu.dma_semaphore, #tpu.memory_space<semaphore_mem>>) src(%dma_wait3A_234 : memref<80x128xf32, #tpu.memory_space<hbm>>) dst(%arg13 : memref<80x128xf32, #tpu.memory_space<vmem>>)
      "tpu.region"() ({
        %run_scoped3A = tpu.sem_alloc : memref<!tpu.dma_semaphore, #tpu.memory_space<semaphore_mem>>
        %dma_start3A_235 = arith.constant 0 : i32
        %dma_start3A_236 = arith.constant 0 : i32
        %dma_start3A_237 = tpu.memref_slice %arg15[%dma_start3A_235, %dma_start3A_236] : memref<10240x128xf32, #tpu.memory_space<vmem_shared>> -> memref<10240x128xf32, #tpu.memory_space<vmem_shared>>
        tpu.enqueue_indirect_dma source(%arg13 : memref<80x128xf32, #tpu.memory_space<vmem>>) target(%dma_start3A_237 : memref<10240x128xf32, #tpu.memory_space<vmem_shared>>) offsets(%arg11 : memref<80xi32, #tpu.memory_space<vmem>>) semaphore(%run_scoped3A : memref<!tpu.dma_semaphore, #tpu.memory_space<semaphore_mem>>) {add = true}
        %dma_wait3A_238 = arith.constant 0 : i32
        %dma_wait3A_239 = arith.constant 0 : i32
        %dma_wait3A_240 = tpu.memref_slice %arg15[%dma_wait3A_238, %dma_wait3A_239] : memref<10240x128xf32, #tpu.memory_space<vmem_shared>> -> memref<10240x128xf32, #tpu.memory_space<vmem_shared>>
        tpu.wait_indirect_dma semaphore(%run_scoped3A : memref<!tpu.dma_semaphore, #tpu.memory_space<semaphore_mem>>) src(%arg13 : memref<80x128xf32, #tpu.memory_space<vmem>>) dst(%dma_wait3A_240 : memref<10240x128xf32, #tpu.memory_space<vmem_shared>>)
        tpu.yield
      }) : () -> ()
    }
    %scan3A_92 = arith.constant 62 : i32
    %dma_wait3A = arith.constant 0 : i32
    %dma_wait3A_93 = arith.constant 0 : i32
    %dma_wait3A_94 = tpu.memref_slice %arg2[%dma_wait3A, %dma_wait3A_93] : memref<10000x128xf32, #tpu.memory_space<hbm>> -> memref<80x128xf32, #tpu.memory_space<hbm>>
    %dma_wait3A_95 = arith.constant 0 : i32
    %dma_wait3A_96 = arith.constant 0 : i32
    %dma_wait3A_97 = tpu.memref_slice %arg2[%dma_wait3A_95, %dma_wait3A_96] : memref<10000x128xf32, #tpu.memory_space<hbm>> -> memref<80x128xf32, #tpu.memory_space<hbm>>
    tpu.wait_dma2 semaphore(%arg16 : memref<!tpu.dma_semaphore, #tpu.memory_space<semaphore_mem>>) src(%dma_wait3A_97 : memref<80x128xf32, #tpu.memory_space<hbm>>) dst(%arg12 : memref<80x128xf32, #tpu.memory_space<vmem>>)
    "tpu.region"() ({
      %run_scoped3A = tpu.sem_alloc : memref<!tpu.dma_semaphore, #tpu.memory_space<semaphore_mem>>
      %dma_start3A_99 = arith.constant 0 : i32
      %dma_start3A_100 = arith.constant 0 : i32
      %dma_start3A_101 = tpu.memref_slice %arg15[%dma_start3A_99, %dma_start3A_100] : memref<10240x128xf32, #tpu.memory_space<vmem_shared>> -> memref<10240x128xf32, #tpu.memory_space<vmem_shared>>
      tpu.enqueue_indirect_dma source(%arg12 : memref<80x128xf32, #tpu.memory_space<vmem>>) target(%dma_start3A_101 : memref<10240x128xf32, #tpu.memory_space<vmem_shared>>) offsets(%arg9 : memref<80xi32, #tpu.memory_space<vmem>>) semaphore(%run_scoped3A : memref<!tpu.dma_semaphore, #tpu.memory_space<semaphore_mem>>) {add = true}
      %dma_wait3A_102 = arith.constant 0 : i32
      %dma_wait3A_103 = arith.constant 0 : i32
      %dma_wait3A_104 = tpu.memref_slice %arg15[%dma_wait3A_102, %dma_wait3A_103] : memref<10240x128xf32, #tpu.memory_space<vmem_shared>> -> memref<10240x128xf32, #tpu.memory_space<vmem_shared>>
      tpu.wait_indirect_dma semaphore(%run_scoped3A : memref<!tpu.dma_semaphore, #tpu.memory_space<semaphore_mem>>) src(%arg12 : memref<80x128xf32, #tpu.memory_space<vmem>>) dst(%dma_wait3A_104 : memref<10240x128xf32, #tpu.memory_space<vmem_shared>>)
      tpu.yield
    }) : () -> ()
    %barrier3A_98 = arith.constant 0 : index
    tpu.barrier barrier_id(%barrier3A_98)
    "tpu.region"() ({
      %run_scoped3A = tpu.sem_alloc : memref<!tpu.dma_semaphore, #tpu.memory_space<semaphore_mem>>
      %dma_start3A_99 = arith.constant 0 : i32
      %dma_start3A_100 = tpu.memref_slice %arg5[%arg0, %mul3A_80, %dma_start3A_99] : memref<2x10240x128xf32, #tpu.memory_space<hbm>> -> memref<1x640x128xf32, #tpu.memory_space<hbm>>
      %dma_start3A_101 = tpu.memref_squeeze %dma_start3A_100 : memref<1x640x128xf32, #tpu.memory_space<hbm>> -> memref<640x128xf32, #tpu.memory_space<hbm>>
      %dma_start3A_102 = arith.constant 0 : i32
      %dma_start3A_103 = tpu.memref_slice %arg15[%mul3A_80, %dma_start3A_102] : memref<10240x128xf32, #tpu.memory_space<vmem_shared>> -> memref<640x128xf32, #tpu.memory_space<vmem_shared>>
      tpu.enqueue_dma source(%dma_start3A_103 : memref<640x128xf32, #tpu.memory_space<vmem_shared>>) target(%dma_start3A_101 : memref<640x128xf32, #tpu.memory_space<hbm>>) target_semaphore(%run_scoped3A : memref<!tpu.dma_semaphore, #tpu.memory_space<semaphore_mem>>)
      %dma_wait3A_104 = arith.constant 0 : i32
      %dma_wait3A_105 = tpu.memref_slice %arg5[%arg0, %mul3A_80, %dma_wait3A_104] : memref<2x10240x128xf32, #tpu.memory_space<hbm>> -> memref<1x640x128xf32, #tpu.memory_space<hbm>>
      %dma_wait3A_106 = tpu.memref_squeeze %dma_wait3A_105 : memref<1x640x128xf32, #tpu.memory_space<hbm>> -> memref<640x128xf32, #tpu.memory_space<hbm>>
      %dma_wait3A_107 = arith.constant 0 : i32
      %dma_wait3A_108 = tpu.memref_slice %arg15[%mul3A_80, %dma_wait3A_107] : memref<10240x128xf32, #tpu.memory_space<vmem_shared>> -> memref<640x128xf32, #tpu.memory_space<vmem_shared>>
      tpu.wait_dma2 semaphore(%run_scoped3A : memref<!tpu.dma_semaphore, #tpu.memory_space<semaphore_mem>>) src(%dma_wait3A_108 : memref<640x128xf32, #tpu.memory_space<vmem_shared>>) dst(%dma_wait3A_106 : memref<640x128xf32, #tpu.memory_space<hbm>>)
      tpu.yield
    }) : () -> ()
    return
  }
}

#map = affine_map<(d0, d1) -> (0, 0)>
#map1 = affine_map<(d0, d1) -> (0)>
#map2 = affine_map<(d0, d1) -> (0, 0, 0)>
module attributes {stable_mosaic.version = 14 : i64} {
  func.func @_sc_agg_body(%arg0: i32, %arg1: i32, %arg2: memref<10000x128xf32, #tpu.memory_space<hbm>>, %arg3: memref<320000xi32, #tpu.memory_space<hbm>>, %arg4: memref<320000xi32, #tpu.memory_space<hbm>>, %arg5: memref<2x10240x128xf32, #tpu.memory_space<hbm>>, %arg6: memref<10000xi32, #tpu.memory_space<vmem>>, %arg7: memref<10000xi32, #tpu.memory_space<vmem>>, %arg8: memref<80xi32, #tpu.memory_space<vmem>>, %arg9: memref<80xi32, #tpu.memory_space<vmem>>, %arg10: memref<80xi32, #tpu.memory_space<vmem>>, %arg11: memref<80xi32, #tpu.memory_space<vmem>>, %arg12: memref<80x128xf32, #tpu.memory_space<vmem>>, %arg13: memref<80x128xf32, #tpu.memory_space<vmem>>, %arg14: memref<32x128xf32, #tpu.memory_space<vmem>>, %arg15: memref<10240x128xf32, #tpu.memory_space<vmem_shared>>, %arg16: memref<!tpu.dma_semaphore, #tpu.memory_space<semaphore_mem>>, %arg17: memref<!tpu.dma_semaphore, #tpu.memory_space<semaphore_mem>>) attributes {dimension_semantics = [#tpu.dimension_semantics<core_parallel>, #tpu.dimension_semantics<subcore_parallel>], iteration_bounds = array<i64: 2, 16>, scalar_prefetch = 0 : i64, scratch_operands = 12 : i64, tpu.core_type = #tpu.core_type<sc_vector_subcore>, window_params = [{transform_indices = #map}, {transform_indices = #map1}, {transform_indices = #map1}, {transform_indices = #map2}]} {
    %mul3A = arith.constant 16 : i32
    %mul3A_0 = arith.muli %arg0, %mul3A : i32
    %add3A = arith.addi %mul3A_0, %arg1 : i32
    %mul3A_1 = arith.constant 10000 : i32
    %mul3A_2 = arith.muli %add3A, %mul3A_1 : i32
    "tpu.region"() ({
      %run_scoped3A = tpu.sem_alloc : memref<!tpu.dma_semaphore, #tpu.memory_space<semaphore_mem>>
      %dma_start3A_99 = tpu.memref_slice %arg3[%mul3A_2] : memref<320000xi32, #tpu.memory_space<hbm>> -> memref<10000xi32, #tpu.memory_space<hbm>>
      %dma_start3A_100 = tpu.memref_slice %arg3[%mul3A_2] : memref<320000xi32, #tpu.memory_space<hbm>> -> memref<10000xi32, #tpu.memory_space<hbm>>
      tpu.enqueue_dma source(%dma_start3A_100 : memref<10000xi32, #tpu.memory_space<hbm>>) target(%arg6 : memref<10000xi32, #tpu.memory_space<vmem>>) target_semaphore(%run_scoped3A : memref<!tpu.dma_semaphore, #tpu.memory_space<semaphore_mem>>)
      %dma_wait3A_101 = tpu.memref_slice %arg3[%mul3A_2] : memref<320000xi32, #tpu.memory_space<hbm>> -> memref<10000xi32, #tpu.memory_space<hbm>>
      %dma_wait3A_102 = tpu.memref_slice %arg3[%mul3A_2] : memref<320000xi32, #tpu.memory_space<hbm>> -> memref<10000xi32, #tpu.memory_space<hbm>>
      tpu.wait_dma2 semaphore(%run_scoped3A : memref<!tpu.dma_semaphore, #tpu.memory_space<semaphore_mem>>) src(%dma_wait3A_102 : memref<10000xi32, #tpu.memory_space<hbm>>) dst(%arg6 : memref<10000xi32, #tpu.memory_space<vmem>>)
      tpu.yield
    }) : () -> ()
    "tpu.region"() ({
      %run_scoped3A = tpu.sem_alloc : memref<!tpu.dma_semaphore, #tpu.memory_space<semaphore_mem>>
      %dma_start3A_99 = tpu.memref_slice %arg4[%mul3A_2] : memref<320000xi32, #tpu.memory_space<hbm>> -> memref<10000xi32, #tpu.memory_space<hbm>>
      %dma_start3A_100 = tpu.memref_slice %arg4[%mul3A_2] : memref<320000xi32, #tpu.memory_space<hbm>> -> memref<10000xi32, #tpu.memory_space<hbm>>
      tpu.enqueue_dma source(%dma_start3A_100 : memref<10000xi32, #tpu.memory_space<hbm>>) target(%arg7 : memref<10000xi32, #tpu.memory_space<vmem>>) target_semaphore(%run_scoped3A : memref<!tpu.dma_semaphore, #tpu.memory_space<semaphore_mem>>)
      %dma_wait3A_101 = tpu.memref_slice %arg4[%mul3A_2] : memref<320000xi32, #tpu.memory_space<hbm>> -> memref<10000xi32, #tpu.memory_space<hbm>>
      %dma_wait3A_102 = tpu.memref_slice %arg4[%mul3A_2] : memref<320000xi32, #tpu.memory_space<hbm>> -> memref<10000xi32, #tpu.memory_space<hbm>>
      tpu.wait_dma2 semaphore(%run_scoped3A : memref<!tpu.dma_semaphore, #tpu.memory_space<semaphore_mem>>) src(%dma_wait3A_102 : memref<10000xi32, #tpu.memory_space<hbm>>) dst(%arg7 : memref<10000xi32, #tpu.memory_space<vmem>>)
      tpu.yield
    }) : () -> ()
    %broadcast_in_dim3A = arith.constant 0.000000e+00 : f32
    %broadcast_in_dim3A_3 = vector.broadcast %broadcast_in_dim3A : f32 to vector<16xf32>
    %scan3A = arith.constant 0 : i32
    %scan3A_4 = arith.constant 0 : i32
    %scan3A_5 = arith.constant 256 : i32
    %scan3A_6 = arith.addi %scan3A_4, %scan3A_5 : i32
    %scan3A_7 = arith.constant 1 : i32
    scf.for %scan3A_99 = %scan3A_4 to %scan3A_6 step %scan3A_7  : i32 {
      %jit3A = arith.constant 8 : i32
      %div3A = arith.divsi %scan3A_99, %jit3A : i32
      %sign3A = arith.constant 0 : i32
      %sign3A_100 = arith.cmpi sgt, %scan3A_99, %sign3A : i32
      %sign3A_101 = arith.extui %sign3A_100 : i1 to i32
      %sign3A_102 = arith.constant 0 : i32
      %sign3A_103 = arith.cmpi slt, %scan3A_99, %sign3A_102 : i32
      %sign3A_104 = arith.extui %sign3A_103 : i1 to i32
      %sign3A_105 = arith.subi %sign3A_101, %sign3A_104 : i32
      %sign3A_106 = arith.constant 0 : i32
      %sign3A_107 = arith.cmpi sgt, %jit3A, %sign3A_106 : i32
      %sign3A_108 = arith.extui %sign3A_107 : i1 to i32
      %sign3A_109 = arith.constant 0 : i32
      %sign3A_110 = arith.cmpi slt, %jit3A, %sign3A_109 : i32
      %sign3A_111 = arith.extui %sign3A_110 : i1 to i32
      %sign3A_112 = arith.subi %sign3A_108, %sign3A_111 : i32
      %ne3A = arith.cmpi ne, %sign3A_105, %sign3A_112 : i32
      %rem3A = arith.remsi %scan3A_99, %jit3A : i32
      %ne3A_113 = arith.constant 0 : i32
      %ne3A_114 = arith.cmpi ne, %rem3A, %ne3A_113 : i32
      %and3A = arith.andi %ne3A, %ne3A_114 : i1
      %sub3A = arith.constant 1 : i32
      %sub3A_115 = arith.subi %div3A, %sub3A : i32
      %select_n3A = arith.select %and3A, %sub3A_115, %div3A : i32
      %jit3A_116 = arith.constant 8 : i32
      %eq3A = arith.constant 0 : i32
      %eq3A_117 = arith.cmpi eq, %jit3A_116, %eq3A : i32
      %jit3A_118 = arith.constant 1 : i32
      %select_n3A_119 = arith.select %eq3A_117, %jit3A_118, %jit3A_116 : i32
      %rem3A_120 = arith.remsi %scan3A_99, %select_n3A_119 : i32
      %ne3A_121 = arith.constant 0 : i32
      %ne3A_122 = arith.cmpi ne, %rem3A_120, %ne3A_121 : i32
      %lt3A = arith.constant 0 : i32
      %lt3A_123 = arith.cmpi slt, %rem3A_120, %lt3A : i32
      %lt3A_124 = arith.constant 0 : i32
      %lt3A_125 = arith.cmpi slt, %select_n3A_119, %lt3A_124 : i32
      %ne3A_126 = arith.xori %lt3A_123, %lt3A_125 : i1
      %and3A_127 = arith.andi %ne3A_126, %ne3A_122 : i1
      %add3A_128 = arith.addi %rem3A_120, %select_n3A_119 : i32
      %select_n3A_129 = arith.select %and3A_127, %add3A_128, %rem3A_120 : i32
      %mul3A_130 = arith.constant 16 : i32
      %mul3A_131 = arith.muli %select_n3A_129, %mul3A_130 : i32
      %swap3A_132 = arith.index_cast %select_n3A : i32 to index
      %swap3A_133 = arith.index_cast %mul3A_131 : i32 to index
      %swap3A_134 = tpu.vector_load %arg14[%swap3A_132, %swap3A_133] {strides = array<i32>} : memref<32x128xf32, #tpu.memory_space<vmem>>, vector<1x16xf32>,
      %swap3A_135 = vector.shape_cast %swap3A_134 : vector<1x16xf32> to vector<16xf32>
      %swap3A_136 = vector.shape_cast %broadcast_in_dim3A_3 : vector<16xf32> to vector<1x16xf32>
      tpu.vector_store %arg14[%swap3A_132, %swap3A_133], %swap3A_136 {strides = array<i32>} : memref<32x128xf32, #tpu.memory_space<vmem>>, vector<1x16xf32>,
    }
    %scan3A_8 = arith.constant 256 : i32
    %get3A = arith.constant 0 : index
    %get3A_9 = tpu.vector_load %arg6[%get3A] {strides = array<i32>} : memref<10000xi32, #tpu.memory_space<vmem>>, vector<16xi32>,
    %get3A_10 = vector.shape_cast %get3A_9 : vector<16xi32> to vector<16xi32>
    %swap3A = arith.constant 0 : index
    %swap3A_11 = tpu.vector_load %arg8[%swap3A] {strides = array<i32>} : memref<80xi32, #tpu.memory_space<vmem>>, vector<16xi32>,
    %swap3A_12 = vector.shape_cast %swap3A_11 : vector<16xi32> to vector<16xi32>
    %swap3A_13 = vector.shape_cast %get3A_10 : vector<16xi32> to vector<16xi32>
    tpu.vector_store %arg8[%swap3A], %swap3A_13 {strides = array<i32>} : memref<80xi32, #tpu.memory_space<vmem>>, vector<16xi32>,
    %get3A_14 = arith.constant 0 : index
    %get3A_15 = tpu.vector_load %arg7[%get3A_14] {strides = array<i32>} : memref<10000xi32, #tpu.memory_space<vmem>>, vector<16xi32>,
    %get3A_16 = vector.shape_cast %get3A_15 : vector<16xi32> to vector<16xi32>
    %swap3A_17 = arith.constant 0 : index
    %swap3A_18 = tpu.vector_load %arg9[%swap3A_17] {strides = array<i32>} : memref<80xi32, #tpu.memory_space<vmem>>, vector<16xi32>,
    %swap3A_19 = vector.shape_cast %swap3A_18 : vector<16xi32> to vector<16xi32>
    %swap3A_20 = vector.shape_cast %get3A_16 : vector<16xi32> to vector<16xi32>
    tpu.vector_store %arg9[%swap3A_17], %swap3A_20 {strides = array<i32>} : memref<80xi32, #tpu.memory_space<vmem>>, vector<16xi32>,
    %get3A_21 = arith.constant 16 : index
    %get3A_22 = tpu.vector_load %arg6[%get3A_21] {strides = array<i32>} : memref<10000xi32, #tpu.memory_space<vmem>>, vector<16xi32>,
    %get3A_23 = vector.shape_cast %get3A_22 : vector<16xi32> to vector<16xi32>
    %swap3A_24 = arith.constant 16 : index
    %swap3A_25 = tpu.vector_load %arg8[%swap3A_24] {strides = array<i32>} : memref<80xi32, #tpu.memory_space<vmem>>, vector<16xi32>,
    %swap3A_26 = vector.shape_cast %swap3A_25 : vector<16xi32> to vector<16xi32>
    %swap3A_27 = vector.shape_cast %get3A_23 : vector<16xi32> to vector<16xi32>
    tpu.vector_store %arg8[%swap3A_24], %swap3A_27 {strides = array<i32>} : memref<80xi32, #tpu.memory_space<vmem>>, vector<16xi32>,
    %get3A_28 = arith.constant 16 : index
    %get3A_29 = tpu.vector_load %arg7[%get3A_28] {strides = array<i32>} : memref<10000xi32, #tpu.memory_space<vmem>>, vector<16xi32>,
    %get3A_30 = vector.shape_cast %get3A_29 : vector<16xi32> to vector<16xi32>
    %swap3A_31 = arith.constant 16 : index
    %swap3A_32 = tpu.vector_load %arg9[%swap3A_31] {strides = array<i32>} : memref<80xi32, #tpu.memory_space<vmem>>, vector<16xi32>,
    %swap3A_33 = vector.shape_cast %swap3A_32 : vector<16xi32> to vector<16xi32>
    %swap3A_34 = vector.shape_cast %get3A_30 : vector<16xi32> to vector<16xi32>
    tpu.vector_store %arg9[%swap3A_31], %swap3A_34 {strides = array<i32>} : memref<80xi32, #tpu.memory_space<vmem>>, vector<16xi32>,
    %get3A_35 = arith.constant 32 : index
    %get3A_36 = tpu.vector_load %arg6[%get3A_35] {strides = array<i32>} : memref<10000xi32, #tpu.memory_space<vmem>>, vector<16xi32>,
    %get3A_37 = vector.shape_cast %get3A_36 : vector<16xi32> to vector<16xi32>
    %swap3A_38 = arith.constant 32 : index
    %swap3A_39 = tpu.vector_load %arg8[%swap3A_38] {strides = array<i32>} : memref<80xi32, #tpu.memory_space<vmem>>, vector<16xi32>,
    %swap3A_40 = vector.shape_cast %swap3A_39 : vector<16xi32> to vector<16xi32>
    %swap3A_41 = vector.shape_cast %get3A_37 : vector<16xi32> to vector<16xi32>
    tpu.vector_store %arg8[%swap3A_38], %swap3A_41 {strides = array<i32>} : memref<80xi32, #tpu.memory_space<vmem>>, vector<16xi32>,
    %get3A_42 = arith.constant 32 : index
    %get3A_43 = tpu.vector_load %arg7[%get3A_42] {strides = array<i32>} : memref<10000xi32, #tpu.memory_space<vmem>>, vector<16xi32>,
    %get3A_44 = vector.shape_cast %get3A_43 : vector<16xi32> to vector<16xi32>
    %swap3A_45 = arith.constant 32 : index
    %swap3A_46 = tpu.vector_load %arg9[%swap3A_45] {strides = array<i32>} : memref<80xi32, #tpu.memory_space<vmem>>, vector<16xi32>,
    %swap3A_47 = vector.shape_cast %swap3A_46 : vector<16xi32> to vector<16xi32>
    %swap3A_48 = vector.shape_cast %get3A_44 : vector<16xi32> to vector<16xi32>
    tpu.vector_store %arg9[%swap3A_45], %swap3A_48 {strides = array<i32>} : memref<80xi32, #tpu.memory_space<vmem>>, vector<16xi32>,
    %get3A_49 = arith.constant 48 : index
    %get3A_50 = tpu.vector_load %arg6[%get3A_49] {strides = array<i32>} : memref<10000xi32, #tpu.memory_space<vmem>>, vector<16xi32>,
    %get3A_51 = vector.shape_cast %get3A_50 : vector<16xi32> to vector<16xi32>
    %swap3A_52 = arith.constant 48 : index
    %swap3A_53 = tpu.vector_load %arg8[%swap3A_52] {strides = array<i32>} : memref<80xi32, #tpu.memory_space<vmem>>, vector<16xi32>,
    %swap3A_54 = vector.shape_cast %swap3A_53 : vector<16xi32> to vector<16xi32>
    %swap3A_55 = vector.shape_cast %get3A_51 : vector<16xi32> to vector<16xi32>
    tpu.vector_store %arg8[%swap3A_52], %swap3A_55 {strides = array<i32>} : memref<80xi32, #tpu.memory_space<vmem>>, vector<16xi32>,
    %get3A_56 = arith.constant 48 : index
    %get3A_57 = tpu.vector_load %arg7[%get3A_56] {strides = array<i32>} : memref<10000xi32, #tpu.memory_space<vmem>>, vector<16xi32>,
    %get3A_58 = vector.shape_cast %get3A_57 : vector<16xi32> to vector<16xi32>
    %swap3A_59 = arith.constant 48 : index
    %swap3A_60 = tpu.vector_load %arg9[%swap3A_59] {strides = array<i32>} : memref<80xi32, #tpu.memory_space<vmem>>, vector<16xi32>,
    %swap3A_61 = vector.shape_cast %swap3A_60 : vector<16xi32> to vector<16xi32>
    %swap3A_62 = vector.shape_cast %get3A_58 : vector<16xi32> to vector<16xi32>
    tpu.vector_store %arg9[%swap3A_59], %swap3A_62 {strides = array<i32>} : memref<80xi32, #tpu.memory_space<vmem>>, vector<16xi32>,
    %get3A_63 = arith.constant 64 : index
    %get3A_64 = tpu.vector_load %arg6[%get3A_63] {strides = array<i32>} : memref<10000xi32, #tpu.memory_space<vmem>>, vector<16xi32>,
    %get3A_65 = vector.shape_cast %get3A_64 : vector<16xi32> to vector<16xi32>
    %swap3A_66 = arith.constant 64 : index
    %swap3A_67 = tpu.vector_load %arg8[%swap3A_66] {strides = array<i32>} : memref<80xi32, #tpu.memory_space<vmem>>, vector<16xi32>,
    %swap3A_68 = vector.shape_cast %swap3A_67 : vector<16xi32> to vector<16xi32>
    %swap3A_69 = vector.shape_cast %get3A_65 : vector<16xi32> to vector<16xi32>
    tpu.vector_store %arg8[%swap3A_66], %swap3A_69 {strides = array<i32>} : memref<80xi32, #tpu.memory_space<vmem>>, vector<16xi32>,
    %get3A_70 = arith.constant 64 : index
    %get3A_71 = tpu.vector_load %arg7[%get3A_70] {strides = array<i32>} : memref<10000xi32, #tpu.memory_space<vmem>>, vector<16xi32>,
    %get3A_72 = vector.shape_cast %get3A_71 : vector<16xi32> to vector<16xi32>
    %swap3A_73 = arith.constant 64 : index
    %swap3A_74 = tpu.vector_load %arg9[%swap3A_73] {strides = array<i32>} : memref<80xi32, #tpu.memory_space<vmem>>, vector<16xi32>,
    %swap3A_75 = vector.shape_cast %swap3A_74 : vector<16xi32> to vector<16xi32>
    %swap3A_76 = vector.shape_cast %get3A_72 : vector<16xi32> to vector<16xi32>
    tpu.vector_store %arg9[%swap3A_73], %swap3A_76 {strides = array<i32>} : memref<80xi32, #tpu.memory_space<vmem>>, vector<16xi32>,
    %dma_start3A = arith.constant 0 : i32
    %dma_start3A_77 = arith.constant 0 : i32
    %dma_start3A_78 = tpu.memref_slice %arg2[%dma_start3A, %dma_start3A_77] : memref<10000x128xf32, #tpu.memory_space<hbm>> -> memref<10000x128xf32, #tpu.memory_space<hbm>>
    tpu.enqueue_indirect_dma source(%dma_start3A_78 : memref<10000x128xf32, #tpu.memory_space<hbm>>) target(%arg12 : memref<80x128xf32, #tpu.memory_space<vmem>>) offsets(%arg8 : memref<80xi32, #tpu.memory_space<vmem>>) semaphore(%arg16 : memref<!tpu.dma_semaphore, #tpu.memory_space<semaphore_mem>>)
    %mul3A_79 = arith.constant 640 : i32
    %mul3A_80 = arith.muli %arg1, %mul3A_79 : i32
    %scan3A_81 = arith.constant 0 : i32
    %scan3A_82 = arith.constant 0 : i32
    %scan3A_83 = arith.constant 20 : i32
    %scan3A_84 = arith.addi %scan3A_82, %scan3A_83 : i32
    %scan3A_85 = arith.constant 1 : i32
    scf.for %scan3A_99 = %scan3A_82 to %scan3A_84 step %scan3A_85  : i32 {
      %mul3A_100 = arith.constant 32 : i32
      %mul3A_101 = arith.muli %scan3A_99, %mul3A_100 : i32
      %add3A_102 = arith.addi %mul3A_80, %mul3A_101 : i32
      "tpu.region"() ({
        %run_scoped3A = tpu.sem_alloc : memref<!tpu.dma_semaphore, #tpu.memory_space<semaphore_mem>>
        %dma_start3A_103 = arith.constant 0 : i32
        %dma_start3A_104 = tpu.memref_slice %arg15[%add3A_102, %dma_start3A_103] : memref<10240x128xf32, #tpu.memory_space<vmem_shared>> -> memref<32x128xf32, #tpu.memory_space<vmem_shared>>
        %dma_start3A_105 = arith.constant 0 : i32
        %dma_start3A_106 = tpu.memref_slice %arg15[%add3A_102, %dma_start3A_105] : memref<10240x128xf32, #tpu.memory_space<vmem_shared>> -> memref<32x128xf32, #tpu.memory_space<vmem_shared>>
        tpu.enqueue_dma source(%arg14 : memref<32x128xf32, #tpu.memory_space<vmem>>) target(%dma_start3A_106 : memref<32x128xf32, #tpu.memory_space<vmem_shared>>) target_semaphore(%run_scoped3A : memref<!tpu.dma_semaphore, #tpu.memory_space<semaphore_mem>>)
        %dma_wait3A_107 = arith.constant 0 : i32
        %dma_wait3A_108 = tpu.memref_slice %arg15[%add3A_102, %dma_wait3A_107] : memref<10240x128xf32, #tpu.memory_space<vmem_shared>> -> memref<32x128xf32, #tpu.memory_space<vmem_shared>>
        %dma_wait3A_109 = arith.constant 0 : i32
        %dma_wait3A_110 = tpu.memref_slice %arg15[%add3A_102, %dma_wait3A_109] : memref<10240x128xf32, #tpu.memory_space<vmem_shared>> -> memref<32x128xf32, #tpu.memory_space<vmem_shared>>
        tpu.wait_dma2 semaphore(%run_scoped3A : memref<!tpu.dma_semaphore, #tpu.memory_space<semaphore_mem>>) src(%arg14 : memref<32x128xf32, #tpu.memory_space<vmem>>) dst(%dma_wait3A_110 : memref<32x128xf32, #tpu.memory_space<vmem_shared>>)
        tpu.yield
      }) : () -> ()
    }
    %scan3A_86 = arith.constant 20 : i32
    %barrier3A = arith.constant 0 : index
    tpu.barrier barrier_id(%barrier3A)
    %scan3A_87 = arith.constant 0 : i32
    %scan3A_88 = arith.constant 0 : i32
    %scan3A_89 = arith.constant 62 : i32
    %scan3A_90 = arith.addi %scan3A_88, %scan3A_89 : i32
    %scan3A_91 = arith.constant 1 : i32
    scf.for %scan3A_99 = %scan3A_88 to %scan3A_90 step %scan3A_91  : i32 {
      %mul3A_100 = arith.constant 2 : i32
      %mul3A_101 = arith.muli %mul3A_100, %scan3A_99 : i32
      %add3A_102 = arith.constant 1 : i32
      %add3A_103 = arith.addi %mul3A_101, %add3A_102 : i32
      %mul3A_104 = arith.constant 80 : i32
      %mul3A_105 = arith.muli %add3A_103, %mul3A_104 : i32
      %add3A_106 = arith.constant 0 : i32
      %add3A_107 = arith.addi %mul3A_105, %add3A_106 : i32
      %get3A_108 = arith.index_cast %add3A_107 : i32 to index
      %get3A_109 = tpu.vector_load %arg6[%get3A_108] {strides = array<i32>} : memref<10000xi32, #tpu.memory_space<vmem>>, vector<16xi32>,
      %get3A_110 = vector.shape_cast %get3A_109 : vector<16xi32> to vector<16xi32>
      %swap3A_111 = arith.constant 0 : index
      %swap3A_112 = tpu.vector_load %arg10[%swap3A_111] {strides = array<i32>} : memref<80xi32, #tpu.memory_space<vmem>>, vector<16xi32>,
      %swap3A_113 = vector.shape_cast %swap3A_112 : vector<16xi32> to vector<16xi32>
      %swap3A_114 = vector.shape_cast %get3A_110 : vector<16xi32> to vector<16xi32>
      tpu.vector_store %arg10[%swap3A_111], %swap3A_114 {strides = array<i32>} : memref<80xi32, #tpu.memory_space<vmem>>, vector<16xi32>,
      %mul3A_115 = arith.constant 80 : i32
      %mul3A_116 = arith.muli %add3A_103, %mul3A_115 : i32
      %add3A_117 = arith.constant 0 : i32
      %add3A_118 = arith.addi %mul3A_116, %add3A_117 : i32
      %get3A_119 = arith.index_cast %add3A_118 : i32 to index
      %get3A_120 = tpu.vector_load %arg7[%get3A_119] {strides = array<i32>} : memref<10000xi32, #tpu.memory_space<vmem>>, vector<16xi32>,
      %get3A_121 = vector.shape_cast %get3A_120 : vector<16xi32> to vector<16xi32>
      %swap3A_122 = arith.constant 0 : index
      %swap3A_123 = tpu.vector_load %arg11[%swap3A_122] {strides = array<i32>} : memref<80xi32, #tpu.memory_space<vmem>>, vector<16xi32>,
      %swap3A_124 = vector.shape_cast %swap3A_123 : vector<16xi32> to vector<16xi32>
      %swap3A_125 = vector.shape_cast %get3A_121 : vector<16xi32> to vector<16xi32>
      tpu.vector_store %arg11[%swap3A_122], %swap3A_125 {strides = array<i32>} : memref<80xi32, #tpu.memory_space<vmem>>, vector<16xi32>,
      %mul3A_126 = arith.constant 80 : i32
      %mul3A_127 = arith.muli %add3A_103, %mul3A_126 : i32
      %add3A_128 = arith.constant 16 : i32
      %add3A_129 = arith.addi %mul3A_127, %add3A_128 : i32
      %get3A_130 = arith.index_cast %add3A_129 : i32 to index
      %get3A_131 = tpu.vector_load %arg6[%get3A_130] {strides = array<i32>} : memref<10000xi32, #tpu.memory_space<vmem>>, vector<16xi32>,
      %get3A_132 = vector.shape_cast %get3A_131 : vector<16xi32> to vector<16xi32>
      %swap3A_133 = arith.constant 16 : index
      %swap3A_134 = tpu.vector_load %arg10[%swap3A_133] {strides = array<i32>} : memref<80xi32, #tpu.memory_space<vmem>>, vector<16xi32>,
      %swap3A_135 = vector.shape_cast %swap3A_134 : vector<16xi32> to vector<16xi32>
      %swap3A_136 = vector.shape_cast %get3A_132 : vector<16xi32> to vector<16xi32>
      tpu.vector_store %arg10[%swap3A_133], %swap3A_136 {strides = array<i32>} : memref<80xi32, #tpu.memory_space<vmem>>, vector<16xi32>,
      %mul3A_137 = arith.constant 80 : i32
      %mul3A_138 = arith.muli %add3A_103, %mul3A_137 : i32
      %add3A_139 = arith.constant 16 : i32
      %add3A_140 = arith.addi %mul3A_138, %add3A_139 : i32
      %get3A_141 = arith.index_cast %add3A_140 : i32 to index
      %get3A_142 = tpu.vector_load %arg7[%get3A_141] {strides = array<i32>} : memref<10000xi32, #tpu.memory_space<vmem>>, vector<16xi32>,
      %get3A_143 = vector.shape_cast %get3A_142 : vector<16xi32> to vector<16xi32>
      %swap3A_144 = arith.constant 16 : index
      %swap3A_145 = tpu.vector_load %arg11[%swap3A_144] {strides = array<i32>} : memref<80xi32, #tpu.memory_space<vmem>>, vector<16xi32>,
      %swap3A_146 = vector.shape_cast %swap3A_145 : vector<16xi32> to vector<16xi32>
      %swap3A_147 = vector.shape_cast %get3A_143 : vector<16xi32> to vector<16xi32>
      tpu.vector_store %arg11[%swap3A_144], %swap3A_147 {strides = array<i32>} : memref<80xi32, #tpu.memory_space<vmem>>, vector<16xi32>,
      %mul3A_148 = arith.constant 80 : i32
      %mul3A_149 = arith.muli %add3A_103, %mul3A_148 : i32
      %add3A_150 = arith.constant 32 : i32
      %add3A_151 = arith.addi %mul3A_149, %add3A_150 : i32
      %get3A_152 = arith.index_cast %add3A_151 : i32 to index
      %get3A_153 = tpu.vector_load %arg6[%get3A_152] {strides = array<i32>} : memref<10000xi32, #tpu.memory_space<vmem>>, vector<16xi32>,
      %get3A_154 = vector.shape_cast %get3A_153 : vector<16xi32> to vector<16xi32>
      %swap3A_155 = arith.constant 32 : index
      %swap3A_156 = tpu.vector_load %arg10[%swap3A_155] {strides = array<i32>} : memref<80xi32, #tpu.memory_space<vmem>>, vector<16xi32>,
      %swap3A_157 = vector.shape_cast %swap3A_156 : vector<16xi32> to vector<16xi32>
      %swap3A_158 = vector.shape_cast %get3A_154 : vector<16xi32> to vector<16xi32>
      tpu.vector_store %arg10[%swap3A_155], %swap3A_158 {strides = array<i32>} : memref<80xi32, #tpu.memory_space<vmem>>, vector<16xi32>,
      %mul3A_159 = arith.constant 80 : i32
      %mul3A_160 = arith.muli %add3A_103, %mul3A_159 : i32
      %add3A_161 = arith.constant 32 : i32
      %add3A_162 = arith.addi %mul3A_160, %add3A_161 : i32
      %get3A_163 = arith.index_cast %add3A_162 : i32 to index
      %get3A_164 = tpu.vector_load %arg7[%get3A_163] {strides = array<i32>} : memref<10000xi32, #tpu.memory_space<vmem>>, vector<16xi32>,
      %get3A_165 = vector.shape_cast %get3A_164 : vector<16xi32> to vector<16xi32>
      %swap3A_166 = arith.constant 32 : index
      %swap3A_167 = tpu.vector_load %arg11[%swap3A_166] {strides = array<i32>} : memref<80xi32, #tpu.memory_space<vmem>>, vector<16xi32>,
      %swap3A_168 = vector.shape_cast %swap3A_167 : vector<16xi32> to vector<16xi32>
      %swap3A_169 = vector.shape_cast %get3A_165 : vector<16xi32> to vector<16xi32>
      tpu.vector_store %arg11[%swap3A_166], %swap3A_169 {strides = array<i32>} : memref<80xi32, #tpu.memory_space<vmem>>, vector<16xi32>,
      %mul3A_170 = arith.constant 80 : i32
      %mul3A_171 = arith.muli %add3A_103, %mul3A_170 : i32
      %add3A_172 = arith.constant 48 : i32
      %add3A_173 = arith.addi %mul3A_171, %add3A_172 : i32
      %get3A_174 = arith.index_cast %add3A_173 : i32 to index
      %get3A_175 = tpu.vector_load %arg6[%get3A_174] {strides = array<i32>} : memref<10000xi32, #tpu.memory_space<vmem>>, vector<16xi32>,
      %get3A_176 = vector.shape_cast %get3A_175 : vector<16xi32> to vector<16xi32>
      %swap3A_177 = arith.constant 48 : index
      %swap3A_178 = tpu.vector_load %arg10[%swap3A_177] {strides = array<i32>} : memref<80xi32, #tpu.memory_space<vmem>>, vector<16xi32>,
      %swap3A_179 = vector.shape_cast %swap3A_178 : vector<16xi32> to vector<16xi32>
      %swap3A_180 = vector.shape_cast %get3A_176 : vector<16xi32> to vector<16xi32>
      tpu.vector_store %arg10[%swap3A_177], %swap3A_180 {strides = array<i32>} : memref<80xi32, #tpu.memory_space<vmem>>, vector<16xi32>,
      %mul3A_181 = arith.constant 80 : i32
      %mul3A_182 = arith.muli %add3A_103, %mul3A_181 : i32
      %add3A_183 = arith.constant 48 : i32
      %add3A_184 = arith.addi %mul3A_182, %add3A_183 : i32
      %get3A_185 = arith.index_cast %add3A_184 : i32 to index
      %get3A_186 = tpu.vector_load %arg7[%get3A_185] {strides = array<i32>} : memref<10000xi32, #tpu.memory_space<vmem>>, vector<16xi32>,
      %get3A_187 = vector.shape_cast %get3A_186 : vector<16xi32> to vector<16xi32>
      %swap3A_188 = arith.constant 48 : index
      %swap3A_189 = tpu.vector_load %arg11[%swap3A_188] {strides = array<i32>} : memref<80xi32, #tpu.memory_space<vmem>>, vector<16xi32>,
      %swap3A_190 = vector.shape_cast %swap3A_189 : vector<16xi32> to vector<16xi32>
      %swap3A_191 = vector.shape_cast %get3A_187 : vector<16xi32> to vector<16xi32>
      tpu.vector_store %arg11[%swap3A_188], %swap3A_191 {strides = array<i32>} : memref<80xi32, #tpu.memory_space<vmem>>, vector<16xi32>,
      %mul3A_192 = arith.constant 80 : i32
      %mul3A_193 = arith.muli %add3A_103, %mul3A_192 : i32
      %add3A_194 = arith.constant 64 : i32
      %add3A_195 = arith.addi %mul3A_193, %add3A_194 : i32
      %get3A_196 = arith.index_cast %add3A_195 : i32 to index
      %get3A_197 = tpu.vector_load %arg6[%get3A_196] {strides = array<i32>} : memref<10000xi32, #tpu.memory_space<vmem>>, vector<16xi32>,
      %get3A_198 = vector.shape_cast %get3A_197 : vector<16xi32> to vector<16xi32>
      %swap3A_199 = arith.constant 64 : index
      %swap3A_200 = tpu.vector_load %arg10[%swap3A_199] {strides = array<i32>} : memref<80xi32, #tpu.memory_space<vmem>>, vector<16xi32>,
      %swap3A_201 = vector.shape_cast %swap3A_200 : vector<16xi32> to vector<16xi32>
      %swap3A_202 = vector.shape_cast %get3A_198 : vector<16xi32> to vector<16xi32>
      tpu.vector_store %arg10[%swap3A_199], %swap3A_202 {strides = array<i32>} : memref<80xi32, #tpu.memory_space<vmem>>, vector<16xi32>,
      %mul3A_203 = arith.constant 80 : i32
      %mul3A_204 = arith.muli %add3A_103, %mul3A_203 : i32
      %add3A_205 = arith.constant 64 : i32
      %add3A_206 = arith.addi %mul3A_204, %add3A_205 : i32
      %get3A_207 = arith.index_cast %add3A_206 : i32 to index
      %get3A_208 = tpu.vector_load %arg7[%get3A_207] {strides = array<i32>} : memref<10000xi32, #tpu.memory_space<vmem>>, vector<16xi32>,
      %get3A_209 = vector.shape_cast %get3A_208 : vector<16xi32> to vector<16xi32>
      %swap3A_210 = arith.constant 64 : index
      %swap3A_211 = tpu.vector_load %arg11[%swap3A_210] {strides = array<i32>} : memref<80xi32, #tpu.memory_space<vmem>>, vector<16xi32>,
      %swap3A_212 = vector.shape_cast %swap3A_211 : vector<16xi32> to vector<16xi32>
      %swap3A_213 = vector.shape_cast %get3A_209 : vector<16xi32> to vector<16xi32>
      tpu.vector_store %arg11[%swap3A_210], %swap3A_213 {strides = array<i32>} : memref<80xi32, #tpu.memory_space<vmem>>, vector<16xi32>,
      %dma_start3A_214 = arith.constant 0 : i32
      %dma_start3A_215 = arith.constant 0 : i32
      %dma_start3A_216 = tpu.memref_slice %arg2[%dma_start3A_214, %dma_start3A_215] : memref<10000x128xf32, #tpu.memory_space<hbm>> -> memref<10000x128xf32, #tpu.memory_space<hbm>>
      tpu.enqueue_indirect_dma source(%dma_start3A_216 : memref<10000x128xf32, #tpu.memory_space<hbm>>) target(%arg13 : memref<80x128xf32, #tpu.memory_space<vmem>>) offsets(%arg10 : memref<80xi32, #tpu.memory_space<vmem>>) semaphore(%arg17 : memref<!tpu.dma_semaphore, #tpu.memory_space<semaphore_mem>>)
      %dma_wait3A_217 = arith.constant 0 : i32
      %dma_wait3A_218 = arith.constant 0 : i32
      %dma_wait3A_219 = tpu.memref_slice %arg2[%dma_wait3A_217, %dma_wait3A_218] : memref<10000x128xf32, #tpu.memory_space<hbm>> -> memref<80x128xf32, #tpu.memory_space<hbm>>
      %dma_wait3A_220 = arith.constant 0 : i32
      %dma_wait3A_221 = arith.constant 0 : i32
      %dma_wait3A_222 = tpu.memref_slice %arg2[%dma_wait3A_220, %dma_wait3A_221] : memref<10000x128xf32, #tpu.memory_space<hbm>> -> memref<80x128xf32, #tpu.memory_space<hbm>>
      tpu.wait_dma2 semaphore(%arg16 : memref<!tpu.dma_semaphore, #tpu.memory_space<semaphore_mem>>) src(%dma_wait3A_222 : memref<80x128xf32, #tpu.memory_space<hbm>>) dst(%arg12 : memref<80x128xf32, #tpu.memory_space<vmem>>)
      "tpu.region"() ({
        %run_scoped3A = tpu.sem_alloc : memref<!tpu.dma_semaphore, #tpu.memory_space<semaphore_mem>>
        %dma_start3A_235 = arith.constant 0 : i32
        %dma_start3A_236 = arith.constant 0 : i32
        %dma_start3A_237 = tpu.memref_slice %arg15[%dma_start3A_235, %dma_start3A_236] : memref<10240x128xf32, #tpu.memory_space<vmem_shared>> -> memref<10240x128xf32, #tpu.memory_space<vmem_shared>>
        tpu.enqueue_indirect_dma source(%arg12 : memref<80x128xf32, #tpu.memory_space<vmem>>) target(%dma_start3A_237 : memref<10240x128xf32, #tpu.memory_space<vmem_shared>>) offsets(%arg9 : memref<80xi32, #tpu.memory_space<vmem>>) semaphore(%run_scoped3A : memref<!tpu.dma_semaphore, #tpu.memory_space<semaphore_mem>>) {add = true}
        %dma_wait3A_238 = arith.constant 0 : i32
        %dma_wait3A_239 = arith.constant 0 : i32
        %dma_wait3A_240 = tpu.memref_slice %arg15[%dma_wait3A_238, %dma_wait3A_239] : memref<10240x128xf32, #tpu.memory_space<vmem_shared>> -> memref<10240x128xf32, #tpu.memory_space<vmem_shared>>
        tpu.wait_indirect_dma semaphore(%run_scoped3A : memref<!tpu.dma_semaphore, #tpu.memory_space<semaphore_mem>>) src(%arg12 : memref<80x128xf32, #tpu.memory_space<vmem>>) dst(%dma_wait3A_240 : memref<10240x128xf32, #tpu.memory_space<vmem_shared>>)
        tpu.yield
      }) : () -> ()
      %mul3A_223 = arith.constant 2 : i32
      %mul3A_224 = arith.muli %mul3A_223, %scan3A_99 : i32
      %add3A_225 = arith.constant 2 : i32
      %add3A_226 = arith.addi %mul3A_224, %add3A_225 : i32
      %lt3A = arith.constant 125 : i32
      %lt3A_227 = arith.cmpi slt, %add3A_226, %lt3A : i32
      %convert_element_type3A = arith.extui %lt3A_227 : i1 to i32
      %cond3A = arith.constant 0 : i32
      %cond3A_228 = arith.cmpi ne, %convert_element_type3A, %cond3A : i32
      scf.if %cond3A_228 {
        %mul3A_235 = arith.constant 80 : i32
        %mul3A_236 = arith.muli %add3A_226, %mul3A_235 : i32
        %add3A_237 = arith.constant 0 : i32
        %add3A_238 = arith.addi %mul3A_236, %add3A_237 : i32
        %get3A_239 = arith.index_cast %add3A_238 : i32 to index
        %get3A_240 = tpu.vector_load %arg6[%get3A_239] {strides = array<i32>} : memref<10000xi32, #tpu.memory_space<vmem>>, vector<16xi32>,
        %get3A_241 = vector.shape_cast %get3A_240 : vector<16xi32> to vector<16xi32>
        %swap3A_242 = arith.constant 0 : index
        %swap3A_243 = tpu.vector_load %arg8[%swap3A_242] {strides = array<i32>} : memref<80xi32, #tpu.memory_space<vmem>>, vector<16xi32>,
        %swap3A_244 = vector.shape_cast %swap3A_243 : vector<16xi32> to vector<16xi32>
        %swap3A_245 = vector.shape_cast %get3A_241 : vector<16xi32> to vector<16xi32>
        tpu.vector_store %arg8[%swap3A_242], %swap3A_245 {strides = array<i32>} : memref<80xi32, #tpu.memory_space<vmem>>, vector<16xi32>,
        %mul3A_246 = arith.constant 80 : i32
        %mul3A_247 = arith.muli %add3A_226, %mul3A_246 : i32
        %add3A_248 = arith.constant 0 : i32
        %add3A_249 = arith.addi %mul3A_247, %add3A_248 : i32
        %get3A_250 = arith.index_cast %add3A_249 : i32 to index
        %get3A_251 = tpu.vector_load %arg7[%get3A_250] {strides = array<i32>} : memref<10000xi32, #tpu.memory_space<vmem>>, vector<16xi32>,
        %get3A_252 = vector.shape_cast %get3A_251 : vector<16xi32> to vector<16xi32>
        %swap3A_253 = arith.constant 0 : index
        %swap3A_254 = tpu.vector_load %arg9[%swap3A_253] {strides = array<i32>} : memref<80xi32, #tpu.memory_space<vmem>>, vector<16xi32>,
        %swap3A_255 = vector.shape_cast %swap3A_254 : vector<16xi32> to vector<16xi32>
        %swap3A_256 = vector.shape_cast %get3A_252 : vector<16xi32> to vector<16xi32>
        tpu.vector_store %arg9[%swap3A_253], %swap3A_256 {strides = array<i32>} : memref<80xi32, #tpu.memory_space<vmem>>, vector<16xi32>,
        %mul3A_257 = arith.constant 80 : i32
        %mul3A_258 = arith.muli %add3A_226, %mul3A_257 : i32
        %add3A_259 = arith.constant 16 : i32
        %add3A_260 = arith.addi %mul3A_258, %add3A_259 : i32
        %get3A_261 = arith.index_cast %add3A_260 : i32 to index
        %get3A_262 = tpu.vector_load %arg6[%get3A_261] {strides = array<i32>} : memref<10000xi32, #tpu.memory_space<vmem>>, vector<16xi32>,
        %get3A_263 = vector.shape_cast %get3A_262 : vector<16xi32> to vector<16xi32>
        %swap3A_264 = arith.constant 16 : index
        %swap3A_265 = tpu.vector_load %arg8[%swap3A_264] {strides = array<i32>} : memref<80xi32, #tpu.memory_space<vmem>>, vector<16xi32>,
        %swap3A_266 = vector.shape_cast %swap3A_265 : vector<16xi32> to vector<16xi32>
        %swap3A_267 = vector.shape_cast %get3A_263 : vector<16xi32> to vector<16xi32>
        tpu.vector_store %arg8[%swap3A_264], %swap3A_267 {strides = array<i32>} : memref<80xi32, #tpu.memory_space<vmem>>, vector<16xi32>,
        %mul3A_268 = arith.constant 80 : i32
        %mul3A_269 = arith.muli %add3A_226, %mul3A_268 : i32
        %add3A_270 = arith.constant 16 : i32
        %add3A_271 = arith.addi %mul3A_269, %add3A_270 : i32
        %get3A_272 = arith.index_cast %add3A_271 : i32 to index
        %get3A_273 = tpu.vector_load %arg7[%get3A_272] {strides = array<i32>} : memref<10000xi32, #tpu.memory_space<vmem>>, vector<16xi32>,
        %get3A_274 = vector.shape_cast %get3A_273 : vector<16xi32> to vector<16xi32>
        %swap3A_275 = arith.constant 16 : index
        %swap3A_276 = tpu.vector_load %arg9[%swap3A_275] {strides = array<i32>} : memref<80xi32, #tpu.memory_space<vmem>>, vector<16xi32>,
        %swap3A_277 = vector.shape_cast %swap3A_276 : vector<16xi32> to vector<16xi32>
        %swap3A_278 = vector.shape_cast %get3A_274 : vector<16xi32> to vector<16xi32>
        tpu.vector_store %arg9[%swap3A_275], %swap3A_278 {strides = array<i32>} : memref<80xi32, #tpu.memory_space<vmem>>, vector<16xi32>,
        %mul3A_279 = arith.constant 80 : i32
        %mul3A_280 = arith.muli %add3A_226, %mul3A_279 : i32
        %add3A_281 = arith.constant 32 : i32
        %add3A_282 = arith.addi %mul3A_280, %add3A_281 : i32
        %get3A_283 = arith.index_cast %add3A_282 : i32 to index
        %get3A_284 = tpu.vector_load %arg6[%get3A_283] {strides = array<i32>} : memref<10000xi32, #tpu.memory_space<vmem>>, vector<16xi32>,
        %get3A_285 = vector.shape_cast %get3A_284 : vector<16xi32> to vector<16xi32>
        %swap3A_286 = arith.constant 32 : index
        %swap3A_287 = tpu.vector_load %arg8[%swap3A_286] {strides = array<i32>} : memref<80xi32, #tpu.memory_space<vmem>>, vector<16xi32>,
        %swap3A_288 = vector.shape_cast %swap3A_287 : vector<16xi32> to vector<16xi32>
        %swap3A_289 = vector.shape_cast %get3A_285 : vector<16xi32> to vector<16xi32>
        tpu.vector_store %arg8[%swap3A_286], %swap3A_289 {strides = array<i32>} : memref<80xi32, #tpu.memory_space<vmem>>, vector<16xi32>,
        %mul3A_290 = arith.constant 80 : i32
        %mul3A_291 = arith.muli %add3A_226, %mul3A_290 : i32
        %add3A_292 = arith.constant 32 : i32
        %add3A_293 = arith.addi %mul3A_291, %add3A_292 : i32
        %get3A_294 = arith.index_cast %add3A_293 : i32 to index
        %get3A_295 = tpu.vector_load %arg7[%get3A_294] {strides = array<i32>} : memref<10000xi32, #tpu.memory_space<vmem>>, vector<16xi32>,
        %get3A_296 = vector.shape_cast %get3A_295 : vector<16xi32> to vector<16xi32>
        %swap3A_297 = arith.constant 32 : index
        %swap3A_298 = tpu.vector_load %arg9[%swap3A_297] {strides = array<i32>} : memref<80xi32, #tpu.memory_space<vmem>>, vector<16xi32>,
        %swap3A_299 = vector.shape_cast %swap3A_298 : vector<16xi32> to vector<16xi32>
        %swap3A_300 = vector.shape_cast %get3A_296 : vector<16xi32> to vector<16xi32>
        tpu.vector_store %arg9[%swap3A_297], %swap3A_300 {strides = array<i32>} : memref<80xi32, #tpu.memory_space<vmem>>, vector<16xi32>,
        %mul3A_301 = arith.constant 80 : i32
        %mul3A_302 = arith.muli %add3A_226, %mul3A_301 : i32
        %add3A_303 = arith.constant 48 : i32
        %add3A_304 = arith.addi %mul3A_302, %add3A_303 : i32
        %get3A_305 = arith.index_cast %add3A_304 : i32 to index
        %get3A_306 = tpu.vector_load %arg6[%get3A_305] {strides = array<i32>} : memref<10000xi32, #tpu.memory_space<vmem>>, vector<16xi32>,
        %get3A_307 = vector.shape_cast %get3A_306 : vector<16xi32> to vector<16xi32>
        %swap3A_308 = arith.constant 48 : index
        %swap3A_309 = tpu.vector_load %arg8[%swap3A_308] {strides = array<i32>} : memref<80xi32, #tpu.memory_space<vmem>>, vector<16xi32>,
        %swap3A_310 = vector.shape_cast %swap3A_309 : vector<16xi32> to vector<16xi32>
        %swap3A_311 = vector.shape_cast %get3A_307 : vector<16xi32> to vector<16xi32>
        tpu.vector_store %arg8[%swap3A_308], %swap3A_311 {strides = array<i32>} : memref<80xi32, #tpu.memory_space<vmem>>, vector<16xi32>,
        %mul3A_312 = arith.constant 80 : i32
        %mul3A_313 = arith.muli %add3A_226, %mul3A_312 : i32
        %add3A_314 = arith.constant 48 : i32
        %add3A_315 = arith.addi %mul3A_313, %add3A_314 : i32
        %get3A_316 = arith.index_cast %add3A_315 : i32 to index
        %get3A_317 = tpu.vector_load %arg7[%get3A_316] {strides = array<i32>} : memref<10000xi32, #tpu.memory_space<vmem>>, vector<16xi32>,
        %get3A_318 = vector.shape_cast %get3A_317 : vector<16xi32> to vector<16xi32>
        %swap3A_319 = arith.constant 48 : index
        %swap3A_320 = tpu.vector_load %arg9[%swap3A_319] {strides = array<i32>} : memref<80xi32, #tpu.memory_space<vmem>>, vector<16xi32>,
        %swap3A_321 = vector.shape_cast %swap3A_320 : vector<16xi32> to vector<16xi32>
        %swap3A_322 = vector.shape_cast %get3A_318 : vector<16xi32> to vector<16xi32>
        tpu.vector_store %arg9[%swap3A_319], %swap3A_322 {strides = array<i32>} : memref<80xi32, #tpu.memory_space<vmem>>, vector<16xi32>,
        %mul3A_323 = arith.constant 80 : i32
        %mul3A_324 = arith.muli %add3A_226, %mul3A_323 : i32
        %add3A_325 = arith.constant 64 : i32
        %add3A_326 = arith.addi %mul3A_324, %add3A_325 : i32
        %get3A_327 = arith.index_cast %add3A_326 : i32 to index
        %get3A_328 = tpu.vector_load %arg6[%get3A_327] {strides = array<i32>} : memref<10000xi32, #tpu.memory_space<vmem>>, vector<16xi32>,
        %get3A_329 = vector.shape_cast %get3A_328 : vector<16xi32> to vector<16xi32>
        %swap3A_330 = arith.constant 64 : index
        %swap3A_331 = tpu.vector_load %arg8[%swap3A_330] {strides = array<i32>} : memref<80xi32, #tpu.memory_space<vmem>>, vector<16xi32>,
        %swap3A_332 = vector.shape_cast %swap3A_331 : vector<16xi32> to vector<16xi32>
        %swap3A_333 = vector.shape_cast %get3A_329 : vector<16xi32> to vector<16xi32>
        tpu.vector_store %arg8[%swap3A_330], %swap3A_333 {strides = array<i32>} : memref<80xi32, #tpu.memory_space<vmem>>, vector<16xi32>,
        %mul3A_334 = arith.constant 80 : i32
        %mul3A_335 = arith.muli %add3A_226, %mul3A_334 : i32
        %add3A_336 = arith.constant 64 : i32
        %add3A_337 = arith.addi %mul3A_335, %add3A_336 : i32
        %get3A_338 = arith.index_cast %add3A_337 : i32 to index
        %get3A_339 = tpu.vector_load %arg7[%get3A_338] {strides = array<i32>} : memref<10000xi32, #tpu.memory_space<vmem>>, vector<16xi32>,
        %get3A_340 = vector.shape_cast %get3A_339 : vector<16xi32> to vector<16xi32>
        %swap3A_341 = arith.constant 64 : index
        %swap3A_342 = tpu.vector_load %arg9[%swap3A_341] {strides = array<i32>} : memref<80xi32, #tpu.memory_space<vmem>>, vector<16xi32>,
        %swap3A_343 = vector.shape_cast %swap3A_342 : vector<16xi32> to vector<16xi32>
        %swap3A_344 = vector.shape_cast %get3A_340 : vector<16xi32> to vector<16xi32>
        tpu.vector_store %arg9[%swap3A_341], %swap3A_344 {strides = array<i32>} : memref<80xi32, #tpu.memory_space<vmem>>, vector<16xi32>,
        %dma_start3A_345 = arith.constant 0 : i32
        %dma_start3A_346 = arith.constant 0 : i32
        %dma_start3A_347 = tpu.memref_slice %arg2[%dma_start3A_345, %dma_start3A_346] : memref<10000x128xf32, #tpu.memory_space<hbm>> -> memref<10000x128xf32, #tpu.memory_space<hbm>>
        tpu.enqueue_indirect_dma source(%dma_start3A_347 : memref<10000x128xf32, #tpu.memory_space<hbm>>) target(%arg12 : memref<80x128xf32, #tpu.memory_space<vmem>>) offsets(%arg8 : memref<80xi32, #tpu.memory_space<vmem>>) semaphore(%arg16 : memref<!tpu.dma_semaphore, #tpu.memory_space<semaphore_mem>>)
      } else {
      }
      %dma_wait3A_229 = arith.constant 0 : i32
      %dma_wait3A_230 = arith.constant 0 : i32
      %dma_wait3A_231 = tpu.memref_slice %arg2[%dma_wait3A_229, %dma_wait3A_230] : memref<10000x128xf32, #tpu.memory_space<hbm>> -> memref<80x128xf32, #tpu.memory_space<hbm>>
      %dma_wait3A_232 = arith.constant 0 : i32
      %dma_wait3A_233 = arith.constant 0 : i32
      %dma_wait3A_234 = tpu.memref_slice %arg2[%dma_wait3A_232, %dma_wait3A_233] : memref<10000x128xf32, #tpu.memory_space<hbm>> -> memref<80x128xf32, #tpu.memory_space<hbm>>
      tpu.wait_dma2 semaphore(%arg17 : memref<!tpu.dma_semaphore, #tpu.memory_space<semaphore_mem>>) src(%dma_wait3A_234 : memref<80x128xf32, #tpu.memory_space<hbm>>) dst(%arg13 : memref<80x128xf32, #tpu.memory_space<vmem>>)
      "tpu.region"() ({
        %run_scoped3A = tpu.sem_alloc : memref<!tpu.dma_semaphore, #tpu.memory_space<semaphore_mem>>
        %dma_start3A_235 = arith.constant 0 : i32
        %dma_start3A_236 = arith.constant 0 : i32
        %dma_start3A_237 = tpu.memref_slice %arg15[%dma_start3A_235, %dma_start3A_236] : memref<10240x128xf32, #tpu.memory_space<vmem_shared>> -> memref<10240x128xf32, #tpu.memory_space<vmem_shared>>
        tpu.enqueue_indirect_dma source(%arg13 : memref<80x128xf32, #tpu.memory_space<vmem>>) target(%dma_start3A_237 : memref<10240x128xf32, #tpu.memory_space<vmem_shared>>) offsets(%arg11 : memref<80xi32, #tpu.memory_space<vmem>>) semaphore(%run_scoped3A : memref<!tpu.dma_semaphore, #tpu.memory_space<semaphore_mem>>) {add = true}
        %dma_wait3A_238 = arith.constant 0 : i32
        %dma_wait3A_239 = arith.constant 0 : i32
        %dma_wait3A_240 = tpu.memref_slice %arg15[%dma_wait3A_238, %dma_wait3A_239] : memref<10240x128xf32, #tpu.memory_space<vmem_shared>> -> memref<10240x128xf32, #tpu.memory_space<vmem_shared>>
        tpu.wait_indirect_dma semaphore(%run_scoped3A : memref<!tpu.dma_semaphore, #tpu.memory_space<semaphore_mem>>) src(%arg13 : memref<80x128xf32, #tpu.memory_space<vmem>>) dst(%dma_wait3A_240 : memref<10240x128xf32, #tpu.memory_space<vmem_shared>>)
        tpu.yield
      }) : () -> ()
    }
    %scan3A_92 = arith.constant 62 : i32
    %dma_wait3A = arith.constant 0 : i32
    %dma_wait3A_93 = arith.constant 0 : i32
    %dma_wait3A_94 = tpu.memref_slice %arg2[%dma_wait3A, %dma_wait3A_93] : memref<10000x128xf32, #tpu.memory_space<hbm>> -> memref<80x128xf32, #tpu.memory_space<hbm>>
    %dma_wait3A_95 = arith.constant 0 : i32
    %dma_wait3A_96 = arith.constant 0 : i32
    %dma_wait3A_97 = tpu.memref_slice %arg2[%dma_wait3A_95, %dma_wait3A_96] : memref<10000x128xf32, #tpu.memory_space<hbm>> -> memref<80x128xf32, #tpu.memory_space<hbm>>
    tpu.wait_dma2 semaphore(%arg16 : memref<!tpu.dma_semaphore, #tpu.memory_space<semaphore_mem>>) src(%dma_wait3A_97 : memref<80x128xf32, #tpu.memory_space<hbm>>) dst(%arg12 : memref<80x128xf32, #tpu.memory_space<vmem>>)
    "tpu.region"() ({
      %run_scoped3A = tpu.sem_alloc : memref<!tpu.dma_semaphore, #tpu.memory_space<semaphore_mem>>
      %dma_start3A_99 = arith.constant 0 : i32
      %dma_start3A_100 = arith.constant 0 : i32
      %dma_start3A_101 = tpu.memref_slice %arg15[%dma_start3A_99, %dma_start3A_100] : memref<10240x128xf32, #tpu.memory_space<vmem_shared>> -> memref<10240x128xf32, #tpu.memory_space<vmem_shared>>
      tpu.enqueue_indirect_dma source(%arg12 : memref<80x128xf32, #tpu.memory_space<vmem>>) target(%dma_start3A_101 : memref<10240x128xf32, #tpu.memory_space<vmem_shared>>) offsets(%arg9 : memref<80xi32, #tpu.memory_space<vmem>>) semaphore(%run_scoped3A : memref<!tpu.dma_semaphore, #tpu.memory_space<semaphore_mem>>) {add = true}
      %dma_wait3A_102 = arith.constant 0 : i32
      %dma_wait3A_103 = arith.constant 0 : i32
      %dma_wait3A_104 = tpu.memref_slice %arg15[%dma_wait3A_102, %dma_wait3A_103] : memref<10240x128xf32, #tpu.memory_space<vmem_shared>> -> memref<10240x128xf32, #tpu.memory_space<vmem_shared>>
      tpu.wait_indirect_dma semaphore(%run_scoped3A : memref<!tpu.dma_semaphore, #tpu.memory_space<semaphore_mem>>) src(%arg12 : memref<80x128xf32, #tpu.memory_space<vmem>>) dst(%dma_wait3A_104 : memref<10240x128xf32, #tpu.memory_space<vmem_shared>>)
      tpu.yield
    }) : () -> ()
    %barrier3A_98 = arith.constant 0 : index
    tpu.barrier barrier_id(%barrier3A_98)
    "tpu.region"() ({
      %run_scoped3A = tpu.sem_alloc : memref<!tpu.dma_semaphore, #tpu.memory_space<semaphore_mem>>
      %dma_start3A_99 = arith.constant 0 : i32
      %dma_start3A_100 = tpu.memref_slice %arg5[%arg0, %mul3A_80, %dma_start3A_99] : memref<2x10240x128xf32, #tpu.memory_space<hbm>> -> memref<1x640x128xf32, #tpu.memory_space<hbm>>
      %dma_start3A_101 = tpu.memref_squeeze %dma_start3A_100 : memref<1x640x128xf32, #tpu.memory_space<hbm>> -> memref<640x128xf32, #tpu.memory_space<hbm>>
      %dma_start3A_102 = arith.constant 0 : i32
      %dma_start3A_103 = tpu.memref_slice %arg15[%mul3A_80, %dma_start3A_102] : memref<10240x128xf32, #tpu.memory_space<vmem_shared>> -> memref<640x128xf32, #tpu.memory_space<vmem_shared>>
      tpu.enqueue_dma source(%dma_start3A_103 : memref<640x128xf32, #tpu.memory_space<vmem_shared>>) target(%dma_start3A_101 : memref<640x128xf32, #tpu.memory_space<hbm>>) target_semaphore(%run_scoped3A : memref<!tpu.dma_semaphore, #tpu.memory_space<semaphore_mem>>)
      %dma_wait3A_104 = arith.constant 0 : i32
      %dma_wait3A_105 = tpu.memref_slice %arg5[%arg0, %mul3A_80, %dma_wait3A_104] : memref<2x10240x128xf32, #tpu.memory_space<hbm>> -> memref<1x640x128xf32, #tpu.memory_space<hbm>>
      %dma_wait3A_106 = tpu.memref_squeeze %dma_wait3A_105 : memref<1x640x128xf32, #tpu.memory_space<hbm>> -> memref<640x128xf32, #tpu.memory_space<hbm>>
      %dma_wait3A_107 = arith.constant 0 : i32
      %dma_wait3A_108 = tpu.memref_slice %arg15[%mul3A_80, %dma_wait3A_107] : memref<10240x128xf32, #tpu.memory_space<vmem_shared>> -> memref<640x128xf32, #tpu.memory_space<vmem_shared>>
      tpu.wait_dma2 semaphore(%run_scoped3A : memref<!tpu.dma_semaphore, #tpu.memory_space<semaphore_mem>>) src(%dma_wait3A_108 : memref<640x128xf32, #tpu.memory_space<vmem_shared>>) dst(%dma_wait3A_106 : memref<640x128xf32, #tpu.memory_space<hbm>>)
      tpu.yield
    }) : () -> ()
    return
  }
}

module attributes {stable_mosaic.version = 14 : i64} {
  func.func @_h0_body(%arg0: i32, %arg1: memref<1000x128xf32, #tpu.memory_space<vmem>>, %arg2: memref<128x128xf32, #tpu.memory_space<vmem>>, %arg3: memref<1x128xf32, #tpu.memory_space<vmem>>, %arg4: memref<1000x128xf32, #tpu.memory_space<vmem>>) attributes {dimension_semantics = [#tpu.dimension_semantics<arbitrary>], iteration_bounds = array<i64: 10>, scalar_prefetch = 0 : i64, scratch_operands = 0 : i64, tpu.core_type = #tpu.core_type<tc>, window_params = [{transform_indices = @transform_0, window_bounds = array<i64: 1000, 128>}, {pipeline_mode = #tpu.pipeline_mode<synchronous>, transform_indices = @transform_1, window_bounds = array<i64: 128, 128>}, {pipeline_mode = #tpu.pipeline_mode<synchronous>, transform_indices = @transform_2, window_bounds = array<i64: 1, 128>}, {transform_indices = @transform_3, window_bounds = array<i64: 1000, 128>}]} {
    %get3A = arith.constant 0 : index
    %get3A_0 = arith.constant 0 : index
    %get3A_1 = vector.load %arg1[%get3A, %get3A_0] : memref<1000x128xf32, #tpu.memory_space<vmem>>, vector<1000x128xf32>
    %get3A_2 = arith.constant 0 : index
    %get3A_3 = arith.constant 0 : index
    %get3A_4 = vector.load %arg2[%get3A_2, %get3A_3] : memref<128x128xf32, #tpu.memory_space<vmem>>, vector<128x128xf32>
    %dot_general3A = arith.constant dense<0.000000e+00> : vector<1000x128xf32>
    %dot_general3A_5 = tpu.matmul %get3A_1, %get3A_4, %dot_general3A {dimension_numbers = #tpu.dot_dimension_numbers<[1], [0], [0], [1], [0, 0, 1, 1], [], []>, transpose_lhs_hint = false} : vector<1000x128xf32>, vector<128x128xf32>, vector<1000x128xf32> -> vector<1000x128xf32>
    %get3A_6 = arith.constant 0 : index
    %get3A_7 = arith.constant 0 : index
    %get3A_8 = vector.load %arg3[%get3A_6, %get3A_7] : memref<1x128xf32, #tpu.memory_space<vmem>>, vector<1x128xf32>
    %add3A = vector.broadcast %get3A_8 : vector<1x128xf32> to vector<1000x128xf32>
    %add3A_9 = arith.addf %dot_general3A_5, %add3A : vector<1000x128xf32>
    %swap3A = arith.constant 0 : index
    %swap3A_10 = arith.constant 0 : index
    %swap3A_11 = vector.load %arg4[%swap3A, %swap3A_10] : memref<1000x128xf32, #tpu.memory_space<vmem>>, vector<1000x128xf32>
    tpu.vector_store %arg4[%swap3A, %swap3A_10], %add3A_9 {strides = array<i32>} : memref<1000x128xf32, #tpu.memory_space<vmem>>, vector<1000x128xf32>,
    return
  }
  func.func @transform_0(%arg0: i32) -> (i32, i32) {
    %c0_i32 = arith.constant 0 : i32
    %c0_i32_0 = arith.constant 0 : i32
    return %arg0, %c0_i32 : i32, i32
  }
  func.func @transform_1(%arg0: i32) -> (i32, i32) {
    %c0_i32 = arith.constant 0 : i32
    %c0_i32_0 = arith.constant 0 : i32
    %c0_i32_1 = arith.constant 0 : i32
    return %c0_i32, %c0_i32_0 : i32, i32
  }
  func.func @transform_2(%arg0: i32) -> (i32, i32) {
    %c0_i32 = arith.constant 0 : i32
    %c0_i32_0 = arith.constant 0 : i32
    %c0_i32_1 = arith.constant 0 : i32
    return %c0_i32, %c0_i32_0 : i32, i32
  }
  func.func @transform_3(%arg0: i32) -> (i32, i32) {
    %c0_i32 = arith.constant 0 : i32
    %c0_i32_0 = arith.constant 0 : i32
    return %arg0, %c0_i32 : i32, i32
  }
}

module attributes {stable_mosaic.version = 14 : i64} {
  func.func @_layer_body(%arg0: i32, %arg1: memref<2x1000x128xf32, #tpu.memory_space<vmem>>, %arg2: memref<2x1000x128xf32, #tpu.memory_space<vmem>>, %arg3: memref<1000x128xf32, #tpu.memory_space<vmem>>, %arg4: memref<128x128xf32, #tpu.memory_space<vmem>>, %arg5: memref<1x128xf32, #tpu.memory_space<vmem>>, %arg6: memref<128x128xf32, #tpu.memory_space<vmem>>, %arg7: memref<1000x128xf32, #tpu.memory_space<vmem>>) attributes {dimension_semantics = [#tpu.dimension_semantics<arbitrary>], iteration_bounds = array<i64: 10>, scalar_prefetch = 0 : i64, scratch_operands = 0 : i64, tpu.core_type = #tpu.core_type<tc>, window_params = [{transform_indices = @transform_0, window_bounds = array<i64: 2, 1000, 128>}, {transform_indices = @transform_1, window_bounds = array<i64: 2, 1000, 128>}, {transform_indices = @transform_2, window_bounds = array<i64: 1000, 128>}, {pipeline_mode = #tpu.pipeline_mode<synchronous>, transform_indices = @transform_3, window_bounds = array<i64: 128, 128>}, {pipeline_mode = #tpu.pipeline_mode<synchronous>, transform_indices = @transform_4, window_bounds = array<i64: 1, 128>}, {pipeline_mode = #tpu.pipeline_mode<synchronous>, transform_indices = @transform_5, window_bounds = array<i64: 128, 128>}, {transform_indices = @transform_6, window_bounds = array<i64: 1000, 128>}]} {
    %get3A = arith.constant 0 : index
    %get3A_0 = arith.constant 0 : index
    %get3A_1 = arith.constant 0 : index
    %get3A_2 = vector.load %arg1[%get3A, %get3A_0, %get3A_1] : memref<2x1000x128xf32, #tpu.memory_space<vmem>>, vector<1x1000x128xf32>
    %get3A_3 = vector.shape_cast %get3A_2 : vector<1x1000x128xf32> to vector<1000x128xf32>
    %get3A_4 = arith.constant 1 : index
    %get3A_5 = arith.constant 0 : index
    %get3A_6 = arith.constant 0 : index
    %get3A_7 = vector.load %arg1[%get3A_4, %get3A_5, %get3A_6] : memref<2x1000x128xf32, #tpu.memory_space<vmem>>, vector<1x1000x128xf32>
    %get3A_8 = vector.shape_cast %get3A_7 : vector<1x1000x128xf32> to vector<1000x128xf32>
    %add3A = arith.addf %get3A_3, %get3A_8 : vector<1000x128xf32>
    %get3A_9 = arith.constant 0 : index
    %get3A_10 = arith.constant 0 : index
    %get3A_11 = arith.constant 0 : index
    %get3A_12 = vector.load %arg2[%get3A_9, %get3A_10, %get3A_11] : memref<2x1000x128xf32, #tpu.memory_space<vmem>>, vector<1x1000x128xf32>
    %get3A_13 = vector.shape_cast %get3A_12 : vector<1x1000x128xf32> to vector<1000x128xf32>
    %slice3A = vector.extract_strided_slice %get3A_13 {offsets = [0, 0], sizes = [1000, 1], strides = [1, 1]} : vector<1000x128xf32> to vector<1000x1xf32>
    %get3A_14 = arith.constant 1 : index
    %get3A_15 = arith.constant 0 : index
    %get3A_16 = arith.constant 0 : index
    %get3A_17 = vector.load %arg2[%get3A_14, %get3A_15, %get3A_16] : memref<2x1000x128xf32, #tpu.memory_space<vmem>>, vector<1x1000x128xf32>
    %get3A_18 = vector.shape_cast %get3A_17 : vector<1x1000x128xf32> to vector<1000x128xf32>
    %slice3A_19 = vector.extract_strided_slice %get3A_18 {offsets = [0, 0], sizes = [1000, 1], strides = [1, 1]} : vector<1000x128xf32> to vector<1000x1xf32>
    %add3A_20 = arith.addf %slice3A, %slice3A_19 : vector<1000x1xf32>
    %max3A = arith.constant 1.000000e+00 : f32
    %max3A_21 = vector.broadcast %max3A : f32 to vector<1000x1xf32>
    %max3A_22 = arith.maximumf %add3A_20, %max3A_21 : vector<1000x1xf32>
    %div3A = vector.broadcast %max3A_22 : vector<1000x1xf32> to vector<1000x128xf32>
    %div3A_23 = arith.divf %add3A, %div3A : vector<1000x128xf32>
    %get3A_24 = arith.constant 0 : index
    %get3A_25 = arith.constant 0 : index
    %get3A_26 = vector.load %arg4[%get3A_24, %get3A_25] : memref<128x128xf32, #tpu.memory_space<vmem>>, vector<128x128xf32>
    %dot_general3A = arith.constant dense<0.000000e+00> : vector<1000x128xf32>
    %dot_general3A_27 = tpu.matmul %div3A_23, %get3A_26, %dot_general3A {dimension_numbers = #tpu.dot_dimension_numbers<[1], [0], [0], [1], [0, 0, 1, 1], [], []>, transpose_lhs_hint = false} : vector<1000x128xf32>, vector<128x128xf32>, vector<1000x128xf32> -> vector<1000x128xf32>
    %get3A_28 = arith.constant 0 : index
    %get3A_29 = arith.constant 0 : index
    %get3A_30 = vector.load %arg5[%get3A_28, %get3A_29] : memref<1x128xf32, #tpu.memory_space<vmem>>, vector<1x128xf32>
    %add3A_31 = vector.broadcast %get3A_30 : vector<1x128xf32> to vector<1000x128xf32>
    %add3A_32 = arith.addf %dot_general3A_27, %add3A_31 : vector<1000x128xf32>
    %get3A_33 = arith.constant 0 : index
    %get3A_34 = arith.constant 0 : index
    %get3A_35 = vector.load %arg3[%get3A_33, %get3A_34] : memref<1000x128xf32, #tpu.memory_space<vmem>>, vector<1000x128xf32>
    %get3A_36 = arith.constant 0 : index
    %get3A_37 = arith.constant 0 : index
    %get3A_38 = vector.load %arg6[%get3A_36, %get3A_37] : memref<128x128xf32, #tpu.memory_space<vmem>>, vector<128x128xf32>
    %dot_general3A_39 = arith.constant dense<0.000000e+00> : vector<1000x128xf32>
    %dot_general3A_40 = tpu.matmul %get3A_35, %get3A_38, %dot_general3A_39 {dimension_numbers = #tpu.dot_dimension_numbers<[1], [0], [0], [1], [0, 0, 1, 1], [], []>, transpose_lhs_hint = false} : vector<1000x128xf32>, vector<128x128xf32>, vector<1000x128xf32> -> vector<1000x128xf32>
    %add3A_41 = arith.addf %add3A_32, %dot_general3A_40 : vector<1000x128xf32>
    %max3A_42 = arith.constant 0.000000e+00 : f32
    %max3A_43 = vector.broadcast %max3A_42 : f32 to vector<1000x128xf32>
    %max3A_44 = arith.maximumf %add3A_41, %max3A_43 : vector<1000x128xf32>
    %swap3A = arith.constant 0 : index
    %swap3A_45 = arith.constant 0 : index
    %swap3A_46 = vector.load %arg7[%swap3A, %swap3A_45] : memref<1000x128xf32, #tpu.memory_space<vmem>>, vector<1000x128xf32>
    tpu.vector_store %arg7[%swap3A, %swap3A_45], %max3A_44 {strides = array<i32>} : memref<1000x128xf32, #tpu.memory_space<vmem>>, vector<1000x128xf32>,
    return
  }
  func.func @transform_0(%arg0: i32) -> (i32, i32, i32) {
    %c0_i32 = arith.constant 0 : i32
    %c0_i32_0 = arith.constant 0 : i32
    %c0_i32_1 = arith.constant 0 : i32
    return %c0_i32, %arg0, %c0_i32_0 : i32, i32, i32
  }
  func.func @transform_1(%arg0: i32) -> (i32, i32, i32) {
    %c0_i32 = arith.constant 0 : i32
    %c0_i32_0 = arith.constant 0 : i32
    %c0_i32_1 = arith.constant 0 : i32
    return %c0_i32, %arg0, %c0_i32_0 : i32, i32, i32
  }
  func.func @transform_2(%arg0: i32) -> (i32, i32) {
    %c0_i32 = arith.constant 0 : i32
    %c0_i32_0 = arith.constant 0 : i32
    return %arg0, %c0_i32 : i32, i32
  }
  func.func @transform_3(%arg0: i32) -> (i32, i32) {
    %c0_i32 = arith.constant 0 : i32
    %c0_i32_0 = arith.constant 0 : i32
    %c0_i32_1 = arith.constant 0 : i32
    return %c0_i32, %c0_i32_0 : i32, i32
  }
  func.func @transform_4(%arg0: i32) -> (i32, i32) {
    %c0_i32 = arith.constant 0 : i32
    %c0_i32_0 = arith.constant 0 : i32
    %c0_i32_1 = arith.constant 0 : i32
    return %c0_i32, %c0_i32_0 : i32, i32
  }
  func.func @transform_5(%arg0: i32) -> (i32, i32) {
    %c0_i32 = arith.constant 0 : i32
    %c0_i32_0 = arith.constant 0 : i32
    %c0_i32_1 = arith.constant 0 : i32
    return %c0_i32, %c0_i32_0 : i32, i32
  }
  func.func @transform_6(%arg0: i32) -> (i32, i32) {
    %c0_i32 = arith.constant 0 : i32
    %c0_i32_0 = arith.constant 0 : i32
    return %arg0, %c0_i32 : i32, i32
  }
}

module attributes {stable_mosaic.version = 14 : i64} {
  func.func @_heads_body(%arg0: memref<5x128xf32, #tpu.memory_space<vmem>>, %arg1: memref<5x128xf32, #tpu.memory_space<vmem>>, %arg2: memref<128x128xf32, #tpu.memory_space<vmem>>, %arg3: memref<128x128xf32, #tpu.memory_space<vmem>>, %arg4: memref<128x128xf32, #tpu.memory_space<vmem>>, %arg5: memref<1x128xf32, #tpu.memory_space<vmem>>, %arg6: memref<128x1xf32, #tpu.memory_space<vmem>>, %arg7: memref<1x1xf32, #tpu.memory_space<vmem>>, %arg8: memref<128x64xf32, #tpu.memory_space<vmem>>, %arg9: memref<128x64xf32, #tpu.memory_space<vmem>>, %arg10: memref<1x64xf32, #tpu.memory_space<vmem>>, %arg11: memref<1x64xf32, #tpu.memory_space<vmem>>, %arg12: memref<64x1xf32, #tpu.memory_space<vmem>>, %arg13: memref<1x1xf32, #tpu.memory_space<vmem>>, %arg14: memref<1x1xf32, #tpu.memory_space<vmem>>, %arg15: memref<1x1xf32, #tpu.memory_space<vmem>>, %arg16: memref<5x1xf32, #tpu.memory_space<vmem>>, %arg17: memref<5x1xf32, #tpu.memory_space<vmem>>) attributes {dimension_semantics = [], scalar_prefetch = 0 : i64, scratch_operands = 0 : i64, tpu.core_type = #tpu.core_type<tc>} {
    %get3A = arith.constant 0 : index
    %get3A_0 = arith.constant 0 : index
    %get3A_1 = vector.load %arg0[%get3A, %get3A_0] : memref<5x128xf32, #tpu.memory_space<vmem>>, vector<5x128xf32>
    %get3A_2 = arith.constant 0 : index
    %get3A_3 = arith.constant 0 : index
    %get3A_4 = vector.load %arg1[%get3A_2, %get3A_3] : memref<5x128xf32, #tpu.memory_space<vmem>>, vector<5x128xf32>
    %get3A_5 = arith.constant 0 : index
    %get3A_6 = arith.constant 0 : index
    %get3A_7 = vector.load %arg2[%get3A_5, %get3A_6] : memref<128x128xf32, #tpu.memory_space<vmem>>, vector<128x128xf32>
    %dot_general3A = arith.constant dense<0.000000e+00> : vector<5x128xf32>
    %dot_general3A_8 = tpu.matmul %get3A_1, %get3A_7, %dot_general3A {dimension_numbers = #tpu.dot_dimension_numbers<[1], [0], [0], [1], [0, 0, 1, 1], [], []>, transpose_lhs_hint = false} : vector<5x128xf32>, vector<128x128xf32>, vector<5x128xf32> -> vector<5x128xf32>
    %get3A_9 = arith.constant 0 : index
    %get3A_10 = arith.constant 0 : index
    %get3A_11 = vector.load %arg3[%get3A_9, %get3A_10] : memref<128x128xf32, #tpu.memory_space<vmem>>, vector<128x128xf32>
    %dot_general3A_12 = arith.constant dense<0.000000e+00> : vector<5x128xf32>
    %dot_general3A_13 = tpu.matmul %get3A_4, %get3A_11, %dot_general3A_12 {dimension_numbers = #tpu.dot_dimension_numbers<[1], [0], [0], [1], [0, 0, 1, 1], [], []>, transpose_lhs_hint = false} : vector<5x128xf32>, vector<128x128xf32>, vector<5x128xf32> -> vector<5x128xf32>
    %add3A = arith.addf %dot_general3A_8, %dot_general3A_13 : vector<5x128xf32>
    %mul3A = arith.mulf %get3A_1, %get3A_4 : vector<5x128xf32>
    %get3A_14 = arith.constant 0 : index
    %get3A_15 = arith.constant 0 : index
    %get3A_16 = vector.load %arg4[%get3A_14, %get3A_15] : memref<128x128xf32, #tpu.memory_space<vmem>>, vector<128x128xf32>
    %dot_general3A_17 = arith.constant dense<0.000000e+00> : vector<5x128xf32>
    %dot_general3A_18 = tpu.matmul %mul3A, %get3A_16, %dot_general3A_17 {dimension_numbers = #tpu.dot_dimension_numbers<[1], [0], [0], [1], [0, 0, 1, 1], [], []>, transpose_lhs_hint = false} : vector<5x128xf32>, vector<128x128xf32>, vector<5x128xf32> -> vector<5x128xf32>
    %add3A_19 = arith.addf %add3A, %dot_general3A_18 : vector<5x128xf32>
    %get3A_20 = arith.constant 0 : index
    %get3A_21 = arith.constant 0 : index
    %get3A_22 = vector.load %arg5[%get3A_20, %get3A_21] : memref<1x128xf32, #tpu.memory_space<vmem>>, vector<1x128xf32>
    %add3A_23 = vector.broadcast %get3A_22 : vector<1x128xf32> to vector<5x128xf32>
    %add3A_24 = arith.addf %add3A_19, %add3A_23 : vector<5x128xf32>
    %max3A = arith.constant 0.000000e+00 : f32
    %max3A_25 = vector.broadcast %max3A : f32 to vector<5x128xf32>
    %max3A_26 = arith.maximumf %add3A_24, %max3A_25 : vector<5x128xf32>
    %get3A_27 = arith.constant 0 : index
    %get3A_28 = arith.constant 0 : index
    %get3A_29 = vector.load %arg6[%get3A_27, %get3A_28] : memref<128x1xf32, #tpu.memory_space<vmem>>, vector<128x1xf32>
    %dot_general3A_30 = arith.constant dense<0.000000e+00> : vector<5x1xf32>
    %dot_general3A_31 = tpu.matmul %max3A_26, %get3A_29, %dot_general3A_30 {dimension_numbers = #tpu.dot_dimension_numbers<[1], [0], [0], [1], [0, 0, 1, 1], [], []>, transpose_lhs_hint = false} : vector<5x128xf32>, vector<128x1xf32>, vector<5x1xf32> -> vector<5x1xf32>
    %get3A_32 = arith.constant 0 : index
    %get3A_33 = arith.constant 0 : index
    %get3A_34 = vector.load %arg7[%get3A_32, %get3A_33] : memref<1x1xf32, #tpu.memory_space<vmem>>, vector<1x1xf32>
    %add3A_35 = vector.broadcast %get3A_34 : vector<1x1xf32> to vector<5x1xf32>
    %add3A_36 = arith.addf %dot_general3A_31, %add3A_35 : vector<5x1xf32>
    %get3A_37 = arith.constant 0 : index
    %get3A_38 = arith.constant 0 : index
    %get3A_39 = vector.load %arg8[%get3A_37, %get3A_38] : memref<128x64xf32, #tpu.memory_space<vmem>>, vector<128x64xf32>
    %dot_general3A_40 = arith.constant dense<0.000000e+00> : vector<5x64xf32>
    %dot_general3A_41 = tpu.matmul %get3A_1, %get3A_39, %dot_general3A_40 {dimension_numbers = #tpu.dot_dimension_numbers<[1], [0], [0], [1], [0, 0, 1, 1], [], []>, transpose_lhs_hint = false} : vector<5x128xf32>, vector<128x64xf32>, vector<5x64xf32> -> vector<5x64xf32>
    %get3A_42 = arith.constant 0 : index
    %get3A_43 = arith.constant 0 : index
    %get3A_44 = vector.load %arg9[%get3A_42, %get3A_43] : memref<128x64xf32, #tpu.memory_space<vmem>>, vector<128x64xf32>
    %dot_general3A_45 = arith.constant dense<0.000000e+00> : vector<5x64xf32>
    %dot_general3A_46 = tpu.matmul %get3A_4, %get3A_44, %dot_general3A_45 {dimension_numbers = #tpu.dot_dimension_numbers<[1], [0], [0], [1], [0, 0, 1, 1], [], []>, transpose_lhs_hint = false} : vector<5x128xf32>, vector<128x64xf32>, vector<5x64xf32> -> vector<5x64xf32>
    %add3A_47 = arith.addf %dot_general3A_41, %dot_general3A_46 : vector<5x64xf32>
    %get3A_48 = arith.constant 0 : index
    %get3A_49 = arith.constant 0 : index
    %get3A_50 = vector.load %arg10[%get3A_48, %get3A_49] : memref<1x64xf32, #tpu.memory_space<vmem>>, vector<1x64xf32>
    %dot_general3A_51 = arith.constant dense<0.000000e+00> : vector<5x64xf32>
    %dot_general3A_52 = tpu.matmul %add3A_36, %get3A_50, %dot_general3A_51 {dimension_numbers = #tpu.dot_dimension_numbers<[1], [0], [0], [1], [0, 0, 1, 1], [], []>, transpose_lhs_hint = false} : vector<5x1xf32>, vector<1x64xf32>, vector<5x64xf32> -> vector<5x64xf32>
    %add3A_53 = arith.addf %add3A_47, %dot_general3A_52 : vector<5x64xf32>
    %get3A_54 = arith.constant 0 : index
    %get3A_55 = arith.constant 0 : index
    %get3A_56 = vector.load %arg11[%get3A_54, %get3A_55] : memref<1x64xf32, #tpu.memory_space<vmem>>, vector<1x64xf32>
    %add3A_57 = vector.broadcast %get3A_56 : vector<1x64xf32> to vector<5x64xf32>
    %add3A_58 = arith.addf %add3A_53, %add3A_57 : vector<5x64xf32>
    %max3A_59 = arith.constant 0.000000e+00 : f32
    %max3A_60 = vector.broadcast %max3A_59 : f32 to vector<5x64xf32>
    %max3A_61 = arith.maximumf %add3A_58, %max3A_60 : vector<5x64xf32>
    %get3A_62 = arith.constant 0 : index
    %get3A_63 = arith.constant 0 : index
    %get3A_64 = vector.load %arg12[%get3A_62, %get3A_63] : memref<64x1xf32, #tpu.memory_space<vmem>>, vector<64x1xf32>
    %dot_general3A_65 = arith.constant dense<0.000000e+00> : vector<5x1xf32>
    %dot_general3A_66 = tpu.matmul %max3A_61, %get3A_64, %dot_general3A_65 {dimension_numbers = #tpu.dot_dimension_numbers<[1], [0], [0], [1], [0, 0, 1, 1], [], []>, transpose_lhs_hint = false} : vector<5x64xf32>, vector<64x1xf32>, vector<5x1xf32> -> vector<5x1xf32>
    %get3A_67 = arith.constant 0 : index
    %get3A_68 = arith.constant 0 : index
    %get3A_69 = vector.load %arg13[%get3A_67, %get3A_68] : memref<1x1xf32, #tpu.memory_space<vmem>>, vector<1x1xf32>
    %add3A_70 = vector.broadcast %get3A_69 : vector<1x1xf32> to vector<5x1xf32>
    %add3A_71 = arith.addf %dot_general3A_66, %add3A_70 : vector<5x1xf32>
    %neg3A = arith.constant 0.000000e+00 : f32
    %neg3A_72 = vector.broadcast %neg3A : f32 to vector<5x1xf32>
    %neg3A_73 = arith.subf %neg3A_72, %add3A_71 : vector<5x1xf32>
    %exp3A = math.exp %neg3A_73 : vector<5x1xf32>
    %add3A_74 = arith.constant 1.000000e+00 : f32
    %add3A_75 = vector.broadcast %add3A_74 : f32 to vector<5x1xf32>
    %add3A_76 = arith.addf %add3A_75, %exp3A : vector<5x1xf32>
    %div3A = arith.constant 1.000000e+00 : f32
    %div3A_77 = vector.broadcast %div3A : f32 to vector<5x1xf32>
    %div3A_78 = arith.divf %div3A_77, %add3A_76 : vector<5x1xf32>
    %sub3A = arith.constant 1.000000e+00 : f32
    %sub3A_79 = vector.broadcast %sub3A : f32 to vector<5x1xf32>
    %sub3A_80 = arith.subf %sub3A_79, %div3A_78 : vector<5x1xf32>
    %max3A_81 = arith.constant 1.000000e-30 : f32
    %max3A_82 = vector.broadcast %max3A_81 : f32 to vector<5x1xf32>
    %max3A_83 = arith.maximumf %sub3A_80, %max3A_82 : vector<5x1xf32>
    %broadcast_in_dim3A = arith.constant 1.000000e+00 : f32
    %broadcast_in_dim3A_84 = vector.broadcast %broadcast_in_dim3A : f32 to vector<5x5xf32>
    %iota3A = tpu.iota {dimensions = array<i32: 0>} : vector<5x5xi32>
    %add3A_85 = arith.constant -1 : i32
    %add3A_86 = vector.broadcast %add3A_85 : i32 to vector<5x5xi32>
    %add3A_87 = arith.addi %iota3A, %add3A_86 : vector<5x5xi32>
    %iota3A_88 = tpu.iota {dimensions = array<i32: 1>} : vector<5x5xi32>
    %ge3A = arith.cmpi sge, %add3A_87, %iota3A_88 : vector<5x5xi32>
    %broadcast_in_dim3A_89 = arith.constant 0.000000e+00 : f32
    %broadcast_in_dim3A_90 = vector.broadcast %broadcast_in_dim3A_89 : f32 to vector<5x5xf32>
    %select_n3A = arith.select %ge3A, %broadcast_in_dim3A_84, %broadcast_in_dim3A_90 : vector<5x5xi1>, vector<5x5xf32>
    %log3A = math.log %max3A_83 : vector<5x1xf32>
    %dot_general3A_91 = arith.constant dense<0.000000e+00> : vector<5x1xf32>
    %dot_general3A_92 = tpu.matmul %select_n3A, %log3A, %dot_general3A_91 {dimension_numbers = #tpu.dot_dimension_numbers<[1], [0], [0], [1], [0, 0, 1, 1], [], []>, transpose_lhs_hint = false} : vector<5x5xf32>, vector<5x1xf32>, vector<5x1xf32> -> vector<5x1xf32>
    %exp3A_93 = math.exp %dot_general3A_92 : vector<5x1xf32>
    %mul3A_94 = arith.mulf %div3A_78, %exp3A_93 : vector<5x1xf32>
    %reduce_sum3A = vector.shape_cast %mul3A_94 : vector<5x1xf32> to vector<1x5x1xf32>
    %reduce_sum3A_95 = arith.constant dense<0.000000e+00> : vector<1xf32>
    %reduce_sum3A_96 = vector.multi_reduction <add>, %reduce_sum3A, %reduce_sum3A_95 [1, 2] : vector<1x5x1xf32> to vector<1xf32>
    %reduce_sum3A_97 = vector.shape_cast %reduce_sum3A_96 : vector<1xf32> to vector<1x1x1xf32>
    %reduce_sum3A_98 = vector.extract %reduce_sum3A_97[0, 0, 0] : f32 from vector<1x1x1xf32>
    %add3A_99 = arith.constant 9.99999993E-9 : f32
    %add3A_100 = arith.addf %reduce_sum3A_98, %add3A_99 : f32
    %div3A_101 = vector.broadcast %add3A_100 : f32 to vector<5x1xf32>
    %div3A_102 = arith.divf %mul3A_94, %div3A_101 : vector<5x1xf32>
    %iota3A_103 = tpu.iota {dimensions = array<i32: 0>} : vector<5x1xi32>
    %add3A_104 = arith.constant 1 : i32
    %add3A_105 = vector.broadcast %add3A_104 : i32 to vector<5x1xi32>
    %add3A_106 = arith.addi %iota3A_103, %add3A_105 : vector<5x1xi32>
    %convert_element_type3A = arith.sitofp %add3A_106 : vector<5x1xi32> to vector<5x1xf32>
    %mul3A_107 = arith.mulf %div3A_102, %add3A_36 : vector<5x1xf32>
    %reduce_sum3A_108 = vector.shape_cast %mul3A_107 : vector<5x1xf32> to vector<1x5x1xf32>
    %reduce_sum3A_109 = arith.constant dense<0.000000e+00> : vector<1xf32>
    %reduce_sum3A_110 = vector.multi_reduction <add>, %reduce_sum3A_108, %reduce_sum3A_109 [1, 2] : vector<1x5x1xf32> to vector<1xf32>
    %reduce_sum3A_111 = vector.shape_cast %reduce_sum3A_110 : vector<1xf32> to vector<1x1x1xf32>
    %reduce_sum3A_112 = vector.extract %reduce_sum3A_111[0, 0, 0] : f32 from vector<1x1x1xf32>
    %reshape3A = vector.broadcast %reduce_sum3A_112 : f32 to vector<1x1xf32>
    %swap3A = arith.constant 0 : index
    %swap3A_113 = arith.constant 0 : index
    %swap3A_114 = vector.load %arg14[%swap3A, %swap3A_113] : memref<1x1xf32, #tpu.memory_space<vmem>>, vector<1x1xf32>
    tpu.vector_store %arg14[%swap3A, %swap3A_113], %reshape3A {strides = array<i32>} : memref<1x1xf32, #tpu.memory_space<vmem>>, vector<1x1xf32>,
    %mul3A_115 = arith.mulf %div3A_102, %convert_element_type3A : vector<5x1xf32>
    %reduce_sum3A_116 = vector.shape_cast %mul3A_115 : vector<5x1xf32> to vector<1x5x1xf32>
    %reduce_sum3A_117 = arith.constant dense<0.000000e+00> : vector<1xf32>
    %reduce_sum3A_118 = vector.multi_reduction <add>, %reduce_sum3A_116, %reduce_sum3A_117 [1, 2] : vector<1x5x1xf32> to vector<1xf32>
    %reduce_sum3A_119 = vector.shape_cast %reduce_sum3A_118 : vector<1xf32> to vector<1x1x1xf32>
    %reduce_sum3A_120 = vector.extract %reduce_sum3A_119[0, 0, 0] : f32 from vector<1x1x1xf32>
    %reshape3A_121 = vector.broadcast %reduce_sum3A_120 : f32 to vector<1x1xf32>
    %swap3A_122 = arith.constant 0 : index
    %swap3A_123 = arith.constant 0 : index
    %swap3A_124 = vector.load %arg15[%swap3A_122, %swap3A_123] : memref<1x1xf32, #tpu.memory_space<vmem>>, vector<1x1xf32>
    tpu.vector_store %arg15[%swap3A_122, %swap3A_123], %reshape3A_121 {strides = array<i32>} : memref<1x1xf32, #tpu.memory_space<vmem>>, vector<1x1xf32>,
    %swap3A_125 = arith.constant 0 : index
    %swap3A_126 = arith.constant 0 : index
    %swap3A_127 = vector.load %arg16[%swap3A_125, %swap3A_126] : memref<5x1xf32, #tpu.memory_space<vmem>>, vector<5x1xf32>
    tpu.vector_store %arg16[%swap3A_125, %swap3A_126], %div3A_102 {strides = array<i32>} : memref<5x1xf32, #tpu.memory_space<vmem>>, vector<5x1xf32>,
    %swap3A_128 = arith.constant 0 : index
    %swap3A_129 = arith.constant 0 : index
    %swap3A_130 = vector.load %arg17[%swap3A_128, %swap3A_129] : memref<5x1xf32, #tpu.memory_space<vmem>>, vector<5x1xf32>
    tpu.vector_store %arg17[%swap3A_128, %swap3A_129], %add3A_36 {strides = array<i32>} : memref<5x1xf32, #tpu.memory_space<vmem>>, vector<5x1xf32>,
    return
  }
}

</mosaic_0001>

<sc_bundles>
// kernel: gather_offload_async_start.1
scs
__scs_entry_jumppad:
0x0: {  	(pc) =	sbr.rel $0x88, $3  }
0x1: {  	(tag) =	ssettag $0x0;
	lr =	simm.s32 $0x1  }
0x2: {  	[smem:$0x3F90] =	sst lr;
	_ =	strace $0xD0000000  }
0x3: {  	_ = 	snop  }
0x4: {  	_ = 	snop  }
0x5: {  	_ = 	snop  }
0x6: {  	_ = 	snop  }
0x7: {  	_ = 	snop  }
__scs_overlays_trampoline_lowered:
0x8: {  	[smem:$0x3F9F] =	sst s0  }
0x9: {  	[smem:$0x3FA0] =	sst s1  }
0xa: {  	[smem:$0x3FA1] =	sst s2  }
0xb: {  	[smem:$0x3FA2] =	sst s3  }
0xc: {  	[smem:$0x3FA3] =	sst s4  }
0xd: {  	[smem:$0x3FA4] =	sst s5  }
0xe: {  	[smem:$0x3FA5] =	sst s6  }
0xf: {  	[smem:$0x3FA6] =	sst s7  }
0x10: {  	[smem:$0x3FA7] =	sst s8  }
0x11: {  	[smem:$0x3FA8] =	sst s9;
	s0 =	simm.s32 @!p0 $0x0  }
0x12: {  	s1 =	sld [smem:$0x3F8E];
	s0 =	simm.s32 @p0 $0x1  }
0x13: {  	[smem:$0x3FA9] =	sst s0;
	s0 =	simm.s32 @!p1 $0x0  }
0x14: {  	s2 =	sld [smem:$0x3F8D];
	s0 =	simm.s32 @p1 $0x1  }
0x15: {  	[smem:$0x3FAA] =	sst s0;
	s0 =	simm.s32 @!p2 $0x0  }
0x16: {  	s3 =	sld [smem:$0x3FDB];
	s0 =	simm.s32 @p2 $0x1  }
0x17: {  	s4 =	simm.s32 $0x1BF5;
	[smem:$0x3FAC] =	sst s0  }
0x18: {  	s0 =	sld [smem:$0x3F8F];
	_ =	swait.ge [sflag:s4], $0x0  }
0x19: {  	s7 =	sld [smem:$0x3F90]  }
0x1a: {  	s8 =	sadd.s32 $0xFFFFE003, lr  }
0x1b: {  	s9 =	sadd.s32 $0xFFFFFEF7, lr;
	s5 =	simm.s32 $0xFFFFFFFF;
	p2 =	slt.u32 s8, $0xFFFFF086  }
0x1c: {  	p1 =	slt.u32 s9, $0xF7A;
	s5 =	simm.s32 @!p2 $0x0  }
0x1d: {  	s5 =	simm.s32 @p1 $0x1;
	p0 =	seq.s32 s7, s2  }
0x1e: {  	s7 =	smul.u32 @!p0 $0xF7A, s2;
	p2 =	seq.s32 @!p0 s5, $0x0  }
0x1f: {  	s9 =	smul.u32 $0xF7A, s1;
	s8 =	simm.s32 @!p0 $0x1BF5;
	p2 =	por !p2, p0  }
0x20: {  	[sflag:s8] =	ssyncset.s32 @!p0 $0xFFFFF086;
	s6 =	sadd.s32 @!p0 s3, s7;
	s7 =	simm.s32 @!p0 $0x108  }
0x21: {  	s3 =	sadd.s32 s3, s9;
	s6 =	sadd.s32 @!p0 $0x88, s6;
	s7 =	simm.s32 @p2 $0x1082  }
0x22: {  	[simem:s7], [sflag:s8] =	dma.local @!p0 [hbm:s6], $0xF7A  }
0x23: {  	s9 =	sor.u32 $0xD0000000, s2;
	s6 =	simm.s32 $0x108;
	_ =	swait.ge @!p0 [sflag:s8], $0x0  }
0x24: {  	s3 =	sadd.s32 $0x88, s3;
	s6 =	simm.s32 @!p1 $0x1082;
	[sflag:s4] =	ssyncset.s32 $0xFFFFF086  }
0x25: {  	[simem:s6], [sflag:s4] =	dma.local [hbm:s3], $0xF7A  }
0x26: {  	[smem:$0x3F90] =	sst s1;
	(tag) =	ssettag s2;
	_ =	strace s9  }
0x27: {  	s1 =	sld [smem:$0x3FA0]  }
0x28: {  	s2 =	sld [smem:$0x3FA1]  }
0x29: {  	s4 =	sld [smem:$0x3FA3]  }
0x2a: {  	p0 =	seq.s32 s5, $0x0;
	s5 =	sld [smem:$0x3FA4]  }
0x2b: {  	s6 =	sld [smem:$0x3FA5]  }
0x2c: {  	s7 =	sld [smem:$0x3FA6]  }
0x2d: {  	s3 =	simm.s32 $0x108;
	s8 =	sld [smem:$0x3FA7]  }
0x2e: {  	s3 =	simm.s32 @!p0 $0x1082;
	s9 =	sld [smem:$0x3FA8]  }
0x2f: {  	lr =	sadd.s32 s0, s3;
	s0 =	sld [smem:$0x3F9F]  }
0x30: {  	s3 =	sld [smem:$0x3FA2]  }
0x31: {  	[smem:$0x3FAB] =	sst s10  }
0x32: {  	s10 =	sld [smem:$0x3FA9];
	_ =	sdelay $0x3  }
0x33: {  	p0 =	seq.s32 s10, $0x1;
	s10 =	sld [smem:$0x3FAB];
	_ =	sdelay $0x3  }
0x34: {  	[smem:$0x3FAB] =	sst s10  }
0x35: {  	s10 =	sld [smem:$0x3FAA];
	_ =	sdelay $0x3  }
0x36: {  	p1 =	seq.s32 s10, $0x1;
	s10 =	sld [smem:$0x3FAB];
	_ =	sdelay $0x3  }
0x37: {  	[smem:$0x3FAB] =	sst s10  }
0x38: {  	s10 =	sld [smem:$0x3FAC]  }
0x39: {  	_ = 	snop;
	(pc) =	sbr.ind lr, $3  }
0x3a: {  	_ = 	snop  }
0x3b: {  	_ = 	snop  }
0x3c: {  	p2 =	seq.s32 s10, $0x1;
	s10 =	sld [smem:$0x3FAB]  }
0x3d: {  	_ =	shalt  }
0x3e: {  	_ =	shalt  }
0x3f: {  	_ =	shalt  }
0x40: {  	_ =	shalt  }
0x41: {  	_ =	shalt  }
0x42: {  	_ =	shalt  }
0x43: {  	_ =	shalt  }
0x44: {  	_ =	shalt  }
0x45: {  	_ =	shalt  }
0x46: {  	_ =	shalt  }
0x47: {  	_ =	shalt  }
0x48: {  	_ =	shalt  }
0x49: {  	_ =	shalt  }
0x4a: {  	_ =	shalt  }
0x4b: {  	_ =	shalt  }
0x4c: {  	_ =	shalt  }
0x4d: {  	_ =	shalt  }
0x4e: {  	_ =	shalt  }
0x4f: {  	_ =	shalt  }
0x50: {  	_ =	shalt  }
0x51: {  	_ =	shalt  }
0x52: {  	_ =	shalt  }
0x53: {  	_ =	shalt  }
0x54: {  	_ =	shalt  }
0x55: {  	_ =	shalt  }
0x56: {  	_ =	shalt  }
0x57: {  	_ =	shalt  }
0x58: {  	_ =	shalt  }
0x59: {  	_ =	shalt  }
0x5a: {  	_ =	shalt  }
0x5b: {  	_ =	shalt  }
0x5c: {  	_ =	shalt  }
0x5d: {  	_ =	shalt  }
0x5e: {  	_ =	shalt  }
0x5f: {  	_ =	shalt  }
0x60: {  	_ =	shalt  }
0x61: {  	_ =	shalt  }
0x62: {  	_ =	shalt  }
0x63: {  	_ =	shalt  }
0x64: {  	_ =	shalt  }
0x65: {  	_ =	shalt  }
0x66: {  	_ =	shalt  }
0x67: {  	_ =	shalt  }
0x68: {  	_ =	shalt  }
0x69: {  	_ =	shalt  }
0x6a: {  	_ =	shalt  }
0x6b: {  	_ =	shalt  }
0x6c: {  	_ =	shalt  }
0x6d: {  	_ =	shalt  }
0x6e: {  	_ =	shalt  }
0x6f: {  	_ =	shalt  }
0x70: {  	_ =	shalt  }
0x71: {  	_ =	shalt  }
0x72: {  	_ =	shalt  }
0x73: {  	_ =	shalt  }
0x74: {  	_ =	shalt  }
0x75: {  	_ =	shalt  }
0x76: {  	_ =	shalt  }
0x77: {  	_ =	shalt  }
0x78: {  	_ =	shalt  }
0x79: {  	_ =	shalt  }
0x7a: {  	_ =	shalt  }
0x7b: {  	_ =	shalt  }
0x7c: {  	_ =	shalt  }
0x7d: {  	_ =	shalt  }
0x7e: {  	_ =	shalt  }
0x7f: {  	_ =	shalt  }
0x80: {  	_ =	shalt  }
0x81: {  	_ =	shalt  }
0x82: {  	_ =	shalt  }
0x83: {  	_ =	shalt  }
0x84: {  	_ =	shalt  }
0x85: {  	_ =	shalt  }
0x86: {  	_ =	shalt  }
0x87: {  	_ =	shalt  }
.Lfunc_end0:
.L_simem_size_0:
called_computation.1_lowered:
.L_overlay_start_0:
0x88: {  	s2 =	sld [smem:$0x3FD9]  }
0x89: {  	s3 =	sld [smem:$0x3FFE];
	_ =	sdelay $0x1  }
0x8a: {  	s1 =	srdreg.scid  }
0x8b: {  	s0 =	sand.u32 $0x1, s1  }
0x8c: {  	s17 =	sshll.u32 s0, $0xA;
	s2 =	sadd.s32 s3, s2  }
0x8d: {  	s2 =	sadd.s32 s2, s17  }
0x8e: {  	[smem:$0x3FB7] =	sst s2  }
0x8f: {  	_ = 	snop  }
0x90: {  	(tm) =	ssettm $0x1  }
0x91: {  	s18 =	sld [smem:$0x3FFB];
	_ =	sdelay $0x3  }
0x92: {  	_ =	strace s18  }
0x93: {  	s2 =	sld [smem:$0x3FFC];
	_ =	sdelay $0x3  }
0x94: {  	_ =	strace s2  }
0x95: {  	s2 =	sld [smem:$0x3FFD];
	_ =	sdelay $0x3  }
0x96: {  	_ =	strace s2  }
0x97: {  	_ =	strace $0x8FFFFFFF  }
0x98: {  	s19 =	sld [smem:$0x3FDB];
	_ =	sdelay $0x1  }
0x99: {  	s20 =	simm.s32 $_scs_section_size  }
0x9a: {  	s4 =	simm.s32 $_size__tile_overlayer_lowered;
	s5 =	simm.s32 $_tile_overlayer_lowered  }
0x9b: {  	s6 =	simm.s32 $0x1BFF;
	s21 =	sshll.u32 s5, $0x1;
	s3 =	sadd.s32 s20, s19  }
0x9c: {  	s22 =	simm.s32 $0x0;
	s4 =	sshll.u32 s4, $0x1;
	s5 =	sadd.s32 s21, s3  }
0x9d: {  	[timem:s22], [sflag:s6] =	dma.local [hbm:s5], s4  }
0x9e: {  	_ =	swait.ge [sflag:s6], s4  }
0x9f: {  	s4 =	ssub.s32 $0x0, s4;
	[sflag:s6] =	ssyncset.done $0x0  }
0xa0: {  	[sflag:s6] =	ssyncadd.s32 s4;
	_ =	sdelay $0x1  }
0xa1: {  	s23 =	simm.s32 $0x1B8B  }
0xa2: {  	_ =	swait.ge [sflag:s23], $0x1  }
0xa3: {  	[sflag:s23] =	ssyncset.done $0x0  }
0xa4: {  	[sflag:s23] =	ssyncadd.s32 $0xFFFFFFFF  }
0xa5: {  	s4 =	sld [smem:$0x0]  }
0xa6: {  	s5 =	sand.u32 $0xFFFFFFFE, s1  }
0xa7: {  	p0 =	sne.s32 s1, s5  }
0xa8: {  	s5 =	sshll.u32 @p0 s5, $0xE  }
0xa9: {  	s5 =	sadd.s32 @p0 $0x11B8D, s5;
	s6 =	sshll.u32 @p0 s4, $0x11  }
0xaa: {  	s5 =	sor.u32 @p0 s6, s5  }
0xab: {  	[sflag:s5] =	ssyncadd.remote.s32 @p0 $0x1;
	_ =	sdelay $0x1  }
0xac: {  	s5 =	simm.s32 @p0 $0x1B8D  }
0xad: {  	_ =	swait.eq @p0 [sflag:s5], $0x1  }
0xae: {  	[sflag:s5] =	ssyncadd.s32 @p0 $0xFFFFFFFF  }
0xaf: {  	s6 =	sshll.u32 @!p0 s1, $0xE  }
0xb0: {  	s6 =	sor.u32 @!p0 $0x4000, s6;
	s5 =	simm.s32 @!p0 $0x1B8D  }
0xb1: {  	s4 =	sshll.u32 @!p0 s4, $0x11;
	s6 =	sadd.s32 @!p0 $0x11B8D, s6;
	_ =	swait.eq @!p0 [sflag:s5], $0x1  }
0xb2: {  	s4 =	sor.u32 @!p0 s4, s6;
	[sflag:s5] =	ssyncadd.s32 @!p0 $0xFFFFFFFF  }
0xb3: {  	s25 =	simm.s32 $0x1B8E;
	s24 =	sld [smem:$0x3FFE];
	[sflag:s4] =	ssyncadd.remote.s32 @!p0 $0x1  }
0xb4: {  	s26 =	simm.s32 $execute0_lowered;
	[smem:$0x3FD2] =	sst s25  }
0xb5: {  	s5 =	sshll.u32 s26, $0x1;
	_ =	strace $0x80000049;
	[dreg:$0x1] =	wrdreg $0xFFFFFFFF  }
0xb6: {  	s28 =	simm.s32 $_size_execute0_lowered;
	s3 =	sadd.s32 s3, s5;
	[dreg:$0x0] =	wrdreg $0x0  }
0xb7: {  	s5 =	sshll.u32 s28, $0x1;
	[dreg:$0x2] =	wrdreg s3  }
0xb8: {  	[dreg:$0x3] =	wrdreg s5  }
0xb9: {  	[dreg:$0x4] =	wrdreg $0xC0  }
0xba: {  	_ =	task [dreg:s22], $0x5FFFF  }
0xbb: {  	[dreg:$0x1] =	wrdreg $0xFFFFFFFF  }
0xbc: {  	[dreg:$0x0] =	wrdreg $0x60  }
0xbd: {  	[dreg:$0x2] =	wrdreg s24  }
0xbe: {  	[dreg:$0x3] =	wrdreg $0xA  }
0xbf: {  	_ =	task.clear_ibuf [dreg:s22], $0x4FFFF;
	_ =	strace $0x90000049  }
0xc0: {  	s29 =	simm.s32 $0xA;
	_ =	strace $0x8000004B  }
0xc1: {  	_ =	swait.ge [sflag:s29], $0x1  }
0xc2: {  	[sflag:s29] =	ssyncadd.s32 $0xFFFFFFFF  }
0xc3: {  	_ =	strace $0x9000004B  }
0xc4: {  	_ =	sfence  }
0xc5: {  	s30 =	sld [smem:$0x0];
	_ =	sdelay $0x2  }
0xc6: {  	s31 =	sshll.u32 s1, $0xD;
	s1 =	sshrl.u32 s1, $0x2  }
0xc7: {  	s4 =	sand.u32 $0x4000, s31;
	s1 =	sadd.s32 s1, s30  }
0xc8: {  	s0 =	sor.u32 s4, s0;
	s1 =	sshll.u32 s1, $0x11  }
0xc9: {  	s0 =	sor.u32 s1, s0  }
0xca: {  	s0 =	sadd.s32 $0x8F2B, s0  }
0xcb: {  	[sflag:s0] =	ssyncadd.remote.s32 $0x1  }
0xcc: {  	_ =	sfence.sel $0xFFFF  }
0xcd: {  	[dreg:$0x0] =	wrdreg $0xFFFFFFFF;
	(pc) =	sbr.abs _section_cstart, $3  }
0xce: {  	[dreg:$0x1] =	wrdreg $0xFFFFFFFF  }
0xcf: {  	_ =	task.clear_ibuf [dreg:s22], $0x2FFFF;
	_ =	strace $0x9FFFFFFF  }
0xd0: {  	(tm) =	ssettm $0x7FFFFFFF  }
0xd1: {  	_ =	shalt  }
tec
execute0_lowered:
.L_overlay_start_1:
0x0: {  	(tag) =	ssettag $0x1  }
0x1: {  	s8 =	rddreg [dreg:$0x0]  }
0x2: {  	s0 =	rddreg [dreg:$0x1];
	_ =	strace $0x8000004A;
	s1 =	stileid.u32  }
0x3: {  	s3 =	srdreg.scid;
	s4 =	simm.s32 $0x1;
	s7 =	simm.s32 $0x1  }
0x4: {  	s9 =	simm.s32 $0x1;
	s10 =	simm.s32 $0x3;
	s13 =	simm.s32 $0x0  }
0x5: {  	s12 =	simm.s32 $0x0;
	s5 =	sand.u32 $0x1, s3;
	s6 =	sshll.u32 s1, $0x1  }
0x6: {  	s2 =	sadd.s32 $0xEE00, s8;
	s3 =	sadd.s32 $0x18C00, s8;
	s5 =	sor.u32 s6, s5  }
.Ltmp0:
0x7: {  	[sflag:s4] =	ssyncpa.u1 $0x0;
	p0 =	slt.u32 s5, $0x9;
	(pc) =	sbr.rel .LBB2_1-.Ltmp0, $4  }
0x8: {  	s6 =	simm.s32 $0x2;
	s7 =	simm.s32 @!p0 $0x0;
	p0 =	sne.s32 s5, $0x8  }
0x9: {  	[sflag:s6] =	ssyncpa.u1 $0x0;
	s5 =	smul.u32 $0x1F40, s5;
	s9 =	simm.s32 @!p0 $0x0  }
0xa: {  	s8 =	sadd.s32 $0x53A00, s8;
	[sflag:s10] =	ssyncpa.u1 $0x0;
	s7 =	sadd.s32 s9, s7  }
0xb: {  	vm0 =	vmmov $0xffff;
	s10 =	simm.s32 $0x0;
	s11 =	smov.u32 s5;
	s9 =	sadd.s32 $0x1, s7  }
.LBB2_4:
0xc: {  	v2 =	vnsel vm1, $0x0, v2  }
0xd: {  	vm1 =	vgt.s32 v0, $0x0;
	v2 =	vmin.u32 v2, $0x4E1FF  }
0xe: {  	v0 =	vnsel vm1, $0x0, v0  }
0xf: {  	v0 =	vmin.u32 v0, $0x4E1FF  }
0x10: {  	[tilespmem:s18], [sflag:$0x1] =	stream.indirect_vreg.gather [hbm4b:s2+s10], $0x1, v1, vm0, $0x4038;
	[tilespmem:$0x7D00] =	vst v63  }
0x11: {  	(ifvalue) =	ssetifvalue $0x7FFFFFFF  }
0x12: {  	[tilespmem:s15], [sflag:$0x1] =	stream.indirect_vreg.gather [hbm4b:s2+s10], $0x1, v2, vm0, $0x4038;
	[tilespmem:$0x7D00] =	vst v63  }
0x13: {  	s29 =	sadd.s32 $0x10, s15;
	(ifvalue) =	ssetifvalue $0x7FFFFFFF  }
0x14: {  	[tilespmem:s29], [sflag:$0x1] =	stream.indirect_vreg.gather [hbm4b:s2+s10], $0x1, v0, vm0, $0x4038;
	[tilespmem:$0x7D00] =	vst v63  }
0x15: {  	_ =	swait.ge [sflag:s4], $0x1F40  }
0x16: {  	s30 =	sshrl.u32 s13, $0x3;
	[sflag:s4] =	ssyncset.done $0x0  }
0x17: {  	s31 =	sand.u32 $0x7, s13;
	s15 =	sadd.s32 s8, s30;
	[sflag:s4] =	ssyncadd.s32 $0xFFFFE0C0  }
0x18: {  	[hbm4b:s15+s31] =	stream.linear.scatter [tilespmem:s14], [sflag:$0x3], $0x1F40, $0x38;
	[tilespmem:$0x7D00] =	vst v63  }
.LBB2_5:
0x19: {  	s15 =	sadd.s32 $0x3E800, s11  }
0x1a: {  	p1 =	sgt.s32 s15, $0x4E1FF  }
0x1b: {  	s15 =	smov.u32 @p1 s5;
	p1 =	sne.s32 s12, s9  }
.Ltmp1:
0x1c: {  	p0 =	slt.u32 s12, $0x2;
	(pc) =	sbr.rel @!p1 .LBB2_6-.Ltmp1, $4  }
0x1d: {  	s14 =	simm.s32 @!p0 $0x3  }
0x1e: {  	_ =	swait.ge @!p0 [sflag:s14], $0x1F40  }
0x1f: {  	s16 =	sadd.s32 $0x1, s12;
	s13 =	smov.u32 s11;
	[sflag:s14] =	ssyncset.done @!p0 $0x0  }
0x20: {  	s12 =	smov.u32 s16;
	s11 =	smov.u32 s15;
	[sflag:s14] =	ssyncadd.s32 @!p0 $0xFFFFE0C0  }
.LBB2_1:
0x21: {  	p0 =	sge.u32 s12, s7  }
0x22: {  	s14 =	sxor.u32 @!p0 $0x1, s12  }
0x23: {  	s14 =	smul.u32 @!p0 $0x7D00, s14  }
0x24: {  	s31 =	sadd.s32 $0xFFFFFFFF, s12;
	s15 =	sshrl.u32 @!p0 s11, $0x3  }
0x25: {  	s16 =	sand.u32 @!p0 $0x7, s11;
	s15 =	sadd.s32 @!p0 s3, s15;
	s14 =	sshra.s32 @!p0 s14, $0x2  }
0x26: {  	[tilespmem:s14], [sflag:$0x2] =	stream.linear.gather @!p0 [hbm4b:s15+s16], $0x1F40, $0x38;
	[tilespmem:$0x7D00] =	vst v63  }
0x27: {  	p0 =	sge.u32 s31, s7  }
.Ltmp2:
0x28: {  	_ = 	snop;
	(pc) =	sbr.rel @p0 .LBB2_5-.Ltmp2, $1  }
0x29: {  	_ =	sdelay $0x3  }
0x2a: {  	s14 =	sand.u32 $0x1, s12  }
0x2b: {  	_ =	swait.ge [sflag:s6], $0x1F40;
	p0 =	seq.s32 s14, $0x1;
	s14 =	simm.s32 $0x1F40  }
0x2c: {  	[sflag:s6] =	ssyncset.done $0x0;
	s14 =	simm.s32 @!p0 $0x0  }
0x2d: {  	[sflag:s6] =	ssyncadd.s32 $0xFFFFE0C0;
	(ifvalue) =	ssetifvalue $0x7FFFFFFF;
	v0 =	vld.msk [tilespmem:s14+$0x0 ss:$0x1], $0xffff;
	_ =	sdelay $0x4  }
0x2e: {  	s15 =	sadd.s32 $0x10, s14;
	vm1 =	vgt.s32 v0, $0x0  }
0x2f: {  	v2 =	vld.msk [tilespmem:s15+$0x0 ss:$0x1], $0xffff;
	v1 =	vnsel vm1, $0x0, v0  }
0x30: {  	v1 =	vmin.u32 v1, $0x4E1FF;
	_ =	sdelay $0x2  }
0x31: {  	s17 =	simm.s32 $0x20;
	s14 =	sadd.s32 $0x3E80, s14;
	s16 =	sadd.s32 $0x10, s15  }
0x32: {  	s15 =	sadd.s32 $0x10, s14;
	s18 =	smov.u32 s14;
	v0 =	vld.msk [tilespmem:s16+$0x0 ss:$0x1], $0xffff;
	vm1 =	vgt.s32 v2, $0x0;
	(ifvalue) =	ssetifvalue $0x7FFFFFFF  }
.LBB2_3:
0x33: {  	[tilespmem:s18], [sflag:$0x1] =	stream.indirect_vreg.gather [hbm4b:s2+s10], $0x1, v1, vm0, $0x4038;
	[tilespmem:$0x7D00] =	vst v63  }
0x34: {  	s17 =	sadd.s32 $0x10, s17  }
0x35: {  	v2 =	vnsel vm1, $0x0, v2;
	p0 =	slt.u32 s17, $0x1F30  }
.Ltmp3:
0x36: {  	s18 =	smov.u32 s15;
	v1 =	vmin.u32 v2, $0x4E1FF;
	(pc) =	sbr.rel @p0 .LBB2_3-.Ltmp3, $3  }
0x37: {  	_ =	sdelay $0x1  }
0x38: {  	s16 =	sadd.s32 $0x10, s16  }
0x39: {  	vm1 =	vgt.s32 v0, $0x0;
	s15 =	sadd.s32 $0x10, s15;
	v2 =	vmov v0;
	(ifvalue) =	ssetifvalue $0x7FFFFFFF;
	v0 =	vld.msk [tilespmem:s16+$0x0 ss:$0x1], $0xffff  }
.Ltmp4:
0x3a: {  	_ = 	snop;
	(pc) =	sbr.rel .LBB2_4-.Ltmp4, $1  }
0x3b: {  	_ =	sdelay $0x3  }
.LBB2_6:
0x3c: {  	_ =	sfence.sel $0x180000  }
0x3d: {  	s2 =	simm.s32 $0x2;
	[bflag:$0x0] =	sbarrier.arrive $0xFFFF  }
0x3e: {  	s30 =	simm.s32 $0x3;
	[sflag:s2] =	ssyncpa.u1 $0x1  }
0x3f: {  	s31 =	simm.s32 $0x1;
	[sflag:s30] =	ssyncpa.u1 $0x1  }
0x40: {  	[sflag:s31] =	ssyncpa.u1 $0x1  }
0x41: {  	p0 =	sne.s32 s1, $0x0;
	_ =	strace $0x9000004A  }
0x42: {  	s0 =	sadd.s32 @!p0 $0x100000, s0;
	[bflag:$0x2] =	sbarrier.arrive $0xFFFF  }
0x43: {  	[sflag:s0] =	ssyncadd.tile.s32 @!p0 $0x1;
	_ =	shalt  }
.Lfunc_end2:
_tile_overlayer_lowered:
.L_overlay_start_2:
0x44: {  	(tag) =	ssettag $0x2  }
0x45: {  	s0 =	rddreg [dreg:$0x0];
	s2 =	stileid.u32  }
0x46: {  	s1 =	rddreg [dreg:$0x1];
	p0 =	sne.s32 s2, $0x0  }
0x47: {  	s3 =	rddreg [dreg:$0x2];
	[bflag:$0x3] =	sbarrier.arrive $0xFFFF;
	s2 =	simm.s32 @!p0 $0x1C01  }
0x48: {  	[timem:s3], [sflag:s2] =	dma.local @!p0 [hbm:s0], s1  }
0x49: {  	s0 =	simm.s32 @!p0 $0x1  }
0x4a: {  	_ =	swait.ge @!p0 [sflag:s0], s1  }
0x4b: {  	s1 =	ssub.s32 @!p0 $0x0, s1;
	[sflag:s0] =	ssyncset.done @!p0 $0x0  }
0x4c: {  	[sflag:s0] =	ssyncadd.s32 @!p0 s1  }
0x4d: {  	[bflag:$0x3] =	sbarrier.arrive $0xFFFF  }
0x4e: {  	_ =	shalt  }

// kernel: gather_offload_async_start
scs
__scs_entry_jumppad:
0x0: {  	(pc) =	sbr.rel $0x88, $3  }
0x1: {  	(tag) =	ssettag $0x0;
	lr =	simm.s32 $0x1  }
0x2: {  	[smem:$0x3F90] =	sst lr;
	_ =	strace $0xD0000000  }
0x3: {  	_ = 	snop  }
0x4: {  	_ = 	snop  }
0x5: {  	_ = 	snop  }
0x6: {  	_ = 	snop  }
0x7: {  	_ = 	snop  }
__scs_overlays_trampoline_lowered:
0x8: {  	[smem:$0x3F9F] =	sst s0  }
0x9: {  	[smem:$0x3FA0] =	sst s1  }
0xa: {  	[smem:$0x3FA1] =	sst s2  }
0xb: {  	[smem:$0x3FA2] =	sst s3  }
0xc: {  	[smem:$0x3FA3] =	sst s4  }
0xd: {  	[smem:$0x3FA4] =	sst s5  }
0xe: {  	[smem:$0x3FA5] =	sst s6  }
0xf: {  	[smem:$0x3FA6] =	sst s7  }
0x10: {  	[smem:$0x3FA7] =	sst s8  }
0x11: {  	[smem:$0x3FA8] =	sst s9;
	s0 =	simm.s32 @!p0 $0x0  }
0x12: {  	s1 =	sld [smem:$0x3F8E];
	s0 =	simm.s32 @p0 $0x1  }
0x13: {  	[smem:$0x3FA9] =	sst s0;
	s0 =	simm.s32 @!p1 $0x0  }
0x14: {  	s2 =	sld [smem:$0x3F8D];
	s0 =	simm.s32 @p1 $0x1  }
0x15: {  	[smem:$0x3FAA] =	sst s0;
	s0 =	simm.s32 @!p2 $0x0  }
0x16: {  	s3 =	sld [smem:$0x3FDB];
	s0 =	simm.s32 @p2 $0x1  }
0x17: {  	s4 =	simm.s32 $0x1BF5;
	[smem:$0x3FAC] =	sst s0  }
0x18: {  	s0 =	sld [smem:$0x3F8F];
	_ =	swait.ge [sflag:s4], $0x0  }
0x19: {  	s7 =	sld [smem:$0x3F90]  }
0x1a: {  	s8 =	sadd.s32 $0xFFFFE003, lr  }
0x1b: {  	s9 =	sadd.s32 $0xFFFFFEF7, lr;
	s5 =	simm.s32 $0xFFFFFFFF;
	p2 =	slt.u32 s8, $0xFFFFF086  }
0x1c: {  	p1 =	slt.u32 s9, $0xF7A;
	s5 =	simm.s32 @!p2 $0x0  }
0x1d: {  	s5 =	simm.s32 @p1 $0x1;
	p0 =	seq.s32 s7, s2  }
0x1e: {  	s7 =	smul.u32 @!p0 $0xF7A, s2;
	p2 =	seq.s32 @!p0 s5, $0x0  }
0x1f: {  	s9 =	smul.u32 $0xF7A, s1;
	s8 =	simm.s32 @!p0 $0x1BF5;
	p2 =	por !p2, p0  }
0x20: {  	[sflag:s8] =	ssyncset.s32 @!p0 $0xFFFFF086;
	s6 =	sadd.s32 @!p0 s3, s7;
	s7 =	simm.s32 @!p0 $0x108  }
0x21: {  	s3 =	sadd.s32 s3, s9;
	s6 =	sadd.s32 @!p0 $0x88, s6;
	s7 =	simm.s32 @p2 $0x1082  }
0x22: {  	[simem:s7], [sflag:s8] =	dma.local @!p0 [hbm:s6], $0xF7A  }
0x23: {  	s9 =	sor.u32 $0xD0000000, s2;
	s6 =	simm.s32 $0x108;
	_ =	swait.ge @!p0 [sflag:s8], $0x0  }
0x24: {  	s3 =	sadd.s32 $0x88, s3;
	s6 =	simm.s32 @!p1 $0x1082;
	[sflag:s4] =	ssyncset.s32 $0xFFFFF086  }
0x25: {  	[simem:s6], [sflag:s4] =	dma.local [hbm:s3], $0xF7A  }
0x26: {  	[smem:$0x3F90] =	sst s1;
	(tag) =	ssettag s2;
	_ =	strace s9  }
0x27: {  	s1 =	sld [smem:$0x3FA0]  }
0x28: {  	s2 =	sld [smem:$0x3FA1]  }
0x29: {  	s4 =	sld [smem:$0x3FA3]  }
0x2a: {  	p0 =	seq.s32 s5, $0x0;
	s5 =	sld [smem:$0x3FA4]  }
0x2b: {  	s6 =	sld [smem:$0x3FA5]  }
0x2c: {  	s7 =	sld [smem:$0x3FA6]  }
0x2d: {  	s3 =	simm.s32 $0x108;
	s8 =	sld [smem:$0x3FA7]  }
0x2e: {  	s3 =	simm.s32 @!p0 $0x1082;
	s9 =	sld [smem:$0x3FA8]  }
0x2f: {  	lr =	sadd.s32 s0, s3;
	s0 =	sld [smem:$0x3F9F]  }
0x30: {  	s3 =	sld [smem:$0x3FA2]  }
0x31: {  	[smem:$0x3FAB] =	sst s10  }
0x32: {  	s10 =	sld [smem:$0x3FA9];
	_ =	sdelay $0x3  }
0x33: {  	p0 =	seq.s32 s10, $0x1;
	s10 =	sld [smem:$0x3FAB];
	_ =	sdelay $0x3  }
0x34: {  	[smem:$0x3FAB] =	sst s10  }
0x35: {  	s10 =	sld [smem:$0x3FAA];
	_ =	sdelay $0x3  }
0x36: {  	p1 =	seq.s32 s10, $0x1;
	s10 =	sld [smem:$0x3FAB];
	_ =	sdelay $0x3  }
0x37: {  	[smem:$0x3FAB] =	sst s10  }
0x38: {  	s10 =	sld [smem:$0x3FAC]  }
0x39: {  	_ = 	snop;
	(pc) =	sbr.ind lr, $3  }
0x3a: {  	_ = 	snop  }
0x3b: {  	_ = 	snop  }
0x3c: {  	p2 =	seq.s32 s10, $0x1;
	s10 =	sld [smem:$0x3FAB]  }
0x3d: {  	_ =	shalt  }
0x3e: {  	_ =	shalt  }
0x3f: {  	_ =	shalt  }
0x40: {  	_ =	shalt  }
0x41: {  	_ =	shalt  }
0x42: {  	_ =	shalt  }
0x43: {  	_ =	shalt  }
0x44: {  	_ =	shalt  }
0x45: {  	_ =	shalt  }
0x46: {  	_ =	shalt  }
0x47: {  	_ =	shalt  }
0x48: {  	_ =	shalt  }
0x49: {  	_ =	shalt  }
0x4a: {  	_ =	shalt  }
0x4b: {  	_ =	shalt  }
0x4c: {  	_ =	shalt  }
0x4d: {  	_ =	shalt  }
0x4e: {  	_ =	shalt  }
0x4f: {  	_ =	shalt  }
0x50: {  	_ =	shalt  }
0x51: {  	_ =	shalt  }
0x52: {  	_ =	shalt  }
0x53: {  	_ =	shalt  }
0x54: {  	_ =	shalt  }
0x55: {  	_ =	shalt  }
0x56: {  	_ =	shalt  }
0x57: {  	_ =	shalt  }
0x58: {  	_ =	shalt  }
0x59: {  	_ =	shalt  }
0x5a: {  	_ =	shalt  }
0x5b: {  	_ =	shalt  }
0x5c: {  	_ =	shalt  }
0x5d: {  	_ =	shalt  }
0x5e: {  	_ =	shalt  }
0x5f: {  	_ =	shalt  }
0x60: {  	_ =	shalt  }
0x61: {  	_ =	shalt  }
0x62: {  	_ =	shalt  }
0x63: {  	_ =	shalt  }
0x64: {  	_ =	shalt  }
0x65: {  	_ =	shalt  }
0x66: {  	_ =	shalt  }
0x67: {  	_ =	shalt  }
0x68: {  	_ =	shalt  }
0x69: {  	_ =	shalt  }
0x6a: {  	_ =	shalt  }
0x6b: {  	_ =	shalt  }
0x6c: {  	_ =	shalt  }
0x6d: {  	_ =	shalt  }
0x6e: {  	_ =	shalt  }
0x6f: {  	_ =	shalt  }
0x70: {  	_ =	shalt  }
0x71: {  	_ =	shalt  }
0x72: {  	_ =	shalt  }
0x73: {  	_ =	shalt  }
0x74: {  	_ =	shalt  }
0x75: {  	_ =	shalt  }
0x76: {  	_ =	shalt  }
0x77: {  	_ =	shalt  }
0x78: {  	_ =	shalt  }
0x79: {  	_ =	shalt  }
0x7a: {  	_ =	shalt  }
0x7b: {  	_ =	shalt  }
0x7c: {  	_ =	shalt  }
0x7d: {  	_ =	shalt  }
0x7e: {  	_ =	shalt  }
0x7f: {  	_ =	shalt  }
0x80: {  	_ =	shalt  }
0x81: {  	_ =	shalt  }
0x82: {  	_ =	shalt  }
0x83: {  	_ =	shalt  }
0x84: {  	_ =	shalt  }
0x85: {  	_ =	shalt  }
0x86: {  	_ =	shalt  }
0x87: {  	_ =	shalt  }
.Lfunc_end0:
.L_simem_size_0:
called_computation_lowered:
.L_overlay_start_0:
0x88: {  	s2 =	sld [smem:$0x3FD9]  }
0x89: {  	s3 =	sld [smem:$0x3FFE];
	_ =	sdelay $0x1  }
0x8a: {  	s1 =	srdreg.scid  }
0x8b: {  	s0 =	sand.u32 $0x1, s1  }
0x8c: {  	s16 =	sshll.u32 s0, $0xA;
	s2 =	sadd.s32 s3, s2  }
0x8d: {  	s2 =	sadd.s32 s2, s16  }
0x8e: {  	[smem:$0x3FB7] =	sst s2  }
0x8f: {  	_ = 	snop  }
0x90: {  	(tm) =	ssettm $0x1  }
0x91: {  	s17 =	sld [smem:$0x3FFB];
	_ =	sdelay $0x3  }
0x92: {  	_ =	strace s17  }
0x93: {  	s2 =	sld [smem:$0x3FFC];
	_ =	sdelay $0x3  }
0x94: {  	_ =	strace s2  }
0x95: {  	s2 =	sld [smem:$0x3FFD];
	_ =	sdelay $0x3  }
0x96: {  	_ =	strace s2  }
0x97: {  	_ =	strace $0x8FFFFFFF  }
0x98: {  	s18 =	sld [smem:$0x3FDB];
	_ =	sdelay $0x1  }
0x99: {  	s19 =	simm.s32 $_scs_section_size  }
0x9a: {  	s4 =	simm.s32 $_size__tile_overlayer_lowered;
	s5 =	simm.s32 $_tile_overlayer_lowered  }
0x9b: {  	s22 =	simm.s32 $0x1BFF;
	s21 =	sshll.u32 s5, $0x1;
	s2 =	sadd.s32 s19, s18  }
0x9c: {  	s6 =	simm.s32 $0x0;
	s20 =	sshll.u32 s4, $0x1;
	s4 =	sadd.s32 s21, s2  }
0x9d: {  	[timem:s6], [sflag:s22] =	dma.local [hbm:s4], s20  }
0x9e: {  	_ =	swait.ge [sflag:s22], s20  }
0x9f: {  	s3 =	ssub.s32 $0x0, s20;
	[sflag:s22] =	ssyncset.done $0x0  }
0xa0: {  	[sflag:s22] =	ssyncadd.s32 s3;
	_ =	sdelay $0x1  }
0xa1: {  	s23 =	simm.s32 $0x1B8B  }
0xa2: {  	_ =	swait.ge [sflag:s23], $0x1  }
0xa3: {  	[sflag:s23] =	ssyncset.done $0x0  }
0xa4: {  	s25 =	simm.s32 $0x1B8E;
	s24 =	sld [smem:$0x3FFE];
	[sflag:s23] =	ssyncadd.s32 $0xFFFFFFFF  }
0xa5: {  	s26 =	simm.s32 $execute0_lowered;
	[smem:$0x3FD2] =	sst s25  }
0xa6: {  	s4 =	sshll.u32 s26, $0x1;
	_ =	strace $0x80000046;
	[dreg:$0x1] =	wrdreg $0xFFFFFFFF  }
0xa7: {  	s28 =	simm.s32 $_size_execute0_lowered;
	s2 =	sadd.s32 s2, s4;
	[dreg:$0x0] =	wrdreg $0x0  }
0xa8: {  	s4 =	sshll.u32 s28, $0x1;
	[dreg:$0x2] =	wrdreg s2  }
0xa9: {  	[dreg:$0x3] =	wrdreg s4  }
0xaa: {  	[dreg:$0x4] =	wrdreg $0xC0  }
0xab: {  	_ =	task [dreg:s6], $0x5FFFF  }
0xac: {  	[dreg:$0x1] =	wrdreg $0xFFFFFFFF  }
0xad: {  	[dreg:$0x0] =	wrdreg $0x60  }
0xae: {  	[dreg:$0x2] =	wrdreg s24  }
0xaf: {  	[dreg:$0x3] =	wrdreg $0x9  }
0xb0: {  	_ =	task.clear_ibuf [dreg:s6], $0x4FFFF;
	_ =	strace $0x90000046  }
0xb1: {  	s29 =	simm.s32 $0x9;
	_ =	strace $0x80000048  }
0xb2: {  	_ =	swait.ge [sflag:s29], $0x1  }
0xb3: {  	[sflag:s29] =	ssyncadd.s32 $0xFFFFFFFF  }
0xb4: {  	_ =	strace $0x90000048  }
0xb5: {  	_ =	sfence  }
0xb6: {  	s30 =	sld [smem:$0x0];
	_ =	sdelay $0x2  }
0xb7: {  	s31 =	sshll.u32 s1, $0xD;
	s1 =	sshrl.u32 s1, $0x2  }
0xb8: {  	s3 =	sand.u32 $0x4000, s31;
	s1 =	sadd.s32 s1, s30  }
0xb9: {  	s0 =	sor.u32 s3, s0;
	s1 =	sshll.u32 s1, $0x11  }
0xba: {  	s0 =	sor.u32 s1, s0  }
0xbb: {  	s0 =	sadd.s32 $0x8F2B, s0  }
0xbc: {  	[sflag:s0] =	ssyncadd.remote.s32 $0x1  }
0xbd: {  	_ =	sfence.sel $0xFFFF  }
0xbe: {  	[dreg:$0x0] =	wrdreg $0xFFFFFFFF;
	(pc) =	sbr.abs _section_cstart, $3  }
0xbf: {  	[dreg:$0x1] =	wrdreg $0xFFFFFFFF  }
0xc0: {  	_ =	task.clear_ibuf [dreg:s6], $0x2FFFF;
	_ =	strace $0x9FFFFFFF  }
0xc1: {  	(tm) =	ssettm $0x7FFFFFFF  }
tec
execute0_lowered:
.L_overlay_start_1:
0x0: {  	(tag) =	ssettag $0x1  }
0x1: {  	s8 =	rddreg [dreg:$0x0]  }
0x2: {  	s0 =	rddreg [dreg:$0x1];
	_ =	strace $0x80000047;
	s1 =	stileid.u32  }
0x3: {  	s3 =	srdreg.scid;
	s4 =	simm.s32 $0x1;
	s7 =	simm.s32 $0x1  }
0x4: {  	s9 =	simm.s32 $0x1;
	s10 =	simm.s32 $0x3;
	s13 =	simm.s32 $0x0  }
0x5: {  	s12 =	simm.s32 $0x0;
	s5 =	sand.u32 $0x1, s3;
	s6 =	sshll.u32 s1, $0x1  }
0x6: {  	s2 =	sadd.s32 $0x5000, s8;
	s3 =	sadd.s32 $0x18C00, s8;
	s5 =	sor.u32 s6, s5  }
.Ltmp0:
0x7: {  	[sflag:s4] =	ssyncpa.u1 $0x0;
	p0 =	slt.u32 s5, $0x9;
	(pc) =	sbr.rel .LBB2_1-.Ltmp0, $4  }
0x8: {  	s6 =	simm.s32 $0x2;
	s7 =	simm.s32 @!p0 $0x0;
	p0 =	sne.s32 s5, $0x8  }
0x9: {  	[sflag:s6] =	ssyncpa.u1 $0x0;
	s5 =	smul.u32 $0x1F40, s5;
	s9 =	simm.s32 @!p0 $0x0  }
0xa: {  	s8 =	sadd.s32 $0x22A00, s8;
	[sflag:s10] =	ssyncpa.u1 $0x0;
	s7 =	sadd.s32 s9, s7  }
0xb: {  	vm0 =	vmmov $0xffff;
	s10 =	simm.s32 $0x0;
	s11 =	smov.u32 s5;
	s9 =	sadd.s32 $0x1, s7  }
.LBB2_4:
0xc: {  	v2 =	vnsel vm1, $0x0, v2  }
0xd: {  	vm1 =	vgt.s32 v0, $0x0;
	v2 =	vmin.u32 v2, $0x4E1FF  }
0xe: {  	v0 =	vnsel vm1, $0x0, v0  }
0xf: {  	v0 =	vmin.u32 v0, $0x4E1FF  }
0x10: {  	[tilespmem:s18], [sflag:$0x1] =	stream.indirect_vreg.gather [hbm4b:s2+s10], $0x1, v1, vm0, $0x4038;
	[tilespmem:$0x7D00] =	vst v63  }
0x11: {  	(ifvalue) =	ssetifvalue $0x7FFFFFFF  }
0x12: {  	[tilespmem:s15], [sflag:$0x1] =	stream.indirect_vreg.gather [hbm4b:s2+s10], $0x1, v2, vm0, $0x4038;
	[tilespmem:$0x7D00] =	vst v63  }
0x13: {  	s29 =	sadd.s32 $0x10, s15;
	(ifvalue) =	ssetifvalue $0x7FFFFFFF  }
0x14: {  	[tilespmem:s29], [sflag:$0x1] =	stream.indirect_vreg.gather [hbm4b:s2+s10], $0x1, v0, vm0, $0x4038;
	[tilespmem:$0x7D00] =	vst v63  }
0x15: {  	_ =	swait.ge [sflag:s4], $0x1F40  }
0x16: {  	s30 =	sshrl.u32 s13, $0x3;
	[sflag:s4] =	ssyncset.done $0x0  }
0x17: {  	s31 =	sand.u32 $0x7, s13;
	s15 =	sadd.s32 s8, s30;
	[sflag:s4] =	ssyncadd.s32 $0xFFFFE0C0  }
0x18: {  	[hbm4b:s15+s31] =	stream.linear.scatter [tilespmem:s14], [sflag:$0x3], $0x1F40, $0x38;
	[tilespmem:$0x7D00] =	vst v63  }
.LBB2_5:
0x19: {  	s15 =	sadd.s32 $0x3E800, s11  }
0x1a: {  	p1 =	sgt.s32 s15, $0x4E1FF  }
0x1b: {  	s15 =	smov.u32 @p1 s5;
	p1 =	sne.s32 s12, s9  }
.Ltmp1:
0x1c: {  	p0 =	slt.u32 s12, $0x2;
	(pc) =	sbr.rel @!p1 .LBB2_6-.Ltmp1, $4  }
0x1d: {  	s14 =	simm.s32 @!p0 $0x3  }
0x1e: {  	_ =	swait.ge @!p0 [sflag:s14], $0x1F40  }
0x1f: {  	s16 =	sadd.s32 $0x1, s12;
	s13 =	smov.u32 s11;
	[sflag:s14] =	ssyncset.done @!p0 $0x0  }
0x20: {  	s12 =	smov.u32 s16;
	s11 =	smov.u32 s15;
	[sflag:s14] =	ssyncadd.s32 @!p0 $0xFFFFE0C0  }
.LBB2_1:
0x21: {  	p0 =	sge.u32 s12, s7  }
0x22: {  	s14 =	sxor.u32 @!p0 $0x1, s12  }
0x23: {  	s14 =	smul.u32 @!p0 $0x7D00, s14  }
0x24: {  	s31 =	sadd.s32 $0xFFFFFFFF, s12;
	s15 =	sshrl.u32 @!p0 s11, $0x3  }
0x25: {  	s16 =	sand.u32 @!p0 $0x7, s11;
	s15 =	sadd.s32 @!p0 s3, s15;
	s14 =	sshra.s32 @!p0 s14, $0x2  }
0x26: {  	[tilespmem:s14], [sflag:$0x2] =	stream.linear.gather @!p0 [hbm4b:s15+s16], $0x1F40, $0x38;
	[tilespmem:$0x7D00] =	vst v63  }
0x27: {  	p0 =	sge.u32 s31, s7  }
.Ltmp2:
0x28: {  	_ = 	snop;
	(pc) =	sbr.rel @p0 .LBB2_5-.Ltmp2, $1  }
0x29: {  	_ =	sdelay $0x3  }
0x2a: {  	s14 =	sand.u32 $0x1, s12  }
0x2b: {  	_ =	swait.ge [sflag:s6], $0x1F40;
	p0 =	seq.s32 s14, $0x1;
	s14 =	simm.s32 $0x1F40  }
0x2c: {  	[sflag:s6] =	ssyncset.done $0x0;
	s14 =	simm.s32 @!p0 $0x0  }
0x2d: {  	[sflag:s6] =	ssyncadd.s32 $0xFFFFE0C0;
	(ifvalue) =	ssetifvalue $0x7FFFFFFF;
	v0 =	vld.msk [tilespmem:s14+$0x0 ss:$0x1], $0xffff;
	_ =	sdelay $0x4  }
0x2e: {  	s15 =	sadd.s32 $0x10, s14;
	vm1 =	vgt.s32 v0, $0x0  }
0x2f: {  	v2 =	vld.msk [tilespmem:s15+$0x0 ss:$0x1], $0xffff;
	v1 =	vnsel vm1, $0x0, v0  }
0x30: {  	v1 =	vmin.u32 v1, $0x4E1FF;
	_ =	sdelay $0x2  }
0x31: {  	s17 =	simm.s32 $0x20;
	s14 =	sadd.s32 $0x3E80, s14;
	s16 =	sadd.s32 $0x10, s15  }
0x32: {  	s15 =	sadd.s32 $0x10, s14;
	s18 =	smov.u32 s14;
	v0 =	vld.msk [tilespmem:s16+$0x0 ss:$0x1], $0xffff;
	vm1 =	vgt.s32 v2, $0x0;
	(ifvalue) =	ssetifvalue $0x7FFFFFFF  }
.LBB2_3:
0x33: {  	[tilespmem:s18], [sflag:$0x1] =	stream.indirect_vreg.gather [hbm4b:s2+s10], $0x1, v1, vm0, $0x4038;
	[tilespmem:$0x7D00] =	vst v63  }
0x34: {  	s17 =	sadd.s32 $0x10, s17  }
0x35: {  	v2 =	vnsel vm1, $0x0, v2;
	p0 =	slt.u32 s17, $0x1F30  }
.Ltmp3:
0x36: {  	s18 =	smov.u32 s15;
	v1 =	vmin.u32 v2, $0x4E1FF;
	(pc) =	sbr.rel @p0 .LBB2_3-.Ltmp3, $3  }
0x37: {  	_ =	sdelay $0x1  }
0x38: {  	s16 =	sadd.s32 $0x10, s16  }
0x39: {  	vm1 =	vgt.s32 v0, $0x0;
	s15 =	sadd.s32 $0x10, s15;
	v2 =	vmov v0;
	(ifvalue) =	ssetifvalue $0x7FFFFFFF;
	v0 =	vld.msk [tilespmem:s16+$0x0 ss:$0x1], $0xffff  }
.Ltmp4:
0x3a: {  	_ = 	snop;
	(pc) =	sbr.rel .LBB2_4-.Ltmp4, $1  }
0x3b: {  	_ =	sdelay $0x3  }
.LBB2_6:
0x3c: {  	_ =	sfence.sel $0x180000  }
0x3d: {  	s2 =	simm.s32 $0x2;
	[bflag:$0x0] =	sbarrier.arrive $0xFFFF  }
0x3e: {  	s30 =	simm.s32 $0x3;
	[sflag:s2] =	ssyncpa.u1 $0x1  }
0x3f: {  	s31 =	simm.s32 $0x1;
	[sflag:s30] =	ssyncpa.u1 $0x1  }
0x40: {  	[sflag:s31] =	ssyncpa.u1 $0x1  }
0x41: {  	p0 =	sne.s32 s1, $0x0;
	_ =	strace $0x90000047  }
0x42: {  	s0 =	sadd.s32 @!p0 $0x100000, s0;
	[bflag:$0x2] =	sbarrier.arrive $0xFFFF  }
0x43: {  	[sflag:s0] =	ssyncadd.tile.s32 @!p0 $0x1;
	_ =	shalt  }
.Lfunc_end2:
_tile_overlayer_lowered:
.L_overlay_start_2:
0x44: {  	(tag) =	ssettag $0x2  }
0x45: {  	s0 =	rddreg [dreg:$0x0];
	s2 =	stileid.u32  }
0x46: {  	s1 =	rddreg [dreg:$0x1];
	p0 =	sne.s32 s2, $0x0  }
0x47: {  	s3 =	rddreg [dreg:$0x2];
	[bflag:$0x3] =	sbarrier.arrive $0xFFFF;
	s2 =	simm.s32 @!p0 $0x1C01  }
0x48: {  	[timem:s3], [sflag:s2] =	dma.local @!p0 [hbm:s0], s1  }
0x49: {  	s0 =	simm.s32 @!p0 $0x1  }
0x4a: {  	_ =	swait.ge @!p0 [sflag:s0], s1  }
0x4b: {  	s1 =	ssub.s32 @!p0 $0x0, s1;
	[sflag:s0] =	ssyncset.done @!p0 $0x0  }
0x4c: {  	[sflag:s0] =	ssyncadd.s32 @!p0 s1  }
0x4d: {  	[bflag:$0x3] =	sbarrier.arrive $0xFFFF  }
0x4e: {  	_ =	shalt  }

// kernel: kernel.15.cloned.1.call-start
scs
__scs_entry_jumppad:
0x0: {  	(pc) =	sbr.rel $0x88, $3  }
0x1: {  	(tag) =	ssettag $0x0;
	lr =	simm.s32 $0x1  }
0x2: {  	[smem:$0x3F90] =	sst lr;
	_ =	strace $0xD0000000  }
0x3: {  	_ = 	snop  }
0x4: {  	_ = 	snop  }
0x5: {  	_ = 	snop  }
0x6: {  	_ = 	snop  }
0x7: {  	_ = 	snop  }
__scs_overlays_trampoline_lowered:
0x8: {  	[smem:$0x3F9F] =	sst s0  }
0x9: {  	[smem:$0x3FA0] =	sst s1  }
0xa: {  	[smem:$0x3FA1] =	sst s2  }
0xb: {  	[smem:$0x3FA2] =	sst s3  }
0xc: {  	[smem:$0x3FA3] =	sst s4  }
0xd: {  	[smem:$0x3FA4] =	sst s5  }
0xe: {  	[smem:$0x3FA5] =	sst s6  }
0xf: {  	[smem:$0x3FA6] =	sst s7  }
0x10: {  	[smem:$0x3FA7] =	sst s8  }
0x11: {  	[smem:$0x3FA8] =	sst s9;
	s0 =	simm.s32 @!p0 $0x0  }
0x12: {  	s1 =	sld [smem:$0x3F8E];
	s0 =	simm.s32 @p0 $0x1  }
0x13: {  	[smem:$0x3FA9] =	sst s0;
	s0 =	simm.s32 @!p1 $0x0  }
0x14: {  	s2 =	sld [smem:$0x3F8D];
	s0 =	simm.s32 @p1 $0x1  }
0x15: {  	[smem:$0x3FAA] =	sst s0;
	s0 =	simm.s32 @!p2 $0x0  }
0x16: {  	s3 =	sld [smem:$0x3FDB];
	s0 =	simm.s32 @p2 $0x1  }
0x17: {  	s4 =	simm.s32 $0x1BF5;
	[smem:$0x3FAC] =	sst s0  }
0x18: {  	s0 =	sld [smem:$0x3F8F];
	_ =	swait.ge [sflag:s4], $0x0  }
0x19: {  	s7 =	sld [smem:$0x3F90]  }
0x1a: {  	s8 =	sadd.s32 $0xFFFFE003, lr  }
0x1b: {  	s9 =	sadd.s32 $0xFFFFFEF7, lr;
	s5 =	simm.s32 $0xFFFFFFFF;
	p2 =	slt.u32 s8, $0xFFFFF086  }
0x1c: {  	p1 =	slt.u32 s9, $0xF7A;
	s5 =	simm.s32 @!p2 $0x0  }
0x1d: {  	s5 =	simm.s32 @p1 $0x1;
	p0 =	seq.s32 s7, s2  }
0x1e: {  	s7 =	smul.u32 @!p0 $0xF7A, s2;
	p2 =	seq.s32 @!p0 s5, $0x0  }
0x1f: {  	s9 =	smul.u32 $0xF7A, s1;
	s8 =	simm.s32 @!p0 $0x1BF5;
	p2 =	por !p2, p0  }
0x20: {  	[sflag:s8] =	ssyncset.s32 @!p0 $0xFFFFF086;
	s6 =	sadd.s32 @!p0 s3, s7;
	s7 =	simm.s32 @!p0 $0x108  }
0x21: {  	s3 =	sadd.s32 s3, s9;
	s6 =	sadd.s32 @!p0 $0x88, s6;
	s7 =	simm.s32 @p2 $0x1082  }
0x22: {  	[simem:s7], [sflag:s8] =	dma.local @!p0 [hbm:s6], $0xF7A  }
0x23: {  	s9 =	sor.u32 $0xD0000000, s2;
	s6 =	simm.s32 $0x108;
	_ =	swait.ge @!p0 [sflag:s8], $0x0  }
0x24: {  	s3 =	sadd.s32 $0x88, s3;
	s6 =	simm.s32 @!p1 $0x1082;
	[sflag:s4] =	ssyncset.s32 $0xFFFFF086  }
0x25: {  	[simem:s6], [sflag:s4] =	dma.local [hbm:s3], $0xF7A  }
0x26: {  	[smem:$0x3F90] =	sst s1;
	(tag) =	ssettag s2;
	_ =	strace s9  }
0x27: {  	s1 =	sld [smem:$0x3FA0]  }
0x28: {  	s2 =	sld [smem:$0x3FA1]  }
0x29: {  	s4 =	sld [smem:$0x3FA3]  }
0x2a: {  	p0 =	seq.s32 s5, $0x0;
	s5 =	sld [smem:$0x3FA4]  }
0x2b: {  	s6 =	sld [smem:$0x3FA5]  }
0x2c: {  	s7 =	sld [smem:$0x3FA6]  }
0x2d: {  	s3 =	simm.s32 $0x108;
	s8 =	sld [smem:$0x3FA7]  }
0x2e: {  	s3 =	simm.s32 @!p0 $0x1082;
	s9 =	sld [smem:$0x3FA8]  }
0x2f: {  	lr =	sadd.s32 s0, s3;
	s0 =	sld [smem:$0x3F9F]  }
0x30: {  	s3 =	sld [smem:$0x3FA2]  }
0x31: {  	[smem:$0x3FAB] =	sst s10  }
0x32: {  	s10 =	sld [smem:$0x3FA9];
	_ =	sdelay $0x3  }
0x33: {  	p0 =	seq.s32 s10, $0x1;
	s10 =	sld [smem:$0x3FAB];
	_ =	sdelay $0x3  }
0x34: {  	[smem:$0x3FAB] =	sst s10  }
0x35: {  	s10 =	sld [smem:$0x3FAA];
	_ =	sdelay $0x3  }
0x36: {  	p1 =	seq.s32 s10, $0x1;
	s10 =	sld [smem:$0x3FAB];
	_ =	sdelay $0x3  }
0x37: {  	[smem:$0x3FAB] =	sst s10  }
0x38: {  	s10 =	sld [smem:$0x3FAC]  }
0x39: {  	_ = 	snop;
	(pc) =	sbr.ind lr, $3  }
0x3a: {  	_ = 	snop  }
0x3b: {  	_ = 	snop  }
0x3c: {  	p2 =	seq.s32 s10, $0x1;
	s10 =	sld [smem:$0x3FAB]  }
0x3d: {  	_ =	shalt  }
0x3e: {  	_ =	shalt  }
0x3f: {  	_ =	shalt  }
0x40: {  	_ =	shalt  }
0x41: {  	_ =	shalt  }
0x42: {  	_ =	shalt  }
0x43: {  	_ =	shalt  }
0x44: {  	_ =	shalt  }
0x45: {  	_ =	shalt  }
0x46: {  	_ =	shalt  }
0x47: {  	_ =	shalt  }
0x48: {  	_ =	shalt  }
0x49: {  	_ =	shalt  }
0x4a: {  	_ =	shalt  }
0x4b: {  	_ =	shalt  }
0x4c: {  	_ =	shalt  }
0x4d: {  	_ =	shalt  }
0x4e: {  	_ =	shalt  }
0x4f: {  	_ =	shalt  }
0x50: {  	_ =	shalt  }
0x51: {  	_ =	shalt  }
0x52: {  	_ =	shalt  }
0x53: {  	_ =	shalt  }
0x54: {  	_ =	shalt  }
0x55: {  	_ =	shalt  }
0x56: {  	_ =	shalt  }
0x57: {  	_ =	shalt  }
0x58: {  	_ =	shalt  }
0x59: {  	_ =	shalt  }
0x5a: {  	_ =	shalt  }
0x5b: {  	_ =	shalt  }
0x5c: {  	_ =	shalt  }
0x5d: {  	_ =	shalt  }
0x5e: {  	_ =	shalt  }
0x5f: {  	_ =	shalt  }
0x60: {  	_ =	shalt  }
0x61: {  	_ =	shalt  }
0x62: {  	_ =	shalt  }
0x63: {  	_ =	shalt  }
0x64: {  	_ =	shalt  }
0x65: {  	_ =	shalt  }
0x66: {  	_ =	shalt  }
0x67: {  	_ =	shalt  }
0x68: {  	_ =	shalt  }
0x69: {  	_ =	shalt  }
0x6a: {  	_ =	shalt  }
0x6b: {  	_ =	shalt  }
0x6c: {  	_ =	shalt  }
0x6d: {  	_ =	shalt  }
0x6e: {  	_ =	shalt  }
0x6f: {  	_ =	shalt  }
0x70: {  	_ =	shalt  }
0x71: {  	_ =	shalt  }
0x72: {  	_ =	shalt  }
0x73: {  	_ =	shalt  }
0x74: {  	_ =	shalt  }
0x75: {  	_ =	shalt  }
0x76: {  	_ =	shalt  }
0x77: {  	_ =	shalt  }
0x78: {  	_ =	shalt  }
0x79: {  	_ =	shalt  }
0x7a: {  	_ =	shalt  }
0x7b: {  	_ =	shalt  }
0x7c: {  	_ =	shalt  }
0x7d: {  	_ =	shalt  }
0x7e: {  	_ =	shalt  }
0x7f: {  	_ =	shalt  }
0x80: {  	_ =	shalt  }
0x81: {  	_ =	shalt  }
0x82: {  	_ =	shalt  }
0x83: {  	_ =	shalt  }
0x84: {  	_ =	shalt  }
0x85: {  	_ =	shalt  }
0x86: {  	_ =	shalt  }
0x87: {  	_ =	shalt  }
.Lfunc_end0:
.L_simem_size_0:
called_computation.2_lowered:
.L_overlay_start_0:
0x88: {  	s2 =	sld [smem:$0x3FD9]  }
0x89: {  	s3 =	sld [smem:$0x3FFE];
	_ =	sdelay $0x1  }
0x8a: {  	s1 =	srdreg.scid  }
0x8b: {  	s0 =	sand.u32 $0x1, s1  }
0x8c: {  	s17 =	sshll.u32 s0, $0xA;
	s2 =	sadd.s32 s3, s2  }
0x8d: {  	s2 =	sadd.s32 s2, s17  }
0x8e: {  	[smem:$0x3FB7] =	sst s2  }
0x8f: {  	_ = 	snop  }
0x90: {  	(tm) =	ssettm $0x1  }
0x91: {  	s18 =	sld [smem:$0x3FFB];
	_ =	sdelay $0x3  }
0x92: {  	_ =	strace s18  }
0x93: {  	s2 =	sld [smem:$0x3FFC];
	_ =	sdelay $0x3  }
0x94: {  	_ =	strace s2  }
0x95: {  	s2 =	sld [smem:$0x3FFD];
	_ =	sdelay $0x3  }
0x96: {  	_ =	strace s2  }
0x97: {  	_ =	strace $0x8FFFFFFF  }
0x98: {  	s19 =	sld [smem:$0x3FDB];
	_ =	sdelay $0x1  }
0x99: {  	s20 =	simm.s32 $_scs_section_size  }
0x9a: {  	s4 =	simm.s32 $_size__tile_overlayer_lowered;
	s5 =	simm.s32 $_tile_overlayer_lowered  }
0x9b: {  	s6 =	simm.s32 $0x1BFF;
	s21 =	sshll.u32 s5, $0x1;
	s3 =	sadd.s32 s20, s19  }
0x9c: {  	s22 =	simm.s32 $0x0;
	s4 =	sshll.u32 s4, $0x1;
	s5 =	sadd.s32 s21, s3  }
0x9d: {  	[timem:s22], [sflag:s6] =	dma.local [hbm:s5], s4  }
0x9e: {  	_ =	swait.ge [sflag:s6], s4  }
0x9f: {  	s4 =	ssub.s32 $0x0, s4;
	[sflag:s6] =	ssyncset.done $0x0  }
0xa0: {  	[sflag:s6] =	ssyncadd.s32 s4;
	_ =	sdelay $0x1  }
0xa1: {  	s23 =	simm.s32 $0x1B8B  }
0xa2: {  	_ =	swait.ge [sflag:s23], $0x1  }
0xa3: {  	[sflag:s23] =	ssyncset.done $0x0  }
0xa4: {  	[sflag:s23] =	ssyncadd.s32 $0xFFFFFFFF  }
0xa5: {  	s4 =	sld [smem:$0x0]  }
0xa6: {  	s5 =	sand.u32 $0xFFFFFFFE, s1  }
0xa7: {  	p0 =	sne.s32 s1, s5  }
0xa8: {  	s5 =	sshll.u32 @p0 s5, $0xE  }
0xa9: {  	s5 =	sadd.s32 @p0 $0x11B8D, s5;
	s6 =	sshll.u32 @p0 s4, $0x11  }
0xaa: {  	s5 =	sor.u32 @p0 s6, s5  }
0xab: {  	[sflag:s5] =	ssyncadd.remote.s32 @p0 $0x1;
	_ =	sdelay $0x1  }
0xac: {  	s5 =	simm.s32 @p0 $0x1B8D  }
0xad: {  	_ =	swait.eq @p0 [sflag:s5], $0x1  }
0xae: {  	[sflag:s5] =	ssyncadd.s32 @p0 $0xFFFFFFFF  }
0xaf: {  	s6 =	sshll.u32 @!p0 s1, $0xE  }
0xb0: {  	s6 =	sor.u32 @!p0 $0x4000, s6;
	s5 =	simm.s32 @!p0 $0x1B8D  }
0xb1: {  	s4 =	sshll.u32 @!p0 s4, $0x11;
	s6 =	sadd.s32 @!p0 $0x11B8D, s6;
	_ =	swait.eq @!p0 [sflag:s5], $0x1  }
0xb2: {  	s4 =	sor.u32 @!p0 s4, s6;
	[sflag:s5] =	ssyncadd.s32 @!p0 $0xFFFFFFFF  }
0xb3: {  	s25 =	simm.s32 $0x1B8E;
	s24 =	sld [smem:$0x3FFE];
	[sflag:s4] =	ssyncadd.remote.s32 @!p0 $0x1  }
0xb4: {  	s26 =	simm.s32 $execute0_lowered;
	[smem:$0x3FD2] =	sst s25  }
0xb5: {  	s5 =	sshll.u32 s26, $0x1;
	_ =	strace $0x8000004F;
	[dreg:$0x1] =	wrdreg $0xFFFFFFFF  }
0xb6: {  	s28 =	simm.s32 $_size_execute0_lowered;
	s3 =	sadd.s32 s3, s5;
	[dreg:$0x0] =	wrdreg $0x0  }
0xb7: {  	s5 =	sshll.u32 s28, $0x1;
	[dreg:$0x2] =	wrdreg s3  }
0xb8: {  	[dreg:$0x3] =	wrdreg s5  }
0xb9: {  	[dreg:$0x4] =	wrdreg $0xC0  }
0xba: {  	_ =	task [dreg:s22], $0x5FFFF  }
0xbb: {  	[dreg:$0x1] =	wrdreg $0xFFFFFFFF  }
0xbc: {  	[dreg:$0x0] =	wrdreg $0x60  }
0xbd: {  	[dreg:$0x2] =	wrdreg s24  }
0xbe: {  	[dreg:$0x3] =	wrdreg $0x68800  }
0xbf: {  	[dreg:$0x4] =	wrdreg $0x9  }
0xc0: {  	_ =	task.clear_ibuf [dreg:s22], $0x5FFFF;
	_ =	strace $0x9000004F  }
0xc1: {  	s29 =	simm.s32 $0x9;
	_ =	strace $0x80000051  }
0xc2: {  	_ =	swait.ge [sflag:s29], $0x1  }
0xc3: {  	[sflag:s29] =	ssyncadd.s32 $0xFFFFFFFF  }
0xc4: {  	_ =	strace $0x90000051  }
0xc5: {  	_ =	sfence  }
0xc6: {  	s30 =	sld [smem:$0x0];
	_ =	sdelay $0x2  }
0xc7: {  	s31 =	sshll.u32 s1, $0xD;
	s1 =	sshrl.u32 s1, $0x2  }
0xc8: {  	s4 =	sand.u32 $0x4000, s31;
	s1 =	sadd.s32 s1, s30  }
0xc9: {  	s0 =	sor.u32 s4, s0;
	s1 =	sshll.u32 s1, $0x11  }
0xca: {  	s0 =	sor.u32 s1, s0  }
0xcb: {  	s0 =	sadd.s32 $0x8F2B, s0  }
0xcc: {  	[sflag:s0] =	ssyncadd.remote.s32 $0x1  }
0xcd: {  	_ =	sfence.sel $0xFFFF  }
0xce: {  	[dreg:$0x0] =	wrdreg $0xFFFFFFFF;
	(pc) =	sbr.abs _section_cstart, $3  }
0xcf: {  	[dreg:$0x1] =	wrdreg $0xFFFFFFFF  }
0xd0: {  	_ =	task.clear_ibuf [dreg:s22], $0x2FFFF;
	_ =	strace $0x9FFFFFFF  }
0xd1: {  	(tm) =	ssettm $0x7FFFFFFF  }
tec
execute0_lowered:
.L_overlay_start_1:
0x0: {  	(tag) =	ssettag $0x1  }
0x1: {  	s4 =	rddreg [dreg:$0x0]  }
0x2: {  	s0 =	srdreg.scid;
	s2 =	rddreg [dreg:$0x1]  }
0x3: {  	s1 =	rddreg [dreg:$0x2];
	s3 =	simm.s32 $0x0;
	s5 =	sand.u32 $0x1, s0  }
0x4: {  	s12 =	simm.s32 $0x2880;
	s0 =	stileid.u32;
	s6 =	smul.u32 $0x27100, s5  }
0x5: {  	s13 =	simm.s32 $0x1;
	s14 =	simm.s32 $0x50;
	s7 =	smul.u32 $0x2710, s0  }
0x6: {  	s15 =	simm.s32 $0x80;
	[smem:$0x7FF] =	sst s3;
	s8 =	smul.u32 $0x140000, s5  }
0x7: {  	s17 =	simm.s32 $0x0;
	s26 =	smul.u32 $0x14000, s0;
	_ =	strace $0x80000050  }
0x8: {  	s5 =	ssub.s32 $0x2, s5;
	s28 =	smul.u32 $0x50000, s0;
	s16 =	sshll.u32 s0, $0x6  }
0x9: {  	s30 =	sshrl.u32 s5, $0x1;
	s6 =	sadd.s32 s7, s6;
	s7 =	sadd.s32 s26, s8  }
0xa: {  	s16 =	sor.u32 $0x1C01, s16;
	s6 =	sshrl.u32 s6, $0x3;
	s29 =	sshrl.u32 s7, $0x3  }
0xb: {  	s31 =	sshrl.u32 s28, $0x2;
	s11 =	sadd.s32 s6, s4;
	s6 =	sadd.s32 s29, s4  }
0xc: {  	s7 =	ssub.s32 s5, s30;
	s4 =	sadd.s32 s31, s2;
	s5 =	sadd.s32 $0xAD800, s6  }
0xd: {  	s6 =	smax.u32 s7, $0x1;
	s7 =	sadd.s32 $0x4000, s4;
	s8 =	sadd.s32 $0x8000, s4  }
0xe: {  	v0 =	vimm.f32 $1.000000000e+00;
	v1 =	vimm.f32 $0.0e+00;
	s9 =	sadd.s32 $0xC000, s4;
	s10 =	sadd.s32 $0x10000, s4;
	s11 =	sadd.s32 $0x53A00, s11  }
.LBB2_1:
0xf: {  	s18 =	simm.s32 $0x0;
	s19 =	simm.s32 $0x0  }
.LBB2_2:
0x10: {  	p0 =	sne.s32 s19, $0x9FC0  }
.Ltmp0:
0x11: {  	_ = 	snop;
	(pc) =	sbr.rel @p0 .LBB2_2-.Ltmp0, $4  }
0x12: {  	s20 =	sand.u32 $0xFE00, s19  }
0x13: {  	s21 =	sand.u32 $0x70, s18;
	s20 =	sshrl.u32 s20, $0x2  }
0x14: {  	s20 =	sor.u32 s21, s20  }
0x15: {  	s18 =	sadd.s32 $0x10, s18;
	s19 =	sadd.s32 $0x40, s19;
	[tilespmem:s20+$0x80] =	vst v0  }
0x16: {  	s18 =	simm.s32 $0x0  }
0x17: {  	s19 =	sand.u32 $0xFE00, s18  }
0x18: {  	s20 =	sand.u32 $0x70, s18;
	s21 =	sshrl.u32 s19, $0x2  }
0x19: {  	s19 =	simm.s32 $0x40;
	s20 =	sor.u32 s20, s21  }
.LBB2_4:
0x1a: {  	p0 =	sne.s32 s19, $0xFFC0  }
0x1b: {  	[tilespmem:s20+$0x2880] =	vst v1;
	s18 =	sadd.s32 $0x10, s18;
	s20 =	smov.u32 s19;
	s19 =	sadd.s32 $0x40, s19  }
.Ltmp1:
0x1c: {  	(pc) =	sbr.rel @p0 .LBB2_4-.Ltmp1, $4  }
0x1d: {  	_ = 	snop  }
0x1e: {  	s20 =	sand.u32 $0xFE00, s20  }
0x1f: {  	s21 =	sand.u32 $0x70, s18;
	s20 =	sshrl.u32 s20, $0x2  }
0x20: {  	s20 =	sor.u32 s21, s20  }
0x21: {  	[tilespmem:s20+$0x2880] =	vst v1  }
0x22: {  	[spmem:s4] =	stream.linear.scatter [tilespmem:s12], [sflag:$0x1], $0x4000, $0x38;
	[tilespmem:$0x1A880] =	vst v63  }
0x23: {  	_ =	swait.ge [sflag:s13], $0x4000  }
0x24: {  	[sflag:s13] =	ssyncset.done $0x0  }
0x25: {  	[sflag:s13] =	ssyncadd.s32 $0xFFFFC000  }
0x26: {  	[spmem:s7] =	stream.linear.scatter [tilespmem:s12], [sflag:$0x1], $0x4000, $0x38;
	[tilespmem:$0x1A880] =	vst v63  }
0x27: {  	_ =	swait.ge [sflag:s13], $0x4000  }
0x28: {  	[sflag:s13] =	ssyncset.done $0x0  }
0x29: {  	[sflag:s13] =	ssyncadd.s32 $0xFFFFC000  }
0x2a: {  	[spmem:s8] =	stream.linear.scatter [tilespmem:s12], [sflag:$0x1], $0x4000, $0x38;
	[tilespmem:$0x1A880] =	vst v63  }
0x2b: {  	_ =	swait.ge [sflag:s13], $0x4000  }
0x2c: {  	[sflag:s13] =	ssyncset.done $0x0  }
0x2d: {  	[sflag:s13] =	ssyncadd.s32 $0xFFFFC000  }
0x2e: {  	[spmem:s9] =	stream.linear.scatter [tilespmem:s12], [sflag:$0x1], $0x4000, $0x38;
	[tilespmem:$0x1A880] =	vst v63  }
0x2f: {  	_ =	swait.ge [sflag:s13], $0x4000  }
0x30: {  	[sflag:s13] =	ssyncset.done $0x0  }
0x31: {  	[sflag:s13] =	ssyncadd.s32 $0xFFFFC000  }
0x32: {  	[spmem:s10] =	stream.linear.scatter [tilespmem:s12], [sflag:$0x1], $0x4000, $0x38;
	[tilespmem:$0x1A880] =	vst v63  }
0x33: {  	_ =	swait.ge [sflag:s13], $0x4000  }
0x34: {  	[sflag:s13] =	ssyncset.done $0x0  }
0x35: {  	[sflag:s13] =	ssyncadd.s32 $0xFFFFC000  }
0x36: {  	s18 =	sadd.s32 $0x0, s11;
	[bflag:$0x0] =	sbarrier.arrive $0xFFFF  }
0x37: {  	[tilespmem:s3], [sflag:$0x1] =	stream.linear.gather [hbm4b:s18+s3], $0x50, $0x38;
	[tilespmem:$0x1A880] =	vst v63  }
0x38: {  	_ =	swait.ge [sflag:s13], $0x50  }
0x39: {  	[sflag:s13] =	ssyncset.done $0x0  }
0x3a: {  	[sflag:s13] =	ssyncadd.s32 $0xFFFFFFB0  }
0x3b: {  	[spmem:s2] =	stream.indirect.scatter.add.f32 [tilespmem:s15], [sflag:$0x1], $0x80, s3, s14, $0xb8;
	[tilespmem:$0x1A880] =	vst v63  }
0x3c: {  	_ =	swait.ge [sflag:s13], $0x2800  }
0x3d: {  	s19 =	simm.s32 $0x14;
	s18 =	simm.s32 $0xA;
	[sflag:s13] =	ssyncset.done $0x0  }
.LBB2_6:
0x3e: {  	s20 =	sadd.s32 s18, s11  }
0x3f: {  	[sflag:s13] =	ssyncadd.s32 $0xFFFFD800;
	s18 =	smov.u32 s19;
	s21 =	sadd.s32 $0xA, s19  }
0x40: {  	[tilespmem:s3], [sflag:$0x1] =	stream.linear.gather [hbm4b:s20+s3], $0x50, $0x38;
	[tilespmem:$0x1A880] =	vst v63  }
0x41: {  	p0 =	sne.s32 s19, $0x4D8;
	_ =	swait.ge [sflag:s13], $0x50  }
.Ltmp2:
0x42: {  	[sflag:s13] =	ssyncset.done $0x0;
	(pc) =	sbr.rel @p0 .LBB2_6-.Ltmp2, $4  }
0x43: {  	[sflag:s13] =	ssyncadd.s32 $0xFFFFFFB0  }
0x44: {  	[spmem:s2] =	stream.indirect.scatter.add.f32 [tilespmem:s15], [sflag:$0x1], $0x80, s3, s14, $0xb8;
	[tilespmem:$0x1A880] =	vst v63  }
0x45: {  	_ =	swait.ge [sflag:s13], $0x2800  }
0x46: {  	s19 =	smov.u32 s21;
	[sflag:s13] =	ssyncset.done $0x0  }
0x47: {  	s18 =	sadd.s32 s18, s11;
	[sflag:s13] =	ssyncadd.s32 $0xFFFFD800  }
0x48: {  	[tilespmem:s3], [sflag:$0x1] =	stream.linear.gather [hbm4b:s18+s3], $0x50, $0x38;
	[tilespmem:$0x1A880] =	vst v63  }
0x49: {  	_ =	swait.ge [sflag:s13], $0x50  }
0x4a: {  	[sflag:s13] =	ssyncset.done $0x0  }
0x4b: {  	[sflag:s13] =	ssyncadd.s32 $0xFFFFFFB0  }
0x4c: {  	[spmem:s2] =	stream.indirect.scatter.add.f32 [tilespmem:s15], [sflag:$0x1], $0x80, s3, s14, $0xb8;
	[tilespmem:$0x1A880] =	vst v63  }
0x4d: {  	_ =	swait.ge [sflag:s13], $0x2800  }
0x4e: {  	s17 =	sadd.s32 $0x1, s17;
	[sflag:s13] =	ssyncset.done $0x0  }
0x4f: {  	p0 =	sne.s32 s17, s6;
	[sflag:s13] =	ssyncadd.s32 $0xFFFFD800  }
.Ltmp3:
0x50: {  	s31 =	sshrl.u32 s4, $0x3;
	[bflag:$0x0] =	sbarrier.arrive $0xFFFF;
	(pc) =	sbr.rel @p0 .LBB2_1-.Ltmp3, $4  }
0x51: {  	[hbm:s5], [sflag:s16] =	dma.local [spmem:s31], $0x2800  }
0x52: {  	_ =	swait.ge [sflag:s13], $0x2800  }
0x53: {  	[sflag:s13] =	ssyncset.done $0x0  }
0x54: {  	[sflag:s13] =	ssyncadd.s32 $0xFFFFD800  }
0x55: {  	_ =	sfence.sel $0x180000  }
0x56: {  	[bflag:$0x0] =	sbarrier.arrive $0xFFFF  }
0x57: {  	p0 =	sne.s32 s0, $0x0;
	_ =	strace $0x90000050  }
0x58: {  	s0 =	sadd.s32 @!p0 $0x100000, s1;
	[bflag:$0x2] =	sbarrier.arrive $0xFFFF  }
0x59: {  	[sflag:s0] =	ssyncadd.tile.s32 @!p0 $0x1;
	_ =	shalt  }
.Lfunc_end2:
_tile_overlayer_lowered:
.L_overlay_start_2:
0x5a: {  	(tag) =	ssettag $0x2  }
0x5b: {  	s0 =	rddreg [dreg:$0x0];
	s2 =	stileid.u32  }
0x5c: {  	s1 =	rddreg [dreg:$0x1];
	p0 =	sne.s32 s2, $0x0  }
0x5d: {  	s3 =	rddreg [dreg:$0x2];
	[bflag:$0x3] =	sbarrier.arrive $0xFFFF;
	s2 =	simm.s32 @!p0 $0x1C01  }
0x5e: {  	[timem:s3], [sflag:s2] =	dma.local @!p0 [hbm:s0], s1  }
0x5f: {  	s0 =	simm.s32 @!p0 $0x1  }
0x60: {  	_ =	swait.ge @!p0 [sflag:s0], s1  }
0x61: {  	s1 =	ssub.s32 @!p0 $0x0, s1;
	[sflag:s0] =	ssyncset.done @!p0 $0x0  }
0x62: {  	[sflag:s0] =	ssyncadd.s32 @!p0 s1  }
0x63: {  	[bflag:$0x3] =	sbarrier.arrive $0xFFFF  }
0x64: {  	_ =	shalt  }

// kernel: kernel.18.cloned.1.call-start
scs
__scs_entry_jumppad:
0x0: {  	(pc) =	sbr.rel $0x88, $3  }
0x1: {  	(tag) =	ssettag $0x0;
	lr =	simm.s32 $0x1  }
0x2: {  	[smem:$0x3F90] =	sst lr;
	_ =	strace $0xD0000000  }
0x3: {  	_ = 	snop  }
0x4: {  	_ = 	snop  }
0x5: {  	_ = 	snop  }
0x6: {  	_ = 	snop  }
0x7: {  	_ = 	snop  }
__scs_overlays_trampoline_lowered:
0x8: {  	[smem:$0x3F9F] =	sst s0  }
0x9: {  	[smem:$0x3FA0] =	sst s1  }
0xa: {  	[smem:$0x3FA1] =	sst s2  }
0xb: {  	[smem:$0x3FA2] =	sst s3  }
0xc: {  	[smem:$0x3FA3] =	sst s4  }
0xd: {  	[smem:$0x3FA4] =	sst s5  }
0xe: {  	[smem:$0x3FA5] =	sst s6  }
0xf: {  	[smem:$0x3FA6] =	sst s7  }
0x10: {  	[smem:$0x3FA7] =	sst s8  }
0x11: {  	[smem:$0x3FA8] =	sst s9;
	s0 =	simm.s32 @!p0 $0x0  }
0x12: {  	s1 =	sld [smem:$0x3F8E];
	s0 =	simm.s32 @p0 $0x1  }
0x13: {  	[smem:$0x3FA9] =	sst s0;
	s0 =	simm.s32 @!p1 $0x0  }
0x14: {  	s2 =	sld [smem:$0x3F8D];
	s0 =	simm.s32 @p1 $0x1  }
0x15: {  	[smem:$0x3FAA] =	sst s0;
	s0 =	simm.s32 @!p2 $0x0  }
0x16: {  	s3 =	sld [smem:$0x3FDB];
	s0 =	simm.s32 @p2 $0x1  }
0x17: {  	s4 =	simm.s32 $0x1BF5;
	[smem:$0x3FAC] =	sst s0  }
0x18: {  	s0 =	sld [smem:$0x3F8F];
	_ =	swait.ge [sflag:s4], $0x0  }
0x19: {  	s7 =	sld [smem:$0x3F90]  }
0x1a: {  	s8 =	sadd.s32 $0xFFFFE003, lr  }
0x1b: {  	s9 =	sadd.s32 $0xFFFFFEF7, lr;
	s5 =	simm.s32 $0xFFFFFFFF;
	p2 =	slt.u32 s8, $0xFFFFF086  }
0x1c: {  	p1 =	slt.u32 s9, $0xF7A;
	s5 =	simm.s32 @!p2 $0x0  }
0x1d: {  	s5 =	simm.s32 @p1 $0x1;
	p0 =	seq.s32 s7, s2  }
0x1e: {  	s7 =	smul.u32 @!p0 $0xF7A, s2;
	p2 =	seq.s32 @!p0 s5, $0x0  }
0x1f: {  	s9 =	smul.u32 $0xF7A, s1;
	s8 =	simm.s32 @!p0 $0x1BF5;
	p2 =	por !p2, p0  }
0x20: {  	[sflag:s8] =	ssyncset.s32 @!p0 $0xFFFFF086;
	s6 =	sadd.s32 @!p0 s3, s7;
	s7 =	simm.s32 @!p0 $0x108  }
0x21: {  	s3 =	sadd.s32 s3, s9;
	s6 =	sadd.s32 @!p0 $0x88, s6;
	s7 =	simm.s32 @p2 $0x1082  }
0x22: {  	[simem:s7], [sflag:s8] =	dma.local @!p0 [hbm:s6], $0xF7A  }
0x23: {  	s9 =	sor.u32 $0xD0000000, s2;
	s6 =	simm.s32 $0x108;
	_ =	swait.ge @!p0 [sflag:s8], $0x0  }
0x24: {  	s3 =	sadd.s32 $0x88, s3;
	s6 =	simm.s32 @!p1 $0x1082;
	[sflag:s4] =	ssyncset.s32 $0xFFFFF086  }
0x25: {  	[simem:s6], [sflag:s4] =	dma.local [hbm:s3], $0xF7A  }
0x26: {  	[smem:$0x3F90] =	sst s1;
	(tag) =	ssettag s2;
	_ =	strace s9  }
0x27: {  	s1 =	sld [smem:$0x3FA0]  }
0x28: {  	s2 =	sld [smem:$0x3FA1]  }
0x29: {  	s4 =	sld [smem:$0x3FA3]  }
0x2a: {  	p0 =	seq.s32 s5, $0x0;
	s5 =	sld [smem:$0x3FA4]  }
0x2b: {  	s6 =	sld [smem:$0x3FA5]  }
0x2c: {  	s7 =	sld [smem:$0x3FA6]  }
0x2d: {  	s3 =	simm.s32 $0x108;
	s8 =	sld [smem:$0x3FA7]  }
0x2e: {  	s3 =	simm.s32 @!p0 $0x1082;
	s9 =	sld [smem:$0x3FA8]  }
0x2f: {  	lr =	sadd.s32 s0, s3;
	s0 =	sld [smem:$0x3F9F]  }
0x30: {  	s3 =	sld [smem:$0x3FA2]  }
0x31: {  	[smem:$0x3FAB] =	sst s10  }
0x32: {  	s10 =	sld [smem:$0x3FA9];
	_ =	sdelay $0x3  }
0x33: {  	p0 =	seq.s32 s10, $0x1;
	s10 =	sld [smem:$0x3FAB];
	_ =	sdelay $0x3  }
0x34: {  	[smem:$0x3FAB] =	sst s10  }
0x35: {  	s10 =	sld [smem:$0x3FAA];
	_ =	sdelay $0x3  }
0x36: {  	p1 =	seq.s32 s10, $0x1;
	s10 =	sld [smem:$0x3FAB];
	_ =	sdelay $0x3  }
0x37: {  	[smem:$0x3FAB] =	sst s10  }
0x38: {  	s10 =	sld [smem:$0x3FAC]  }
0x39: {  	_ = 	snop;
	(pc) =	sbr.ind lr, $3  }
0x3a: {  	_ = 	snop  }
0x3b: {  	_ = 	snop  }
0x3c: {  	p2 =	seq.s32 s10, $0x1;
	s10 =	sld [smem:$0x3FAB]  }
0x3d: {  	_ =	shalt  }
0x3e: {  	_ =	shalt  }
0x3f: {  	_ =	shalt  }
0x40: {  	_ =	shalt  }
0x41: {  	_ =	shalt  }
0x42: {  	_ =	shalt  }
0x43: {  	_ =	shalt  }
0x44: {  	_ =	shalt  }
0x45: {  	_ =	shalt  }
0x46: {  	_ =	shalt  }
0x47: {  	_ =	shalt  }
0x48: {  	_ =	shalt  }
0x49: {  	_ =	shalt  }
0x4a: {  	_ =	shalt  }
0x4b: {  	_ =	shalt  }
0x4c: {  	_ =	shalt  }
0x4d: {  	_ =	shalt  }
0x4e: {  	_ =	shalt  }
0x4f: {  	_ =	shalt  }
0x50: {  	_ =	shalt  }
0x51: {  	_ =	shalt  }
0x52: {  	_ =	shalt  }
0x53: {  	_ =	shalt  }
0x54: {  	_ =	shalt  }
0x55: {  	_ =	shalt  }
0x56: {  	_ =	shalt  }
0x57: {  	_ =	shalt  }
0x58: {  	_ =	shalt  }
0x59: {  	_ =	shalt  }
0x5a: {  	_ =	shalt  }
0x5b: {  	_ =	shalt  }
0x5c: {  	_ =	shalt  }
0x5d: {  	_ =	shalt  }
0x5e: {  	_ =	shalt  }
0x5f: {  	_ =	shalt  }
0x60: {  	_ =	shalt  }
0x61: {  	_ =	shalt  }
0x62: {  	_ =	shalt  }
0x63: {  	_ =	shalt  }
0x64: {  	_ =	shalt  }
0x65: {  	_ =	shalt  }
0x66: {  	_ =	shalt  }
0x67: {  	_ =	shalt  }
0x68: {  	_ =	shalt  }
0x69: {  	_ =	shalt  }
0x6a: {  	_ =	shalt  }
0x6b: {  	_ =	shalt  }
0x6c: {  	_ =	shalt  }
0x6d: {  	_ =	shalt  }
0x6e: {  	_ =	shalt  }
0x6f: {  	_ =	shalt  }
0x70: {  	_ =	shalt  }
0x71: {  	_ =	shalt  }
0x72: {  	_ =	shalt  }
0x73: {  	_ =	shalt  }
0x74: {  	_ =	shalt  }
0x75: {  	_ =	shalt  }
0x76: {  	_ =	shalt  }
0x77: {  	_ =	shalt  }
0x78: {  	_ =	shalt  }
0x79: {  	_ =	shalt  }
0x7a: {  	_ =	shalt  }
0x7b: {  	_ =	shalt  }
0x7c: {  	_ =	shalt  }
0x7d: {  	_ =	shalt  }
0x7e: {  	_ =	shalt  }
0x7f: {  	_ =	shalt  }
0x80: {  	_ =	shalt  }
0x81: {  	_ =	shalt  }
0x82: {  	_ =	shalt  }
0x83: {  	_ =	shalt  }
0x84: {  	_ =	shalt  }
0x85: {  	_ =	shalt  }
0x86: {  	_ =	shalt  }
0x87: {  	_ =	shalt  }
.Lfunc_end0:
.L_simem_size_0:
called_computation.3_lowered:
.L_overlay_start_0:
0x88: {  	s2 =	sld [smem:$0x3FD9]  }
0x89: {  	s3 =	sld [smem:$0x3FFE];
	_ =	sdelay $0x1  }
0x8a: {  	s1 =	srdreg.scid  }
0x8b: {  	s0 =	sand.u32 $0x1, s1  }
0x8c: {  	s16 =	sshll.u32 s0, $0xA;
	s2 =	sadd.s32 s3, s2  }
0x8d: {  	s2 =	sadd.s32 s2, s16  }
0x8e: {  	[smem:$0x3FB7] =	sst s2  }
0x8f: {  	_ = 	snop  }
0x90: {  	(tm) =	ssettm $0x1  }
0x91: {  	s17 =	sld [smem:$0x3FFB];
	_ =	sdelay $0x3  }
0x92: {  	_ =	strace s17  }
0x93: {  	s2 =	sld [smem:$0x3FFC];
	_ =	sdelay $0x3  }
0x94: {  	_ =	strace s2  }
0x95: {  	s2 =	sld [smem:$0x3FFD];
	_ =	sdelay $0x3  }
0x96: {  	_ =	strace s2  }
0x97: {  	_ =	strace $0x8FFFFFFF  }
0x98: {  	s18 =	sld [smem:$0x3FDB];
	_ =	sdelay $0x1  }
0x99: {  	s19 =	simm.s32 $_scs_section_size  }
0x9a: {  	s4 =	simm.s32 $_size__tile_overlayer_lowered;
	s5 =	simm.s32 $_tile_overlayer_lowered  }
0x9b: {  	s22 =	simm.s32 $0x1BFF;
	s21 =	sshll.u32 s5, $0x1;
	s2 =	sadd.s32 s19, s18  }
0x9c: {  	s6 =	simm.s32 $0x0;
	s20 =	sshll.u32 s4, $0x1;
	s4 =	sadd.s32 s21, s2  }
0x9d: {  	[timem:s6], [sflag:s22] =	dma.local [hbm:s4], s20  }
0x9e: {  	_ =	swait.ge [sflag:s22], s20  }
0x9f: {  	s3 =	ssub.s32 $0x0, s20;
	[sflag:s22] =	ssyncset.done $0x0  }
0xa0: {  	[sflag:s22] =	ssyncadd.s32 s3;
	_ =	sdelay $0x1  }
0xa1: {  	s23 =	simm.s32 $0x1B8B  }
0xa2: {  	_ =	swait.ge [sflag:s23], $0x1  }
0xa3: {  	[sflag:s23] =	ssyncset.done $0x0  }
0xa4: {  	s25 =	simm.s32 $0x1B8E;
	s24 =	sld [smem:$0x3FFE];
	[sflag:s23] =	ssyncadd.s32 $0xFFFFFFFF  }
0xa5: {  	s26 =	simm.s32 $execute0_lowered;
	[smem:$0x3FD2] =	sst s25  }
0xa6: {  	s4 =	sshll.u32 s26, $0x1;
	_ =	strace $0x8000004C;
	[dreg:$0x1] =	wrdreg $0xFFFFFFFF  }
0xa7: {  	s28 =	simm.s32 $_size_execute0_lowered;
	s2 =	sadd.s32 s2, s4;
	[dreg:$0x0] =	wrdreg $0x0  }
0xa8: {  	s4 =	sshll.u32 s28, $0x1;
	[dreg:$0x2] =	wrdreg s2  }
0xa9: {  	[dreg:$0x3] =	wrdreg s4  }
0xaa: {  	[dreg:$0x4] =	wrdreg $0xC0  }
0xab: {  	_ =	task [dreg:s6], $0x5FFFF  }
0xac: {  	[dreg:$0x1] =	wrdreg $0xFFFFFFFF  }
0xad: {  	[dreg:$0x0] =	wrdreg $0x60  }
0xae: {  	[dreg:$0x2] =	wrdreg s24  }
0xaf: {  	[dreg:$0x3] =	wrdreg $0xB1000  }
0xb0: {  	[dreg:$0x4] =	wrdreg $0xA  }
0xb1: {  	_ =	task.clear_ibuf [dreg:s6], $0x5FFFF;
	_ =	strace $0x9000004C  }
0xb2: {  	s29 =	simm.s32 $0xA;
	_ =	strace $0x8000004E  }
0xb3: {  	_ =	swait.ge [sflag:s29], $0x1  }
0xb4: {  	[sflag:s29] =	ssyncadd.s32 $0xFFFFFFFF  }
0xb5: {  	_ =	strace $0x9000004E  }
0xb6: {  	_ =	sfence  }
0xb7: {  	s30 =	sld [smem:$0x0];
	_ =	sdelay $0x2  }
0xb8: {  	s31 =	sshll.u32 s1, $0xD;
	s1 =	sshrl.u32 s1, $0x2  }
0xb9: {  	s3 =	sand.u32 $0x4000, s31;
	s1 =	sadd.s32 s1, s30  }
0xba: {  	s0 =	sor.u32 s3, s0;
	s1 =	sshll.u32 s1, $0x11  }
0xbb: {  	s0 =	sor.u32 s1, s0  }
0xbc: {  	s0 =	sadd.s32 $0x8F2B, s0  }
0xbd: {  	[sflag:s0] =	ssyncadd.remote.s32 $0x1  }
0xbe: {  	_ =	sfence.sel $0xFFFF  }
0xbf: {  	[dreg:$0x0] =	wrdreg $0xFFFFFFFF;
	(pc) =	sbr.abs _section_cstart, $3  }
0xc0: {  	[dreg:$0x1] =	wrdreg $0xFFFFFFFF  }
0xc1: {  	_ =	task.clear_ibuf [dreg:s6], $0x2FFFF;
	_ =	strace $0x9FFFFFFF  }
0xc2: {  	(tm) =	ssettm $0x7FFFFFFF  }
0xc3: {  	_ =	shalt  }
tec
execute0_lowered:
.L_overlay_start_1:
0x0: {  	(tag) =	ssettag $0x1  }
0x1: {  	s0 =	rddreg [dreg:$0x0]  }
0x2: {  	s1 =	rddreg [dreg:$0x1]  }
0x3: {  	s2 =	srdreg.scid;
	s3 =	simm.s32 $0x0;
	s8 =	stileid.u32  }
0x4: {  	s30 =	simm.s32 $0x3;
	s31 =	simm.s32 $0x4F00;
	s9 =	simm.s32 $0x1  }
0x5: {  	s10 =	simm.s32 $0x4F80;
	s11 =	simm.s32 $0x2;
	s6 =	smul.u32 $0x14000, s8  }
0x6: {  	s12 =	simm.s32 $0x5080;
	s2 =	sand.u32 $0x1, s2;
	s13 =	smul.u32 $0x50000, s8  }
0x7: {  	[smem:$0x7FF] =	sst s3;
	s5 =	smul.u32 $0x140000, s2;
	s4 =	sshll.u32 s2, $0x4  }
0x8: {  	_ =	strace $0x8000004D;
	s2 =	ssub.s32 $0x2, s2;
	s7 =	sor.u32 s8, s4  }
0x9: {  	s4 =	sadd.s32 $0x2C800, s0;
	s14 =	sshrl.u32 s2, $0x1;
	s7 =	smul.u32 $0x4E2, s7  }
0xa: {  	s16 =	sshrl.u32 s13, $0x2;
	s8 =	simm.s32 $0x7900;
	s2 =	ssub.s32 s2, s14  }
0xb: {  	s5 =	sadd.s32 s6, s5;
	s18 =	smax.u32 s2, $0x1;
	s7 =	sadd.s32 s7, s0  }
0xc: {  	s5 =	sshrl.u32 s5, $0x3;
	[dreg:$0x6] =	wrdreg s18;
	s15 =	sadd.s32 $0x22A00, s7  }
0xd: {  	s0 =	sadd.s32 s5, s0;
	s17 =	sadd.s32 $0x53A00, s7;
	[dreg:$0x3] =	wrdreg s15  }
0xe: {  	s7 =	sadd.s32 s16, s1;
	s0 =	sadd.s32 $0x5D800, s0;
	[dreg:$0x4] =	wrdreg s17  }
0xf: {  	s13 =	simm.s32 $0x0;
	[dreg:$0x5] =	wrdreg s0;
	s19 =	sadd.s32 $0x1000, s7  }
0x10: {  	s6 =	simm.s32 $0x5000;
	s20 =	sadd.s32 $0x2000, s7;
	[dreg:$0x7] =	wrdreg s19  }
0x11: {  	s2 =	simm.s32 $0x5100;
	s21 =	sadd.s32 $0x3000, s7;
	[dreg:$0x8] =	wrdreg s20  }
0x12: {  	s5 =	simm.s32 $0xA100;
	s22 =	sadd.s32 $0x4000, s7;
	[dreg:$0x9] =	wrdreg s21  }
0x13: {  	s23 =	sadd.s32 $0x5000, s7;
	s24 =	sadd.s32 $0x6000, s7;
	[dreg:$0xa] =	wrdreg s22  }
0x14: {  	s25 =	sadd.s32 $0x7000, s7;
	s26 =	sadd.s32 $0x8000, s7;
	[dreg:$0xb] =	wrdreg s23  }
0x15: {  	s18 =	sadd.s32 $0x9000, s7;
	s28 =	sadd.s32 $0x12000, s7;
	[dreg:$0xc] =	wrdreg s24  }
0x16: {  	s29 =	sadd.s32 $0x13000, s7;
	s0 =	simm.s32 $0x50;
	[dreg:$0xd] =	wrdreg s25  }
0x17: {  	[dreg:$0xe] =	wrdreg s26;
	s19 =	sadd.s32 $0xA000, s7;
	s20 =	sadd.s32 $0xB000, s7  }
0x18: {  	s21 =	sadd.s32 $0xC000, s7;
	s22 =	sadd.s32 $0xD000, s7;
	s23 =	sadd.s32 $0xE000, s7  }
0x19: {  	v0 =	vimm.f32 $0.0e+00;
	s24 =	sadd.s32 $0xF000, s7;
	s25 =	sadd.s32 $0x10000, s7;
	s26 =	sadd.s32 $0x11000, s7  }
.LBB2_1:
0x1a: {  	s14 =	rddreg [dreg:$0x3]  }
0x1b: {  	[tilespmem:s3], [sflag:$0x3] =	stream.linear.gather [hbm4b:s14+s3], $0x2710, $0x38;
	[tilespmem:$0x1F100] =	vst v63  }
0x1c: {  	_ =	swait.ge [sflag:s30], $0x2710  }
0x1d: {  	s15 =	simm.s32 $0x2780;
	[sflag:s30] =	ssyncset.done $0x0  }
0x1e: {  	s16 =	sand.u32 $0x3E00, s3;
	s17 =	rddreg [dreg:$0x4];
	[sflag:s30] =	ssyncadd.s32 $0xFFFFD8F0  }
0x1f: {  	[tilespmem:s15], [sflag:$0x3] =	stream.linear.gather [hbm4b:s17+s3], $0x2710, $0x38;
	[tilespmem:$0x1F100] =	vst v63  }
0x20: {  	s16 =	sshrl.u32 s16, $0x2;
	_ =	swait.ge [sflag:s30], $0x2710  }
0x21: {  	s14 =	simm.s32 $0x40;
	s17 =	sand.u32 $0x70, s3;
	[sflag:s30] =	ssyncset.done $0x0  }
0x22: {  	s15 =	simm.s32 $0x0;
	s16 =	sor.u32 s17, s16;
	[sflag:s30] =	ssyncadd.s32 $0xFFFFD8F0  }
.LBB2_2:
0x23: {  	p0 =	sne.s32 s14, $0x3FC0  }
0x24: {  	[tilespmem:s16+$0xA100] =	vst v0;
	s15 =	sadd.s32 $0x10, s15;
	s16 =	smov.u32 s14;
	s14 =	sadd.s32 $0x40, s14  }
.Ltmp0:
0x25: {  	(pc) =	sbr.rel @p0 .LBB2_2-.Ltmp0, $4  }
0x26: {  	_ = 	snop  }
0x27: {  	s16 =	sand.u32 $0x3E00, s16  }
0x28: {  	s17 =	sand.u32 $0x70, s15;
	s16 =	sshrl.u32 s16, $0x2  }
0x29: {  	s16 =	sor.u32 s17, s16  }
0x2a: {  	[tilespmem:s16+$0xA100] =	vst v0  }
0x2b: {  	v1 =	vld [tilespmem:$0x0]  }
0x2c: {  	v2 =	vld [tilespmem:$0x2780]  }
0x2d: {  	v3 =	vld [tilespmem:$0x10]  }
0x2e: {  	v4 =	vld [tilespmem:$0x2790]  }
0x2f: {  	v5 =	vld [tilespmem:$0x20]  }
0x30: {  	v62 =	vld [tilespmem:$0x40];
	[tilespmem:$0x4F00] =	vst v1  }
0x31: {  	v63 =	vld [tilespmem:$0x27C0];
	[tilespmem:$0x4F80] =	vst v2  }
0x32: {  	v1 =	vld [tilespmem:$0x27A0];
	[tilespmem:$0x4F10] =	vst v3  }
0x33: {  	v2 =	vld [tilespmem:$0x30];
	[tilespmem:$0x4F90] =	vst v4  }
0x34: {  	v3 =	vld [tilespmem:$0x27B0];
	[tilespmem:$0x4F20] =	vst v5  }
0x35: {  	[tilespmem:$0x4F40] =	vst v62  }
0x36: {  	[tilespmem:$0x4FC0] =	vst v63  }
0x37: {  	[tilespmem:$0x4FA0] =	vst v1  }
0x38: {  	[tilespmem:$0x4F30] =	vst v2  }
0x39: {  	[tilespmem:$0x4FB0] =	vst v3  }
0x3a: {  	[tilespmem:s2], [sflag:$0x1] =	stream.indirect.gather [hbm4b:s4+s0], $0x80, s31, s0, $0xb8;
	[tilespmem:$0x1F100] =	vst v63  }
0x3b: {  	_ = 	snop  }
0x3c: {  	[spmem:s7] =	stream.linear.scatter [tilespmem:s5], [sflag:$0x3], $0x1000, $0x38;
	[tilespmem:$0x1F100] =	vst v63  }
0x3d: {  	_ =	swait.ge [sflag:s30], $0x1000  }
0x3e: {  	[sflag:s30] =	ssyncset.done $0x0  }
0x3f: {  	s14 =	rddreg [dreg:$0x7];
	[sflag:s30] =	ssyncadd.s32 $0xFFFFF000  }
0x40: {  	[spmem:s14] =	stream.linear.scatter [tilespmem:s5], [sflag:$0x3], $0x1000, $0x38;
	[tilespmem:$0x1F100] =	vst v63  }
0x41: {  	_ =	swait.ge [sflag:s30], $0x1000  }
0x42: {  	[sflag:s30] =	ssyncset.done $0x0  }
0x43: {  	s16 =	rddreg [dreg:$0x8];
	[sflag:s30] =	ssyncadd.s32 $0xFFFFF000  }
0x44: {  	[spmem:s16] =	stream.linear.scatter [tilespmem:s5], [sflag:$0x3], $0x1000, $0x38;
	[tilespmem:$0x1F100] =	vst v63  }
0x45: {  	_ =	swait.ge [sflag:s30], $0x1000  }
0x46: {  	[sflag:s30] =	ssyncset.done $0x0  }
0x47: {  	s17 =	rddreg [dreg:$0x9];
	[sflag:s30] =	ssyncadd.s32 $0xFFFFF000  }
0x48: {  	[spmem:s17] =	stream.linear.scatter [tilespmem:s5], [sflag:$0x3], $0x1000, $0x38;
	[tilespmem:$0x1F100] =	vst v63  }
0x49: {  	_ =	swait.ge [sflag:s30], $0x1000  }
0x4a: {  	[sflag:s30] =	ssyncset.done $0x0  }
0x4b: {  	s15 =	rddreg [dreg:$0xa];
	[sflag:s30] =	ssyncadd.s32 $0xFFFFF000  }
0x4c: {  	[spmem:s15] =	stream.linear.scatter [tilespmem:s5], [sflag:$0x3], $0x1000, $0x38;
	[tilespmem:$0x1F100] =	vst v63  }
0x4d: {  	_ =	swait.ge [sflag:s30], $0x1000  }
0x4e: {  	[sflag:s30] =	ssyncset.done $0x0  }
0x4f: {  	s16 =	rddreg [dreg:$0xb];
	[sflag:s30] =	ssyncadd.s32 $0xFFFFF000  }
0x50: {  	[spmem:s16] =	stream.linear.scatter [tilespmem:s5], [sflag:$0x3], $0x1000, $0x38;
	[tilespmem:$0x1F100] =	vst v63  }
0x51: {  	_ =	swait.ge [sflag:s30], $0x1000  }
0x52: {  	[sflag:s30] =	ssyncset.done $0x0  }
0x53: {  	s17 =	rddreg [dreg:$0xc];
	[sflag:s30] =	ssyncadd.s32 $0xFFFFF000  }
0x54: {  	[spmem:s17] =	stream.linear.scatter [tilespmem:s5], [sflag:$0x3], $0x1000, $0x38;
	[tilespmem:$0x1F100] =	vst v63  }
0x55: {  	_ =	swait.ge [sflag:s30], $0x1000  }
0x56: {  	[sflag:s30] =	ssyncset.done $0x0  }
0x57: {  	s15 =	rddreg [dreg:$0xd];
	[sflag:s30] =	ssyncadd.s32 $0xFFFFF000  }
0x58: {  	[spmem:s15] =	stream.linear.scatter [tilespmem:s5], [sflag:$0x3], $0x1000, $0x38;
	[tilespmem:$0x1F100] =	vst v63  }
0x59: {  	_ =	swait.ge [sflag:s30], $0x1000  }
0x5a: {  	[sflag:s30] =	ssyncset.done $0x0  }
0x5b: {  	s16 =	rddreg [dreg:$0xe];
	[sflag:s30] =	ssyncadd.s32 $0xFFFFF000  }
0x5c: {  	[spmem:s16] =	stream.linear.scatter [tilespmem:s5], [sflag:$0x3], $0x1000, $0x38;
	[tilespmem:$0x1F100] =	vst v63  }
0x5d: {  	_ =	swait.ge [sflag:s30], $0x1000  }
0x5e: {  	[sflag:s30] =	ssyncset.done $0x0  }
0x5f: {  	[sflag:s30] =	ssyncadd.s32 $0xFFFFF000  }
0x60: {  	[spmem:s18] =	stream.linear.scatter [tilespmem:s5], [sflag:$0x3], $0x1000, $0x38;
	[tilespmem:$0x1F100] =	vst v63  }
0x61: {  	_ =	swait.ge [sflag:s30], $0x1000  }
0x62: {  	[sflag:s30] =	ssyncset.done $0x0  }
0x63: {  	[sflag:s30] =	ssyncadd.s32 $0xFFFFF000  }
0x64: {  	[spmem:s19] =	stream.linear.scatter [tilespmem:s5], [sflag:$0x3], $0x1000, $0x38;
	[tilespmem:$0x1F100] =	vst v63  }
0x65: {  	_ =	swait.ge [sflag:s30], $0x1000  }
0x66: {  	[sflag:s30] =	ssyncset.done $0x0  }
0x67: {  	[sflag:s30] =	ssyncadd.s32 $0xFFFFF000  }
0x68: {  	[spmem:s20] =	stream.linear.scatter [tilespmem:s5], [sflag:$0x3], $0x1000, $0x38;
	[tilespmem:$0x1F100] =	vst v63  }
0x69: {  	_ =	swait.ge [sflag:s30], $0x1000  }
0x6a: {  	[sflag:s30] =	ssyncset.done $0x0  }
0x6b: {  	[sflag:s30] =	ssyncadd.s32 $0xFFFFF000  }
0x6c: {  	[spmem:s21] =	stream.linear.scatter [tilespmem:s5], [sflag:$0x3], $0x1000, $0x38;
	[tilespmem:$0x1F100] =	vst v63  }
0x6d: {  	_ =	swait.ge [sflag:s30], $0x1000  }
0x6e: {  	[sflag:s30] =	ssyncset.done $0x0  }
0x6f: {  	[sflag:s30] =	ssyncadd.s32 $0xFFFFF000  }
0x70: {  	[spmem:s22] =	stream.linear.scatter [tilespmem:s5], [sflag:$0x3], $0x1000, $0x38;
	[tilespmem:$0x1F100] =	vst v63  }
0x71: {  	_ =	swait.ge [sflag:s30], $0x1000  }
0x72: {  	[sflag:s30] =	ssyncset.done $0x0  }
0x73: {  	[sflag:s30] =	ssyncadd.s32 $0xFFFFF000  }
0x74: {  	[spmem:s23] =	stream.linear.scatter [tilespmem:s5], [sflag:$0x3], $0x1000, $0x38;
	[tilespmem:$0x1F100] =	vst v63  }
0x75: {  	_ =	swait.ge [sflag:s30], $0x1000  }
0x76: {  	[sflag:s30] =	ssyncset.done $0x0  }
0x77: {  	[sflag:s30] =	ssyncadd.s32 $0xFFFFF000  }
0x78: {  	[spmem:s24] =	stream.linear.scatter [tilespmem:s5], [sflag:$0x3], $0x1000, $0x38;
	[tilespmem:$0x1F100] =	vst v63  }
0x79: {  	_ =	swait.ge [sflag:s30], $0x1000  }
0x7a: {  	[sflag:s30] =	ssyncset.done $0x0  }
0x7b: {  	[sflag:s30] =	ssyncadd.s32 $0xFFFFF000  }
0x7c: {  	[spmem:s25] =	stream.linear.scatter [tilespmem:s5], [sflag:$0x3], $0x1000, $0x38;
	[tilespmem:$0x1F100] =	vst v63  }
0x7d: {  	_ =	swait.ge [sflag:s30], $0x1000  }
0x7e: {  	[sflag:s30] =	ssyncset.done $0x0  }
0x7f: {  	[sflag:s30] =	ssyncadd.s32 $0xFFFFF000  }
0x80: {  	[spmem:s26] =	stream.linear.scatter [tilespmem:s5], [sflag:$0x3], $0x1000, $0x38;
	[tilespmem:$0x1F100] =	vst v63  }
0x81: {  	_ =	swait.ge [sflag:s30], $0x1000  }
0x82: {  	[sflag:s30] =	ssyncset.done $0x0  }
0x83: {  	[sflag:s30] =	ssyncadd.s32 $0xFFFFF000  }
0x84: {  	[spmem:s28] =	stream.linear.scatter [tilespmem:s5], [sflag:$0x3], $0x1000, $0x38;
	[tilespmem:$0x1F100] =	vst v63  }
0x85: {  	_ =	swait.ge [sflag:s30], $0x1000  }
0x86: {  	[sflag:s30] =	ssyncset.done $0x0  }
0x87: {  	[sflag:s30] =	ssyncadd.s32 $0xFFFFF000  }
0x88: {  	[spmem:s29] =	stream.linear.scatter [tilespmem:s5], [sflag:$0x3], $0x1000, $0x38;
	[tilespmem:$0x1F100] =	vst v63  }
0x89: {  	_ =	swait.ge [sflag:s30], $0x1000  }
0x8a: {  	[sflag:s30] =	ssyncset.done $0x0  }
0x8b: {  	[sflag:s30] =	ssyncadd.s32 $0xFFFFF000  }
0x8c: {  	s14 =	simm.s32 $0x70;
	[bflag:$0x0] =	sbarrier.arrive $0xFFFF  }
0x8d: {  	v1 =	vld [tilespmem:s14+$0xFFFFFFE0];
	_ =	sdelay $0x4  }
0x8e: {  	s15 =	simm.s32 $0x27F0;
	[tilespmem:$0x5000] =	vst v1  }
0x8f: {  	v1 =	vld [tilespmem:s15+$0xFFFFFFE0];
	_ =	sdelay $0x4  }
0x90: {  	[tilespmem:$0x5080] =	vst v1  }
0x91: {  	v1 =	vld [tilespmem:s14+$0xFFFFFFF0];
	_ =	sdelay $0x4  }
0x92: {  	[tilespmem:$0x5010] =	vst v1  }
0x93: {  	v1 =	vld [tilespmem:s15+$0xFFFFFFF0];
	_ =	sdelay $0x4  }
0x94: {  	[tilespmem:$0x5090] =	vst v1  }
0x95: {  	v1 =	vld [tilespmem:s14+$0x0];
	_ =	sdelay $0x4  }
0x96: {  	[tilespmem:$0x5020] =	vst v1  }
0x97: {  	v1 =	vld [tilespmem:s15+$0x0];
	_ =	sdelay $0x3  }
0x98: {  	s17 =	simm.s32 $0x0  }
0x99: {  	s16 =	sand.u32 $0x3FE0, s17;
	[tilespmem:$0x50A0] =	vst v1  }
0x9a: {  	v1 =	vld [tilespmem:s16+$0x80];
	_ =	sdelay $0x4  }
0x9b: {  	[tilespmem:$0x5030] =	vst v1  }
0x9c: {  	v1 =	vld [tilespmem:s16+$0x2800];
	_ =	sdelay $0x4  }
0x9d: {  	[tilespmem:$0x50B0] =	vst v1  }
0x9e: {  	v1 =	vld [tilespmem:s14+$0x20];
	_ =	sdelay $0x4  }
0x9f: {  	[tilespmem:$0x5040] =	vst v1  }
0xa0: {  	v1 =	vld [tilespmem:s15+$0x20];
	_ =	sdelay $0x4  }
0xa1: {  	[tilespmem:$0x50C0] =	vst v1  }
0xa2: {  	[tilespmem:s8], [sflag:$0x2] =	stream.indirect.gather [hbm4b:s4+s0], $0x80, s6, s0, $0xb8;
	[tilespmem:$0x1F100] =	vst v63  }
0xa3: {  	_ =	swait.ge [sflag:s9], $0x2800  }
0xa4: {  	[sflag:s9] =	ssyncset.done $0x0  }
0xa5: {  	[sflag:s9] =	ssyncadd.s32 $0xFFFFD800  }
0xa6: {  	[spmem:s1] =	stream.indirect.scatter.add.f32 [tilespmem:s2], [sflag:$0x3], $0x80, s10, s0, $0xb8;
	[tilespmem:$0x1F100] =	vst v63  }
0xa7: {  	_ =	swait.ge [sflag:s30], $0x2800  }
0xa8: {  	[sflag:s30] =	ssyncset.done $0x0  }
0xa9: {  	[sflag:s30] =	ssyncadd.s32 $0xFFFFD800  }
0xaa: {  	v1 =	vld [tilespmem:s14+$0x30];
	_ =	sdelay $0x4  }
0xab: {  	[tilespmem:$0x4F00] =	vst v1  }
0xac: {  	v1 =	vld [tilespmem:s15+$0x30];
	_ =	sdelay $0x4  }
0xad: {  	[tilespmem:$0x4F80] =	vst v1  }
0xae: {  	v1 =	vld [tilespmem:s14+$0x40];
	_ =	sdelay $0x4  }
0xaf: {  	[tilespmem:$0x4F10] =	vst v1  }
0xb0: {  	v1 =	vld [tilespmem:s15+$0x40];
	_ =	sdelay $0x4  }
0xb1: {  	[tilespmem:$0x4F90] =	vst v1  }
0xb2: {  	v1 =	vld [tilespmem:s14+$0x50];
	_ =	sdelay $0x4  }
0xb3: {  	[tilespmem:$0x4F20] =	vst v1  }
0xb4: {  	v1 =	vld [tilespmem:s15+$0x50];
	_ =	sdelay $0x4  }
0xb5: {  	[tilespmem:$0x4FA0] =	vst v1  }
0xb6: {  	v1 =	vld [tilespmem:s14+$0x60];
	_ =	sdelay $0x4  }
0xb7: {  	[tilespmem:$0x4F30] =	vst v1  }
0xb8: {  	v1 =	vld [tilespmem:s15+$0x60];
	_ =	sdelay $0x4  }
0xb9: {  	[tilespmem:$0x4FB0] =	vst v1  }
0xba: {  	v1 =	vld [tilespmem:s14+$0x70];
	_ =	sdelay $0x4  }
0xbb: {  	[tilespmem:$0x4F40] =	vst v1  }
0xbc: {  	v1 =	vld [tilespmem:s15+$0x70];
	_ =	sdelay $0x4  }
0xbd: {  	[tilespmem:$0x4FC0] =	vst v1  }
0xbe: {  	[tilespmem:s2], [sflag:$0x1] =	stream.indirect.gather [hbm4b:s4+s0], $0x80, s31, s0, $0xb8;
	[tilespmem:$0x1F100] =	vst v63  }
0xbf: {  	_ =	swait.ge [sflag:s11], $0x2800  }
0xc0: {  	[sflag:s11] =	ssyncset.done $0x0  }
0xc1: {  	[sflag:s11] =	ssyncadd.s32 $0xFFFFD800  }
0xc2: {  	[spmem:s1] =	stream.indirect.scatter.add.f32 [tilespmem:s8], [sflag:$0x3], $0x80, s12, s0, $0xb8;
	[tilespmem:$0x1F100] =	vst v63  }
0xc3: {  	_ =	swait.ge [sflag:s30], $0x2800  }
0xc4: {  	s16 =	simm.s32 $0xA0;
	[sflag:s30] =	ssyncset.done $0x0  }
.LBB2_4:
0xc5: {  	[sflag:s30] =	ssyncadd.s32 $0xFFFFD800;
	s15 =	sadd.s32 $0xA0, s15;
	s14 =	sadd.s32 $0xA0, s14  }
0xc6: {  	p0 =	sne.s32 s16, $0x2620;
	s17 =	smov.u32 s16;
	s16 =	sadd.s32 $0xA0, s16;
	v1 =	vld [tilespmem:s14+$0xFFFFFFE0]  }
0xc7: {  	_ =	sdelay $0x3  }
0xc8: {  	[tilespmem:$0x5000] =	vst v1  }
0xc9: {  	v1 =	vld [tilespmem:s15+$0xFFFFFFE0];
	_ =	sdelay $0x4  }
0xca: {  	[tilespmem:$0x5080] =	vst v1  }
0xcb: {  	v1 =	vld [tilespmem:s14+$0xFFFFFFF0];
	_ =	sdelay $0x4  }
0xcc: {  	[tilespmem:$0x5010] =	vst v1  }
0xcd: {  	v1 =	vld [tilespmem:s15+$0xFFFFFFF0];
	_ =	sdelay $0x4  }
0xce: {  	[tilespmem:$0x5090] =	vst v1  }
0xcf: {  	v1 =	vld [tilespmem:s14+$0x0];
	_ =	sdelay $0x4  }
0xd0: {  	[tilespmem:$0x5020] =	vst v1  }
0xd1: {  	v1 =	vld [tilespmem:s15+$0x0];
	_ =	sdelay $0x4  }
0xd2: {  	s17 =	sand.u32 $0x3FE0, s17;
	[tilespmem:$0x50A0] =	vst v1  }
0xd3: {  	v1 =	vld [tilespmem:s17+$0x80];
	_ =	sdelay $0x4  }
0xd4: {  	[tilespmem:$0x5030] =	vst v1  }
0xd5: {  	v1 =	vld [tilespmem:s17+$0x2800];
	_ =	sdelay $0x4  }
0xd6: {  	[tilespmem:$0x50B0] =	vst v1  }
0xd7: {  	v1 =	vld [tilespmem:s14+$0x20];
	_ =	sdelay $0x4  }
0xd8: {  	[tilespmem:$0x5040] =	vst v1  }
0xd9: {  	v1 =	vld [tilespmem:s15+$0x20];
	_ =	sdelay $0x4  }
0xda: {  	[tilespmem:$0x50C0] =	vst v1  }
0xdb: {  	[tilespmem:s8], [sflag:$0x2] =	stream.indirect.gather [hbm4b:s4+s0], $0x80, s6, s0, $0xb8;
	[tilespmem:$0x1F100] =	vst v63  }
0xdc: {  	_ =	swait.ge [sflag:s9], $0x2800  }
0xdd: {  	[sflag:s9] =	ssyncset.done $0x0  }
0xde: {  	[sflag:s9] =	ssyncadd.s32 $0xFFFFD800  }
0xdf: {  	[spmem:s1] =	stream.indirect.scatter.add.f32 [tilespmem:s2], [sflag:$0x3], $0x80, s10, s0, $0xb8;
	[tilespmem:$0x1F100] =	vst v63  }
0xe0: {  	_ =	swait.ge [sflag:s30], $0x2800  }
0xe1: {  	[sflag:s30] =	ssyncset.done $0x0  }
0xe2: {  	[sflag:s30] =	ssyncadd.s32 $0xFFFFD800  }
0xe3: {  	v1 =	vld [tilespmem:s14+$0x30];
	_ =	sdelay $0x4  }
0xe4: {  	[tilespmem:$0x4F00] =	vst v1  }
0xe5: {  	v1 =	vld [tilespmem:s15+$0x30];
	_ =	sdelay $0x4  }
0xe6: {  	[tilespmem:$0x4F80] =	vst v1  }
0xe7: {  	v1 =	vld [tilespmem:s14+$0x40];
	_ =	sdelay $0x4  }
0xe8: {  	[tilespmem:$0x4F10] =	vst v1  }
0xe9: {  	v1 =	vld [tilespmem:s15+$0x40];
	_ =	sdelay $0x4  }
0xea: {  	[tilespmem:$0x4F90] =	vst v1  }
0xeb: {  	v1 =	vld [tilespmem:s14+$0x50];
	_ =	sdelay $0x4  }
0xec: {  	[tilespmem:$0x4F20] =	vst v1  }
0xed: {  	v1 =	vld [tilespmem:s15+$0x50];
	_ =	sdelay $0x4  }
0xee: {  	[tilespmem:$0x4FA0] =	vst v1  }
0xef: {  	v1 =	vld [tilespmem:s14+$0x60];
	_ =	sdelay $0x4  }
0xf0: {  	[tilespmem:$0x4F30] =	vst v1  }
0xf1: {  	v1 =	vld [tilespmem:s15+$0x60];
	_ =	sdelay $0x4  }
0xf2: {  	[tilespmem:$0x4FB0] =	vst v1  }
0xf3: {  	v1 =	vld [tilespmem:s14+$0x70];
	_ =	sdelay $0x4  }
0xf4: {  	[tilespmem:$0x4F40] =	vst v1  }
0xf5: {  	v1 =	vld [tilespmem:s15+$0x70];
	_ =	sdelay $0x4  }
0xf6: {  	[tilespmem:$0x4FC0] =	vst v1  }
0xf7: {  	[tilespmem:s2], [sflag:$0x1] =	stream.indirect.gather [hbm4b:s4+s0], $0x80, s31, s0, $0xb8;
	[tilespmem:$0x1F100] =	vst v63  }
0xf8: {  	_ =	swait.ge [sflag:s11], $0x2800  }
.Ltmp1:
0xf9: {  	[sflag:s11] =	ssyncset.done $0x0;
	(pc) =	sbr.rel @p0 .LBB2_4-.Ltmp1, $4  }
0xfa: {  	[sflag:s11] =	ssyncadd.s32 $0xFFFFD800  }
0xfb: {  	[spmem:s1] =	stream.indirect.scatter.add.f32 [tilespmem:s8], [sflag:$0x3], $0x80, s12, s0, $0xb8;
	[tilespmem:$0x1F100] =	vst v63  }
0xfc: {  	_ =	swait.ge [sflag:s30], $0x2800  }
0xfd: {  	[sflag:s30] =	ssyncset.done $0x0  }
0xfe: {  	[sflag:s30] =	ssyncadd.s32 $0xFFFFD800  }
0xff: {  	_ =	swait.ge [sflag:s9], $0x2800  }
0x100: {  	[sflag:s9] =	ssyncset.done $0x0  }
0x101: {  	[sflag:s9] =	ssyncadd.s32 $0xFFFFD800  }
0x102: {  	[spmem:s1] =	stream.indirect.scatter.add.f32 [tilespmem:s2], [sflag:$0x3], $0x80, s10, s0, $0xb8;
	[tilespmem:$0x1F100] =	vst v63  }
0x103: {  	_ =	swait.ge [sflag:s30], $0x2800  }
0x104: {  	[sflag:s30] =	ssyncset.done $0x0  }
0x105: {  	s14 =	stileid.u32;
	[sflag:s30] =	ssyncadd.s32 $0xFFFFD800  }
0x106: {  	s14 =	sshll.u32 s14, $0x6;
	[bflag:$0x0] =	sbarrier.arrive $0xFFFF  }
0x107: {  	s15 =	sshrl.u32 s7, $0x3;
	s14 =	sor.u32 $0x1C03, s14;
	s16 =	rddreg [dreg:$0x5]  }
0x108: {  	[hbm:s16], [sflag:s14] =	dma.local [spmem:s15], $0x2800  }
0x109: {  	_ =	swait.ge [sflag:s30], $0x2800  }
0x10a: {  	s13 =	sadd.s32 $0x1, s13;
	s17 =	rddreg [dreg:$0x6]  }
0x10b: {  	p0 =	sne.s32 s13, s17  }
.Ltmp2:
0x10c: {  	_ = 	snop;
	(pc) =	sbr.rel @p0 .LBB2_1-.Ltmp2, $3  }
0x10d: {  	_ =	sdelay $0x1  }
0x10e: {  	[sflag:s30] =	ssyncset.done $0x0  }
0x10f: {  	[sflag:s30] =	ssyncadd.s32 $0xFFFFD800  }
0x110: {  	_ =	sfence.sel $0x180000  }
0x111: {  	[bflag:$0x0] =	sbarrier.arrive $0xFFFF  }
0x112: {  	_ =	strace $0x9000004D  }
0x113: {  	s0 =	stileid.u32;
	[bflag:$0x2] =	sbarrier.arrive $0xFFFF  }
0x114: {  	p0 =	sne.s32 s0, $0x0;
	s0 =	rddreg [dreg:$0x2]  }
0x115: {  	s0 =	sadd.s32 @!p0 $0x100000, s0  }
0x116: {  	[sflag:s0] =	ssyncadd.tile.s32 @!p0 $0x1;
	_ =	shalt  }
.Lfunc_end2:
_tile_overlayer_lowered:
.L_overlay_start_2:
0x117: {  	(tag) =	ssettag $0x2  }
0x118: {  	s0 =	rddreg [dreg:$0x0];
	s2 =	stileid.u32  }
0x119: {  	s1 =	rddreg [dreg:$0x1];
	p0 =	sne.s32 s2, $0x0  }
0x11a: {  	s3 =	rddreg [dreg:$0x2];
	[bflag:$0x3] =	sbarrier.arrive $0xFFFF;
	s2 =	simm.s32 @!p0 $0x1C03  }
0x11b: {  	[timem:s3], [sflag:s2] =	dma.local @!p0 [hbm:s0], s1  }
0x11c: {  	s0 =	simm.s32 @!p0 $0x3  }
0x11d: {  	_ =	swait.ge @!p0 [sflag:s0], s1  }
0x11e: {  	s1 =	ssub.s32 @!p0 $0x0, s1;
	[sflag:s0] =	ssyncset.done @!p0 $0x0  }
0x11f: {  	[sflag:s0] =	ssyncadd.s32 @!p0 s1  }
0x120: {  	[bflag:$0x3] =	sbarrier.arrive $0xFFFF  }
0x121: {  	_ =	shalt  }

// kernel: kernel.21.cloned.1.call-start
scs
__scs_entry_jumppad:
0x0: {  	(pc) =	sbr.rel $0x88, $3  }
0x1: {  	(tag) =	ssettag $0x0;
	lr =	simm.s32 $0x1  }
0x2: {  	[smem:$0x3F90] =	sst lr;
	_ =	strace $0xD0000000  }
0x3: {  	_ = 	snop  }
0x4: {  	_ = 	snop  }
0x5: {  	_ = 	snop  }
0x6: {  	_ = 	snop  }
0x7: {  	_ = 	snop  }
__scs_overlays_trampoline_lowered:
0x8: {  	[smem:$0x3F9F] =	sst s0  }
0x9: {  	[smem:$0x3FA0] =	sst s1  }
0xa: {  	[smem:$0x3FA1] =	sst s2  }
0xb: {  	[smem:$0x3FA2] =	sst s3  }
0xc: {  	[smem:$0x3FA3] =	sst s4  }
0xd: {  	[smem:$0x3FA4] =	sst s5  }
0xe: {  	[smem:$0x3FA5] =	sst s6  }
0xf: {  	[smem:$0x3FA6] =	sst s7  }
0x10: {  	[smem:$0x3FA7] =	sst s8  }
0x11: {  	[smem:$0x3FA8] =	sst s9;
	s0 =	simm.s32 @!p0 $0x0  }
0x12: {  	s1 =	sld [smem:$0x3F8E];
	s0 =	simm.s32 @p0 $0x1  }
0x13: {  	[smem:$0x3FA9] =	sst s0;
	s0 =	simm.s32 @!p1 $0x0  }
0x14: {  	s2 =	sld [smem:$0x3F8D];
	s0 =	simm.s32 @p1 $0x1  }
0x15: {  	[smem:$0x3FAA] =	sst s0;
	s0 =	simm.s32 @!p2 $0x0  }
0x16: {  	s3 =	sld [smem:$0x3FDB];
	s0 =	simm.s32 @p2 $0x1  }
0x17: {  	s4 =	simm.s32 $0x1BF5;
	[smem:$0x3FAC] =	sst s0  }
0x18: {  	s0 =	sld [smem:$0x3F8F];
	_ =	swait.ge [sflag:s4], $0x0  }
0x19: {  	s7 =	sld [smem:$0x3F90]  }
0x1a: {  	s8 =	sadd.s32 $0xFFFFE003, lr  }
0x1b: {  	s9 =	sadd.s32 $0xFFFFFEF7, lr;
	s5 =	simm.s32 $0xFFFFFFFF;
	p2 =	slt.u32 s8, $0xFFFFF086  }
0x1c: {  	p1 =	slt.u32 s9, $0xF7A;
	s5 =	simm.s32 @!p2 $0x0  }
0x1d: {  	s5 =	simm.s32 @p1 $0x1;
	p0 =	seq.s32 s7, s2  }
0x1e: {  	s7 =	smul.u32 @!p0 $0xF7A, s2;
	p2 =	seq.s32 @!p0 s5, $0x0  }
0x1f: {  	s9 =	smul.u32 $0xF7A, s1;
	s8 =	simm.s32 @!p0 $0x1BF5;
	p2 =	por !p2, p0  }
0x20: {  	[sflag:s8] =	ssyncset.s32 @!p0 $0xFFFFF086;
	s6 =	sadd.s32 @!p0 s3, s7;
	s7 =	simm.s32 @!p0 $0x108  }
0x21: {  	s3 =	sadd.s32 s3, s9;
	s6 =	sadd.s32 @!p0 $0x88, s6;
	s7 =	simm.s32 @p2 $0x1082  }
0x22: {  	[simem:s7], [sflag:s8] =	dma.local @!p0 [hbm:s6], $0xF7A  }
0x23: {  	s9 =	sor.u32 $0xD0000000, s2;
	s6 =	simm.s32 $0x108;
	_ =	swait.ge @!p0 [sflag:s8], $0x0  }
0x24: {  	s3 =	sadd.s32 $0x88, s3;
	s6 =	simm.s32 @!p1 $0x1082;
	[sflag:s4] =	ssyncset.s32 $0xFFFFF086  }
0x25: {  	[simem:s6], [sflag:s4] =	dma.local [hbm:s3], $0xF7A  }
0x26: {  	[smem:$0x3F90] =	sst s1;
	(tag) =	ssettag s2;
	_ =	strace s9  }
0x27: {  	s1 =	sld [smem:$0x3FA0]  }
0x28: {  	s2 =	sld [smem:$0x3FA1]  }
0x29: {  	s4 =	sld [smem:$0x3FA3]  }
0x2a: {  	p0 =	seq.s32 s5, $0x0;
	s5 =	sld [smem:$0x3FA4]  }
0x2b: {  	s6 =	sld [smem:$0x3FA5]  }
0x2c: {  	s7 =	sld [smem:$0x3FA6]  }
0x2d: {  	s3 =	simm.s32 $0x108;
	s8 =	sld [smem:$0x3FA7]  }
0x2e: {  	s3 =	simm.s32 @!p0 $0x1082;
	s9 =	sld [smem:$0x3FA8]  }
0x2f: {  	lr =	sadd.s32 s0, s3;
	s0 =	sld [smem:$0x3F9F]  }
0x30: {  	s3 =	sld [smem:$0x3FA2]  }
0x31: {  	[smem:$0x3FAB] =	sst s10  }
0x32: {  	s10 =	sld [smem:$0x3FA9];
	_ =	sdelay $0x3  }
0x33: {  	p0 =	seq.s32 s10, $0x1;
	s10 =	sld [smem:$0x3FAB];
	_ =	sdelay $0x3  }
0x34: {  	[smem:$0x3FAB] =	sst s10  }
0x35: {  	s10 =	sld [smem:$0x3FAA];
	_ =	sdelay $0x3  }
0x36: {  	p1 =	seq.s32 s10, $0x1;
	s10 =	sld [smem:$0x3FAB];
	_ =	sdelay $0x3  }
0x37: {  	[smem:$0x3FAB] =	sst s10  }
0x38: {  	s10 =	sld [smem:$0x3FAC]  }
0x39: {  	_ = 	snop;
	(pc) =	sbr.ind lr, $3  }
0x3a: {  	_ = 	snop  }
0x3b: {  	_ = 	snop  }
0x3c: {  	p2 =	seq.s32 s10, $0x1;
	s10 =	sld [smem:$0x3FAB]  }
0x3d: {  	_ =	shalt  }
0x3e: {  	_ =	shalt  }
0x3f: {  	_ =	shalt  }
0x40: {  	_ =	shalt  }
0x41: {  	_ =	shalt  }
0x42: {  	_ =	shalt  }
0x43: {  	_ =	shalt  }
0x44: {  	_ =	shalt  }
0x45: {  	_ =	shalt  }
0x46: {  	_ =	shalt  }
0x47: {  	_ =	shalt  }
0x48: {  	_ =	shalt  }
0x49: {  	_ =	shalt  }
0x4a: {  	_ =	shalt  }
0x4b: {  	_ =	shalt  }
0x4c: {  	_ =	shalt  }
0x4d: {  	_ =	shalt  }
0x4e: {  	_ =	shalt  }
0x4f: {  	_ =	shalt  }
0x50: {  	_ =	shalt  }
0x51: {  	_ =	shalt  }
0x52: {  	_ =	shalt  }
0x53: {  	_ =	shalt  }
0x54: {  	_ =	shalt  }
0x55: {  	_ =	shalt  }
0x56: {  	_ =	shalt  }
0x57: {  	_ =	shalt  }
0x58: {  	_ =	shalt  }
0x59: {  	_ =	shalt  }
0x5a: {  	_ =	shalt  }
0x5b: {  	_ =	shalt  }
0x5c: {  	_ =	shalt  }
0x5d: {  	_ =	shalt  }
0x5e: {  	_ =	shalt  }
0x5f: {  	_ =	shalt  }
0x60: {  	_ =	shalt  }
0x61: {  	_ =	shalt  }
0x62: {  	_ =	shalt  }
0x63: {  	_ =	shalt  }
0x64: {  	_ =	shalt  }
0x65: {  	_ =	shalt  }
0x66: {  	_ =	shalt  }
0x67: {  	_ =	shalt  }
0x68: {  	_ =	shalt  }
0x69: {  	_ =	shalt  }
0x6a: {  	_ =	shalt  }
0x6b: {  	_ =	shalt  }
0x6c: {  	_ =	shalt  }
0x6d: {  	_ =	shalt  }
0x6e: {  	_ =	shalt  }
0x6f: {  	_ =	shalt  }
0x70: {  	_ =	shalt  }
0x71: {  	_ =	shalt  }
0x72: {  	_ =	shalt  }
0x73: {  	_ =	shalt  }
0x74: {  	_ =	shalt  }
0x75: {  	_ =	shalt  }
0x76: {  	_ =	shalt  }
0x77: {  	_ =	shalt  }
0x78: {  	_ =	shalt  }
0x79: {  	_ =	shalt  }
0x7a: {  	_ =	shalt  }
0x7b: {  	_ =	shalt  }
0x7c: {  	_ =	shalt  }
0x7d: {  	_ =	shalt  }
0x7e: {  	_ =	shalt  }
0x7f: {  	_ =	shalt  }
0x80: {  	_ =	shalt  }
0x81: {  	_ =	shalt  }
0x82: {  	_ =	shalt  }
0x83: {  	_ =	shalt  }
0x84: {  	_ =	shalt  }
0x85: {  	_ =	shalt  }
0x86: {  	_ =	shalt  }
0x87: {  	_ =	shalt  }
.Lfunc_end0:
.L_simem_size_0:
called_computation.4_lowered:
.L_overlay_start_0:
0x88: {  	s2 =	sld [smem:$0x3FD9]  }
0x89: {  	s3 =	sld [smem:$0x3FFE];
	_ =	sdelay $0x1  }
0x8a: {  	s1 =	srdreg.scid  }
0x8b: {  	s0 =	sand.u32 $0x1, s1  }
0x8c: {  	s16 =	sshll.u32 s0, $0xA;
	s2 =	sadd.s32 s3, s2  }
0x8d: {  	s2 =	sadd.s32 s2, s16  }
0x8e: {  	[smem:$0x3FB7] =	sst s2  }
0x8f: {  	_ = 	snop  }
0x90: {  	(tm) =	ssettm $0x1  }
0x91: {  	s17 =	sld [smem:$0x3FFB];
	_ =	sdelay $0x3  }
0x92: {  	_ =	strace s17  }
0x93: {  	s2 =	sld [smem:$0x3FFC];
	_ =	sdelay $0x3  }
0x94: {  	_ =	strace s2  }
0x95: {  	s2 =	sld [smem:$0x3FFD];
	_ =	sdelay $0x3  }
0x96: {  	_ =	strace s2  }
0x97: {  	_ =	strace $0x8FFFFFFF  }
0x98: {  	s18 =	sld [smem:$0x3FDB];
	_ =	sdelay $0x1  }
0x99: {  	s19 =	simm.s32 $_scs_section_size  }
0x9a: {  	s4 =	simm.s32 $_size__tile_overlayer_lowered;
	s5 =	simm.s32 $_tile_overlayer_lowered  }
0x9b: {  	s22 =	simm.s32 $0x1BFF;
	s21 =	sshll.u32 s5, $0x1;
	s2 =	sadd.s32 s19, s18  }
0x9c: {  	s6 =	simm.s32 $0x0;
	s20 =	sshll.u32 s4, $0x1;
	s4 =	sadd.s32 s21, s2  }
0x9d: {  	[timem:s6], [sflag:s22] =	dma.local [hbm:s4], s20  }
0x9e: {  	_ =	swait.ge [sflag:s22], s20  }
0x9f: {  	s3 =	ssub.s32 $0x0, s20;
	[sflag:s22] =	ssyncset.done $0x0  }
0xa0: {  	[sflag:s22] =	ssyncadd.s32 s3;
	_ =	sdelay $0x1  }
0xa1: {  	s23 =	simm.s32 $0x1B8B  }
0xa2: {  	_ =	swait.ge [sflag:s23], $0x1  }
0xa3: {  	[sflag:s23] =	ssyncset.done $0x0  }
0xa4: {  	s25 =	simm.s32 $0x1B8E;
	s24 =	sld [smem:$0x3FFE];
	[sflag:s23] =	ssyncadd.s32 $0xFFFFFFFF  }
0xa5: {  	s26 =	simm.s32 $execute0_lowered;
	[smem:$0x3FD2] =	sst s25  }
0xa6: {  	s4 =	sshll.u32 s26, $0x1;
	_ =	strace $0x80000052;
	[dreg:$0x1] =	wrdreg $0xFFFFFFFF  }
0xa7: {  	s28 =	simm.s32 $_size_execute0_lowered;
	s2 =	sadd.s32 s2, s4;
	[dreg:$0x0] =	wrdreg $0x0  }
0xa8: {  	s4 =	sshll.u32 s28, $0x1;
	[dreg:$0x2] =	wrdreg s2  }
0xa9: {  	[dreg:$0x3] =	wrdreg s4  }
0xaa: {  	[dreg:$0x4] =	wrdreg $0xC0  }
0xab: {  	_ =	task [dreg:s6], $0x5FFFF  }
0xac: {  	[dreg:$0x1] =	wrdreg $0xFFFFFFFF  }
0xad: {  	[dreg:$0x0] =	wrdreg $0x60  }
0xae: {  	[dreg:$0x2] =	wrdreg s24  }
0xaf: {  	[dreg:$0x3] =	wrdreg $0xB1000  }
0xb0: {  	[dreg:$0x4] =	wrdreg $0x9  }
0xb1: {  	_ =	task.clear_ibuf [dreg:s6], $0x5FFFF;
	_ =	strace $0x90000052  }
0xb2: {  	s29 =	simm.s32 $0x9;
	_ =	strace $0x80000054  }
0xb3: {  	_ =	swait.ge [sflag:s29], $0x1  }
0xb4: {  	[sflag:s29] =	ssyncadd.s32 $0xFFFFFFFF  }
0xb5: {  	_ =	strace $0x90000054  }
0xb6: {  	_ =	sfence  }
0xb7: {  	s30 =	sld [smem:$0x0];
	_ =	sdelay $0x2  }
0xb8: {  	s31 =	sshll.u32 s1, $0xD;
	s1 =	sshrl.u32 s1, $0x2  }
0xb9: {  	s3 =	sand.u32 $0x4000, s31;
	s1 =	sadd.s32 s1, s30  }
0xba: {  	s0 =	sor.u32 s3, s0;
	s1 =	sshll.u32 s1, $0x11  }
0xbb: {  	s0 =	sor.u32 s1, s0  }
0xbc: {  	s0 =	sadd.s32 $0x8F2B, s0  }
0xbd: {  	[sflag:s0] =	ssyncadd.remote.s32 $0x1  }
0xbe: {  	_ =	sfence.sel $0xFFFF  }
0xbf: {  	[dreg:$0x0] =	wrdreg $0xFFFFFFFF;
	(pc) =	sbr.abs _section_cstart, $3  }
0xc0: {  	[dreg:$0x1] =	wrdreg $0xFFFFFFFF  }
0xc1: {  	_ =	task.clear_ibuf [dreg:s6], $0x2FFFF;
	_ =	strace $0x9FFFFFFF  }
0xc2: {  	(tm) =	ssettm $0x7FFFFFFF  }
0xc3: {  	_ =	shalt  }
tec
execute0_lowered:
.L_overlay_start_1:
0x0: {  	(tag) =	ssettag $0x1  }
0x1: {  	s0 =	rddreg [dreg:$0x0]  }
0x2: {  	s1 =	rddreg [dreg:$0x1]  }
0x3: {  	s2 =	srdreg.scid;
	s3 =	simm.s32 $0x0;
	s8 =	stileid.u32  }
0x4: {  	s30 =	simm.s32 $0x3;
	s31 =	simm.s32 $0x4F00;
	s9 =	simm.s32 $0x1  }
0x5: {  	s10 =	simm.s32 $0x4F80;
	s11 =	simm.s32 $0x2;
	s6 =	smul.u32 $0x14000, s8  }
0x6: {  	s12 =	simm.s32 $0x5080;
	s2 =	sand.u32 $0x1, s2;
	s13 =	smul.u32 $0x50000, s8  }
0x7: {  	[smem:$0x7FF] =	sst s3;
	s5 =	smul.u32 $0x140000, s2;
	s4 =	sshll.u32 s2, $0x4  }
0x8: {  	_ =	strace $0x80000053;
	s2 =	ssub.s32 $0x2, s2;
	s7 =	sor.u32 s8, s4  }
0x9: {  	s4 =	sadd.s32 $0x2C800, s0;
	s14 =	sshrl.u32 s2, $0x1;
	s7 =	smul.u32 $0x4E2, s7  }
0xa: {  	s16 =	sshrl.u32 s13, $0x2;
	s8 =	simm.s32 $0x7900;
	s2 =	ssub.s32 s2, s14  }
0xb: {  	s5 =	sadd.s32 s6, s5;
	s18 =	smax.u32 s2, $0x1;
	s7 =	sadd.s32 s7, s0  }
0xc: {  	s5 =	sshrl.u32 s5, $0x3;
	[dreg:$0x6] =	wrdreg s18;
	s15 =	sadd.s32 $0x22A00, s7  }
0xd: {  	s0 =	sadd.s32 s5, s0;
	s17 =	sadd.s32 $0x53A00, s7;
	[dreg:$0x3] =	wrdreg s15  }
0xe: {  	s7 =	sadd.s32 s16, s1;
	s0 =	sadd.s32 $0x5D800, s0;
	[dreg:$0x4] =	wrdreg s17  }
0xf: {  	s13 =	simm.s32 $0x0;
	[dreg:$0x5] =	wrdreg s0;
	s19 =	sadd.s32 $0x1000, s7  }
0x10: {  	s6 =	simm.s32 $0x5000;
	s20 =	sadd.s32 $0x2000, s7;
	[dreg:$0x7] =	wrdreg s19  }
0x11: {  	s2 =	simm.s32 $0x5100;
	s21 =	sadd.s32 $0x3000, s7;
	[dreg:$0x8] =	wrdreg s20  }
0x12: {  	s5 =	simm.s32 $0xA100;
	s22 =	sadd.s32 $0x4000, s7;
	[dreg:$0x9] =	wrdreg s21  }
0x13: {  	s23 =	sadd.s32 $0x5000, s7;
	s24 =	sadd.s32 $0x6000, s7;
	[dreg:$0xa] =	wrdreg s22  }
0x14: {  	s25 =	sadd.s32 $0x7000, s7;
	s26 =	sadd.s32 $0x8000, s7;
	[dreg:$0xb] =	wrdreg s23  }
0x15: {  	s18 =	sadd.s32 $0x9000, s7;
	s28 =	sadd.s32 $0x12000, s7;
	[dreg:$0xc] =	wrdreg s24  }
0x16: {  	s29 =	sadd.s32 $0x13000, s7;
	s0 =	simm.s32 $0x50;
	[dreg:$0xd] =	wrdreg s25  }
0x17: {  	[dreg:$0xe] =	wrdreg s26;
	s19 =	sadd.s32 $0xA000, s7;
	s20 =	sadd.s32 $0xB000, s7  }
0x18: {  	s21 =	sadd.s32 $0xC000, s7;
	s22 =	sadd.s32 $0xD000, s7;
	s23 =	sadd.s32 $0xE000, s7  }
0x19: {  	v0 =	vimm.f32 $0.0e+00;
	s24 =	sadd.s32 $0xF000, s7;
	s25 =	sadd.s32 $0x10000, s7;
	s26 =	sadd.s32 $0x11000, s7  }
.LBB2_1:
0x1a: {  	s14 =	rddreg [dreg:$0x3]  }
0x1b: {  	[tilespmem:s3], [sflag:$0x3] =	stream.linear.gather [hbm4b:s14+s3], $0x2710, $0x38;
	[tilespmem:$0x1F100] =	vst v63  }
0x1c: {  	_ =	swait.ge [sflag:s30], $0x2710  }
0x1d: {  	s15 =	simm.s32 $0x2780;
	[sflag:s30] =	ssyncset.done $0x0  }
0x1e: {  	s16 =	sand.u32 $0x3E00, s3;
	s17 =	rddreg [dreg:$0x4];
	[sflag:s30] =	ssyncadd.s32 $0xFFFFD8F0  }
0x1f: {  	[tilespmem:s15], [sflag:$0x3] =	stream.linear.gather [hbm4b:s17+s3], $0x2710, $0x38;
	[tilespmem:$0x1F100] =	vst v63  }
0x20: {  	s16 =	sshrl.u32 s16, $0x2;
	_ =	swait.ge [sflag:s30], $0x2710  }
0x21: {  	s14 =	simm.s32 $0x40;
	s17 =	sand.u32 $0x70, s3;
	[sflag:s30] =	ssyncset.done $0x0  }
0x22: {  	s15 =	simm.s32 $0x0;
	s16 =	sor.u32 s17, s16;
	[sflag:s30] =	ssyncadd.s32 $0xFFFFD8F0  }
.LBB2_2:
0x23: {  	p0 =	sne.s32 s14, $0x3FC0  }
0x24: {  	[tilespmem:s16+$0xA100] =	vst v0;
	s15 =	sadd.s32 $0x10, s15;
	s16 =	smov.u32 s14;
	s14 =	sadd.s32 $0x40, s14  }
.Ltmp0:
0x25: {  	(pc) =	sbr.rel @p0 .LBB2_2-.Ltmp0, $4  }
0x26: {  	_ = 	snop  }
0x27: {  	s16 =	sand.u32 $0x3E00, s16  }
0x28: {  	s17 =	sand.u32 $0x70, s15;
	s16 =	sshrl.u32 s16, $0x2  }
0x29: {  	s16 =	sor.u32 s17, s16  }
0x2a: {  	[tilespmem:s16+$0xA100] =	vst v0  }
0x2b: {  	v1 =	vld [tilespmem:$0x0]  }
0x2c: {  	v2 =	vld [tilespmem:$0x2780]  }
0x2d: {  	v3 =	vld [tilespmem:$0x10]  }
0x2e: {  	v4 =	vld [tilespmem:$0x2790]  }
0x2f: {  	v5 =	vld [tilespmem:$0x20]  }
0x30: {  	v62 =	vld [tilespmem:$0x40];
	[tilespmem:$0x4F00] =	vst v1  }
0x31: {  	v63 =	vld [tilespmem:$0x27C0];
	[tilespmem:$0x4F80] =	vst v2  }
0x32: {  	v1 =	vld [tilespmem:$0x27A0];
	[tilespmem:$0x4F10] =	vst v3  }
0x33: {  	v2 =	vld [tilespmem:$0x30];
	[tilespmem:$0x4F90] =	vst v4  }
0x34: {  	v3 =	vld [tilespmem:$0x27B0];
	[tilespmem:$0x4F20] =	vst v5  }
0x35: {  	[tilespmem:$0x4F40] =	vst v62  }
0x36: {  	[tilespmem:$0x4FC0] =	vst v63  }
0x37: {  	[tilespmem:$0x4FA0] =	vst v1  }
0x38: {  	[tilespmem:$0x4F30] =	vst v2  }
0x39: {  	[tilespmem:$0x4FB0] =	vst v3  }
0x3a: {  	[tilespmem:s2], [sflag:$0x1] =	stream.indirect.gather [hbm4b:s4+s0], $0x80, s31, s0, $0xb8;
	[tilespmem:$0x1F100] =	vst v63  }
0x3b: {  	_ = 	snop  }
0x3c: {  	[spmem:s7] =	stream.linear.scatter [tilespmem:s5], [sflag:$0x3], $0x1000, $0x38;
	[tilespmem:$0x1F100] =	vst v63  }
0x3d: {  	_ =	swait.ge [sflag:s30], $0x1000  }
0x3e: {  	[sflag:s30] =	ssyncset.done $0x0  }
0x3f: {  	s14 =	rddreg [dreg:$0x7];
	[sflag:s30] =	ssyncadd.s32 $0xFFFFF000  }
0x40: {  	[spmem:s14] =	stream.linear.scatter [tilespmem:s5], [sflag:$0x3], $0x1000, $0x38;
	[tilespmem:$0x1F100] =	vst v63  }
0x41: {  	_ =	swait.ge [sflag:s30], $0x1000  }
0x42: {  	[sflag:s30] =	ssyncset.done $0x0  }
0x43: {  	s16 =	rddreg [dreg:$0x8];
	[sflag:s30] =	ssyncadd.s32 $0xFFFFF000  }
0x44: {  	[spmem:s16] =	stream.linear.scatter [tilespmem:s5], [sflag:$0x3], $0x1000, $0x38;
	[tilespmem:$0x1F100] =	vst v63  }
0x45: {  	_ =	swait.ge [sflag:s30], $0x1000  }
0x46: {  	[sflag:s30] =	ssyncset.done $0x0  }
0x47: {  	s17 =	rddreg [dreg:$0x9];
	[sflag:s30] =	ssyncadd.s32 $0xFFFFF000  }
0x48: {  	[spmem:s17] =	stream.linear.scatter [tilespmem:s5], [sflag:$0x3], $0x1000, $0x38;
	[tilespmem:$0x1F100] =	vst v63  }
0x49: {  	_ =	swait.ge [sflag:s30], $0x1000  }
0x4a: {  	[sflag:s30] =	ssyncset.done $0x0  }
0x4b: {  	s15 =	rddreg [dreg:$0xa];
	[sflag:s30] =	ssyncadd.s32 $0xFFFFF000  }
0x4c: {  	[spmem:s15] =	stream.linear.scatter [tilespmem:s5], [sflag:$0x3], $0x1000, $0x38;
	[tilespmem:$0x1F100] =	vst v63  }
0x4d: {  	_ =	swait.ge [sflag:s30], $0x1000  }
0x4e: {  	[sflag:s30] =	ssyncset.done $0x0  }
0x4f: {  	s16 =	rddreg [dreg:$0xb];
	[sflag:s30] =	ssyncadd.s32 $0xFFFFF000  }
0x50: {  	[spmem:s16] =	stream.linear.scatter [tilespmem:s5], [sflag:$0x3], $0x1000, $0x38;
	[tilespmem:$0x1F100] =	vst v63  }
0x51: {  	_ =	swait.ge [sflag:s30], $0x1000  }
0x52: {  	[sflag:s30] =	ssyncset.done $0x0  }
0x53: {  	s17 =	rddreg [dreg:$0xc];
	[sflag:s30] =	ssyncadd.s32 $0xFFFFF000  }
0x54: {  	[spmem:s17] =	stream.linear.scatter [tilespmem:s5], [sflag:$0x3], $0x1000, $0x38;
	[tilespmem:$0x1F100] =	vst v63  }
0x55: {  	_ =	swait.ge [sflag:s30], $0x1000  }
0x56: {  	[sflag:s30] =	ssyncset.done $0x0  }
0x57: {  	s15 =	rddreg [dreg:$0xd];
	[sflag:s30] =	ssyncadd.s32 $0xFFFFF000  }
0x58: {  	[spmem:s15] =	stream.linear.scatter [tilespmem:s5], [sflag:$0x3], $0x1000, $0x38;
	[tilespmem:$0x1F100] =	vst v63  }
0x59: {  	_ =	swait.ge [sflag:s30], $0x1000  }
0x5a: {  	[sflag:s30] =	ssyncset.done $0x0  }
0x5b: {  	s16 =	rddreg [dreg:$0xe];
	[sflag:s30] =	ssyncadd.s32 $0xFFFFF000  }
0x5c: {  	[spmem:s16] =	stream.linear.scatter [tilespmem:s5], [sflag:$0x3], $0x1000, $0x38;
	[tilespmem:$0x1F100] =	vst v63  }
0x5d: {  	_ =	swait.ge [sflag:s30], $0x1000  }
0x5e: {  	[sflag:s30] =	ssyncset.done $0x0  }
0x5f: {  	[sflag:s30] =	ssyncadd.s32 $0xFFFFF000  }
0x60: {  	[spmem:s18] =	stream.linear.scatter [tilespmem:s5], [sflag:$0x3], $0x1000, $0x38;
	[tilespmem:$0x1F100] =	vst v63  }
0x61: {  	_ =	swait.ge [sflag:s30], $0x1000  }
0x62: {  	[sflag:s30] =	ssyncset.done $0x0  }
0x63: {  	[sflag:s30] =	ssyncadd.s32 $0xFFFFF000  }
0x64: {  	[spmem:s19] =	stream.linear.scatter [tilespmem:s5], [sflag:$0x3], $0x1000, $0x38;
	[tilespmem:$0x1F100] =	vst v63  }
0x65: {  	_ =	swait.ge [sflag:s30], $0x1000  }
0x66: {  	[sflag:s30] =	ssyncset.done $0x0  }
0x67: {  	[sflag:s30] =	ssyncadd.s32 $0xFFFFF000  }
0x68: {  	[spmem:s20] =	stream.linear.scatter [tilespmem:s5], [sflag:$0x3], $0x1000, $0x38;
	[tilespmem:$0x1F100] =	vst v63  }
0x69: {  	_ =	swait.ge [sflag:s30], $0x1000  }
0x6a: {  	[sflag:s30] =	ssyncset.done $0x0  }
0x6b: {  	[sflag:s30] =	ssyncadd.s32 $0xFFFFF000  }
0x6c: {  	[spmem:s21] =	stream.linear.scatter [tilespmem:s5], [sflag:$0x3], $0x1000, $0x38;
	[tilespmem:$0x1F100] =	vst v63  }
0x6d: {  	_ =	swait.ge [sflag:s30], $0x1000  }
0x6e: {  	[sflag:s30] =	ssyncset.done $0x0  }
0x6f: {  	[sflag:s30] =	ssyncadd.s32 $0xFFFFF000  }
0x70: {  	[spmem:s22] =	stream.linear.scatter [tilespmem:s5], [sflag:$0x3], $0x1000, $0x38;
	[tilespmem:$0x1F100] =	vst v63  }
0x71: {  	_ =	swait.ge [sflag:s30], $0x1000  }
0x72: {  	[sflag:s30] =	ssyncset.done $0x0  }
0x73: {  	[sflag:s30] =	ssyncadd.s32 $0xFFFFF000  }
0x74: {  	[spmem:s23] =	stream.linear.scatter [tilespmem:s5], [sflag:$0x3], $0x1000, $0x38;
	[tilespmem:$0x1F100] =	vst v63  }
0x75: {  	_ =	swait.ge [sflag:s30], $0x1000  }
0x76: {  	[sflag:s30] =	ssyncset.done $0x0  }
0x77: {  	[sflag:s30] =	ssyncadd.s32 $0xFFFFF000  }
0x78: {  	[spmem:s24] =	stream.linear.scatter [tilespmem:s5], [sflag:$0x3], $0x1000, $0x38;
	[tilespmem:$0x1F100] =	vst v63  }
0x79: {  	_ =	swait.ge [sflag:s30], $0x1000  }
0x7a: {  	[sflag:s30] =	ssyncset.done $0x0  }
0x7b: {  	[sflag:s30] =	ssyncadd.s32 $0xFFFFF000  }
0x7c: {  	[spmem:s25] =	stream.linear.scatter [tilespmem:s5], [sflag:$0x3], $0x1000, $0x38;
	[tilespmem:$0x1F100] =	vst v63  }
0x7d: {  	_ =	swait.ge [sflag:s30], $0x1000  }
0x7e: {  	[sflag:s30] =	ssyncset.done $0x0  }
0x7f: {  	[sflag:s30] =	ssyncadd.s32 $0xFFFFF000  }
0x80: {  	[spmem:s26] =	stream.linear.scatter [tilespmem:s5], [sflag:$0x3], $0x1000, $0x38;
	[tilespmem:$0x1F100] =	vst v63  }
0x81: {  	_ =	swait.ge [sflag:s30], $0x1000  }
0x82: {  	[sflag:s30] =	ssyncset.done $0x0  }
0x83: {  	[sflag:s30] =	ssyncadd.s32 $0xFFFFF000  }
0x84: {  	[spmem:s28] =	stream.linear.scatter [tilespmem:s5], [sflag:$0x3], $0x1000, $0x38;
	[tilespmem:$0x1F100] =	vst v63  }
0x85: {  	_ =	swait.ge [sflag:s30], $0x1000  }
0x86: {  	[sflag:s30] =	ssyncset.done $0x0  }
0x87: {  	[sflag:s30] =	ssyncadd.s32 $0xFFFFF000  }
0x88: {  	[spmem:s29] =	stream.linear.scatter [tilespmem:s5], [sflag:$0x3], $0x1000, $0x38;
	[tilespmem:$0x1F100] =	vst v63  }
0x89: {  	_ =	swait.ge [sflag:s30], $0x1000  }
0x8a: {  	[sflag:s30] =	ssyncset.done $0x0  }
0x8b: {  	[sflag:s30] =	ssyncadd.s32 $0xFFFFF000  }
0x8c: {  	s14 =	simm.s32 $0x70;
	[bflag:$0x0] =	sbarrier.arrive $0xFFFF  }
0x8d: {  	v1 =	vld [tilespmem:s14+$0xFFFFFFE0];
	_ =	sdelay $0x4  }
0x8e: {  	s15 =	simm.s32 $0x27F0;
	[tilespmem:$0x5000] =	vst v1  }
0x8f: {  	v1 =	vld [tilespmem:s15+$0xFFFFFFE0];
	_ =	sdelay $0x4  }
0x90: {  	[tilespmem:$0x5080] =	vst v1  }
0x91: {  	v1 =	vld [tilespmem:s14+$0xFFFFFFF0];
	_ =	sdelay $0x4  }
0x92: {  	[tilespmem:$0x5010] =	vst v1  }
0x93: {  	v1 =	vld [tilespmem:s15+$0xFFFFFFF0];
	_ =	sdelay $0x4  }
0x94: {  	[tilespmem:$0x5090] =	vst v1  }
0x95: {  	v1 =	vld [tilespmem:s14+$0x0];
	_ =	sdelay $0x4  }
0x96: {  	[tilespmem:$0x5020] =	vst v1  }
0x97: {  	v1 =	vld [tilespmem:s15+$0x0];
	_ =	sdelay $0x3  }
0x98: {  	s17 =	simm.s32 $0x0  }
0x99: {  	s16 =	sand.u32 $0x3FE0, s17;
	[tilespmem:$0x50A0] =	vst v1  }
0x9a: {  	v1 =	vld [tilespmem:s16+$0x80];
	_ =	sdelay $0x4  }
0x9b: {  	[tilespmem:$0x5030] =	vst v1  }
0x9c: {  	v1 =	vld [tilespmem:s16+$0x2800];
	_ =	sdelay $0x4  }
0x9d: {  	[tilespmem:$0x50B0] =	vst v1  }
0x9e: {  	v1 =	vld [tilespmem:s14+$0x20];
	_ =	sdelay $0x4  }
0x9f: {  	[tilespmem:$0x5040] =	vst v1  }
0xa0: {  	v1 =	vld [tilespmem:s15+$0x20];
	_ =	sdelay $0x4  }
0xa1: {  	[tilespmem:$0x50C0] =	vst v1  }
0xa2: {  	[tilespmem:s8], [sflag:$0x2] =	stream.indirect.gather [hbm4b:s4+s0], $0x80, s6, s0, $0xb8;
	[tilespmem:$0x1F100] =	vst v63  }
0xa3: {  	_ =	swait.ge [sflag:s9], $0x2800  }
0xa4: {  	[sflag:s9] =	ssyncset.done $0x0  }
0xa5: {  	[sflag:s9] =	ssyncadd.s32 $0xFFFFD800  }
0xa6: {  	[spmem:s1] =	stream.indirect.scatter.add.f32 [tilespmem:s2], [sflag:$0x3], $0x80, s10, s0, $0xb8;
	[tilespmem:$0x1F100] =	vst v63  }
0xa7: {  	_ =	swait.ge [sflag:s30], $0x2800  }
0xa8: {  	[sflag:s30] =	ssyncset.done $0x0  }
0xa9: {  	[sflag:s30] =	ssyncadd.s32 $0xFFFFD800  }
0xaa: {  	v1 =	vld [tilespmem:s14+$0x30];
	_ =	sdelay $0x4  }
0xab: {  	[tilespmem:$0x4F00] =	vst v1  }
0xac: {  	v1 =	vld [tilespmem:s15+$0x30];
	_ =	sdelay $0x4  }
0xad: {  	[tilespmem:$0x4F80] =	vst v1  }
0xae: {  	v1 =	vld [tilespmem:s14+$0x40];
	_ =	sdelay $0x4  }
0xaf: {  	[tilespmem:$0x4F10] =	vst v1  }
0xb0: {  	v1 =	vld [tilespmem:s15+$0x40];
	_ =	sdelay $0x4  }
0xb1: {  	[tilespmem:$0x4F90] =	vst v1  }
0xb2: {  	v1 =	vld [tilespmem:s14+$0x50];
	_ =	sdelay $0x4  }
0xb3: {  	[tilespmem:$0x4F20] =	vst v1  }
0xb4: {  	v1 =	vld [tilespmem:s15+$0x50];
	_ =	sdelay $0x4  }
0xb5: {  	[tilespmem:$0x4FA0] =	vst v1  }
0xb6: {  	v1 =	vld [tilespmem:s14+$0x60];
	_ =	sdelay $0x4  }
0xb7: {  	[tilespmem:$0x4F30] =	vst v1  }
0xb8: {  	v1 =	vld [tilespmem:s15+$0x60];
	_ =	sdelay $0x4  }
0xb9: {  	[tilespmem:$0x4FB0] =	vst v1  }
0xba: {  	v1 =	vld [tilespmem:s14+$0x70];
	_ =	sdelay $0x4  }
0xbb: {  	[tilespmem:$0x4F40] =	vst v1  }
0xbc: {  	v1 =	vld [tilespmem:s15+$0x70];
	_ =	sdelay $0x4  }
0xbd: {  	[tilespmem:$0x4FC0] =	vst v1  }
0xbe: {  	[tilespmem:s2], [sflag:$0x1] =	stream.indirect.gather [hbm4b:s4+s0], $0x80, s31, s0, $0xb8;
	[tilespmem:$0x1F100] =	vst v63  }
0xbf: {  	_ =	swait.ge [sflag:s11], $0x2800  }
0xc0: {  	[sflag:s11] =	ssyncset.done $0x0  }
0xc1: {  	[sflag:s11] =	ssyncadd.s32 $0xFFFFD800  }
0xc2: {  	[spmem:s1] =	stream.indirect.scatter.add.f32 [tilespmem:s8], [sflag:$0x3], $0x80, s12, s0, $0xb8;
	[tilespmem:$0x1F100] =	vst v63  }
0xc3: {  	_ =	swait.ge [sflag:s30], $0x2800  }
0xc4: {  	s16 =	simm.s32 $0xA0;
	[sflag:s30] =	ssyncset.done $0x0  }
.LBB2_4:
0xc5: {  	[sflag:s30] =	ssyncadd.s32 $0xFFFFD800;
	s15 =	sadd.s32 $0xA0, s15;
	s14 =	sadd.s32 $0xA0, s14  }
0xc6: {  	p0 =	sne.s32 s16, $0x2620;
	s17 =	smov.u32 s16;
	s16 =	sadd.s32 $0xA0, s16;
	v1 =	vld [tilespmem:s14+$0xFFFFFFE0]  }
0xc7: {  	_ =	sdelay $0x3  }
0xc8: {  	[tilespmem:$0x5000] =	vst v1  }
0xc9: {  	v1 =	vld [tilespmem:s15+$0xFFFFFFE0];
	_ =	sdelay $0x4  }
0xca: {  	[tilespmem:$0x5080] =	vst v1  }
0xcb: {  	v1 =	vld [tilespmem:s14+$0xFFFFFFF0];
	_ =	sdelay $0x4  }
0xcc: {  	[tilespmem:$0x5010] =	vst v1  }
0xcd: {  	v1 =	vld [tilespmem:s15+$0xFFFFFFF0];
	_ =	sdelay $0x4  }
0xce: {  	[tilespmem:$0x5090] =	vst v1  }
0xcf: {  	v1 =	vld [tilespmem:s14+$0x0];
	_ =	sdelay $0x4  }
0xd0: {  	[tilespmem:$0x5020] =	vst v1  }
0xd1: {  	v1 =	vld [tilespmem:s15+$0x0];
	_ =	sdelay $0x4  }
0xd2: {  	s17 =	sand.u32 $0x3FE0, s17;
	[tilespmem:$0x50A0] =	vst v1  }
0xd3: {  	v1 =	vld [tilespmem:s17+$0x80];
	_ =	sdelay $0x4  }
0xd4: {  	[tilespmem:$0x5030] =	vst v1  }
0xd5: {  	v1 =	vld [tilespmem:s17+$0x2800];
	_ =	sdelay $0x4  }
0xd6: {  	[tilespmem:$0x50B0] =	vst v1  }
0xd7: {  	v1 =	vld [tilespmem:s14+$0x20];
	_ =	sdelay $0x4  }
0xd8: {  	[tilespmem:$0x5040] =	vst v1  }
0xd9: {  	v1 =	vld [tilespmem:s15+$0x20];
	_ =	sdelay $0x4  }
0xda: {  	[tilespmem:$0x50C0] =	vst v1  }
0xdb: {  	[tilespmem:s8], [sflag:$0x2] =	stream.indirect.gather [hbm4b:s4+s0], $0x80, s6, s0, $0xb8;
	[tilespmem:$0x1F100] =	vst v63  }
0xdc: {  	_ =	swait.ge [sflag:s9], $0x2800  }
0xdd: {  	[sflag:s9] =	ssyncset.done $0x0  }
0xde: {  	[sflag:s9] =	ssyncadd.s32 $0xFFFFD800  }
0xdf: {  	[spmem:s1] =	stream.indirect.scatter.add.f32 [tilespmem:s2], [sflag:$0x3], $0x80, s10, s0, $0xb8;
	[tilespmem:$0x1F100] =	vst v63  }
0xe0: {  	_ =	swait.ge [sflag:s30], $0x2800  }
0xe1: {  	[sflag:s30] =	ssyncset.done $0x0  }
0xe2: {  	[sflag:s30] =	ssyncadd.s32 $0xFFFFD800  }
0xe3: {  	v1 =	vld [tilespmem:s14+$0x30];
	_ =	sdelay $0x4  }
0xe4: {  	[tilespmem:$0x4F00] =	vst v1  }
0xe5: {  	v1 =	vld [tilespmem:s15+$0x30];
	_ =	sdelay $0x4  }
0xe6: {  	[tilespmem:$0x4F80] =	vst v1  }
0xe7: {  	v1 =	vld [tilespmem:s14+$0x40];
	_ =	sdelay $0x4  }
0xe8: {  	[tilespmem:$0x4F10] =	vst v1  }
0xe9: {  	v1 =	vld [tilespmem:s15+$0x40];
	_ =	sdelay $0x4  }
0xea: {  	[tilespmem:$0x4F90] =	vst v1  }
0xeb: {  	v1 =	vld [tilespmem:s14+$0x50];
	_ =	sdelay $0x4  }
0xec: {  	[tilespmem:$0x4F20] =	vst v1  }
0xed: {  	v1 =	vld [tilespmem:s15+$0x50];
	_ =	sdelay $0x4  }
0xee: {  	[tilespmem:$0x4FA0] =	vst v1  }
0xef: {  	v1 =	vld [tilespmem:s14+$0x60];
	_ =	sdelay $0x4  }
0xf0: {  	[tilespmem:$0x4F30] =	vst v1  }
0xf1: {  	v1 =	vld [tilespmem:s15+$0x60];
	_ =	sdelay $0x4  }
0xf2: {  	[tilespmem:$0x4FB0] =	vst v1  }
0xf3: {  	v1 =	vld [tilespmem:s14+$0x70];
	_ =	sdelay $0x4  }
0xf4: {  	[tilespmem:$0x4F40] =	vst v1  }
0xf5: {  	v1 =	vld [tilespmem:s15+$0x70];
	_ =	sdelay $0x4  }
0xf6: {  	[tilespmem:$0x4FC0] =	vst v1  }
0xf7: {  	[tilespmem:s2], [sflag:$0x1] =	stream.indirect.gather [hbm4b:s4+s0], $0x80, s31, s0, $0xb8;
	[tilespmem:$0x1F100] =	vst v63  }
0xf8: {  	_ =	swait.ge [sflag:s11], $0x2800  }
.Ltmp1:
0xf9: {  	[sflag:s11] =	ssyncset.done $0x0;
	(pc) =	sbr.rel @p0 .LBB2_4-.Ltmp1, $4  }
0xfa: {  	[sflag:s11] =	ssyncadd.s32 $0xFFFFD800  }
0xfb: {  	[spmem:s1] =	stream.indirect.scatter.add.f32 [tilespmem:s8], [sflag:$0x3], $0x80, s12, s0, $0xb8;
	[tilespmem:$0x1F100] =	vst v63  }
0xfc: {  	_ =	swait.ge [sflag:s30], $0x2800  }
0xfd: {  	[sflag:s30] =	ssyncset.done $0x0  }
0xfe: {  	[sflag:s30] =	ssyncadd.s32 $0xFFFFD800  }
0xff: {  	_ =	swait.ge [sflag:s9], $0x2800  }
0x100: {  	[sflag:s9] =	ssyncset.done $0x0  }
0x101: {  	[sflag:s9] =	ssyncadd.s32 $0xFFFFD800  }
0x102: {  	[spmem:s1] =	stream.indirect.scatter.add.f32 [tilespmem:s2], [sflag:$0x3], $0x80, s10, s0, $0xb8;
	[tilespmem:$0x1F100] =	vst v63  }
0x103: {  	_ =	swait.ge [sflag:s30], $0x2800  }
0x104: {  	[sflag:s30] =	ssyncset.done $0x0  }
0x105: {  	s14 =	stileid.u32;
	[sflag:s30] =	ssyncadd.s32 $0xFFFFD800  }
0x106: {  	s14 =	sshll.u32 s14, $0x6;
	[bflag:$0x0] =	sbarrier.arrive $0xFFFF  }
0x107: {  	s15 =	sshrl.u32 s7, $0x3;
	s14 =	sor.u32 $0x1C03, s14;
	s16 =	rddreg [dreg:$0x5]  }
0x108: {  	[hbm:s16], [sflag:s14] =	dma.local [spmem:s15], $0x2800  }
0x109: {  	_ =	swait.ge [sflag:s30], $0x2800  }
0x10a: {  	s13 =	sadd.s32 $0x1, s13;
	s17 =	rddreg [dreg:$0x6]  }
0x10b: {  	p0 =	sne.s32 s13, s17  }
.Ltmp2:
0x10c: {  	_ = 	snop;
	(pc) =	sbr.rel @p0 .LBB2_1-.Ltmp2, $3  }
0x10d: {  	_ =	sdelay $0x1  }
0x10e: {  	[sflag:s30] =	ssyncset.done $0x0  }
0x10f: {  	[sflag:s30] =	ssyncadd.s32 $0xFFFFD800  }
0x110: {  	_ =	sfence.sel $0x180000  }
0x111: {  	[bflag:$0x0] =	sbarrier.arrive $0xFFFF  }
0x112: {  	_ =	strace $0x90000053  }
0x113: {  	s0 =	stileid.u32;
	[bflag:$0x2] =	sbarrier.arrive $0xFFFF  }
0x114: {  	p0 =	sne.s32 s0, $0x0;
	s0 =	rddreg [dreg:$0x2]  }
0x115: {  	s0 =	sadd.s32 @!p0 $0x100000, s0  }
0x116: {  	[sflag:s0] =	ssyncadd.tile.s32 @!p0 $0x1;
	_ =	shalt  }
.Lfunc_end2:
_tile_overlayer_lowered:
.L_overlay_start_2:
0x117: {  	(tag) =	ssettag $0x2  }
0x118: {  	s0 =	rddreg [dreg:$0x0];
	s2 =	stileid.u32  }
0x119: {  	s1 =	rddreg [dreg:$0x1];
	p0 =	sne.s32 s2, $0x0  }
0x11a: {  	s3 =	rddreg [dreg:$0x2];
	[bflag:$0x3] =	sbarrier.arrive $0xFFFF;
	s2 =	simm.s32 @!p0 $0x1C03  }
0x11b: {  	[timem:s3], [sflag:s2] =	dma.local @!p0 [hbm:s0], s1  }
0x11c: {  	s0 =	simm.s32 @!p0 $0x3  }
0x11d: {  	_ =	swait.ge @!p0 [sflag:s0], s1  }
0x11e: {  	s1 =	ssub.s32 @!p0 $0x0, s1;
	[sflag:s0] =	ssyncset.done @!p0 $0x0  }
0x11f: {  	[sflag:s0] =	ssyncadd.s32 @!p0 s1  }
0x120: {  	[bflag:$0x3] =	sbarrier.arrive $0xFFFF  }
0x121: {  	_ =	shalt  }

// kernel: kernel.24.cloned.1.call-start
scs
__scs_entry_jumppad:
0x0: {  	(pc) =	sbr.rel $0x88, $3  }
0x1: {  	(tag) =	ssettag $0x0;
	lr =	simm.s32 $0x1  }
0x2: {  	[smem:$0x3F90] =	sst lr;
	_ =	strace $0xD0000000  }
0x3: {  	_ = 	snop  }
0x4: {  	_ = 	snop  }
0x5: {  	_ = 	snop  }
0x6: {  	_ = 	snop  }
0x7: {  	_ = 	snop  }
__scs_overlays_trampoline_lowered:
0x8: {  	[smem:$0x3F9F] =	sst s0  }
0x9: {  	[smem:$0x3FA0] =	sst s1  }
0xa: {  	[smem:$0x3FA1] =	sst s2  }
0xb: {  	[smem:$0x3FA2] =	sst s3  }
0xc: {  	[smem:$0x3FA3] =	sst s4  }
0xd: {  	[smem:$0x3FA4] =	sst s5  }
0xe: {  	[smem:$0x3FA5] =	sst s6  }
0xf: {  	[smem:$0x3FA6] =	sst s7  }
0x10: {  	[smem:$0x3FA7] =	sst s8  }
0x11: {  	[smem:$0x3FA8] =	sst s9;
	s0 =	simm.s32 @!p0 $0x0  }
0x12: {  	s1 =	sld [smem:$0x3F8E];
	s0 =	simm.s32 @p0 $0x1  }
0x13: {  	[smem:$0x3FA9] =	sst s0;
	s0 =	simm.s32 @!p1 $0x0  }
0x14: {  	s2 =	sld [smem:$0x3F8D];
	s0 =	simm.s32 @p1 $0x1  }
0x15: {  	[smem:$0x3FAA] =	sst s0;
	s0 =	simm.s32 @!p2 $0x0  }
0x16: {  	s3 =	sld [smem:$0x3FDB];
	s0 =	simm.s32 @p2 $0x1  }
0x17: {  	s4 =	simm.s32 $0x1BF5;
	[smem:$0x3FAC] =	sst s0  }
0x18: {  	s0 =	sld [smem:$0x3F8F];
	_ =	swait.ge [sflag:s4], $0x0  }
0x19: {  	s7 =	sld [smem:$0x3F90]  }
0x1a: {  	s8 =	sadd.s32 $0xFFFFE003, lr  }
0x1b: {  	s9 =	sadd.s32 $0xFFFFFEF7, lr;
	s5 =	simm.s32 $0xFFFFFFFF;
	p2 =	slt.u32 s8, $0xFFFFF086  }
0x1c: {  	p1 =	slt.u32 s9, $0xF7A;
	s5 =	simm.s32 @!p2 $0x0  }
0x1d: {  	s5 =	simm.s32 @p1 $0x1;
	p0 =	seq.s32 s7, s2  }
0x1e: {  	s7 =	smul.u32 @!p0 $0xF7A, s2;
	p2 =	seq.s32 @!p0 s5, $0x0  }
0x1f: {  	s9 =	smul.u32 $0xF7A, s1;
	s8 =	simm.s32 @!p0 $0x1BF5;
	p2 =	por !p2, p0  }
0x20: {  	[sflag:s8] =	ssyncset.s32 @!p0 $0xFFFFF086;
	s6 =	sadd.s32 @!p0 s3, s7;
	s7 =	simm.s32 @!p0 $0x108  }
0x21: {  	s3 =	sadd.s32 s3, s9;
	s6 =	sadd.s32 @!p0 $0x88, s6;
	s7 =	simm.s32 @p2 $0x1082  }
0x22: {  	[simem:s7], [sflag:s8] =	dma.local @!p0 [hbm:s6], $0xF7A  }
0x23: {  	s9 =	sor.u32 $0xD0000000, s2;
	s6 =	simm.s32 $0x108;
	_ =	swait.ge @!p0 [sflag:s8], $0x0  }
0x24: {  	s3 =	sadd.s32 $0x88, s3;
	s6 =	simm.s32 @!p1 $0x1082;
	[sflag:s4] =	ssyncset.s32 $0xFFFFF086  }
0x25: {  	[simem:s6], [sflag:s4] =	dma.local [hbm:s3], $0xF7A  }
0x26: {  	[smem:$0x3F90] =	sst s1;
	(tag) =	ssettag s2;
	_ =	strace s9  }
0x27: {  	s1 =	sld [smem:$0x3FA0]  }
0x28: {  	s2 =	sld [smem:$0x3FA1]  }
0x29: {  	s4 =	sld [smem:$0x3FA3]  }
0x2a: {  	p0 =	seq.s32 s5, $0x0;
	s5 =	sld [smem:$0x3FA4]  }
0x2b: {  	s6 =	sld [smem:$0x3FA5]  }
0x2c: {  	s7 =	sld [smem:$0x3FA6]  }
0x2d: {  	s3 =	simm.s32 $0x108;
	s8 =	sld [smem:$0x3FA7]  }
0x2e: {  	s3 =	simm.s32 @!p0 $0x1082;
	s9 =	sld [smem:$0x3FA8]  }
0x2f: {  	lr =	sadd.s32 s0, s3;
	s0 =	sld [smem:$0x3F9F]  }
0x30: {  	s3 =	sld [smem:$0x3FA2]  }
0x31: {  	[smem:$0x3FAB] =	sst s10  }
0x32: {  	s10 =	sld [smem:$0x3FA9];
	_ =	sdelay $0x3  }
0x33: {  	p0 =	seq.s32 s10, $0x1;
	s10 =	sld [smem:$0x3FAB];
	_ =	sdelay $0x3  }
0x34: {  	[smem:$0x3FAB] =	sst s10  }
0x35: {  	s10 =	sld [smem:$0x3FAA];
	_ =	sdelay $0x3  }
0x36: {  	p1 =	seq.s32 s10, $0x1;
	s10 =	sld [smem:$0x3FAB];
	_ =	sdelay $0x3  }
0x37: {  	[smem:$0x3FAB] =	sst s10  }
0x38: {  	s10 =	sld [smem:$0x3FAC]  }
0x39: {  	_ = 	snop;
	(pc) =	sbr.ind lr, $3  }
0x3a: {  	_ = 	snop  }
0x3b: {  	_ = 	snop  }
0x3c: {  	p2 =	seq.s32 s10, $0x1;
	s10 =	sld [smem:$0x3FAB]  }
0x3d: {  	_ =	shalt  }
0x3e: {  	_ =	shalt  }
0x3f: {  	_ =	shalt  }
0x40: {  	_ =	shalt  }
0x41: {  	_ =	shalt  }
0x42: {  	_ =	shalt  }
0x43: {  	_ =	shalt  }
0x44: {  	_ =	shalt  }
0x45: {  	_ =	shalt  }
0x46: {  	_ =	shalt  }
0x47: {  	_ =	shalt  }
0x48: {  	_ =	shalt  }
0x49: {  	_ =	shalt  }
0x4a: {  	_ =	shalt  }
0x4b: {  	_ =	shalt  }
0x4c: {  	_ =	shalt  }
0x4d: {  	_ =	shalt  }
0x4e: {  	_ =	shalt  }
0x4f: {  	_ =	shalt  }
0x50: {  	_ =	shalt  }
0x51: {  	_ =	shalt  }
0x52: {  	_ =	shalt  }
0x53: {  	_ =	shalt  }
0x54: {  	_ =	shalt  }
0x55: {  	_ =	shalt  }
0x56: {  	_ =	shalt  }
0x57: {  	_ =	shalt  }
0x58: {  	_ =	shalt  }
0x59: {  	_ =	shalt  }
0x5a: {  	_ =	shalt  }
0x5b: {  	_ =	shalt  }
0x5c: {  	_ =	shalt  }
0x5d: {  	_ =	shalt  }
0x5e: {  	_ =	shalt  }
0x5f: {  	_ =	shalt  }
0x60: {  	_ =	shalt  }
0x61: {  	_ =	shalt  }
0x62: {  	_ =	shalt  }
0x63: {  	_ =	shalt  }
0x64: {  	_ =	shalt  }
0x65: {  	_ =	shalt  }
0x66: {  	_ =	shalt  }
0x67: {  	_ =	shalt  }
0x68: {  	_ =	shalt  }
0x69: {  	_ =	shalt  }
0x6a: {  	_ =	shalt  }
0x6b: {  	_ =	shalt  }
0x6c: {  	_ =	shalt  }
0x6d: {  	_ =	shalt  }
0x6e: {  	_ =	shalt  }
0x6f: {  	_ =	shalt  }
0x70: {  	_ =	shalt  }
0x71: {  	_ =	shalt  }
0x72: {  	_ =	shalt  }
0x73: {  	_ =	shalt  }
0x74: {  	_ =	shalt  }
0x75: {  	_ =	shalt  }
0x76: {  	_ =	shalt  }
0x77: {  	_ =	shalt  }
0x78: {  	_ =	shalt  }
0x79: {  	_ =	shalt  }
0x7a: {  	_ =	shalt  }
0x7b: {  	_ =	shalt  }
0x7c: {  	_ =	shalt  }
0x7d: {  	_ =	shalt  }
0x7e: {  	_ =	shalt  }
0x7f: {  	_ =	shalt  }
0x80: {  	_ =	shalt  }
0x81: {  	_ =	shalt  }
0x82: {  	_ =	shalt  }
0x83: {  	_ =	shalt  }
0x84: {  	_ =	shalt  }
0x85: {  	_ =	shalt  }
0x86: {  	_ =	shalt  }
0x87: {  	_ =	shalt  }
.Lfunc_end0:
.L_simem_size_0:
called_computation.5_lowered:
.L_overlay_start_0:
0x88: {  	s2 =	sld [smem:$0x3FD9]  }
0x89: {  	s3 =	sld [smem:$0x3FFE];
	_ =	sdelay $0x1  }
0x8a: {  	s1 =	srdreg.scid  }
0x8b: {  	s0 =	sand.u32 $0x1, s1  }
0x8c: {  	s16 =	sshll.u32 s0, $0xA;
	s2 =	sadd.s32 s3, s2  }
0x8d: {  	s2 =	sadd.s32 s2, s16  }
0x8e: {  	[smem:$0x3FB7] =	sst s2  }
0x8f: {  	_ = 	snop  }
0x90: {  	(tm) =	ssettm $0x1  }
0x91: {  	s17 =	sld [smem:$0x3FFB];
	_ =	sdelay $0x3  }
0x92: {  	_ =	strace s17  }
0x93: {  	s2 =	sld [smem:$0x3FFC];
	_ =	sdelay $0x3  }
0x94: {  	_ =	strace s2  }
0x95: {  	s2 =	sld [smem:$0x3FFD];
	_ =	sdelay $0x3  }
0x96: {  	_ =	strace s2  }
0x97: {  	_ =	strace $0x8FFFFFFF  }
0x98: {  	s18 =	sld [smem:$0x3FDB];
	_ =	sdelay $0x1  }
0x99: {  	s19 =	simm.s32 $_scs_section_size  }
0x9a: {  	s4 =	simm.s32 $_size__tile_overlayer_lowered;
	s5 =	simm.s32 $_tile_overlayer_lowered  }
0x9b: {  	s22 =	simm.s32 $0x1BFF;
	s21 =	sshll.u32 s5, $0x1;
	s2 =	sadd.s32 s19, s18  }
0x9c: {  	s6 =	simm.s32 $0x0;
	s20 =	sshll.u32 s4, $0x1;
	s4 =	sadd.s32 s21, s2  }
0x9d: {  	[timem:s6], [sflag:s22] =	dma.local [hbm:s4], s20  }
0x9e: {  	_ =	swait.ge [sflag:s22], s20  }
0x9f: {  	s3 =	ssub.s32 $0x0, s20;
	[sflag:s22] =	ssyncset.done $0x0  }
0xa0: {  	[sflag:s22] =	ssyncadd.s32 s3;
	_ =	sdelay $0x1  }
0xa1: {  	s23 =	simm.s32 $0x1B8B  }
0xa2: {  	_ =	swait.ge [sflag:s23], $0x1  }
0xa3: {  	[sflag:s23] =	ssyncset.done $0x0  }
0xa4: {  	s25 =	simm.s32 $0x1B8E;
	s24 =	sld [smem:$0x3FFE];
	[sflag:s23] =	ssyncadd.s32 $0xFFFFFFFF  }
0xa5: {  	s26 =	simm.s32 $execute0_lowered;
	[smem:$0x3FD2] =	sst s25  }
0xa6: {  	s4 =	sshll.u32 s26, $0x1;
	_ =	strace $0x80000055;
	[dreg:$0x1] =	wrdreg $0xFFFFFFFF  }
0xa7: {  	s28 =	simm.s32 $_size_execute0_lowered;
	s2 =	sadd.s32 s2, s4;
	[dreg:$0x0] =	wrdreg $0x0  }
0xa8: {  	s4 =	sshll.u32 s28, $0x1;
	[dreg:$0x2] =	wrdreg s2  }
0xa9: {  	[dreg:$0x3] =	wrdreg s4  }
0xaa: {  	[dreg:$0x4] =	wrdreg $0xC0  }
0xab: {  	_ =	task [dreg:s6], $0x5FFFF  }
0xac: {  	[dreg:$0x1] =	wrdreg $0xFFFFFFFF  }
0xad: {  	[dreg:$0x0] =	wrdreg $0x60  }
0xae: {  	[dreg:$0x2] =	wrdreg s24  }
0xaf: {  	[dreg:$0x3] =	wrdreg $0xB1000  }
0xb0: {  	[dreg:$0x4] =	wrdreg $0x9  }
0xb1: {  	_ =	task.clear_ibuf [dreg:s6], $0x5FFFF;
	_ =	strace $0x90000055  }
0xb2: {  	s29 =	simm.s32 $0x9;
	_ =	strace $0x80000057  }
0xb3: {  	_ =	swait.ge [sflag:s29], $0x1  }
0xb4: {  	[sflag:s29] =	ssyncadd.s32 $0xFFFFFFFF  }
0xb5: {  	_ =	strace $0x90000057  }
0xb6: {  	_ =	sfence  }
0xb7: {  	s30 =	sld [smem:$0x0];
	_ =	sdelay $0x2  }
0xb8: {  	s31 =	sshll.u32 s1, $0xD;
	s1 =	sshrl.u32 s1, $0x2  }
0xb9: {  	s3 =	sand.u32 $0x4000, s31;
	s1 =	sadd.s32 s1, s30  }
0xba: {  	s0 =	sor.u32 s3, s0;
	s1 =	sshll.u32 s1, $0x11  }
0xbb: {  	s0 =	sor.u32 s1, s0  }
0xbc: {  	s0 =	sadd.s32 $0x8F2B, s0  }
0xbd: {  	[sflag:s0] =	ssyncadd.remote.s32 $0x1  }
0xbe: {  	_ =	sfence.sel $0xFFFF  }
0xbf: {  	[dreg:$0x0] =	wrdreg $0xFFFFFFFF;
	(pc) =	sbr.abs _section_cstart, $3  }
0xc0: {  	[dreg:$0x1] =	wrdreg $0xFFFFFFFF  }
0xc1: {  	_ =	task.clear_ibuf [dreg:s6], $0x2FFFF;
	_ =	strace $0x9FFFFFFF  }
0xc2: {  	(tm) =	ssettm $0x7FFFFFFF  }
0xc3: {  	_ =	shalt  }
tec
execute0_lowered:
.L_overlay_start_1:
0x0: {  	(tag) =	ssettag $0x1  }
0x1: {  	s0 =	rddreg [dreg:$0x0]  }
0x2: {  	s1 =	rddreg [dreg:$0x1]  }
0x3: {  	s2 =	srdreg.scid;
	s3 =	simm.s32 $0x0;
	s8 =	stileid.u32  }
0x4: {  	s30 =	simm.s32 $0x3;
	s31 =	simm.s32 $0x4F00;
	s9 =	simm.s32 $0x1  }
0x5: {  	s10 =	simm.s32 $0x4F80;
	s11 =	simm.s32 $0x2;
	s6 =	smul.u32 $0x14000, s8  }
0x6: {  	s12 =	simm.s32 $0x5080;
	s2 =	sand.u32 $0x1, s2;
	s13 =	smul.u32 $0x50000, s8  }
0x7: {  	[smem:$0x7FF] =	sst s3;
	s5 =	smul.u32 $0x140000, s2;
	s4 =	sshll.u32 s2, $0x4  }
0x8: {  	_ =	strace $0x80000056;
	s2 =	ssub.s32 $0x2, s2;
	s7 =	sor.u32 s8, s4  }
0x9: {  	s4 =	sadd.s32 $0x2C800, s0;
	s14 =	sshrl.u32 s2, $0x1;
	s7 =	smul.u32 $0x4E2, s7  }
0xa: {  	s16 =	sshrl.u32 s13, $0x2;
	s8 =	simm.s32 $0x7900;
	s2 =	ssub.s32 s2, s14  }
0xb: {  	s5 =	sadd.s32 s6, s5;
	s18 =	smax.u32 s2, $0x1;
	s7 =	sadd.s32 s7, s0  }
0xc: {  	s5 =	sshrl.u32 s5, $0x3;
	[dreg:$0x6] =	wrdreg s18;
	s15 =	sadd.s32 $0x22A00, s7  }
0xd: {  	s0 =	sadd.s32 s5, s0;
	s17 =	sadd.s32 $0x53A00, s7;
	[dreg:$0x3] =	wrdreg s15  }
0xe: {  	s7 =	sadd.s32 s16, s1;
	s0 =	sadd.s32 $0x5D800, s0;
	[dreg:$0x4] =	wrdreg s17  }
0xf: {  	s13 =	simm.s32 $0x0;
	[dreg:$0x5] =	wrdreg s0;
	s19 =	sadd.s32 $0x1000, s7  }
0x10: {  	s6 =	simm.s32 $0x5000;
	s20 =	sadd.s32 $0x2000, s7;
	[dreg:$0x7] =	wrdreg s19  }
0x11: {  	s2 =	simm.s32 $0x5100;
	s21 =	sadd.s32 $0x3000, s7;
	[dreg:$0x8] =	wrdreg s20  }
0x12: {  	s5 =	simm.s32 $0xA100;
	s22 =	sadd.s32 $0x4000, s7;
	[dreg:$0x9] =	wrdreg s21  }
0x13: {  	s23 =	sadd.s32 $0x5000, s7;
	s24 =	sadd.s32 $0x6000, s7;
	[dreg:$0xa] =	wrdreg s22  }
0x14: {  	s25 =	sadd.s32 $0x7000, s7;
	s26 =	sadd.s32 $0x8000, s7;
	[dreg:$0xb] =	wrdreg s23  }
0x15: {  	s18 =	sadd.s32 $0x9000, s7;
	s28 =	sadd.s32 $0x12000, s7;
	[dreg:$0xc] =	wrdreg s24  }
0x16: {  	s29 =	sadd.s32 $0x13000, s7;
	s0 =	simm.s32 $0x50;
	[dreg:$0xd] =	wrdreg s25  }
0x17: {  	[dreg:$0xe] =	wrdreg s26;
	s19 =	sadd.s32 $0xA000, s7;
	s20 =	sadd.s32 $0xB000, s7  }
0x18: {  	s21 =	sadd.s32 $0xC000, s7;
	s22 =	sadd.s32 $0xD000, s7;
	s23 =	sadd.s32 $0xE000, s7  }
0x19: {  	v0 =	vimm.f32 $0.0e+00;
	s24 =	sadd.s32 $0xF000, s7;
	s25 =	sadd.s32 $0x10000, s7;
	s26 =	sadd.s32 $0x11000, s7  }
.LBB2_1:
0x1a: {  	s14 =	rddreg [dreg:$0x3]  }
0x1b: {  	[tilespmem:s3], [sflag:$0x3] =	stream.linear.gather [hbm4b:s14+s3], $0x2710, $0x38;
	[tilespmem:$0x1F100] =	vst v63  }
0x1c: {  	_ =	swait.ge [sflag:s30], $0x2710  }
0x1d: {  	s15 =	simm.s32 $0x2780;
	[sflag:s30] =	ssyncset.done $0x0  }
0x1e: {  	s16 =	sand.u32 $0x3E00, s3;
	s17 =	rddreg [dreg:$0x4];
	[sflag:s30] =	ssyncadd.s32 $0xFFFFD8F0  }
0x1f: {  	[tilespmem:s15], [sflag:$0x3] =	stream.linear.gather [hbm4b:s17+s3], $0x2710, $0x38;
	[tilespmem:$0x1F100] =	vst v63  }
0x20: {  	s16 =	sshrl.u32 s16, $0x2;
	_ =	swait.ge [sflag:s30], $0x2710  }
0x21: {  	s14 =	simm.s32 $0x40;
	s17 =	sand.u32 $0x70, s3;
	[sflag:s30] =	ssyncset.done $0x0  }
0x22: {  	s15 =	simm.s32 $0x0;
	s16 =	sor.u32 s17, s16;
	[sflag:s30] =	ssyncadd.s32 $0xFFFFD8F0  }
.LBB2_2:
0x23: {  	p0 =	sne.s32 s14, $0x3FC0  }
0x24: {  	[tilespmem:s16+$0xA100] =	vst v0;
	s15 =	sadd.s32 $0x10, s15;
	s16 =	smov.u32 s14;
	s14 =	sadd.s32 $0x40, s14  }
.Ltmp0:
0x25: {  	(pc) =	sbr.rel @p0 .LBB2_2-.Ltmp0, $4  }
0x26: {  	_ = 	snop  }
0x27: {  	s16 =	sand.u32 $0x3E00, s16  }
0x28: {  	s17 =	sand.u32 $0x70, s15;
	s16 =	sshrl.u32 s16, $0x2  }
0x29: {  	s16 =	sor.u32 s17, s16  }
0x2a: {  	[tilespmem:s16+$0xA100] =	vst v0  }
0x2b: {  	v1 =	vld [tilespmem:$0x0]  }
0x2c: {  	v2 =	vld [tilespmem:$0x2780]  }
0x2d: {  	v3 =	vld [tilespmem:$0x10]  }
0x2e: {  	v4 =	vld [tilespmem:$0x2790]  }
0x2f: {  	v5 =	vld [tilespmem:$0x20]  }
0x30: {  	v62 =	vld [tilespmem:$0x40];
	[tilespmem:$0x4F00] =	vst v1  }
0x31: {  	v63 =	vld [tilespmem:$0x27C0];
	[tilespmem:$0x4F80] =	vst v2  }
0x32: {  	v1 =	vld [tilespmem:$0x27A0];
	[tilespmem:$0x4F10] =	vst v3  }
0x33: {  	v2 =	vld [tilespmem:$0x30];
	[tilespmem:$0x4F90] =	vst v4  }
0x34: {  	v3 =	vld [tilespmem:$0x27B0];
	[tilespmem:$0x4F20] =	vst v5  }
0x35: {  	[tilespmem:$0x4F40] =	vst v62  }
0x36: {  	[tilespmem:$0x4FC0] =	vst v63  }
0x37: {  	[tilespmem:$0x4FA0] =	vst v1  }
0x38: {  	[tilespmem:$0x4F30] =	vst v2  }
0x39: {  	[tilespmem:$0x4FB0] =	vst v3  }
0x3a: {  	[tilespmem:s2], [sflag:$0x1] =	stream.indirect.gather [hbm4b:s4+s0], $0x80, s31, s0, $0xb8;
	[tilespmem:$0x1F100] =	vst v63  }
0x3b: {  	_ = 	snop  }
0x3c: {  	[spmem:s7] =	stream.linear.scatter [tilespmem:s5], [sflag:$0x3], $0x1000, $0x38;
	[tilespmem:$0x1F100] =	vst v63  }
0x3d: {  	_ =	swait.ge [sflag:s30], $0x1000  }
0x3e: {  	[sflag:s30] =	ssyncset.done $0x0  }
0x3f: {  	s14 =	rddreg [dreg:$0x7];
	[sflag:s30] =	ssyncadd.s32 $0xFFFFF000  }
0x40: {  	[spmem:s14] =	stream.linear.scatter [tilespmem:s5], [sflag:$0x3], $0x1000, $0x38;
	[tilespmem:$0x1F100] =	vst v63  }
0x41: {  	_ =	swait.ge [sflag:s30], $0x1000  }
0x42: {  	[sflag:s30] =	ssyncset.done $0x0  }
0x43: {  	s16 =	rddreg [dreg:$0x8];
	[sflag:s30] =	ssyncadd.s32 $0xFFFFF000  }
0x44: {  	[spmem:s16] =	stream.linear.scatter [tilespmem:s5], [sflag:$0x3], $0x1000, $0x38;
	[tilespmem:$0x1F100] =	vst v63  }
0x45: {  	_ =	swait.ge [sflag:s30], $0x1000  }
0x46: {  	[sflag:s30] =	ssyncset.done $0x0  }
0x47: {  	s17 =	rddreg [dreg:$0x9];
	[sflag:s30] =	ssyncadd.s32 $0xFFFFF000  }
0x48: {  	[spmem:s17] =	stream.linear.scatter [tilespmem:s5], [sflag:$0x3], $0x1000, $0x38;
	[tilespmem:$0x1F100] =	vst v63  }
0x49: {  	_ =	swait.ge [sflag:s30], $0x1000  }
0x4a: {  	[sflag:s30] =	ssyncset.done $0x0  }
0x4b: {  	s15 =	rddreg [dreg:$0xa];
	[sflag:s30] =	ssyncadd.s32 $0xFFFFF000  }
0x4c: {  	[spmem:s15] =	stream.linear.scatter [tilespmem:s5], [sflag:$0x3], $0x1000, $0x38;
	[tilespmem:$0x1F100] =	vst v63  }
0x4d: {  	_ =	swait.ge [sflag:s30], $0x1000  }
0x4e: {  	[sflag:s30] =	ssyncset.done $0x0  }
0x4f: {  	s16 =	rddreg [dreg:$0xb];
	[sflag:s30] =	ssyncadd.s32 $0xFFFFF000  }
0x50: {  	[spmem:s16] =	stream.linear.scatter [tilespmem:s5], [sflag:$0x3], $0x1000, $0x38;
	[tilespmem:$0x1F100] =	vst v63  }
0x51: {  	_ =	swait.ge [sflag:s30], $0x1000  }
0x52: {  	[sflag:s30] =	ssyncset.done $0x0  }
0x53: {  	s17 =	rddreg [dreg:$0xc];
	[sflag:s30] =	ssyncadd.s32 $0xFFFFF000  }
0x54: {  	[spmem:s17] =	stream.linear.scatter [tilespmem:s5], [sflag:$0x3], $0x1000, $0x38;
	[tilespmem:$0x1F100] =	vst v63  }
0x55: {  	_ =	swait.ge [sflag:s30], $0x1000  }
0x56: {  	[sflag:s30] =	ssyncset.done $0x0  }
0x57: {  	s15 =	rddreg [dreg:$0xd];
	[sflag:s30] =	ssyncadd.s32 $0xFFFFF000  }
0x58: {  	[spmem:s15] =	stream.linear.scatter [tilespmem:s5], [sflag:$0x3], $0x1000, $0x38;
	[tilespmem:$0x1F100] =	vst v63  }
0x59: {  	_ =	swait.ge [sflag:s30], $0x1000  }
0x5a: {  	[sflag:s30] =	ssyncset.done $0x0  }
0x5b: {  	s16 =	rddreg [dreg:$0xe];
	[sflag:s30] =	ssyncadd.s32 $0xFFFFF000  }
0x5c: {  	[spmem:s16] =	stream.linear.scatter [tilespmem:s5], [sflag:$0x3], $0x1000, $0x38;
	[tilespmem:$0x1F100] =	vst v63  }
0x5d: {  	_ =	swait.ge [sflag:s30], $0x1000  }
0x5e: {  	[sflag:s30] =	ssyncset.done $0x0  }
0x5f: {  	[sflag:s30] =	ssyncadd.s32 $0xFFFFF000  }
0x60: {  	[spmem:s18] =	stream.linear.scatter [tilespmem:s5], [sflag:$0x3], $0x1000, $0x38;
	[tilespmem:$0x1F100] =	vst v63  }
0x61: {  	_ =	swait.ge [sflag:s30], $0x1000  }
0x62: {  	[sflag:s30] =	ssyncset.done $0x0  }
0x63: {  	[sflag:s30] =	ssyncadd.s32 $0xFFFFF000  }
0x64: {  	[spmem:s19] =	stream.linear.scatter [tilespmem:s5], [sflag:$0x3], $0x1000, $0x38;
	[tilespmem:$0x1F100] =	vst v63  }
0x65: {  	_ =	swait.ge [sflag:s30], $0x1000  }
0x66: {  	[sflag:s30] =	ssyncset.done $0x0  }
0x67: {  	[sflag:s30] =	ssyncadd.s32 $0xFFFFF000  }
0x68: {  	[spmem:s20] =	stream.linear.scatter [tilespmem:s5], [sflag:$0x3], $0x1000, $0x38;
	[tilespmem:$0x1F100] =	vst v63  }
0x69: {  	_ =	swait.ge [sflag:s30], $0x1000  }
0x6a: {  	[sflag:s30] =	ssyncset.done $0x0  }
0x6b: {  	[sflag:s30] =	ssyncadd.s32 $0xFFFFF000  }
0x6c: {  	[spmem:s21] =	stream.linear.scatter [tilespmem:s5], [sflag:$0x3], $0x1000, $0x38;
	[tilespmem:$0x1F100] =	vst v63  }
0x6d: {  	_ =	swait.ge [sflag:s30], $0x1000  }
0x6e: {  	[sflag:s30] =	ssyncset.done $0x0  }
0x6f: {  	[sflag:s30] =	ssyncadd.s32 $0xFFFFF000  }
0x70: {  	[spmem:s22] =	stream.linear.scatter [tilespmem:s5], [sflag:$0x3], $0x1000, $0x38;
	[tilespmem:$0x1F100] =	vst v63  }
0x71: {  	_ =	swait.ge [sflag:s30], $0x1000  }
0x72: {  	[sflag:s30] =	ssyncset.done $0x0  }
0x73: {  	[sflag:s30] =	ssyncadd.s32 $0xFFFFF000  }
0x74: {  	[spmem:s23] =	stream.linear.scatter [tilespmem:s5], [sflag:$0x3], $0x1000, $0x38;
	[tilespmem:$0x1F100] =	vst v63  }
0x75: {  	_ =	swait.ge [sflag:s30], $0x1000  }
0x76: {  	[sflag:s30] =	ssyncset.done $0x0  }
0x77: {  	[sflag:s30] =	ssyncadd.s32 $0xFFFFF000  }
0x78: {  	[spmem:s24] =	stream.linear.scatter [tilespmem:s5], [sflag:$0x3], $0x1000, $0x38;
	[tilespmem:$0x1F100] =	vst v63  }
0x79: {  	_ =	swait.ge [sflag:s30], $0x1000  }
0x7a: {  	[sflag:s30] =	ssyncset.done $0x0  }
0x7b: {  	[sflag:s30] =	ssyncadd.s32 $0xFFFFF000  }
0x7c: {  	[spmem:s25] =	stream.linear.scatter [tilespmem:s5], [sflag:$0x3], $0x1000, $0x38;
	[tilespmem:$0x1F100] =	vst v63  }
0x7d: {  	_ =	swait.ge [sflag:s30], $0x1000  }
0x7e: {  	[sflag:s30] =	ssyncset.done $0x0  }
0x7f: {  	[sflag:s30] =	ssyncadd.s32 $0xFFFFF000  }
0x80: {  	[spmem:s26] =	stream.linear.scatter [tilespmem:s5], [sflag:$0x3], $0x1000, $0x38;
	[tilespmem:$0x1F100] =	vst v63  }
0x81: {  	_ =	swait.ge [sflag:s30], $0x1000  }
0x82: {  	[sflag:s30] =	ssyncset.done $0x0  }
0x83: {  	[sflag:s30] =	ssyncadd.s32 $0xFFFFF000  }
0x84: {  	[spmem:s28] =	stream.linear.scatter [tilespmem:s5], [sflag:$0x3], $0x1000, $0x38;
	[tilespmem:$0x1F100] =	vst v63  }
0x85: {  	_ =	swait.ge [sflag:s30], $0x1000  }
0x86: {  	[sflag:s30] =	ssyncset.done $0x0  }
0x87: {  	[sflag:s30] =	ssyncadd.s32 $0xFFFFF000  }
0x88: {  	[spmem:s29] =	stream.linear.scatter [tilespmem:s5], [sflag:$0x3], $0x1000, $0x38;
	[tilespmem:$0x1F100] =	vst v63  }
0x89: {  	_ =	swait.ge [sflag:s30], $0x1000  }
0x8a: {  	[sflag:s30] =	ssyncset.done $0x0  }
0x8b: {  	[sflag:s30] =	ssyncadd.s32 $0xFFFFF000  }
0x8c: {  	s14 =	simm.s32 $0x70;
	[bflag:$0x0] =	sbarrier.arrive $0xFFFF  }
0x8d: {  	v1 =	vld [tilespmem:s14+$0xFFFFFFE0];
	_ =	sdelay $0x4  }
0x8e: {  	s15 =	simm.s32 $0x27F0;
	[tilespmem:$0x5000] =	vst v1  }
0x8f: {  	v1 =	vld [tilespmem:s15+$0xFFFFFFE0];
	_ =	sdelay $0x4  }
0x90: {  	[tilespmem:$0x5080] =	vst v1  }
0x91: {  	v1 =	vld [tilespmem:s14+$0xFFFFFFF0];
	_ =	sdelay $0x4  }
0x92: {  	[tilespmem:$0x5010] =	vst v1  }
0x93: {  	v1 =	vld [tilespmem:s15+$0xFFFFFFF0];
	_ =	sdelay $0x4  }
0x94: {  	[tilespmem:$0x5090] =	vst v1  }
0x95: {  	v1 =	vld [tilespmem:s14+$0x0];
	_ =	sdelay $0x4  }
0x96: {  	[tilespmem:$0x5020] =	vst v1  }
0x97: {  	v1 =	vld [tilespmem:s15+$0x0];
	_ =	sdelay $0x3  }
0x98: {  	s17 =	simm.s32 $0x0  }
0x99: {  	s16 =	sand.u32 $0x3FE0, s17;
	[tilespmem:$0x50A0] =	vst v1  }
0x9a: {  	v1 =	vld [tilespmem:s16+$0x80];
	_ =	sdelay $0x4  }
0x9b: {  	[tilespmem:$0x5030] =	vst v1  }
0x9c: {  	v1 =	vld [tilespmem:s16+$0x2800];
	_ =	sdelay $0x4  }
0x9d: {  	[tilespmem:$0x50B0] =	vst v1  }
0x9e: {  	v1 =	vld [tilespmem:s14+$0x20];
	_ =	sdelay $0x4  }
0x9f: {  	[tilespmem:$0x5040] =	vst v1  }
0xa0: {  	v1 =	vld [tilespmem:s15+$0x20];
	_ =	sdelay $0x4  }
0xa1: {  	[tilespmem:$0x50C0] =	vst v1  }
0xa2: {  	[tilespmem:s8], [sflag:$0x2] =	stream.indirect.gather [hbm4b:s4+s0], $0x80, s6, s0, $0xb8;
	[tilespmem:$0x1F100] =	vst v63  }
0xa3: {  	_ =	swait.ge [sflag:s9], $0x2800  }
0xa4: {  	[sflag:s9] =	ssyncset.done $0x0  }
0xa5: {  	[sflag:s9] =	ssyncadd.s32 $0xFFFFD800  }
0xa6: {  	[spmem:s1] =	stream.indirect.scatter.add.f32 [tilespmem:s2], [sflag:$0x3], $0x80, s10, s0, $0xb8;
	[tilespmem:$0x1F100] =	vst v63  }
0xa7: {  	_ =	swait.ge [sflag:s30], $0x2800  }
0xa8: {  	[sflag:s30] =	ssyncset.done $0x0  }
0xa9: {  	[sflag:s30] =	ssyncadd.s32 $0xFFFFD800  }
0xaa: {  	v1 =	vld [tilespmem:s14+$0x30];
	_ =	sdelay $0x4  }
0xab: {  	[tilespmem:$0x4F00] =	vst v1  }
0xac: {  	v1 =	vld [tilespmem:s15+$0x30];
	_ =	sdelay $0x4  }
0xad: {  	[tilespmem:$0x4F80] =	vst v1  }
0xae: {  	v1 =	vld [tilespmem:s14+$0x40];
	_ =	sdelay $0x4  }
0xaf: {  	[tilespmem:$0x4F10] =	vst v1  }
0xb0: {  	v1 =	vld [tilespmem:s15+$0x40];
	_ =	sdelay $0x4  }
0xb1: {  	[tilespmem:$0x4F90] =	vst v1  }
0xb2: {  	v1 =	vld [tilespmem:s14+$0x50];
	_ =	sdelay $0x4  }
0xb3: {  	[tilespmem:$0x4F20] =	vst v1  }
0xb4: {  	v1 =	vld [tilespmem:s15+$0x50];
	_ =	sdelay $0x4  }
0xb5: {  	[tilespmem:$0x4FA0] =	vst v1  }
0xb6: {  	v1 =	vld [tilespmem:s14+$0x60];
	_ =	sdelay $0x4  }
0xb7: {  	[tilespmem:$0x4F30] =	vst v1  }
0xb8: {  	v1 =	vld [tilespmem:s15+$0x60];
	_ =	sdelay $0x4  }
0xb9: {  	[tilespmem:$0x4FB0] =	vst v1  }
0xba: {  	v1 =	vld [tilespmem:s14+$0x70];
	_ =	sdelay $0x4  }
0xbb: {  	[tilespmem:$0x4F40] =	vst v1  }
0xbc: {  	v1 =	vld [tilespmem:s15+$0x70];
	_ =	sdelay $0x4  }
0xbd: {  	[tilespmem:$0x4FC0] =	vst v1  }
0xbe: {  	[tilespmem:s2], [sflag:$0x1] =	stream.indirect.gather [hbm4b:s4+s0], $0x80, s31, s0, $0xb8;
	[tilespmem:$0x1F100] =	vst v63  }
0xbf: {  	_ =	swait.ge [sflag:s11], $0x2800  }
0xc0: {  	[sflag:s11] =	ssyncset.done $0x0  }
0xc1: {  	[sflag:s11] =	ssyncadd.s32 $0xFFFFD800  }
0xc2: {  	[spmem:s1] =	stream.indirect.scatter.add.f32 [tilespmem:s8], [sflag:$0x3], $0x80, s12, s0, $0xb8;
	[tilespmem:$0x1F100] =	vst v63  }
0xc3: {  	_ =	swait.ge [sflag:s30], $0x2800  }
0xc4: {  	s16 =	simm.s32 $0xA0;
	[sflag:s30] =	ssyncset.done $0x0  }
.LBB2_4:
0xc5: {  	[sflag:s30] =	ssyncadd.s32 $0xFFFFD800;
	s15 =	sadd.s32 $0xA0, s15;
	s14 =	sadd.s32 $0xA0, s14  }
0xc6: {  	p0 =	sne.s32 s16, $0x2620;
	s17 =	smov.u32 s16;
	s16 =	sadd.s32 $0xA0, s16;
	v1 =	vld [tilespmem:s14+$0xFFFFFFE0]  }
0xc7: {  	_ =	sdelay $0x3  }
0xc8: {  	[tilespmem:$0x5000] =	vst v1  }
0xc9: {  	v1 =	vld [tilespmem:s15+$0xFFFFFFE0];
	_ =	sdelay $0x4  }
0xca: {  	[tilespmem:$0x5080] =	vst v1  }
0xcb: {  	v1 =	vld [tilespmem:s14+$0xFFFFFFF0];
	_ =	sdelay $0x4  }
0xcc: {  	[tilespmem:$0x5010] =	vst v1  }
0xcd: {  	v1 =	vld [tilespmem:s15+$0xFFFFFFF0];
	_ =	sdelay $0x4  }
0xce: {  	[tilespmem:$0x5090] =	vst v1  }
0xcf: {  	v1 =	vld [tilespmem:s14+$0x0];
	_ =	sdelay $0x4  }
0xd0: {  	[tilespmem:$0x5020] =	vst v1  }
0xd1: {  	v1 =	vld [tilespmem:s15+$0x0];
	_ =	sdelay $0x4  }
0xd2: {  	s17 =	sand.u32 $0x3FE0, s17;
	[tilespmem:$0x50A0] =	vst v1  }
0xd3: {  	v1 =	vld [tilespmem:s17+$0x80];
	_ =	sdelay $0x4  }
0xd4: {  	[tilespmem:$0x5030] =	vst v1  }
0xd5: {  	v1 =	vld [tilespmem:s17+$0x2800];
	_ =	sdelay $0x4  }
0xd6: {  	[tilespmem:$0x50B0] =	vst v1  }
0xd7: {  	v1 =	vld [tilespmem:s14+$0x20];
	_ =	sdelay $0x4  }
0xd8: {  	[tilespmem:$0x5040] =	vst v1  }
0xd9: {  	v1 =	vld [tilespmem:s15+$0x20];
	_ =	sdelay $0x4  }
0xda: {  	[tilespmem:$0x50C0] =	vst v1  }
0xdb: {  	[tilespmem:s8], [sflag:$0x2] =	stream.indirect.gather [hbm4b:s4+s0], $0x80, s6, s0, $0xb8;
	[tilespmem:$0x1F100] =	vst v63  }
0xdc: {  	_ =	swait.ge [sflag:s9], $0x2800  }
0xdd: {  	[sflag:s9] =	ssyncset.done $0x0  }
0xde: {  	[sflag:s9] =	ssyncadd.s32 $0xFFFFD800  }
0xdf: {  	[spmem:s1] =	stream.indirect.scatter.add.f32 [tilespmem:s2], [sflag:$0x3], $0x80, s10, s0, $0xb8;
	[tilespmem:$0x1F100] =	vst v63  }
0xe0: {  	_ =	swait.ge [sflag:s30], $0x2800  }
0xe1: {  	[sflag:s30] =	ssyncset.done $0x0  }
0xe2: {  	[sflag:s30] =	ssyncadd.s32 $0xFFFFD800  }
0xe3: {  	v1 =	vld [tilespmem:s14+$0x30];
	_ =	sdelay $0x4  }
0xe4: {  	[tilespmem:$0x4F00] =	vst v1  }
0xe5: {  	v1 =	vld [tilespmem:s15+$0x30];
	_ =	sdelay $0x4  }
0xe6: {  	[tilespmem:$0x4F80] =	vst v1  }
0xe7: {  	v1 =	vld [tilespmem:s14+$0x40];
	_ =	sdelay $0x4  }
0xe8: {  	[tilespmem:$0x4F10] =	vst v1  }
0xe9: {  	v1 =	vld [tilespmem:s15+$0x40];
	_ =	sdelay $0x4  }
0xea: {  	[tilespmem:$0x4F90] =	vst v1  }
0xeb: {  	v1 =	vld [tilespmem:s14+$0x50];
	_ =	sdelay $0x4  }
0xec: {  	[tilespmem:$0x4F20] =	vst v1  }
0xed: {  	v1 =	vld [tilespmem:s15+$0x50];
	_ =	sdelay $0x4  }
0xee: {  	[tilespmem:$0x4FA0] =	vst v1  }
0xef: {  	v1 =	vld [tilespmem:s14+$0x60];
	_ =	sdelay $0x4  }
0xf0: {  	[tilespmem:$0x4F30] =	vst v1  }
0xf1: {  	v1 =	vld [tilespmem:s15+$0x60];
	_ =	sdelay $0x4  }
0xf2: {  	[tilespmem:$0x4FB0] =	vst v1  }
0xf3: {  	v1 =	vld [tilespmem:s14+$0x70];
	_ =	sdelay $0x4  }
0xf4: {  	[tilespmem:$0x4F40] =	vst v1  }
0xf5: {  	v1 =	vld [tilespmem:s15+$0x70];
	_ =	sdelay $0x4  }
0xf6: {  	[tilespmem:$0x4FC0] =	vst v1  }
0xf7: {  	[tilespmem:s2], [sflag:$0x1] =	stream.indirect.gather [hbm4b:s4+s0], $0x80, s31, s0, $0xb8;
	[tilespmem:$0x1F100] =	vst v63  }
0xf8: {  	_ =	swait.ge [sflag:s11], $0x2800  }
.Ltmp1:
0xf9: {  	[sflag:s11] =	ssyncset.done $0x0;
	(pc) =	sbr.rel @p0 .LBB2_4-.Ltmp1, $4  }
0xfa: {  	[sflag:s11] =	ssyncadd.s32 $0xFFFFD800  }
0xfb: {  	[spmem:s1] =	stream.indirect.scatter.add.f32 [tilespmem:s8], [sflag:$0x3], $0x80, s12, s0, $0xb8;
	[tilespmem:$0x1F100] =	vst v63  }
0xfc: {  	_ =	swait.ge [sflag:s30], $0x2800  }
0xfd: {  	[sflag:s30] =	ssyncset.done $0x0  }
0xfe: {  	[sflag:s30] =	ssyncadd.s32 $0xFFFFD800  }
0xff: {  	_ =	swait.ge [sflag:s9], $0x2800  }
0x100: {  	[sflag:s9] =	ssyncset.done $0x0  }
0x101: {  	[sflag:s9] =	ssyncadd.s32 $0xFFFFD800  }
0x102: {  	[spmem:s1] =	stream.indirect.scatter.add.f32 [tilespmem:s2], [sflag:$0x3], $0x80, s10, s0, $0xb8;
	[tilespmem:$0x1F100] =	vst v63  }
0x103: {  	_ =	swait.ge [sflag:s30], $0x2800  }
0x104: {  	[sflag:s30] =	ssyncset.done $0x0  }
0x105: {  	s14 =	stileid.u32;
	[sflag:s30] =	ssyncadd.s32 $0xFFFFD800  }
0x106: {  	s14 =	sshll.u32 s14, $0x6;
	[bflag:$0x0] =	sbarrier.arrive $0xFFFF  }
0x107: {  	s15 =	sshrl.u32 s7, $0x3;
	s14 =	sor.u32 $0x1C03, s14;
	s16 =	rddreg [dreg:$0x5]  }
0x108: {  	[hbm:s16], [sflag:s14] =	dma.local [spmem:s15], $0x2800  }
0x109: {  	_ =	swait.ge [sflag:s30], $0x2800  }
0x10a: {  	s13 =	sadd.s32 $0x1, s13;
	s17 =	rddreg [dreg:$0x6]  }
0x10b: {  	p0 =	sne.s32 s13, s17  }
.Ltmp2:
0x10c: {  	_ = 	snop;
	(pc) =	sbr.rel @p0 .LBB2_1-.Ltmp2, $3  }
0x10d: {  	_ =	sdelay $0x1  }
0x10e: {  	[sflag:s30] =	ssyncset.done $0x0  }
0x10f: {  	[sflag:s30] =	ssyncadd.s32 $0xFFFFD800  }
0x110: {  	_ =	sfence.sel $0x180000  }
0x111: {  	[bflag:$0x0] =	sbarrier.arrive $0xFFFF  }
0x112: {  	_ =	strace $0x90000056  }
0x113: {  	s0 =	stileid.u32;
	[bflag:$0x2] =	sbarrier.arrive $0xFFFF  }
0x114: {  	p0 =	sne.s32 s0, $0x0;
	s0 =	rddreg [dreg:$0x2]  }
0x115: {  	s0 =	sadd.s32 @!p0 $0x100000, s0  }
0x116: {  	[sflag:s0] =	ssyncadd.tile.s32 @!p0 $0x1;
	_ =	shalt  }
.Lfunc_end2:
_tile_overlayer_lowered:
.L_overlay_start_2:
0x117: {  	(tag) =	ssettag $0x2  }
0x118: {  	s0 =	rddreg [dreg:$0x0];
	s2 =	stileid.u32  }
0x119: {  	s1 =	rddreg [dreg:$0x1];
	p0 =	sne.s32 s2, $0x0  }
0x11a: {  	s3 =	rddreg [dreg:$0x2];
	[bflag:$0x3] =	sbarrier.arrive $0xFFFF;
	s2 =	simm.s32 @!p0 $0x1C03  }
0x11b: {  	[timem:s3], [sflag:s2] =	dma.local @!p0 [hbm:s0], s1  }
0x11c: {  	s0 =	simm.s32 @!p0 $0x3  }
0x11d: {  	_ =	swait.ge @!p0 [sflag:s0], s1  }
0x11e: {  	s1 =	ssub.s32 @!p0 $0x0, s1;
	[sflag:s0] =	ssyncset.done @!p0 $0x0  }
0x11f: {  	[sflag:s0] =	ssyncadd.s32 @!p0 s1  }
0x120: {  	[bflag:$0x3] =	sbarrier.arrive $0xFFFF  }
0x121: {  	_ =	shalt  }

// kernel: kernel.27.cloned.1.call-start
scs
__scs_entry_jumppad:
0x0: {  	(pc) =	sbr.rel $0x88, $3  }
0x1: {  	(tag) =	ssettag $0x0;
	lr =	simm.s32 $0x1  }
0x2: {  	[smem:$0x3F90] =	sst lr;
	_ =	strace $0xD0000000  }
0x3: {  	_ = 	snop  }
0x4: {  	_ = 	snop  }
0x5: {  	_ = 	snop  }
0x6: {  	_ = 	snop  }
0x7: {  	_ = 	snop  }
__scs_overlays_trampoline_lowered:
0x8: {  	[smem:$0x3F9F] =	sst s0  }
0x9: {  	[smem:$0x3FA0] =	sst s1  }
0xa: {  	[smem:$0x3FA1] =	sst s2  }
0xb: {  	[smem:$0x3FA2] =	sst s3  }
0xc: {  	[smem:$0x3FA3] =	sst s4  }
0xd: {  	[smem:$0x3FA4] =	sst s5  }
0xe: {  	[smem:$0x3FA5] =	sst s6  }
0xf: {  	[smem:$0x3FA6] =	sst s7  }
0x10: {  	[smem:$0x3FA7] =	sst s8  }
0x11: {  	[smem:$0x3FA8] =	sst s9;
	s0 =	simm.s32 @!p0 $0x0  }
0x12: {  	s1 =	sld [smem:$0x3F8E];
	s0 =	simm.s32 @p0 $0x1  }
0x13: {  	[smem:$0x3FA9] =	sst s0;
	s0 =	simm.s32 @!p1 $0x0  }
0x14: {  	s2 =	sld [smem:$0x3F8D];
	s0 =	simm.s32 @p1 $0x1  }
0x15: {  	[smem:$0x3FAA] =	sst s0;
	s0 =	simm.s32 @!p2 $0x0  }
0x16: {  	s3 =	sld [smem:$0x3FDB];
	s0 =	simm.s32 @p2 $0x1  }
0x17: {  	s4 =	simm.s32 $0x1BF5;
	[smem:$0x3FAC] =	sst s0  }
0x18: {  	s0 =	sld [smem:$0x3F8F];
	_ =	swait.ge [sflag:s4], $0x0  }
0x19: {  	s7 =	sld [smem:$0x3F90]  }
0x1a: {  	s8 =	sadd.s32 $0xFFFFE003, lr  }
0x1b: {  	s9 =	sadd.s32 $0xFFFFFEF7, lr;
	s5 =	simm.s32 $0xFFFFFFFF;
	p2 =	slt.u32 s8, $0xFFFFF086  }
0x1c: {  	p1 =	slt.u32 s9, $0xF7A;
	s5 =	simm.s32 @!p2 $0x0  }
0x1d: {  	s5 =	simm.s32 @p1 $0x1;
	p0 =	seq.s32 s7, s2  }
0x1e: {  	s7 =	smul.u32 @!p0 $0xF7A, s2;
	p2 =	seq.s32 @!p0 s5, $0x0  }
0x1f: {  	s9 =	smul.u32 $0xF7A, s1;
	s8 =	simm.s32 @!p0 $0x1BF5;
	p2 =	por !p2, p0  }
0x20: {  	[sflag:s8] =	ssyncset.s32 @!p0 $0xFFFFF086;
	s6 =	sadd.s32 @!p0 s3, s7;
	s7 =	simm.s32 @!p0 $0x108  }
0x21: {  	s3 =	sadd.s32 s3, s9;
	s6 =	sadd.s32 @!p0 $0x88, s6;
	s7 =	simm.s32 @p2 $0x1082  }
0x22: {  	[simem:s7], [sflag:s8] =	dma.local @!p0 [hbm:s6], $0xF7A  }
0x23: {  	s9 =	sor.u32 $0xD0000000, s2;
	s6 =	simm.s32 $0x108;
	_ =	swait.ge @!p0 [sflag:s8], $0x0  }
0x24: {  	s3 =	sadd.s32 $0x88, s3;
	s6 =	simm.s32 @!p1 $0x1082;
	[sflag:s4] =	ssyncset.s32 $0xFFFFF086  }
0x25: {  	[simem:s6], [sflag:s4] =	dma.local [hbm:s3], $0xF7A  }
0x26: {  	[smem:$0x3F90] =	sst s1;
	(tag) =	ssettag s2;
	_ =	strace s9  }
0x27: {  	s1 =	sld [smem:$0x3FA0]  }
0x28: {  	s2 =	sld [smem:$0x3FA1]  }
0x29: {  	s4 =	sld [smem:$0x3FA3]  }
0x2a: {  	p0 =	seq.s32 s5, $0x0;
	s5 =	sld [smem:$0x3FA4]  }
0x2b: {  	s6 =	sld [smem:$0x3FA5]  }
0x2c: {  	s7 =	sld [smem:$0x3FA6]  }
0x2d: {  	s3 =	simm.s32 $0x108;
	s8 =	sld [smem:$0x3FA7]  }
0x2e: {  	s3 =	simm.s32 @!p0 $0x1082;
	s9 =	sld [smem:$0x3FA8]  }
0x2f: {  	lr =	sadd.s32 s0, s3;
	s0 =	sld [smem:$0x3F9F]  }
0x30: {  	s3 =	sld [smem:$0x3FA2]  }
0x31: {  	[smem:$0x3FAB] =	sst s10  }
0x32: {  	s10 =	sld [smem:$0x3FA9];
	_ =	sdelay $0x3  }
0x33: {  	p0 =	seq.s32 s10, $0x1;
	s10 =	sld [smem:$0x3FAB];
	_ =	sdelay $0x3  }
0x34: {  	[smem:$0x3FAB] =	sst s10  }
0x35: {  	s10 =	sld [smem:$0x3FAA];
	_ =	sdelay $0x3  }
0x36: {  	p1 =	seq.s32 s10, $0x1;
	s10 =	sld [smem:$0x3FAB];
	_ =	sdelay $0x3  }
0x37: {  	[smem:$0x3FAB] =	sst s10  }
0x38: {  	s10 =	sld [smem:$0x3FAC]  }
0x39: {  	_ = 	snop;
	(pc) =	sbr.ind lr, $3  }
0x3a: {  	_ = 	snop  }
0x3b: {  	_ = 	snop  }
0x3c: {  	p2 =	seq.s32 s10, $0x1;
	s10 =	sld [smem:$0x3FAB]  }
0x3d: {  	_ =	shalt  }
0x3e: {  	_ =	shalt  }
0x3f: {  	_ =	shalt  }
0x40: {  	_ =	shalt  }
0x41: {  	_ =	shalt  }
0x42: {  	_ =	shalt  }
0x43: {  	_ =	shalt  }
0x44: {  	_ =	shalt  }
0x45: {  	_ =	shalt  }
0x46: {  	_ =	shalt  }
0x47: {  	_ =	shalt  }
0x48: {  	_ =	shalt  }
0x49: {  	_ =	shalt  }
0x4a: {  	_ =	shalt  }
0x4b: {  	_ =	shalt  }
0x4c: {  	_ =	shalt  }
0x4d: {  	_ =	shalt  }
0x4e: {  	_ =	shalt  }
0x4f: {  	_ =	shalt  }
0x50: {  	_ =	shalt  }
0x51: {  	_ =	shalt  }
0x52: {  	_ =	shalt  }
0x53: {  	_ =	shalt  }
0x54: {  	_ =	shalt  }
0x55: {  	_ =	shalt  }
0x56: {  	_ =	shalt  }
0x57: {  	_ =	shalt  }
0x58: {  	_ =	shalt  }
0x59: {  	_ =	shalt  }
0x5a: {  	_ =	shalt  }
0x5b: {  	_ =	shalt  }
0x5c: {  	_ =	shalt  }
0x5d: {  	_ =	shalt  }
0x5e: {  	_ =	shalt  }
0x5f: {  	_ =	shalt  }
0x60: {  	_ =	shalt  }
0x61: {  	_ =	shalt  }
0x62: {  	_ =	shalt  }
0x63: {  	_ =	shalt  }
0x64: {  	_ =	shalt  }
0x65: {  	_ =	shalt  }
0x66: {  	_ =	shalt  }
0x67: {  	_ =	shalt  }
0x68: {  	_ =	shalt  }
0x69: {  	_ =	shalt  }
0x6a: {  	_ =	shalt  }
0x6b: {  	_ =	shalt  }
0x6c: {  	_ =	shalt  }
0x6d: {  	_ =	shalt  }
0x6e: {  	_ =	shalt  }
0x6f: {  	_ =	shalt  }
0x70: {  	_ =	shalt  }
0x71: {  	_ =	shalt  }
0x72: {  	_ =	shalt  }
0x73: {  	_ =	shalt  }
0x74: {  	_ =	shalt  }
0x75: {  	_ =	shalt  }
0x76: {  	_ =	shalt  }
0x77: {  	_ =	shalt  }
0x78: {  	_ =	shalt  }
0x79: {  	_ =	shalt  }
0x7a: {  	_ =	shalt  }
0x7b: {  	_ =	shalt  }
0x7c: {  	_ =	shalt  }
0x7d: {  	_ =	shalt  }
0x7e: {  	_ =	shalt  }
0x7f: {  	_ =	shalt  }
0x80: {  	_ =	shalt  }
0x81: {  	_ =	shalt  }
0x82: {  	_ =	shalt  }
0x83: {  	_ =	shalt  }
0x84: {  	_ =	shalt  }
0x85: {  	_ =	shalt  }
0x86: {  	_ =	shalt  }
0x87: {  	_ =	shalt  }
.Lfunc_end0:
.L_simem_size_0:
called_computation.6_lowered:
.L_overlay_start_0:
0x88: {  	s2 =	sld [smem:$0x3FD9]  }
0x89: {  	s3 =	sld [smem:$0x3FFE];
	_ =	sdelay $0x1  }
0x8a: {  	s1 =	srdreg.scid  }
0x8b: {  	s0 =	sand.u32 $0x1, s1  }
0x8c: {  	s16 =	sshll.u32 s0, $0xA;
	s2 =	sadd.s32 s3, s2  }
0x8d: {  	s2 =	sadd.s32 s2, s16  }
0x8e: {  	[smem:$0x3FB7] =	sst s2  }
0x8f: {  	_ = 	snop  }
0x90: {  	(tm) =	ssettm $0x1  }
0x91: {  	s17 =	sld [smem:$0x3FFB];
	_ =	sdelay $0x3  }
0x92: {  	_ =	strace s17  }
0x93: {  	s2 =	sld [smem:$0x3FFC];
	_ =	sdelay $0x3  }
0x94: {  	_ =	strace s2  }
0x95: {  	s2 =	sld [smem:$0x3FFD];
	_ =	sdelay $0x3  }
0x96: {  	_ =	strace s2  }
0x97: {  	_ =	strace $0x8FFFFFFF  }
0x98: {  	s18 =	sld [smem:$0x3FDB];
	_ =	sdelay $0x1  }
0x99: {  	s19 =	simm.s32 $_scs_section_size  }
0x9a: {  	s4 =	simm.s32 $_size__tile_overlayer_lowered;
	s5 =	simm.s32 $_tile_overlayer_lowered  }
0x9b: {  	s22 =	simm.s32 $0x1BFF;
	s21 =	sshll.u32 s5, $0x1;
	s2 =	sadd.s32 s19, s18  }
0x9c: {  	s6 =	simm.s32 $0x0;
	s20 =	sshll.u32 s4, $0x1;
	s4 =	sadd.s32 s21, s2  }
0x9d: {  	[timem:s6], [sflag:s22] =	dma.local [hbm:s4], s20  }
0x9e: {  	_ =	swait.ge [sflag:s22], s20  }
0x9f: {  	s3 =	ssub.s32 $0x0, s20;
	[sflag:s22] =	ssyncset.done $0x0  }
0xa0: {  	[sflag:s22] =	ssyncadd.s32 s3;
	_ =	sdelay $0x1  }
0xa1: {  	s23 =	simm.s32 $0x1B8B  }
0xa2: {  	_ =	swait.ge [sflag:s23], $0x1  }
0xa3: {  	[sflag:s23] =	ssyncset.done $0x0  }
0xa4: {  	s25 =	simm.s32 $0x1B8E;
	s24 =	sld [smem:$0x3FFE];
	[sflag:s23] =	ssyncadd.s32 $0xFFFFFFFF  }
0xa5: {  	s26 =	simm.s32 $execute0_lowered;
	[smem:$0x3FD2] =	sst s25  }
0xa6: {  	s4 =	sshll.u32 s26, $0x1;
	_ =	strace $0x80000058;
	[dreg:$0x1] =	wrdreg $0xFFFFFFFF  }
0xa7: {  	s28 =	simm.s32 $_size_execute0_lowered;
	s2 =	sadd.s32 s2, s4;
	[dreg:$0x0] =	wrdreg $0x0  }
0xa8: {  	s4 =	sshll.u32 s28, $0x1;
	[dreg:$0x2] =	wrdreg s2  }
0xa9: {  	[dreg:$0x3] =	wrdreg s4  }
0xaa: {  	[dreg:$0x4] =	wrdreg $0xC0  }
0xab: {  	_ =	task [dreg:s6], $0x5FFFF  }
0xac: {  	[dreg:$0x1] =	wrdreg $0xFFFFFFFF  }
0xad: {  	[dreg:$0x0] =	wrdreg $0x60  }
0xae: {  	[dreg:$0x2] =	wrdreg s24  }
0xaf: {  	[dreg:$0x3] =	wrdreg $0xB1000  }
0xb0: {  	[dreg:$0x4] =	wrdreg $0x9  }
0xb1: {  	_ =	task.clear_ibuf [dreg:s6], $0x5FFFF;
	_ =	strace $0x90000058  }
0xb2: {  	s29 =	simm.s32 $0x9;
	_ =	strace $0x8000005A  }
0xb3: {  	_ =	swait.ge [sflag:s29], $0x1  }
0xb4: {  	[sflag:s29] =	ssyncadd.s32 $0xFFFFFFFF  }
0xb5: {  	_ =	strace $0x9000005A  }
0xb6: {  	_ =	sfence  }
0xb7: {  	s30 =	sld [smem:$0x0];
	_ =	sdelay $0x2  }
0xb8: {  	s31 =	sshll.u32 s1, $0xD;
	s1 =	sshrl.u32 s1, $0x2  }
0xb9: {  	s3 =	sand.u32 $0x4000, s31;
	s1 =	sadd.s32 s1, s30  }
0xba: {  	s0 =	sor.u32 s3, s0;
	s1 =	sshll.u32 s1, $0x11  }
0xbb: {  	s0 =	sor.u32 s1, s0  }
0xbc: {  	s0 =	sadd.s32 $0x8F2B, s0  }
0xbd: {  	[sflag:s0] =	ssyncadd.remote.s32 $0x1  }
0xbe: {  	_ =	sfence.sel $0xFFFF  }
0xbf: {  	[dreg:$0x0] =	wrdreg $0xFFFFFFFF;
	(pc) =	sbr.abs _section_cstart, $3  }
0xc0: {  	[dreg:$0x1] =	wrdreg $0xFFFFFFFF  }
0xc1: {  	_ =	task.clear_ibuf [dreg:s6], $0x2FFFF;
	_ =	strace $0x9FFFFFFF  }
0xc2: {  	(tm) =	ssettm $0x7FFFFFFF  }
0xc3: {  	_ =	shalt  }
tec
execute0_lowered:
.L_overlay_start_1:
0x0: {  	(tag) =	ssettag $0x1  }
0x1: {  	s0 =	rddreg [dreg:$0x0]  }
0x2: {  	s1 =	rddreg [dreg:$0x1]  }
0x3: {  	s2 =	srdreg.scid;
	s3 =	simm.s32 $0x0;
	s8 =	stileid.u32  }
0x4: {  	s30 =	simm.s32 $0x3;
	s31 =	simm.s32 $0x4F00;
	s9 =	simm.s32 $0x1  }
0x5: {  	s10 =	simm.s32 $0x4F80;
	s11 =	simm.s32 $0x2;
	s6 =	smul.u32 $0x14000, s8  }
0x6: {  	s12 =	simm.s32 $0x5080;
	s2 =	sand.u32 $0x1, s2;
	s13 =	smul.u32 $0x50000, s8  }
0x7: {  	[smem:$0x7FF] =	sst s3;
	s5 =	smul.u32 $0x140000, s2;
	s4 =	sshll.u32 s2, $0x4  }
0x8: {  	_ =	strace $0x80000059;
	s2 =	ssub.s32 $0x2, s2;
	s7 =	sor.u32 s8, s4  }
0x9: {  	s4 =	sadd.s32 $0x2C800, s0;
	s14 =	sshrl.u32 s2, $0x1;
	s7 =	smul.u32 $0x4E2, s7  }
0xa: {  	s16 =	sshrl.u32 s13, $0x2;
	s8 =	simm.s32 $0x7900;
	s2 =	ssub.s32 s2, s14  }
0xb: {  	s5 =	sadd.s32 s6, s5;
	s18 =	smax.u32 s2, $0x1;
	s7 =	sadd.s32 s7, s0  }
0xc: {  	s5 =	sshrl.u32 s5, $0x3;
	[dreg:$0x6] =	wrdreg s18;
	s15 =	sadd.s32 $0x22A00, s7  }
0xd: {  	s0 =	sadd.s32 s5, s0;
	s17 =	sadd.s32 $0x53A00, s7;
	[dreg:$0x3] =	wrdreg s15  }
0xe: {  	s7 =	sadd.s32 s16, s1;
	s0 =	sadd.s32 $0x5D800, s0;
	[dreg:$0x4] =	wrdreg s17  }
0xf: {  	s13 =	simm.s32 $0x0;
	[dreg:$0x5] =	wrdreg s0;
	s19 =	sadd.s32 $0x1000, s7  }
0x10: {  	s6 =	simm.s32 $0x5000;
	s20 =	sadd.s32 $0x2000, s7;
	[dreg:$0x7] =	wrdreg s19  }
0x11: {  	s2 =	simm.s32 $0x5100;
	s21 =	sadd.s32 $0x3000, s7;
	[dreg:$0x8] =	wrdreg s20  }
0x12: {  	s5 =	simm.s32 $0xA100;
	s22 =	sadd.s32 $0x4000, s7;
	[dreg:$0x9] =	wrdreg s21  }
0x13: {  	s23 =	sadd.s32 $0x5000, s7;
	s24 =	sadd.s32 $0x6000, s7;
	[dreg:$0xa] =	wrdreg s22  }
0x14: {  	s25 =	sadd.s32 $0x7000, s7;
	s26 =	sadd.s32 $0x8000, s7;
	[dreg:$0xb] =	wrdreg s23  }
0x15: {  	s18 =	sadd.s32 $0x9000, s7;
	s28 =	sadd.s32 $0x12000, s7;
	[dreg:$0xc] =	wrdreg s24  }
0x16: {  	s29 =	sadd.s32 $0x13000, s7;
	s0 =	simm.s32 $0x50;
	[dreg:$0xd] =	wrdreg s25  }
0x17: {  	[dreg:$0xe] =	wrdreg s26;
	s19 =	sadd.s32 $0xA000, s7;
	s20 =	sadd.s32 $0xB000, s7  }
0x18: {  	s21 =	sadd.s32 $0xC000, s7;
	s22 =	sadd.s32 $0xD000, s7;
	s23 =	sadd.s32 $0xE000, s7  }
0x19: {  	v0 =	vimm.f32 $0.0e+00;
	s24 =	sadd.s32 $0xF000, s7;
	s25 =	sadd.s32 $0x10000, s7;
	s26 =	sadd.s32 $0x11000, s7  }
.LBB2_1:
0x1a: {  	s14 =	rddreg [dreg:$0x3]  }
0x1b: {  	[tilespmem:s3], [sflag:$0x3] =	stream.linear.gather [hbm4b:s14+s3], $0x2710, $0x38;
	[tilespmem:$0x1F100] =	vst v63  }
0x1c: {  	_ =	swait.ge [sflag:s30], $0x2710  }
0x1d: {  	s15 =	simm.s32 $0x2780;
	[sflag:s30] =	ssyncset.done $0x0  }
0x1e: {  	s16 =	sand.u32 $0x3E00, s3;
	s17 =	rddreg [dreg:$0x4];
	[sflag:s30] =	ssyncadd.s32 $0xFFFFD8F0  }
0x1f: {  	[tilespmem:s15], [sflag:$0x3] =	stream.linear.gather [hbm4b:s17+s3], $0x2710, $0x38;
	[tilespmem:$0x1F100] =	vst v63  }
0x20: {  	s16 =	sshrl.u32 s16, $0x2;
	_ =	swait.ge [sflag:s30], $0x2710  }
0x21: {  	s14 =	simm.s32 $0x40;
	s17 =	sand.u32 $0x70, s3;
	[sflag:s30] =	ssyncset.done $0x0  }
0x22: {  	s15 =	simm.s32 $0x0;
	s16 =	sor.u32 s17, s16;
	[sflag:s30] =	ssyncadd.s32 $0xFFFFD8F0  }
.LBB2_2:
0x23: {  	p0 =	sne.s32 s14, $0x3FC0  }
0x24: {  	[tilespmem:s16+$0xA100] =	vst v0;
	s15 =	sadd.s32 $0x10, s15;
	s16 =	smov.u32 s14;
	s14 =	sadd.s32 $0x40, s14  }
.Ltmp0:
0x25: {  	(pc) =	sbr.rel @p0 .LBB2_2-.Ltmp0, $4  }
0x26: {  	_ = 	snop  }
0x27: {  	s16 =	sand.u32 $0x3E00, s16  }
0x28: {  	s17 =	sand.u32 $0x70, s15;
	s16 =	sshrl.u32 s16, $0x2  }
0x29: {  	s16 =	sor.u32 s17, s16  }
0x2a: {  	[tilespmem:s16+$0xA100] =	vst v0  }
0x2b: {  	v1 =	vld [tilespmem:$0x0]  }
0x2c: {  	v2 =	vld [tilespmem:$0x2780]  }
0x2d: {  	v3 =	vld [tilespmem:$0x10]  }
0x2e: {  	v4 =	vld [tilespmem:$0x2790]  }
0x2f: {  	v5 =	vld [tilespmem:$0x20]  }
0x30: {  	v62 =	vld [tilespmem:$0x40];
	[tilespmem:$0x4F00] =	vst v1  }
0x31: {  	v63 =	vld [tilespmem:$0x27C0];
	[tilespmem:$0x4F80] =	vst v2  }
0x32: {  	v1 =	vld [tilespmem:$0x27A0];
	[tilespmem:$0x4F10] =	vst v3  }
0x33: {  	v2 =	vld [tilespmem:$0x30];
	[tilespmem:$0x4F90] =	vst v4  }
0x34: {  	v3 =	vld [tilespmem:$0x27B0];
	[tilespmem:$0x4F20] =	vst v5  }
0x35: {  	[tilespmem:$0x4F40] =	vst v62  }
0x36: {  	[tilespmem:$0x4FC0] =	vst v63  }
0x37: {  	[tilespmem:$0x4FA0] =	vst v1  }
0x38: {  	[tilespmem:$0x4F30] =	vst v2  }
0x39: {  	[tilespmem:$0x4FB0] =	vst v3  }
0x3a: {  	[tilespmem:s2], [sflag:$0x1] =	stream.indirect.gather [hbm4b:s4+s0], $0x80, s31, s0, $0xb8;
	[tilespmem:$0x1F100] =	vst v63  }
0x3b: {  	_ = 	snop  }
0x3c: {  	[spmem:s7] =	stream.linear.scatter [tilespmem:s5], [sflag:$0x3], $0x1000, $0x38;
	[tilespmem:$0x1F100] =	vst v63  }
0x3d: {  	_ =	swait.ge [sflag:s30], $0x1000  }
0x3e: {  	[sflag:s30] =	ssyncset.done $0x0  }
0x3f: {  	s14 =	rddreg [dreg:$0x7];
	[sflag:s30] =	ssyncadd.s32 $0xFFFFF000  }
0x40: {  	[spmem:s14] =	stream.linear.scatter [tilespmem:s5], [sflag:$0x3], $0x1000, $0x38;
	[tilespmem:$0x1F100] =	vst v63  }
0x41: {  	_ =	swait.ge [sflag:s30], $0x1000  }
0x42: {  	[sflag:s30] =	ssyncset.done $0x0  }
0x43: {  	s16 =	rddreg [dreg:$0x8];
	[sflag:s30] =	ssyncadd.s32 $0xFFFFF000  }
0x44: {  	[spmem:s16] =	stream.linear.scatter [tilespmem:s5], [sflag:$0x3], $0x1000, $0x38;
	[tilespmem:$0x1F100] =	vst v63  }
0x45: {  	_ =	swait.ge [sflag:s30], $0x1000  }
0x46: {  	[sflag:s30] =	ssyncset.done $0x0  }
0x47: {  	s17 =	rddreg [dreg:$0x9];
	[sflag:s30] =	ssyncadd.s32 $0xFFFFF000  }
0x48: {  	[spmem:s17] =	stream.linear.scatter [tilespmem:s5], [sflag:$0x3], $0x1000, $0x38;
	[tilespmem:$0x1F100] =	vst v63  }
0x49: {  	_ =	swait.ge [sflag:s30], $0x1000  }
0x4a: {  	[sflag:s30] =	ssyncset.done $0x0  }
0x4b: {  	s15 =	rddreg [dreg:$0xa];
	[sflag:s30] =	ssyncadd.s32 $0xFFFFF000  }
0x4c: {  	[spmem:s15] =	stream.linear.scatter [tilespmem:s5], [sflag:$0x3], $0x1000, $0x38;
	[tilespmem:$0x1F100] =	vst v63  }
0x4d: {  	_ =	swait.ge [sflag:s30], $0x1000  }
0x4e: {  	[sflag:s30] =	ssyncset.done $0x0  }
0x4f: {  	s16 =	rddreg [dreg:$0xb];
	[sflag:s30] =	ssyncadd.s32 $0xFFFFF000  }
0x50: {  	[spmem:s16] =	stream.linear.scatter [tilespmem:s5], [sflag:$0x3], $0x1000, $0x38;
	[tilespmem:$0x1F100] =	vst v63  }
0x51: {  	_ =	swait.ge [sflag:s30], $0x1000  }
0x52: {  	[sflag:s30] =	ssyncset.done $0x0  }
0x53: {  	s17 =	rddreg [dreg:$0xc];
	[sflag:s30] =	ssyncadd.s32 $0xFFFFF000  }
0x54: {  	[spmem:s17] =	stream.linear.scatter [tilespmem:s5], [sflag:$0x3], $0x1000, $0x38;
	[tilespmem:$0x1F100] =	vst v63  }
0x55: {  	_ =	swait.ge [sflag:s30], $0x1000  }
0x56: {  	[sflag:s30] =	ssyncset.done $0x0  }
0x57: {  	s15 =	rddreg [dreg:$0xd];
	[sflag:s30] =	ssyncadd.s32 $0xFFFFF000  }
0x58: {  	[spmem:s15] =	stream.linear.scatter [tilespmem:s5], [sflag:$0x3], $0x1000, $0x38;
	[tilespmem:$0x1F100] =	vst v63  }
0x59: {  	_ =	swait.ge [sflag:s30], $0x1000  }
0x5a: {  	[sflag:s30] =	ssyncset.done $0x0  }
0x5b: {  	s16 =	rddreg [dreg:$0xe];
	[sflag:s30] =	ssyncadd.s32 $0xFFFFF000  }
0x5c: {  	[spmem:s16] =	stream.linear.scatter [tilespmem:s5], [sflag:$0x3], $0x1000, $0x38;
	[tilespmem:$0x1F100] =	vst v63  }
0x5d: {  	_ =	swait.ge [sflag:s30], $0x1000  }
0x5e: {  	[sflag:s30] =	ssyncset.done $0x0  }
0x5f: {  	[sflag:s30] =	ssyncadd.s32 $0xFFFFF000  }
0x60: {  	[spmem:s18] =	stream.linear.scatter [tilespmem:s5], [sflag:$0x3], $0x1000, $0x38;
	[tilespmem:$0x1F100] =	vst v63  }
0x61: {  	_ =	swait.ge [sflag:s30], $0x1000  }
0x62: {  	[sflag:s30] =	ssyncset.done $0x0  }
0x63: {  	[sflag:s30] =	ssyncadd.s32 $0xFFFFF000  }
0x64: {  	[spmem:s19] =	stream.linear.scatter [tilespmem:s5], [sflag:$0x3], $0x1000, $0x38;
	[tilespmem:$0x1F100] =	vst v63  }
0x65: {  	_ =	swait.ge [sflag:s30], $0x1000  }
0x66: {  	[sflag:s30] =	ssyncset.done $0x0  }
0x67: {  	[sflag:s30] =	ssyncadd.s32 $0xFFFFF000  }
0x68: {  	[spmem:s20] =	stream.linear.scatter [tilespmem:s5], [sflag:$0x3], $0x1000, $0x38;
	[tilespmem:$0x1F100] =	vst v63  }
0x69: {  	_ =	swait.ge [sflag:s30], $0x1000  }
0x6a: {  	[sflag:s30] =	ssyncset.done $0x0  }
0x6b: {  	[sflag:s30] =	ssyncadd.s32 $0xFFFFF000  }
0x6c: {  	[spmem:s21] =	stream.linear.scatter [tilespmem:s5], [sflag:$0x3], $0x1000, $0x38;
	[tilespmem:$0x1F100] =	vst v63  }
0x6d: {  	_ =	swait.ge [sflag:s30], $0x1000  }
0x6e: {  	[sflag:s30] =	ssyncset.done $0x0  }
0x6f: {  	[sflag:s30] =	ssyncadd.s32 $0xFFFFF000  }
0x70: {  	[spmem:s22] =	stream.linear.scatter [tilespmem:s5], [sflag:$0x3], $0x1000, $0x38;
	[tilespmem:$0x1F100] =	vst v63  }
0x71: {  	_ =	swait.ge [sflag:s30], $0x1000  }
0x72: {  	[sflag:s30] =	ssyncset.done $0x0  }
0x73: {  	[sflag:s30] =	ssyncadd.s32 $0xFFFFF000  }
0x74: {  	[spmem:s23] =	stream.linear.scatter [tilespmem:s5], [sflag:$0x3], $0x1000, $0x38;
	[tilespmem:$0x1F100] =	vst v63  }
0x75: {  	_ =	swait.ge [sflag:s30], $0x1000  }
0x76: {  	[sflag:s30] =	ssyncset.done $0x0  }
0x77: {  	[sflag:s30] =	ssyncadd.s32 $0xFFFFF000  }
0x78: {  	[spmem:s24] =	stream.linear.scatter [tilespmem:s5], [sflag:$0x3], $0x1000, $0x38;
	[tilespmem:$0x1F100] =	vst v63  }
0x79: {  	_ =	swait.ge [sflag:s30], $0x1000  }
0x7a: {  	[sflag:s30] =	ssyncset.done $0x0  }
0x7b: {  	[sflag:s30] =	ssyncadd.s32 $0xFFFFF000  }
0x7c: {  	[spmem:s25] =	stream.linear.scatter [tilespmem:s5], [sflag:$0x3], $0x1000, $0x38;
	[tilespmem:$0x1F100] =	vst v63  }
0x7d: {  	_ =	swait.ge [sflag:s30], $0x1000  }
0x7e: {  	[sflag:s30] =	ssyncset.done $0x0  }
0x7f: {  	[sflag:s30] =	ssyncadd.s32 $0xFFFFF000  }
0x80: {  	[spmem:s26] =	stream.linear.scatter [tilespmem:s5], [sflag:$0x3], $0x1000, $0x38;
	[tilespmem:$0x1F100] =	vst v63  }
0x81: {  	_ =	swait.ge [sflag:s30], $0x1000  }
0x82: {  	[sflag:s30] =	ssyncset.done $0x0  }
0x83: {  	[sflag:s30] =	ssyncadd.s32 $0xFFFFF000  }
0x84: {  	[spmem:s28] =	stream.linear.scatter [tilespmem:s5], [sflag:$0x3], $0x1000, $0x38;
	[tilespmem:$0x1F100] =	vst v63  }
0x85: {  	_ =	swait.ge [sflag:s30], $0x1000  }
0x86: {  	[sflag:s30] =	ssyncset.done $0x0  }
0x87: {  	[sflag:s30] =	ssyncadd.s32 $0xFFFFF000  }
0x88: {  	[spmem:s29] =	stream.linear.scatter [tilespmem:s5], [sflag:$0x3], $0x1000, $0x38;
	[tilespmem:$0x1F100] =	vst v63  }
0x89: {  	_ =	swait.ge [sflag:s30], $0x1000  }
0x8a: {  	[sflag:s30] =	ssyncset.done $0x0  }
0x8b: {  	[sflag:s30] =	ssyncadd.s32 $0xFFFFF000  }
0x8c: {  	s14 =	simm.s32 $0x70;
	[bflag:$0x0] =	sbarrier.arrive $0xFFFF  }
0x8d: {  	v1 =	vld [tilespmem:s14+$0xFFFFFFE0];
	_ =	sdelay $0x4  }
0x8e: {  	s15 =	simm.s32 $0x27F0;
	[tilespmem:$0x5000] =	vst v1  }
0x8f: {  	v1 =	vld [tilespmem:s15+$0xFFFFFFE0];
	_ =	sdelay $0x4  }
0x90: {  	[tilespmem:$0x5080] =	vst v1  }
0x91: {  	v1 =	vld [tilespmem:s14+$0xFFFFFFF0];
	_ =	sdelay $0x4  }
0x92: {  	[tilespmem:$0x5010] =	vst v1  }
0x93: {  	v1 =	vld [tilespmem:s15+$0xFFFFFFF0];
	_ =	sdelay $0x4  }
0x94: {  	[tilespmem:$0x5090] =	vst v1  }
0x95: {  	v1 =	vld [tilespmem:s14+$0x0];
	_ =	sdelay $0x4  }
0x96: {  	[tilespmem:$0x5020] =	vst v1  }
0x97: {  	v1 =	vld [tilespmem:s15+$0x0];
	_ =	sdelay $0x3  }
0x98: {  	s17 =	simm.s32 $0x0  }
0x99: {  	s16 =	sand.u32 $0x3FE0, s17;
	[tilespmem:$0x50A0] =	vst v1  }
0x9a: {  	v1 =	vld [tilespmem:s16+$0x80];
	_ =	sdelay $0x4  }
0x9b: {  	[tilespmem:$0x5030] =	vst v1  }
0x9c: {  	v1 =	vld [tilespmem:s16+$0x2800];
	_ =	sdelay $0x4  }
0x9d: {  	[tilespmem:$0x50B0] =	vst v1  }
0x9e: {  	v1 =	vld [tilespmem:s14+$0x20];
	_ =	sdelay $0x4  }
0x9f: {  	[tilespmem:$0x5040] =	vst v1  }
0xa0: {  	v1 =	vld [tilespmem:s15+$0x20];
	_ =	sdelay $0x4  }
0xa1: {  	[tilespmem:$0x50C0] =	vst v1  }
0xa2: {  	[tilespmem:s8], [sflag:$0x2] =	stream.indirect.gather [hbm4b:s4+s0], $0x80, s6, s0, $0xb8;
	[tilespmem:$0x1F100] =	vst v63  }
0xa3: {  	_ =	swait.ge [sflag:s9], $0x2800  }
0xa4: {  	[sflag:s9] =	ssyncset.done $0x0  }
0xa5: {  	[sflag:s9] =	ssyncadd.s32 $0xFFFFD800  }
0xa6: {  	[spmem:s1] =	stream.indirect.scatter.add.f32 [tilespmem:s2], [sflag:$0x3], $0x80, s10, s0, $0xb8;
	[tilespmem:$0x1F100] =	vst v63  }
0xa7: {  	_ =	swait.ge [sflag:s30], $0x2800  }
0xa8: {  	[sflag:s30] =	ssyncset.done $0x0  }
0xa9: {  	[sflag:s30] =	ssyncadd.s32 $0xFFFFD800  }
0xaa: {  	v1 =	vld [tilespmem:s14+$0x30];
	_ =	sdelay $0x4  }
0xab: {  	[tilespmem:$0x4F00] =	vst v1  }
0xac: {  	v1 =	vld [tilespmem:s15+$0x30];
	_ =	sdelay $0x4  }
0xad: {  	[tilespmem:$0x4F80] =	vst v1  }
0xae: {  	v1 =	vld [tilespmem:s14+$0x40];
	_ =	sdelay $0x4  }
0xaf: {  	[tilespmem:$0x4F10] =	vst v1  }
0xb0: {  	v1 =	vld [tilespmem:s15+$0x40];
	_ =	sdelay $0x4  }
0xb1: {  	[tilespmem:$0x4F90] =	vst v1  }
0xb2: {  	v1 =	vld [tilespmem:s14+$0x50];
	_ =	sdelay $0x4  }
0xb3: {  	[tilespmem:$0x4F20] =	vst v1  }
0xb4: {  	v1 =	vld [tilespmem:s15+$0x50];
	_ =	sdelay $0x4  }
0xb5: {  	[tilespmem:$0x4FA0] =	vst v1  }
0xb6: {  	v1 =	vld [tilespmem:s14+$0x60];
	_ =	sdelay $0x4  }
0xb7: {  	[tilespmem:$0x4F30] =	vst v1  }
0xb8: {  	v1 =	vld [tilespmem:s15+$0x60];
	_ =	sdelay $0x4  }
0xb9: {  	[tilespmem:$0x4FB0] =	vst v1  }
0xba: {  	v1 =	vld [tilespmem:s14+$0x70];
	_ =	sdelay $0x4  }
0xbb: {  	[tilespmem:$0x4F40] =	vst v1  }
0xbc: {  	v1 =	vld [tilespmem:s15+$0x70];
	_ =	sdelay $0x4  }
0xbd: {  	[tilespmem:$0x4FC0] =	vst v1  }
0xbe: {  	[tilespmem:s2], [sflag:$0x1] =	stream.indirect.gather [hbm4b:s4+s0], $0x80, s31, s0, $0xb8;
	[tilespmem:$0x1F100] =	vst v63  }
0xbf: {  	_ =	swait.ge [sflag:s11], $0x2800  }
0xc0: {  	[sflag:s11] =	ssyncset.done $0x0  }
0xc1: {  	[sflag:s11] =	ssyncadd.s32 $0xFFFFD800  }
0xc2: {  	[spmem:s1] =	stream.indirect.scatter.add.f32 [tilespmem:s8], [sflag:$0x3], $0x80, s12, s0, $0xb8;
	[tilespmem:$0x1F100] =	vst v63  }
0xc3: {  	_ =	swait.ge [sflag:s30], $0x2800  }
0xc4: {  	s16 =	simm.s32 $0xA0;
	[sflag:s30] =	ssyncset.done $0x0  }
.LBB2_4:
0xc5: {  	[sflag:s30] =	ssyncadd.s32 $0xFFFFD800;
	s15 =	sadd.s32 $0xA0, s15;
	s14 =	sadd.s32 $0xA0, s14  }
0xc6: {  	p0 =	sne.s32 s16, $0x2620;
	s17 =	smov.u32 s16;
	s16 =	sadd.s32 $0xA0, s16;
	v1 =	vld [tilespmem:s14+$0xFFFFFFE0]  }
0xc7: {  	_ =	sdelay $0x3  }
0xc8: {  	[tilespmem:$0x5000] =	vst v1  }
0xc9: {  	v1 =	vld [tilespmem:s15+$0xFFFFFFE0];
	_ =	sdelay $0x4  }
0xca: {  	[tilespmem:$0x5080] =	vst v1  }
0xcb: {  	v1 =	vld [tilespmem:s14+$0xFFFFFFF0];
	_ =	sdelay $0x4  }
0xcc: {  	[tilespmem:$0x5010] =	vst v1  }
0xcd: {  	v1 =	vld [tilespmem:s15+$0xFFFFFFF0];
	_ =	sdelay $0x4  }
0xce: {  	[tilespmem:$0x5090] =	vst v1  }
0xcf: {  	v1 =	vld [tilespmem:s14+$0x0];
	_ =	sdelay $0x4  }
0xd0: {  	[tilespmem:$0x5020] =	vst v1  }
0xd1: {  	v1 =	vld [tilespmem:s15+$0x0];
	_ =	sdelay $0x4  }
0xd2: {  	s17 =	sand.u32 $0x3FE0, s17;
	[tilespmem:$0x50A0] =	vst v1  }
0xd3: {  	v1 =	vld [tilespmem:s17+$0x80];
	_ =	sdelay $0x4  }
0xd4: {  	[tilespmem:$0x5030] =	vst v1  }
0xd5: {  	v1 =	vld [tilespmem:s17+$0x2800];
	_ =	sdelay $0x4  }
0xd6: {  	[tilespmem:$0x50B0] =	vst v1  }
0xd7: {  	v1 =	vld [tilespmem:s14+$0x20];
	_ =	sdelay $0x4  }
0xd8: {  	[tilespmem:$0x5040] =	vst v1  }
0xd9: {  	v1 =	vld [tilespmem:s15+$0x20];
	_ =	sdelay $0x4  }
0xda: {  	[tilespmem:$0x50C0] =	vst v1  }
0xdb: {  	[tilespmem:s8], [sflag:$0x2] =	stream.indirect.gather [hbm4b:s4+s0], $0x80, s6, s0, $0xb8;
	[tilespmem:$0x1F100] =	vst v63  }
0xdc: {  	_ =	swait.ge [sflag:s9], $0x2800  }
0xdd: {  	[sflag:s9] =	ssyncset.done $0x0  }
0xde: {  	[sflag:s9] =	ssyncadd.s32 $0xFFFFD800  }
0xdf: {  	[spmem:s1] =	stream.indirect.scatter.add.f32 [tilespmem:s2], [sflag:$0x3], $0x80, s10, s0, $0xb8;
	[tilespmem:$0x1F100] =	vst v63  }
0xe0: {  	_ =	swait.ge [sflag:s30], $0x2800  }
0xe1: {  	[sflag:s30] =	ssyncset.done $0x0  }
0xe2: {  	[sflag:s30] =	ssyncadd.s32 $0xFFFFD800  }
0xe3: {  	v1 =	vld [tilespmem:s14+$0x30];
	_ =	sdelay $0x4  }
0xe4: {  	[tilespmem:$0x4F00] =	vst v1  }
0xe5: {  	v1 =	vld [tilespmem:s15+$0x30];
	_ =	sdelay $0x4  }
0xe6: {  	[tilespmem:$0x4F80] =	vst v1  }
0xe7: {  	v1 =	vld [tilespmem:s14+$0x40];
	_ =	sdelay $0x4  }
0xe8: {  	[tilespmem:$0x4F10] =	vst v1  }
0xe9: {  	v1 =	vld [tilespmem:s15+$0x40];
	_ =	sdelay $0x4  }
0xea: {  	[tilespmem:$0x4F90] =	vst v1  }
0xeb: {  	v1 =	vld [tilespmem:s14+$0x50];
	_ =	sdelay $0x4  }
0xec: {  	[tilespmem:$0x4F20] =	vst v1  }
0xed: {  	v1 =	vld [tilespmem:s15+$0x50];
	_ =	sdelay $0x4  }
0xee: {  	[tilespmem:$0x4FA0] =	vst v1  }
0xef: {  	v1 =	vld [tilespmem:s14+$0x60];
	_ =	sdelay $0x4  }
0xf0: {  	[tilespmem:$0x4F30] =	vst v1  }
0xf1: {  	v1 =	vld [tilespmem:s15+$0x60];
	_ =	sdelay $0x4  }
0xf2: {  	[tilespmem:$0x4FB0] =	vst v1  }
0xf3: {  	v1 =	vld [tilespmem:s14+$0x70];
	_ =	sdelay $0x4  }
0xf4: {  	[tilespmem:$0x4F40] =	vst v1  }
0xf5: {  	v1 =	vld [tilespmem:s15+$0x70];
	_ =	sdelay $0x4  }
0xf6: {  	[tilespmem:$0x4FC0] =	vst v1  }
0xf7: {  	[tilespmem:s2], [sflag:$0x1] =	stream.indirect.gather [hbm4b:s4+s0], $0x80, s31, s0, $0xb8;
	[tilespmem:$0x1F100] =	vst v63  }
0xf8: {  	_ =	swait.ge [sflag:s11], $0x2800  }
.Ltmp1:
0xf9: {  	[sflag:s11] =	ssyncset.done $0x0;
	(pc) =	sbr.rel @p0 .LBB2_4-.Ltmp1, $4  }
0xfa: {  	[sflag:s11] =	ssyncadd.s32 $0xFFFFD800  }
0xfb: {  	[spmem:s1] =	stream.indirect.scatter.add.f32 [tilespmem:s8], [sflag:$0x3], $0x80, s12, s0, $0xb8;
	[tilespmem:$0x1F100] =	vst v63  }
0xfc: {  	_ =	swait.ge [sflag:s30], $0x2800  }
0xfd: {  	[sflag:s30] =	ssyncset.done $0x0  }
0xfe: {  	[sflag:s30] =	ssyncadd.s32 $0xFFFFD800  }
0xff: {  	_ =	swait.ge [sflag:s9], $0x2800  }
0x100: {  	[sflag:s9] =	ssyncset.done $0x0  }
0x101: {  	[sflag:s9] =	ssyncadd.s32 $0xFFFFD800  }
0x102: {  	[spmem:s1] =	stream.indirect.scatter.add.f32 [tilespmem:s2], [sflag:$0x3], $0x80, s10, s0, $0xb8;
	[tilespmem:$0x1F100] =	vst v63  }
0x103: {  	_ =	swait.ge [sflag:s30], $0x2800  }
0x104: {  	[sflag:s30] =	ssyncset.done $0x0  }
0x105: {  	s14 =	stileid.u32;
	[sflag:s30] =	ssyncadd.s32 $0xFFFFD800  }
0x106: {  	s14 =	sshll.u32 s14, $0x6;
	[bflag:$0x0] =	sbarrier.arrive $0xFFFF  }
0x107: {  	s15 =	sshrl.u32 s7, $0x3;
	s14 =	sor.u32 $0x1C03, s14;
	s16 =	rddreg [dreg:$0x5]  }
0x108: {  	[hbm:s16], [sflag:s14] =	dma.local [spmem:s15], $0x2800  }
0x109: {  	_ =	swait.ge [sflag:s30], $0x2800  }
0x10a: {  	s13 =	sadd.s32 $0x1, s13;
	s17 =	rddreg [dreg:$0x6]  }
0x10b: {  	p0 =	sne.s32 s13, s17  }
.Ltmp2:
0x10c: {  	_ = 	snop;
	(pc) =	sbr.rel @p0 .LBB2_1-.Ltmp2, $3  }
0x10d: {  	_ =	sdelay $0x1  }
0x10e: {  	[sflag:s30] =	ssyncset.done $0x0  }
0x10f: {  	[sflag:s30] =	ssyncadd.s32 $0xFFFFD800  }
0x110: {  	_ =	sfence.sel $0x180000  }
0x111: {  	[bflag:$0x0] =	sbarrier.arrive $0xFFFF  }
0x112: {  	_ =	strace $0x90000059  }
0x113: {  	s0 =	stileid.u32;
	[bflag:$0x2] =	sbarrier.arrive $0xFFFF  }
0x114: {  	p0 =	sne.s32 s0, $0x0;
	s0 =	rddreg [dreg:$0x2]  }
0x115: {  	s0 =	sadd.s32 @!p0 $0x100000, s0  }
0x116: {  	[sflag:s0] =	ssyncadd.tile.s32 @!p0 $0x1;
	_ =	shalt  }
.Lfunc_end2:
_tile_overlayer_lowered:
.L_overlay_start_2:
0x117: {  	(tag) =	ssettag $0x2  }
0x118: {  	s0 =	rddreg [dreg:$0x0];
	s2 =	stileid.u32  }
0x119: {  	s1 =	rddreg [dreg:$0x1];
	p0 =	sne.s32 s2, $0x0  }
0x11a: {  	s3 =	rddreg [dreg:$0x2];
	[bflag:$0x3] =	sbarrier.arrive $0xFFFF;
	s2 =	simm.s32 @!p0 $0x1C03  }
0x11b: {  	[timem:s3], [sflag:s2] =	dma.local @!p0 [hbm:s0], s1  }
0x11c: {  	s0 =	simm.s32 @!p0 $0x3  }
0x11d: {  	_ =	swait.ge @!p0 [sflag:s0], s1  }
0x11e: {  	s1 =	ssub.s32 @!p0 $0x0, s1;
	[sflag:s0] =	ssyncset.done @!p0 $0x0  }
0x11f: {  	[sflag:s0] =	ssyncadd.s32 @!p0 s1  }
0x120: {  	[bflag:$0x3] =	sbarrier.arrive $0xFFFF  }
0x121: {  	_ =	shalt  }

// kernel: kernel.30.cloned.1.call-start
scs
__scs_entry_jumppad:
0x0: {  	(pc) =	sbr.rel $0x88, $3  }
0x1: {  	(tag) =	ssettag $0x0;
	lr =	simm.s32 $0x1  }
0x2: {  	[smem:$0x3F90] =	sst lr;
	_ =	strace $0xD0000000  }
0x3: {  	_ = 	snop  }
0x4: {  	_ = 	snop  }
0x5: {  	_ = 	snop  }
0x6: {  	_ = 	snop  }
0x7: {  	_ = 	snop  }
__scs_overlays_trampoline_lowered:
0x8: {  	[smem:$0x3F9F] =	sst s0  }
0x9: {  	[smem:$0x3FA0] =	sst s1  }
0xa: {  	[smem:$0x3FA1] =	sst s2  }
0xb: {  	[smem:$0x3FA2] =	sst s3  }
0xc: {  	[smem:$0x3FA3] =	sst s4  }
0xd: {  	[smem:$0x3FA4] =	sst s5  }
0xe: {  	[smem:$0x3FA5] =	sst s6  }
0xf: {  	[smem:$0x3FA6] =	sst s7  }
0x10: {  	[smem:$0x3FA7] =	sst s8  }
0x11: {  	[smem:$0x3FA8] =	sst s9;
	s0 =	simm.s32 @!p0 $0x0  }
0x12: {  	s1 =	sld [smem:$0x3F8E];
	s0 =	simm.s32 @p0 $0x1  }
0x13: {  	[smem:$0x3FA9] =	sst s0;
	s0 =	simm.s32 @!p1 $0x0  }
0x14: {  	s2 =	sld [smem:$0x3F8D];
	s0 =	simm.s32 @p1 $0x1  }
0x15: {  	[smem:$0x3FAA] =	sst s0;
	s0 =	simm.s32 @!p2 $0x0  }
0x16: {  	s3 =	sld [smem:$0x3FDB];
	s0 =	simm.s32 @p2 $0x1  }
0x17: {  	s4 =	simm.s32 $0x1BF5;
	[smem:$0x3FAC] =	sst s0  }
0x18: {  	s0 =	sld [smem:$0x3F8F];
	_ =	swait.ge [sflag:s4], $0x0  }
0x19: {  	s7 =	sld [smem:$0x3F90]  }
0x1a: {  	s8 =	sadd.s32 $0xFFFFE003, lr  }
0x1b: {  	s9 =	sadd.s32 $0xFFFFFEF7, lr;
	s5 =	simm.s32 $0xFFFFFFFF;
	p2 =	slt.u32 s8, $0xFFFFF086  }
0x1c: {  	p1 =	slt.u32 s9, $0xF7A;
	s5 =	simm.s32 @!p2 $0x0  }
0x1d: {  	s5 =	simm.s32 @p1 $0x1;
	p0 =	seq.s32 s7, s2  }
0x1e: {  	s7 =	smul.u32 @!p0 $0xF7A, s2;
	p2 =	seq.s32 @!p0 s5, $0x0  }
0x1f: {  	s9 =	smul.u32 $0xF7A, s1;
	s8 =	simm.s32 @!p0 $0x1BF5;
	p2 =	por !p2, p0  }
0x20: {  	[sflag:s8] =	ssyncset.s32 @!p0 $0xFFFFF086;
	s6 =	sadd.s32 @!p0 s3, s7;
	s7 =	simm.s32 @!p0 $0x108  }
0x21: {  	s3 =	sadd.s32 s3, s9;
	s6 =	sadd.s32 @!p0 $0x88, s6;
	s7 =	simm.s32 @p2 $0x1082  }
0x22: {  	[simem:s7], [sflag:s8] =	dma.local @!p0 [hbm:s6], $0xF7A  }
0x23: {  	s9 =	sor.u32 $0xD0000000, s2;
	s6 =	simm.s32 $0x108;
	_ =	swait.ge @!p0 [sflag:s8], $0x0  }
0x24: {  	s3 =	sadd.s32 $0x88, s3;
	s6 =	simm.s32 @!p1 $0x1082;
	[sflag:s4] =	ssyncset.s32 $0xFFFFF086  }
0x25: {  	[simem:s6], [sflag:s4] =	dma.local [hbm:s3], $0xF7A  }
0x26: {  	[smem:$0x3F90] =	sst s1;
	(tag) =	ssettag s2;
	_ =	strace s9  }
0x27: {  	s1 =	sld [smem:$0x3FA0]  }
0x28: {  	s2 =	sld [smem:$0x3FA1]  }
0x29: {  	s4 =	sld [smem:$0x3FA3]  }
0x2a: {  	p0 =	seq.s32 s5, $0x0;
	s5 =	sld [smem:$0x3FA4]  }
0x2b: {  	s6 =	sld [smem:$0x3FA5]  }
0x2c: {  	s7 =	sld [smem:$0x3FA6]  }
0x2d: {  	s3 =	simm.s32 $0x108;
	s8 =	sld [smem:$0x3FA7]  }
0x2e: {  	s3 =	simm.s32 @!p0 $0x1082;
	s9 =	sld [smem:$0x3FA8]  }
0x2f: {  	lr =	sadd.s32 s0, s3;
	s0 =	sld [smem:$0x3F9F]  }
0x30: {  	s3 =	sld [smem:$0x3FA2]  }
0x31: {  	[smem:$0x3FAB] =	sst s10  }
0x32: {  	s10 =	sld [smem:$0x3FA9];
	_ =	sdelay $0x3  }
0x33: {  	p0 =	seq.s32 s10, $0x1;
	s10 =	sld [smem:$0x3FAB];
	_ =	sdelay $0x3  }
0x34: {  	[smem:$0x3FAB] =	sst s10  }
0x35: {  	s10 =	sld [smem:$0x3FAA];
	_ =	sdelay $0x3  }
0x36: {  	p1 =	seq.s32 s10, $0x1;
	s10 =	sld [smem:$0x3FAB];
	_ =	sdelay $0x3  }
0x37: {  	[smem:$0x3FAB] =	sst s10  }
0x38: {  	s10 =	sld [smem:$0x3FAC]  }
0x39: {  	_ = 	snop;
	(pc) =	sbr.ind lr, $3  }
0x3a: {  	_ = 	snop  }
0x3b: {  	_ = 	snop  }
0x3c: {  	p2 =	seq.s32 s10, $0x1;
	s10 =	sld [smem:$0x3FAB]  }
0x3d: {  	_ =	shalt  }
0x3e: {  	_ =	shalt  }
0x3f: {  	_ =	shalt  }
0x40: {  	_ =	shalt  }
0x41: {  	_ =	shalt  }
0x42: {  	_ =	shalt  }
0x43: {  	_ =	shalt  }
0x44: {  	_ =	shalt  }
0x45: {  	_ =	shalt  }
0x46: {  	_ =	shalt  }
0x47: {  	_ =	shalt  }
0x48: {  	_ =	shalt  }
0x49: {  	_ =	shalt  }
0x4a: {  	_ =	shalt  }
0x4b: {  	_ =	shalt  }
0x4c: {  	_ =	shalt  }
0x4d: {  	_ =	shalt  }
0x4e: {  	_ =	shalt  }
0x4f: {  	_ =	shalt  }
0x50: {  	_ =	shalt  }
0x51: {  	_ =	shalt  }
0x52: {  	_ =	shalt  }
0x53: {  	_ =	shalt  }
0x54: {  	_ =	shalt  }
0x55: {  	_ =	shalt  }
0x56: {  	_ =	shalt  }
0x57: {  	_ =	shalt  }
0x58: {  	_ =	shalt  }
0x59: {  	_ =	shalt  }
0x5a: {  	_ =	shalt  }
0x5b: {  	_ =	shalt  }
0x5c: {  	_ =	shalt  }
0x5d: {  	_ =	shalt  }
0x5e: {  	_ =	shalt  }
0x5f: {  	_ =	shalt  }
0x60: {  	_ =	shalt  }
0x61: {  	_ =	shalt  }
0x62: {  	_ =	shalt  }
0x63: {  	_ =	shalt  }
0x64: {  	_ =	shalt  }
0x65: {  	_ =	shalt  }
0x66: {  	_ =	shalt  }
0x67: {  	_ =	shalt  }
0x68: {  	_ =	shalt  }
0x69: {  	_ =	shalt  }
0x6a: {  	_ =	shalt  }
0x6b: {  	_ =	shalt  }
0x6c: {  	_ =	shalt  }
0x6d: {  	_ =	shalt  }
0x6e: {  	_ =	shalt  }
0x6f: {  	_ =	shalt  }
0x70: {  	_ =	shalt  }
0x71: {  	_ =	shalt  }
0x72: {  	_ =	shalt  }
0x73: {  	_ =	shalt  }
0x74: {  	_ =	shalt  }
0x75: {  	_ =	shalt  }
0x76: {  	_ =	shalt  }
0x77: {  	_ =	shalt  }
0x78: {  	_ =	shalt  }
0x79: {  	_ =	shalt  }
0x7a: {  	_ =	shalt  }
0x7b: {  	_ =	shalt  }
0x7c: {  	_ =	shalt  }
0x7d: {  	_ =	shalt  }
0x7e: {  	_ =	shalt  }
0x7f: {  	_ =	shalt  }
0x80: {  	_ =	shalt  }
0x81: {  	_ =	shalt  }
0x82: {  	_ =	shalt  }
0x83: {  	_ =	shalt  }
0x84: {  	_ =	shalt  }
0x85: {  	_ =	shalt  }
0x86: {  	_ =	shalt  }
0x87: {  	_ =	shalt  }
.Lfunc_end0:
.L_simem_size_0:
called_computation.7_lowered:
.L_overlay_start_0:
0x88: {  	s2 =	sld [smem:$0x3FD9]  }
0x89: {  	s3 =	sld [smem:$0x3FFE];
	_ =	sdelay $0x1  }
0x8a: {  	s1 =	srdreg.scid  }
0x8b: {  	s0 =	sand.u32 $0x1, s1  }
0x8c: {  	s16 =	sshll.u32 s0, $0xA;
	s2 =	sadd.s32 s3, s2  }
0x8d: {  	s2 =	sadd.s32 s2, s16  }
0x8e: {  	[smem:$0x3FB7] =	sst s2  }
0x8f: {  	_ = 	snop  }
0x90: {  	(tm) =	ssettm $0x1  }
0x91: {  	s17 =	sld [smem:$0x3FFB];
	_ =	sdelay $0x3  }
0x92: {  	_ =	strace s17  }
0x93: {  	s2 =	sld [smem:$0x3FFC];
	_ =	sdelay $0x3  }
0x94: {  	_ =	strace s2  }
0x95: {  	s2 =	sld [smem:$0x3FFD];
	_ =	sdelay $0x3  }
0x96: {  	_ =	strace s2  }
0x97: {  	_ =	strace $0x8FFFFFFF  }
0x98: {  	s18 =	sld [smem:$0x3FDB];
	_ =	sdelay $0x1  }
0x99: {  	s19 =	simm.s32 $_scs_section_size  }
0x9a: {  	s4 =	simm.s32 $_size__tile_overlayer_lowered;
	s5 =	simm.s32 $_tile_overlayer_lowered  }
0x9b: {  	s22 =	simm.s32 $0x1BFF;
	s21 =	sshll.u32 s5, $0x1;
	s2 =	sadd.s32 s19, s18  }
0x9c: {  	s6 =	simm.s32 $0x0;
	s20 =	sshll.u32 s4, $0x1;
	s4 =	sadd.s32 s21, s2  }
0x9d: {  	[timem:s6], [sflag:s22] =	dma.local [hbm:s4], s20  }
0x9e: {  	_ =	swait.ge [sflag:s22], s20  }
0x9f: {  	s3 =	ssub.s32 $0x0, s20;
	[sflag:s22] =	ssyncset.done $0x0  }
0xa0: {  	[sflag:s22] =	ssyncadd.s32 s3;
	_ =	sdelay $0x1  }
0xa1: {  	s23 =	simm.s32 $0x1B8B  }
0xa2: {  	_ =	swait.ge [sflag:s23], $0x1  }
0xa3: {  	[sflag:s23] =	ssyncset.done $0x0  }
0xa4: {  	s25 =	simm.s32 $0x1B8E;
	s24 =	sld [smem:$0x3FFE];
	[sflag:s23] =	ssyncadd.s32 $0xFFFFFFFF  }
0xa5: {  	s26 =	simm.s32 $execute0_lowered;
	[smem:$0x3FD2] =	sst s25  }
0xa6: {  	s4 =	sshll.u32 s26, $0x1;
	_ =	strace $0x8000005B;
	[dreg:$0x1] =	wrdreg $0xFFFFFFFF  }
0xa7: {  	s28 =	simm.s32 $_size_execute0_lowered;
	s2 =	sadd.s32 s2, s4;
	[dreg:$0x0] =	wrdreg $0x0  }
0xa8: {  	s4 =	sshll.u32 s28, $0x1;
	[dreg:$0x2] =	wrdreg s2  }
0xa9: {  	[dreg:$0x3] =	wrdreg s4  }
0xaa: {  	[dreg:$0x4] =	wrdreg $0xC0  }
0xab: {  	_ =	task [dreg:s6], $0x5FFFF  }
0xac: {  	[dreg:$0x1] =	wrdreg $0xFFFFFFFF  }
0xad: {  	[dreg:$0x0] =	wrdreg $0x60  }
0xae: {  	[dreg:$0x2] =	wrdreg s24  }
0xaf: {  	[dreg:$0x3] =	wrdreg $0xB1000  }
0xb0: {  	[dreg:$0x4] =	wrdreg $0x9  }
0xb1: {  	_ =	task.clear_ibuf [dreg:s6], $0x5FFFF;
	_ =	strace $0x9000005B  }
0xb2: {  	s29 =	simm.s32 $0x9;
	_ =	strace $0x8000005D  }
0xb3: {  	_ =	swait.ge [sflag:s29], $0x1  }
0xb4: {  	[sflag:s29] =	ssyncadd.s32 $0xFFFFFFFF  }
0xb5: {  	_ =	strace $0x9000005D  }
0xb6: {  	_ =	sfence  }
0xb7: {  	s30 =	sld [smem:$0x0];
	_ =	sdelay $0x2  }
0xb8: {  	s31 =	sshll.u32 s1, $0xD;
	s1 =	sshrl.u32 s1, $0x2  }
0xb9: {  	s3 =	sand.u32 $0x4000, s31;
	s1 =	sadd.s32 s1, s30  }
0xba: {  	s0 =	sor.u32 s3, s0;
	s1 =	sshll.u32 s1, $0x11  }
0xbb: {  	s0 =	sor.u32 s1, s0  }
0xbc: {  	s0 =	sadd.s32 $0x8F2B, s0  }
0xbd: {  	[sflag:s0] =	ssyncadd.remote.s32 $0x1  }
0xbe: {  	_ =	sfence.sel $0xFFFF  }
0xbf: {  	[dreg:$0x0] =	wrdreg $0xFFFFFFFF;
	(pc) =	sbr.abs _section_cstart, $3  }
0xc0: {  	[dreg:$0x1] =	wrdreg $0xFFFFFFFF  }
0xc1: {  	_ =	task.clear_ibuf [dreg:s6], $0x2FFFF;
	_ =	strace $0x9FFFFFFF  }
0xc2: {  	(tm) =	ssettm $0x7FFFFFFF  }
0xc3: {  	_ =	shalt  }
tec
execute0_lowered:
.L_overlay_start_1:
0x0: {  	(tag) =	ssettag $0x1  }
0x1: {  	s0 =	rddreg [dreg:$0x0]  }
0x2: {  	s1 =	rddreg [dreg:$0x1]  }
0x3: {  	s2 =	srdreg.scid;
	s3 =	simm.s32 $0x0;
	s8 =	stileid.u32  }
0x4: {  	s30 =	simm.s32 $0x3;
	s31 =	simm.s32 $0x4F00;
	s9 =	simm.s32 $0x1  }
0x5: {  	s10 =	simm.s32 $0x4F80;
	s11 =	simm.s32 $0x2;
	s6 =	smul.u32 $0x14000, s8  }
0x6: {  	s12 =	simm.s32 $0x5080;
	s2 =	sand.u32 $0x1, s2;
	s13 =	smul.u32 $0x50000, s8  }
0x7: {  	[smem:$0x7FF] =	sst s3;
	s5 =	smul.u32 $0x140000, s2;
	s4 =	sshll.u32 s2, $0x4  }
0x8: {  	_ =	strace $0x8000005C;
	s2 =	ssub.s32 $0x2, s2;
	s7 =	sor.u32 s8, s4  }
0x9: {  	s4 =	sadd.s32 $0x2C800, s0;
	s14 =	sshrl.u32 s2, $0x1;
	s7 =	smul.u32 $0x4E2, s7  }
0xa: {  	s16 =	sshrl.u32 s13, $0x2;
	s8 =	simm.s32 $0x7900;
	s2 =	ssub.s32 s2, s14  }
0xb: {  	s5 =	sadd.s32 s6, s5;
	s18 =	smax.u32 s2, $0x1;
	s7 =	sadd.s32 s7, s0  }
0xc: {  	s5 =	sshrl.u32 s5, $0x3;
	[dreg:$0x6] =	wrdreg s18;
	s15 =	sadd.s32 $0x22A00, s7  }
0xd: {  	s0 =	sadd.s32 s5, s0;
	s17 =	sadd.s32 $0x53A00, s7;
	[dreg:$0x3] =	wrdreg s15  }
0xe: {  	s7 =	sadd.s32 s16, s1;
	s0 =	sadd.s32 $0x5D800, s0;
	[dreg:$0x4] =	wrdreg s17  }
0xf: {  	s13 =	simm.s32 $0x0;
	[dreg:$0x5] =	wrdreg s0;
	s19 =	sadd.s32 $0x1000, s7  }
0x10: {  	s6 =	simm.s32 $0x5000;
	s20 =	sadd.s32 $0x2000, s7;
	[dreg:$0x7] =	wrdreg s19  }
0x11: {  	s2 =	simm.s32 $0x5100;
	s21 =	sadd.s32 $0x3000, s7;
	[dreg:$0x8] =	wrdreg s20  }
0x12: {  	s5 =	simm.s32 $0xA100;
	s22 =	sadd.s32 $0x4000, s7;
	[dreg:$0x9] =	wrdreg s21  }
0x13: {  	s23 =	sadd.s32 $0x5000, s7;
	s24 =	sadd.s32 $0x6000, s7;
	[dreg:$0xa] =	wrdreg s22  }
0x14: {  	s25 =	sadd.s32 $0x7000, s7;
	s26 =	sadd.s32 $0x8000, s7;
	[dreg:$0xb] =	wrdreg s23  }
0x15: {  	s18 =	sadd.s32 $0x9000, s7;
	s28 =	sadd.s32 $0x12000, s7;
	[dreg:$0xc] =	wrdreg s24  }
0x16: {  	s29 =	sadd.s32 $0x13000, s7;
	s0 =	simm.s32 $0x50;
	[dreg:$0xd] =	wrdreg s25  }
0x17: {  	[dreg:$0xe] =	wrdreg s26;
	s19 =	sadd.s32 $0xA000, s7;
	s20 =	sadd.s32 $0xB000, s7  }
0x18: {  	s21 =	sadd.s32 $0xC000, s7;
	s22 =	sadd.s32 $0xD000, s7;
	s23 =	sadd.s32 $0xE000, s7  }
0x19: {  	v0 =	vimm.f32 $0.0e+00;
	s24 =	sadd.s32 $0xF000, s7;
	s25 =	sadd.s32 $0x10000, s7;
	s26 =	sadd.s32 $0x11000, s7  }
.LBB2_1:
0x1a: {  	s14 =	rddreg [dreg:$0x3]  }
0x1b: {  	[tilespmem:s3], [sflag:$0x3] =	stream.linear.gather [hbm4b:s14+s3], $0x2710, $0x38;
	[tilespmem:$0x1F100] =	vst v63  }
0x1c: {  	_ =	swait.ge [sflag:s30], $0x2710  }
0x1d: {  	s15 =	simm.s32 $0x2780;
	[sflag:s30] =	ssyncset.done $0x0  }
0x1e: {  	s16 =	sand.u32 $0x3E00, s3;
	s17 =	rddreg [dreg:$0x4];
	[sflag:s30] =	ssyncadd.s32 $0xFFFFD8F0  }
0x1f: {  	[tilespmem:s15], [sflag:$0x3] =	stream.linear.gather [hbm4b:s17+s3], $0x2710, $0x38;
	[tilespmem:$0x1F100] =	vst v63  }
0x20: {  	s16 =	sshrl.u32 s16, $0x2;
	_ =	swait.ge [sflag:s30], $0x2710  }
0x21: {  	s14 =	simm.s32 $0x40;
	s17 =	sand.u32 $0x70, s3;
	[sflag:s30] =	ssyncset.done $0x0  }
0x22: {  	s15 =	simm.s32 $0x0;
	s16 =	sor.u32 s17, s16;
	[sflag:s30] =	ssyncadd.s32 $0xFFFFD8F0  }
.LBB2_2:
0x23: {  	p0 =	sne.s32 s14, $0x3FC0  }
0x24: {  	[tilespmem:s16+$0xA100] =	vst v0;
	s15 =	sadd.s32 $0x10, s15;
	s16 =	smov.u32 s14;
	s14 =	sadd.s32 $0x40, s14  }
.Ltmp0:
0x25: {  	(pc) =	sbr.rel @p0 .LBB2_2-.Ltmp0, $4  }
0x26: {  	_ = 	snop  }
0x27: {  	s16 =	sand.u32 $0x3E00, s16  }
0x28: {  	s17 =	sand.u32 $0x70, s15;
	s16 =	sshrl.u32 s16, $0x2  }
0x29: {  	s16 =	sor.u32 s17, s16  }
0x2a: {  	[tilespmem:s16+$0xA100] =	vst v0  }
0x2b: {  	v1 =	vld [tilespmem:$0x0]  }
0x2c: {  	v2 =	vld [tilespmem:$0x2780]  }
0x2d: {  	v3 =	vld [tilespmem:$0x10]  }
0x2e: {  	v4 =	vld [tilespmem:$0x2790]  }
0x2f: {  	v5 =	vld [tilespmem:$0x20]  }
0x30: {  	v62 =	vld [tilespmem:$0x40];
	[tilespmem:$0x4F00] =	vst v1  }
0x31: {  	v63 =	vld [tilespmem:$0x27C0];
	[tilespmem:$0x4F80] =	vst v2  }
0x32: {  	v1 =	vld [tilespmem:$0x27A0];
	[tilespmem:$0x4F10] =	vst v3  }
0x33: {  	v2 =	vld [tilespmem:$0x30];
	[tilespmem:$0x4F90] =	vst v4  }
0x34: {  	v3 =	vld [tilespmem:$0x27B0];
	[tilespmem:$0x4F20] =	vst v5  }
0x35: {  	[tilespmem:$0x4F40] =	vst v62  }
0x36: {  	[tilespmem:$0x4FC0] =	vst v63  }
0x37: {  	[tilespmem:$0x4FA0] =	vst v1  }
0x38: {  	[tilespmem:$0x4F30] =	vst v2  }
0x39: {  	[tilespmem:$0x4FB0] =	vst v3  }
0x3a: {  	[tilespmem:s2], [sflag:$0x1] =	stream.indirect.gather [hbm4b:s4+s0], $0x80, s31, s0, $0xb8;
	[tilespmem:$0x1F100] =	vst v63  }
0x3b: {  	_ = 	snop  }
0x3c: {  	[spmem:s7] =	stream.linear.scatter [tilespmem:s5], [sflag:$0x3], $0x1000, $0x38;
	[tilespmem:$0x1F100] =	vst v63  }
0x3d: {  	_ =	swait.ge [sflag:s30], $0x1000  }
0x3e: {  	[sflag:s30] =	ssyncset.done $0x0  }
0x3f: {  	s14 =	rddreg [dreg:$0x7];
	[sflag:s30] =	ssyncadd.s32 $0xFFFFF000  }
0x40: {  	[spmem:s14] =	stream.linear.scatter [tilespmem:s5], [sflag:$0x3], $0x1000, $0x38;
	[tilespmem:$0x1F100] =	vst v63  }
0x41: {  	_ =	swait.ge [sflag:s30], $0x1000  }
0x42: {  	[sflag:s30] =	ssyncset.done $0x0  }
0x43: {  	s16 =	rddreg [dreg:$0x8];
	[sflag:s30] =	ssyncadd.s32 $0xFFFFF000  }
0x44: {  	[spmem:s16] =	stream.linear.scatter [tilespmem:s5], [sflag:$0x3], $0x1000, $0x38;
	[tilespmem:$0x1F100] =	vst v63  }
0x45: {  	_ =	swait.ge [sflag:s30], $0x1000  }
0x46: {  	[sflag:s30] =	ssyncset.done $0x0  }
0x47: {  	s17 =	rddreg [dreg:$0x9];
	[sflag:s30] =	ssyncadd.s32 $0xFFFFF000  }
0x48: {  	[spmem:s17] =	stream.linear.scatter [tilespmem:s5], [sflag:$0x3], $0x1000, $0x38;
	[tilespmem:$0x1F100] =	vst v63  }
0x49: {  	_ =	swait.ge [sflag:s30], $0x1000  }
0x4a: {  	[sflag:s30] =	ssyncset.done $0x0  }
0x4b: {  	s15 =	rddreg [dreg:$0xa];
	[sflag:s30] =	ssyncadd.s32 $0xFFFFF000  }
0x4c: {  	[spmem:s15] =	stream.linear.scatter [tilespmem:s5], [sflag:$0x3], $0x1000, $0x38;
	[tilespmem:$0x1F100] =	vst v63  }
0x4d: {  	_ =	swait.ge [sflag:s30], $0x1000  }
0x4e: {  	[sflag:s30] =	ssyncset.done $0x0  }
0x4f: {  	s16 =	rddreg [dreg:$0xb];
	[sflag:s30] =	ssyncadd.s32 $0xFFFFF000  }
0x50: {  	[spmem:s16] =	stream.linear.scatter [tilespmem:s5], [sflag:$0x3], $0x1000, $0x38;
	[tilespmem:$0x1F100] =	vst v63  }
0x51: {  	_ =	swait.ge [sflag:s30], $0x1000  }
0x52: {  	[sflag:s30] =	ssyncset.done $0x0  }
0x53: {  	s17 =	rddreg [dreg:$0xc];
	[sflag:s30] =	ssyncadd.s32 $0xFFFFF000  }
0x54: {  	[spmem:s17] =	stream.linear.scatter [tilespmem:s5], [sflag:$0x3], $0x1000, $0x38;
	[tilespmem:$0x1F100] =	vst v63  }
0x55: {  	_ =	swait.ge [sflag:s30], $0x1000  }
0x56: {  	[sflag:s30] =	ssyncset.done $0x0  }
0x57: {  	s15 =	rddreg [dreg:$0xd];
	[sflag:s30] =	ssyncadd.s32 $0xFFFFF000  }
0x58: {  	[spmem:s15] =	stream.linear.scatter [tilespmem:s5], [sflag:$0x3], $0x1000, $0x38;
	[tilespmem:$0x1F100] =	vst v63  }
0x59: {  	_ =	swait.ge [sflag:s30], $0x1000  }
0x5a: {  	[sflag:s30] =	ssyncset.done $0x0  }
0x5b: {  	s16 =	rddreg [dreg:$0xe];
	[sflag:s30] =	ssyncadd.s32 $0xFFFFF000  }
0x5c: {  	[spmem:s16] =	stream.linear.scatter [tilespmem:s5], [sflag:$0x3], $0x1000, $0x38;
	[tilespmem:$0x1F100] =	vst v63  }
0x5d: {  	_ =	swait.ge [sflag:s30], $0x1000  }
0x5e: {  	[sflag:s30] =	ssyncset.done $0x0  }
0x5f: {  	[sflag:s30] =	ssyncadd.s32 $0xFFFFF000  }
0x60: {  	[spmem:s18] =	stream.linear.scatter [tilespmem:s5], [sflag:$0x3], $0x1000, $0x38;
	[tilespmem:$0x1F100] =	vst v63  }
0x61: {  	_ =	swait.ge [sflag:s30], $0x1000  }
0x62: {  	[sflag:s30] =	ssyncset.done $0x0  }
0x63: {  	[sflag:s30] =	ssyncadd.s32 $0xFFFFF000  }
0x64: {  	[spmem:s19] =	stream.linear.scatter [tilespmem:s5], [sflag:$0x3], $0x1000, $0x38;
	[tilespmem:$0x1F100] =	vst v63  }
0x65: {  	_ =	swait.ge [sflag:s30], $0x1000  }
0x66: {  	[sflag:s30] =	ssyncset.done $0x0  }
0x67: {  	[sflag:s30] =	ssyncadd.s32 $0xFFFFF000  }
0x68: {  	[spmem:s20] =	stream.linear.scatter [tilespmem:s5], [sflag:$0x3], $0x1000, $0x38;
	[tilespmem:$0x1F100] =	vst v63  }
0x69: {  	_ =	swait.ge [sflag:s30], $0x1000  }
0x6a: {  	[sflag:s30] =	ssyncset.done $0x0  }
0x6b: {  	[sflag:s30] =	ssyncadd.s32 $0xFFFFF000  }
0x6c: {  	[spmem:s21] =	stream.linear.scatter [tilespmem:s5], [sflag:$0x3], $0x1000, $0x38;
	[tilespmem:$0x1F100] =	vst v63  }
0x6d: {  	_ =	swait.ge [sflag:s30], $0x1000  }
0x6e: {  	[sflag:s30] =	ssyncset.done $0x0  }
0x6f: {  	[sflag:s30] =	ssyncadd.s32 $0xFFFFF000  }
0x70: {  	[spmem:s22] =	stream.linear.scatter [tilespmem:s5], [sflag:$0x3], $0x1000, $0x38;
	[tilespmem:$0x1F100] =	vst v63  }
0x71: {  	_ =	swait.ge [sflag:s30], $0x1000  }
0x72: {  	[sflag:s30] =	ssyncset.done $0x0  }
0x73: {  	[sflag:s30] =	ssyncadd.s32 $0xFFFFF000  }
0x74: {  	[spmem:s23] =	stream.linear.scatter [tilespmem:s5], [sflag:$0x3], $0x1000, $0x38;
	[tilespmem:$0x1F100] =	vst v63  }
0x75: {  	_ =	swait.ge [sflag:s30], $0x1000  }
0x76: {  	[sflag:s30] =	ssyncset.done $0x0  }
0x77: {  	[sflag:s30] =	ssyncadd.s32 $0xFFFFF000  }
0x78: {  	[spmem:s24] =	stream.linear.scatter [tilespmem:s5], [sflag:$0x3], $0x1000, $0x38;
	[tilespmem:$0x1F100] =	vst v63  }
0x79: {  	_ =	swait.ge [sflag:s30], $0x1000  }
0x7a: {  	[sflag:s30] =	ssyncset.done $0x0  }
0x7b: {  	[sflag:s30] =	ssyncadd.s32 $0xFFFFF000  }
0x7c: {  	[spmem:s25] =	stream.linear.scatter [tilespmem:s5], [sflag:$0x3], $0x1000, $0x38;
	[tilespmem:$0x1F100] =	vst v63  }
0x7d: {  	_ =	swait.ge [sflag:s30], $0x1000  }
0x7e: {  	[sflag:s30] =	ssyncset.done $0x0  }
0x7f: {  	[sflag:s30] =	ssyncadd.s32 $0xFFFFF000  }
0x80: {  	[spmem:s26] =	stream.linear.scatter [tilespmem:s5], [sflag:$0x3], $0x1000, $0x38;
	[tilespmem:$0x1F100] =	vst v63  }
0x81: {  	_ =	swait.ge [sflag:s30], $0x1000  }
0x82: {  	[sflag:s30] =	ssyncset.done $0x0  }
0x83: {  	[sflag:s30] =	ssyncadd.s32 $0xFFFFF000  }
0x84: {  	[spmem:s28] =	stream.linear.scatter [tilespmem:s5], [sflag:$0x3], $0x1000, $0x38;
	[tilespmem:$0x1F100] =	vst v63  }
0x85: {  	_ =	swait.ge [sflag:s30], $0x1000  }
0x86: {  	[sflag:s30] =	ssyncset.done $0x0  }
0x87: {  	[sflag:s30] =	ssyncadd.s32 $0xFFFFF000  }
0x88: {  	[spmem:s29] =	stream.linear.scatter [tilespmem:s5], [sflag:$0x3], $0x1000, $0x38;
	[tilespmem:$0x1F100] =	vst v63  }
0x89: {  	_ =	swait.ge [sflag:s30], $0x1000  }
0x8a: {  	[sflag:s30] =	ssyncset.done $0x0  }
0x8b: {  	[sflag:s30] =	ssyncadd.s32 $0xFFFFF000  }
0x8c: {  	s14 =	simm.s32 $0x70;
	[bflag:$0x0] =	sbarrier.arrive $0xFFFF  }
0x8d: {  	v1 =	vld [tilespmem:s14+$0xFFFFFFE0];
	_ =	sdelay $0x4  }
0x8e: {  	s15 =	simm.s32 $0x27F0;
	[tilespmem:$0x5000] =	vst v1  }
0x8f: {  	v1 =	vld [tilespmem:s15+$0xFFFFFFE0];
	_ =	sdelay $0x4  }
0x90: {  	[tilespmem:$0x5080] =	vst v1  }
0x91: {  	v1 =	vld [tilespmem:s14+$0xFFFFFFF0];
	_ =	sdelay $0x4  }
0x92: {  	[tilespmem:$0x5010] =	vst v1  }
0x93: {  	v1 =	vld [tilespmem:s15+$0xFFFFFFF0];
	_ =	sdelay $0x4  }
0x94: {  	[tilespmem:$0x5090] =	vst v1  }
0x95: {  	v1 =	vld [tilespmem:s14+$0x0];
	_ =	sdelay $0x4  }
0x96: {  	[tilespmem:$0x5020] =	vst v1  }
0x97: {  	v1 =	vld [tilespmem:s15+$0x0];
	_ =	sdelay $0x3  }
0x98: {  	s17 =	simm.s32 $0x0  }
0x99: {  	s16 =	sand.u32 $0x3FE0, s17;
	[tilespmem:$0x50A0] =	vst v1  }
0x9a: {  	v1 =	vld [tilespmem:s16+$0x80];
	_ =	sdelay $0x4  }
0x9b: {  	[tilespmem:$0x5030] =	vst v1  }
0x9c: {  	v1 =	vld [tilespmem:s16+$0x2800];
	_ =	sdelay $0x4  }
0x9d: {  	[tilespmem:$0x50B0] =	vst v1  }
0x9e: {  	v1 =	vld [tilespmem:s14+$0x20];
	_ =	sdelay $0x4  }
0x9f: {  	[tilespmem:$0x5040] =	vst v1  }
0xa0: {  	v1 =	vld [tilespmem:s15+$0x20];
	_ =	sdelay $0x4  }
0xa1: {  	[tilespmem:$0x50C0] =	vst v1  }
0xa2: {  	[tilespmem:s8], [sflag:$0x2] =	stream.indirect.gather [hbm4b:s4+s0], $0x80, s6, s0, $0xb8;
	[tilespmem:$0x1F100] =	vst v63  }
0xa3: {  	_ =	swait.ge [sflag:s9], $0x2800  }
0xa4: {  	[sflag:s9] =	ssyncset.done $0x0  }
0xa5: {  	[sflag:s9] =	ssyncadd.s32 $0xFFFFD800  }
0xa6: {  	[spmem:s1] =	stream.indirect.scatter.add.f32 [tilespmem:s2], [sflag:$0x3], $0x80, s10, s0, $0xb8;
	[tilespmem:$0x1F100] =	vst v63  }
0xa7: {  	_ =	swait.ge [sflag:s30], $0x2800  }
0xa8: {  	[sflag:s30] =	ssyncset.done $0x0  }
0xa9: {  	[sflag:s30] =	ssyncadd.s32 $0xFFFFD800  }
0xaa: {  	v1 =	vld [tilespmem:s14+$0x30];
	_ =	sdelay $0x4  }
0xab: {  	[tilespmem:$0x4F00] =	vst v1  }
0xac: {  	v1 =	vld [tilespmem:s15+$0x30];
	_ =	sdelay $0x4  }
0xad: {  	[tilespmem:$0x4F80] =	vst v1  }
0xae: {  	v1 =	vld [tilespmem:s14+$0x40];
	_ =	sdelay $0x4  }
0xaf: {  	[tilespmem:$0x4F10] =	vst v1  }
0xb0: {  	v1 =	vld [tilespmem:s15+$0x40];
	_ =	sdelay $0x4  }
0xb1: {  	[tilespmem:$0x4F90] =	vst v1  }
0xb2: {  	v1 =	vld [tilespmem:s14+$0x50];
	_ =	sdelay $0x4  }
0xb3: {  	[tilespmem:$0x4F20] =	vst v1  }
0xb4: {  	v1 =	vld [tilespmem:s15+$0x50];
	_ =	sdelay $0x4  }
0xb5: {  	[tilespmem:$0x4FA0] =	vst v1  }
0xb6: {  	v1 =	vld [tilespmem:s14+$0x60];
	_ =	sdelay $0x4  }
0xb7: {  	[tilespmem:$0x4F30] =	vst v1  }
0xb8: {  	v1 =	vld [tilespmem:s15+$0x60];
	_ =	sdelay $0x4  }
0xb9: {  	[tilespmem:$0x4FB0] =	vst v1  }
0xba: {  	v1 =	vld [tilespmem:s14+$0x70];
	_ =	sdelay $0x4  }
0xbb: {  	[tilespmem:$0x4F40] =	vst v1  }
0xbc: {  	v1 =	vld [tilespmem:s15+$0x70];
	_ =	sdelay $0x4  }
0xbd: {  	[tilespmem:$0x4FC0] =	vst v1  }
0xbe: {  	[tilespmem:s2], [sflag:$0x1] =	stream.indirect.gather [hbm4b:s4+s0], $0x80, s31, s0, $0xb8;
	[tilespmem:$0x1F100] =	vst v63  }
0xbf: {  	_ =	swait.ge [sflag:s11], $0x2800  }
0xc0: {  	[sflag:s11] =	ssyncset.done $0x0  }
0xc1: {  	[sflag:s11] =	ssyncadd.s32 $0xFFFFD800  }
0xc2: {  	[spmem:s1] =	stream.indirect.scatter.add.f32 [tilespmem:s8], [sflag:$0x3], $0x80, s12, s0, $0xb8;
	[tilespmem:$0x1F100] =	vst v63  }
0xc3: {  	_ =	swait.ge [sflag:s30], $0x2800  }
0xc4: {  	s16 =	simm.s32 $0xA0;
	[sflag:s30] =	ssyncset.done $0x0  }
.LBB2_4:
0xc5: {  	[sflag:s30] =	ssyncadd.s32 $0xFFFFD800;
	s15 =	sadd.s32 $0xA0, s15;
	s14 =	sadd.s32 $0xA0, s14  }
0xc6: {  	p0 =	sne.s32 s16, $0x2620;
	s17 =	smov.u32 s16;
	s16 =	sadd.s32 $0xA0, s16;
	v1 =	vld [tilespmem:s14+$0xFFFFFFE0]  }
0xc7: {  	_ =	sdelay $0x3  }
0xc8: {  	[tilespmem:$0x5000] =	vst v1  }
0xc9: {  	v1 =	vld [tilespmem:s15+$0xFFFFFFE0];
	_ =	sdelay $0x4  }
0xca: {  	[tilespmem:$0x5080] =	vst v1  }
0xcb: {  	v1 =	vld [tilespmem:s14+$0xFFFFFFF0];
	_ =	sdelay $0x4  }
0xcc: {  	[tilespmem:$0x5010] =	vst v1  }
0xcd: {  	v1 =	vld [tilespmem:s15+$0xFFFFFFF0];
	_ =	sdelay $0x4  }
0xce: {  	[tilespmem:$0x5090] =	vst v1  }
0xcf: {  	v1 =	vld [tilespmem:s14+$0x0];
	_ =	sdelay $0x4  }
0xd0: {  	[tilespmem:$0x5020] =	vst v1  }
0xd1: {  	v1 =	vld [tilespmem:s15+$0x0];
	_ =	sdelay $0x4  }
0xd2: {  	s17 =	sand.u32 $0x3FE0, s17;
	[tilespmem:$0x50A0] =	vst v1  }
0xd3: {  	v1 =	vld [tilespmem:s17+$0x80];
	_ =	sdelay $0x4  }
0xd4: {  	[tilespmem:$0x5030] =	vst v1  }
0xd5: {  	v1 =	vld [tilespmem:s17+$0x2800];
	_ =	sdelay $0x4  }
0xd6: {  	[tilespmem:$0x50B0] =	vst v1  }
0xd7: {  	v1 =	vld [tilespmem:s14+$0x20];
	_ =	sdelay $0x4  }
0xd8: {  	[tilespmem:$0x5040] =	vst v1  }
0xd9: {  	v1 =	vld [tilespmem:s15+$0x20];
	_ =	sdelay $0x4  }
0xda: {  	[tilespmem:$0x50C0] =	vst v1  }
0xdb: {  	[tilespmem:s8], [sflag:$0x2] =	stream.indirect.gather [hbm4b:s4+s0], $0x80, s6, s0, $0xb8;
	[tilespmem:$0x1F100] =	vst v63  }
0xdc: {  	_ =	swait.ge [sflag:s9], $0x2800  }
0xdd: {  	[sflag:s9] =	ssyncset.done $0x0  }
0xde: {  	[sflag:s9] =	ssyncadd.s32 $0xFFFFD800  }
0xdf: {  	[spmem:s1] =	stream.indirect.scatter.add.f32 [tilespmem:s2], [sflag:$0x3], $0x80, s10, s0, $0xb8;
	[tilespmem:$0x1F100] =	vst v63  }
0xe0: {  	_ =	swait.ge [sflag:s30], $0x2800  }
0xe1: {  	[sflag:s30] =	ssyncset.done $0x0  }
0xe2: {  	[sflag:s30] =	ssyncadd.s32 $0xFFFFD800  }
0xe3: {  	v1 =	vld [tilespmem:s14+$0x30];
	_ =	sdelay $0x4  }
0xe4: {  	[tilespmem:$0x4F00] =	vst v1  }
0xe5: {  	v1 =	vld [tilespmem:s15+$0x30];
	_ =	sdelay $0x4  }
0xe6: {  	[tilespmem:$0x4F80] =	vst v1  }
0xe7: {  	v1 =	vld [tilespmem:s14+$0x40];
	_ =	sdelay $0x4  }
0xe8: {  	[tilespmem:$0x4F10] =	vst v1  }
0xe9: {  	v1 =	vld [tilespmem:s15+$0x40];
	_ =	sdelay $0x4  }
0xea: {  	[tilespmem:$0x4F90] =	vst v1  }
0xeb: {  	v1 =	vld [tilespmem:s14+$0x50];
	_ =	sdelay $0x4  }
0xec: {  	[tilespmem:$0x4F20] =	vst v1  }
0xed: {  	v1 =	vld [tilespmem:s15+$0x50];
	_ =	sdelay $0x4  }
0xee: {  	[tilespmem:$0x4FA0] =	vst v1  }
0xef: {  	v1 =	vld [tilespmem:s14+$0x60];
	_ =	sdelay $0x4  }
0xf0: {  	[tilespmem:$0x4F30] =	vst v1  }
0xf1: {  	v1 =	vld [tilespmem:s15+$0x60];
	_ =	sdelay $0x4  }
0xf2: {  	[tilespmem:$0x4FB0] =	vst v1  }
0xf3: {  	v1 =	vld [tilespmem:s14+$0x70];
	_ =	sdelay $0x4  }
0xf4: {  	[tilespmem:$0x4F40] =	vst v1  }
0xf5: {  	v1 =	vld [tilespmem:s15+$0x70];
	_ =	sdelay $0x4  }
0xf6: {  	[tilespmem:$0x4FC0] =	vst v1  }
0xf7: {  	[tilespmem:s2], [sflag:$0x1] =	stream.indirect.gather [hbm4b:s4+s0], $0x80, s31, s0, $0xb8;
	[tilespmem:$0x1F100] =	vst v63  }
0xf8: {  	_ =	swait.ge [sflag:s11], $0x2800  }
.Ltmp1:
0xf9: {  	[sflag:s11] =	ssyncset.done $0x0;
	(pc) =	sbr.rel @p0 .LBB2_4-.Ltmp1, $4  }
0xfa: {  	[sflag:s11] =	ssyncadd.s32 $0xFFFFD800  }
0xfb: {  	[spmem:s1] =	stream.indirect.scatter.add.f32 [tilespmem:s8], [sflag:$0x3], $0x80, s12, s0, $0xb8;
	[tilespmem:$0x1F100] =	vst v63  }
0xfc: {  	_ =	swait.ge [sflag:s30], $0x2800  }
0xfd: {  	[sflag:s30] =	ssyncset.done $0x0  }
0xfe: {  	[sflag:s30] =	ssyncadd.s32 $0xFFFFD800  }
0xff: {  	_ =	swait.ge [sflag:s9], $0x2800  }
0x100: {  	[sflag:s9] =	ssyncset.done $0x0  }
0x101: {  	[sflag:s9] =	ssyncadd.s32 $0xFFFFD800  }
0x102: {  	[spmem:s1] =	stream.indirect.scatter.add.f32 [tilespmem:s2], [sflag:$0x3], $0x80, s10, s0, $0xb8;
	[tilespmem:$0x1F100] =	vst v63  }
0x103: {  	_ =	swait.ge [sflag:s30], $0x2800  }
0x104: {  	[sflag:s30] =	ssyncset.done $0x0  }
0x105: {  	s14 =	stileid.u32;
	[sflag:s30] =	ssyncadd.s32 $0xFFFFD800  }
0x106: {  	s14 =	sshll.u32 s14, $0x6;
	[bflag:$0x0] =	sbarrier.arrive $0xFFFF  }
0x107: {  	s15 =	sshrl.u32 s7, $0x3;
	s14 =	sor.u32 $0x1C03, s14;
	s16 =	rddreg [dreg:$0x5]  }
0x108: {  	[hbm:s16], [sflag:s14] =	dma.local [spmem:s15], $0x2800  }
0x109: {  	_ =	swait.ge [sflag:s30], $0x2800  }
0x10a: {  	s13 =	sadd.s32 $0x1, s13;
	s17 =	rddreg [dreg:$0x6]  }
0x10b: {  	p0 =	sne.s32 s13, s17  }
.Ltmp2:
0x10c: {  	_ = 	snop;
	(pc) =	sbr.rel @p0 .LBB2_1-.Ltmp2, $3  }
0x10d: {  	_ =	sdelay $0x1  }
0x10e: {  	[sflag:s30] =	ssyncset.done $0x0  }
0x10f: {  	[sflag:s30] =	ssyncadd.s32 $0xFFFFD800  }
0x110: {  	_ =	sfence.sel $0x180000  }
0x111: {  	[bflag:$0x0] =	sbarrier.arrive $0xFFFF  }
0x112: {  	_ =	strace $0x9000005C  }
0x113: {  	s0 =	stileid.u32;
	[bflag:$0x2] =	sbarrier.arrive $0xFFFF  }
0x114: {  	p0 =	sne.s32 s0, $0x0;
	s0 =	rddreg [dreg:$0x2]  }
0x115: {  	s0 =	sadd.s32 @!p0 $0x100000, s0  }
0x116: {  	[sflag:s0] =	ssyncadd.tile.s32 @!p0 $0x1;
	_ =	shalt  }
.Lfunc_end2:
_tile_overlayer_lowered:
.L_overlay_start_2:
0x117: {  	(tag) =	ssettag $0x2  }
0x118: {  	s0 =	rddreg [dreg:$0x0];
	s2 =	stileid.u32  }
0x119: {  	s1 =	rddreg [dreg:$0x1];
	p0 =	sne.s32 s2, $0x0  }
0x11a: {  	s3 =	rddreg [dreg:$0x2];
	[bflag:$0x3] =	sbarrier.arrive $0xFFFF;
	s2 =	simm.s32 @!p0 $0x1C03  }
0x11b: {  	[timem:s3], [sflag:s2] =	dma.local @!p0 [hbm:s0], s1  }
0x11c: {  	s0 =	simm.s32 @!p0 $0x3  }
0x11d: {  	_ =	swait.ge @!p0 [sflag:s0], s1  }
0x11e: {  	s1 =	ssub.s32 @!p0 $0x0, s1;
	[sflag:s0] =	ssyncset.done @!p0 $0x0  }
0x11f: {  	[sflag:s0] =	ssyncadd.s32 @!p0 s1  }
0x120: {  	[bflag:$0x3] =	sbarrier.arrive $0xFFFF  }
0x121: {  	_ =	shalt  }

</sc_bundles>
